<compile_context>
chip_gen: v7x
topology: tpu7x:2x2x1
jax: 0.10.2.dev20260603
libtpu: 0.0.44.dev20260713+nightly
codegen_flags: <defaults>
</compile_context>

<pallas_src>
import jax
import jax.numpy as jnp
from jax import lax
from jax.experimental import pallas as pl
from jax.experimental.pallas import tpu as pltpu
from jax.experimental.pallas import tpu_sc as plsc

NC, NS, L = 2, 16, 16
NW = NC * NS

M_TRIPLES = 320000
D = 128
N_OUT = 320000

T = 400
BPW = N_OUT // (NW * T)
NB = NW * BPW
C = 128
GROUPS = C // L
BND_PAD = 48

def _lane():
    return lax.iota(jnp.int32, L)


def _extract_i32(vec, r):
    return jnp.max(jnp.where(_lane() == r, vec, jnp.int32(-2147483648)))


def _extract_f32(vec, r):
    return jnp.max(jnp.where(_lane() == r, vec, jnp.float32(-jnp.inf)))


def _sc_body(a_hbm, b_hbm, ia_hbm, ib_hbm, tar_hbm, bnd_hbm, out_hbm,
             bnd_v, ia_v, ib_v, tar_v, bg_v, rows_v, acc_v,
             sem_a, sem_b, sem_i):
    wid = lax.axis_index("s") * NC + lax.axis_index("c")
    t_w0 = wid * (BPW * T)

    pltpu.sync_copy(bnd_hbm.at[wid], bnd_v)

    def block_body(i, _):
        t_base = pl.multiple_of(t_w0 + i * T, 8)
        def bnd(idx):
            w0 = pl.multiple_of(idx & jnp.int32(~15), 16)
            vec = bnd_v[pl.ds(w0, L)]
            return jnp.max(jnp.where(_lane() == idx - w0, vec,
                                     jnp.int32(-2147483648)))

        lo = bnd(i)
        hi = bnd(i + 1)
        lo_al = lo & jnp.int32(~15)
        nchunks = (hi - lo_al + (C - 1)) // C

        def zero_body(t, _):
            for c in range(D // L):
                acc_v[t, pl.ds(c * L, L)] = jnp.zeros((L,), jnp.float32)
            return ()
        lax.fori_loop(0, T, zero_body, (), unroll=4)

        def chunk_body(k, _):
            start = pl.multiple_of(
                jnp.minimum(lo_al + k * C, M_TRIPLES - C), 16)
            cp_i = pltpu.async_copy(ia_hbm.at[pl.ds(start, C)], ia_v, sem_i)
            cp_j = pltpu.async_copy(ib_hbm.at[pl.ds(start, C)], ib_v, sem_i)
            cp_t = pltpu.async_copy(tar_hbm.at[pl.ds(start, C)], tar_v, sem_i)
            cp_i.wait(); cp_j.wait(); cp_t.wait()
            cp_a = pltpu.async_copy(a_hbm.at[ia_v], rows_v, sem_a)
            cp_b = pltpu.async_copy(b_hbm.at[ib_v], bg_v, sem_b)
            cp_a.wait(); cp_b.wait()

            vlo = jnp.maximum(lo, lo_al + k * C)
            rot = (_lane() + 1) & jnp.int32(15)
            for g in range(GROUPS):
                jvec = start + g * L + _lane()
                tvec = tar_v[pl.ds(g * L, L)]
                bvec = bg_v[pl.ds(g * L, L)]
                valid = (jvec >= vlo) & (jvec < hi)
                bvec = jnp.where(valid, bvec, jnp.float32(0.0))
                t_loc = jnp.clip(tvec - t_base, 0, T - 1)

                @plsc.parallel_loop(0, L, unroll=4, carry=(t_loc, bvec))
                def row_body(r, car, g=g):
                    tl, bv = car
                    trow = tl[0]
                    b_sp = lax.broadcast(bv[0], (L,))
                    for c in range(D // L):
                        a = rows_v[g * L + r, pl.ds(c * L, L)]
                        plsc.addupdate(acc_v.at[trow, pl.ds(c * L, L)],
                                       a * b_sp)
                    return (tl.at[rot].get(mode="promise_in_bounds"),
                            bv.at[rot].get(mode="promise_in_bounds"))
            return ()

        lax.fori_loop(0, nchunks, chunk_body, ())

        pltpu.sync_copy(acc_v, out_hbm.at[pl.ds(t_base, T), :])
        return ()

    lax.fori_loop(0, BPW, block_body, ())


def kernel(A_values, B_values, acd_tar, acd_a, acd_b):
    edges = (jnp.arange(NB + 1, dtype=jnp.int32) * T).astype(acd_tar.dtype)
    bounds = jnp.searchsorted(acd_tar, edges, side="left").astype(jnp.int32)
    widx = (jnp.arange(NW, dtype=jnp.int32)[:, None] * BPW
            + jnp.arange(BND_PAD, dtype=jnp.int32)[None, :])
    bnd2d = bounds[jnp.clip(widx, 0, NB)]

    mesh = plsc.VectorSubcoreMesh(core_axis_name="c", subcore_axis_name="s")
    f = pl.kernel(
        _sc_body,
        out_type=jax.ShapeDtypeStruct((N_OUT, D), jnp.float32),
        mesh=mesh,
        scratch_types=[
            pltpu.VMEM((BND_PAD,), jnp.int32),
            pltpu.VMEM((C,), jnp.int32),
            pltpu.VMEM((C,), jnp.int32),
            pltpu.VMEM((C,), jnp.int32),
            pltpu.VMEM((C,), jnp.float32),
            pltpu.VMEM((C, D), jnp.float32),
            pltpu.VMEM((T, D), jnp.float32),
            pltpu.SemaphoreType.DMA,
            pltpu.SemaphoreType.DMA,
            pltpu.SemaphoreType.DMA,
        ],
        compiler_params=pltpu.CompilerParams(needs_layout_passes=False),
    )
    return f(A_values, B_values, acd_a, acd_b, acd_tar, bnd2d)

# --- scband reference (transcript-rebuilt; emitter-appended) ---
"""Pipeline reference for scband-op-message-passing-59768764891825 (READ-ONLY COPY).

The authoritative reference and input builder live on the scoring server;
editing this copy changes nothing except your own understanding.
"""

import jax, jax.numpy as jnp
import numpy as np

# OpMessagePassing (PyGHO-style) with message_func=None follows the spspmm path:
# given sparse tuple-feature tensor A (values A_values over its nonzeros), sparse
# adjacency B (scalar values B_values over its nonzeros), and the precomputed
# 'acd' triples from datadict[f'{precomputekey}___acd'] (here split into
# acd_tar / acd_a / acd_b), the output nonzero values are
#   out[t] = aggr_{j : acd_tar[j]==t} A_values[acd_a[j]] * B_values[acd_b[j]]
# with aggr='sum'. This is a gather-multiply-scatter(segment_sum) kernel.

NNZ_A = 320000
NNZ_B = 320000
M = 320000
D = 128
N_OUT = 320000


def setup_inputs(seed: int = 0) -> dict:
    key = jax.random.key(seed)
    k1, k2, k3, k4, k5 = jax.random.split(key, 5)
    A_values = jax.random.normal(k1, (NNZ_A, D), dtype=jnp.float32)
    B_values = jax.random.normal(k2, (NNZ_B,), dtype=jnp.float32)
    acd_tar = jnp.sort(jax.random.randint(k3, (M,), 0, N_OUT, dtype=jnp.int32))
    acd_a = jax.random.randint(k4, (M,), 0, NNZ_A, dtype=jnp.int32)
    acd_b = jax.random.randint(k5, (M,), 0, NNZ_B, dtype=jnp.int32)
    return {
        "A_values": A_values,
        "B_values": B_values,
        "acd_tar": acd_tar,
        "acd_a": acd_a,
        "acd_b": acd_b,
    }


def reference(A_values, B_values, acd_tar, acd_a, acd_b):
    # gather messages from the two sparse operands via the precomputed triples
    a_msg = jnp.take(A_values, acd_a, axis=0)          # [M, D]
    b_msg = jnp.take(B_values, acd_b, axis=0)          # [M]
    msg = a_msg * b_msg[:, None]                        # broadcast (broadcast_dims=0 on adjacency scalar)
    # aggr='sum' -> scatter-add into target nonzeros
    out = jax.ops.segment_sum(msg, acd_tar, num_segments=N_OUT)  # [N_OUT, D]
    return out

if __name__ == "__main__":
    import jax
    _d = setup_inputs()
    print(jax.jit(kernel)(*tuple(_d.values())))

</pallas_src>

<mosaic_0001>
#map = affine_map<(d0, d1) -> (0, 0)>
#map1 = affine_map<(d0, d1) -> (0)>
module attributes {stable_mosaic.version = 14 : i64} {
  func.func @_sc_body(%arg0: i32, %arg1: i32, %arg2: memref<320000x128xf32, #tpu.memory_space<hbm>>, %arg3: memref<320000xf32, #tpu.memory_space<hbm>>, %arg4: memref<320000xi32, #tpu.memory_space<hbm>>, %arg5: memref<320000xi32, #tpu.memory_space<hbm>>, %arg6: memref<320000xi32, #tpu.memory_space<hbm>>, %arg7: memref<32x48xi32, #tpu.memory_space<hbm>>, %arg8: memref<320000x128xf32, #tpu.memory_space<hbm>>, %arg9: memref<48xi32, #tpu.memory_space<vmem>>, %arg10: memref<128xi32, #tpu.memory_space<vmem>>, %arg11: memref<128xi32, #tpu.memory_space<vmem>>, %arg12: memref<128xi32, #tpu.memory_space<vmem>>, %arg13: memref<128xf32, #tpu.memory_space<vmem>>, %arg14: memref<128x128xf32, #tpu.memory_space<vmem>>, %arg15: memref<400x128xf32, #tpu.memory_space<vmem>>, %arg16: memref<!tpu.dma_semaphore, #tpu.memory_space<semaphore_mem>>, %arg17: memref<!tpu.dma_semaphore, #tpu.memory_space<semaphore_mem>>, %arg18: memref<!tpu.dma_semaphore, #tpu.memory_space<semaphore_mem>>) attributes {dimension_semantics = [#tpu.dimension_semantics<core_parallel>, #tpu.dimension_semantics<subcore_parallel>], iteration_bounds = array<i64: 2, 16>, scalar_prefetch = 0 : i64, scratch_operands = 10 : i64, tpu.core_type = #tpu.core_type<sc_vector_subcore>, window_params = [{transform_indices = #map}, {transform_indices = #map1}, {transform_indices = #map1}, {transform_indices = #map1}, {transform_indices = #map1}, {transform_indices = #map}, {transform_indices = #map}]} {
    %mul3A = arith.constant 2 : i32
    %mul3A_0 = arith.muli %arg1, %mul3A : i32
    %add3A = arith.addi %mul3A_0, %arg0 : i32
    %mul3A_1 = arith.constant 10000 : i32
    %mul3A_2 = arith.muli %add3A, %mul3A_1 : i32
    "tpu.region"() ({
      %run_scoped3A = tpu.sem_alloc : memref<!tpu.dma_semaphore, #tpu.memory_space<semaphore_mem>>
      %dma_start3A = arith.constant 0 : i32
      %dma_start3A_7 = tpu.memref_slice %arg7[%add3A, %dma_start3A] : memref<32x48xi32, #tpu.memory_space<hbm>> -> memref<1x48xi32, #tpu.memory_space<hbm>>
      %dma_start3A_8 = tpu.memref_squeeze %dma_start3A_7 : memref<1x48xi32, #tpu.memory_space<hbm>> -> memref<48xi32, #tpu.memory_space<hbm>>
      %dma_start3A_9 = arith.constant 0 : i32
      %dma_start3A_10 = tpu.memref_slice %arg7[%add3A, %dma_start3A_9] : memref<32x48xi32, #tpu.memory_space<hbm>> -> memref<1x48xi32, #tpu.memory_space<hbm>>
      %dma_start3A_11 = tpu.memref_squeeze %dma_start3A_10 : memref<1x48xi32, #tpu.memory_space<hbm>> -> memref<48xi32, #tpu.memory_space<hbm>>
      tpu.enqueue_dma source(%dma_start3A_11 : memref<48xi32, #tpu.memory_space<hbm>>) target(%arg9 : memref<48xi32, #tpu.memory_space<vmem>>) target_semaphore(%run_scoped3A : memref<!tpu.dma_semaphore, #tpu.memory_space<semaphore_mem>>)
      %dma_wait3A = arith.constant 0 : i32
      %dma_wait3A_12 = tpu.memref_slice %arg7[%add3A, %dma_wait3A] : memref<32x48xi32, #tpu.memory_space<hbm>> -> memref<1x48xi32, #tpu.memory_space<hbm>>
      %dma_wait3A_13 = tpu.memref_squeeze %dma_wait3A_12 : memref<1x48xi32, #tpu.memory_space<hbm>> -> memref<48xi32, #tpu.memory_space<hbm>>
      %dma_wait3A_14 = arith.constant 0 : i32
      %dma_wait3A_15 = tpu.memref_slice %arg7[%add3A, %dma_wait3A_14] : memref<32x48xi32, #tpu.memory_space<hbm>> -> memref<1x48xi32, #tpu.memory_space<hbm>>
      %dma_wait3A_16 = tpu.memref_squeeze %dma_wait3A_15 : memref<1x48xi32, #tpu.memory_space<hbm>> -> memref<48xi32, #tpu.memory_space<hbm>>
      tpu.wait_dma2 semaphore(%run_scoped3A : memref<!tpu.dma_semaphore, #tpu.memory_space<semaphore_mem>>) src(%dma_wait3A_16 : memref<48xi32, #tpu.memory_space<hbm>>) dst(%arg9 : memref<48xi32, #tpu.memory_space<vmem>>)
      tpu.yield
    }) : () -> ()
    %scan3A = arith.constant 0 : i32
    %scan3A_3 = arith.constant 25 : i32
    %scan3A_4 = arith.addi %scan3A, %scan3A_3 : i32
    %scan3A_5 = arith.constant 1 : i32
    scf.for %scan3A_7 = %scan3A to %scan3A_4 step %scan3A_5  : i32 {
      %mul3A_8 = arith.constant 400 : i32
      %mul3A_9 = arith.muli %scan3A_7, %mul3A_8 : i32
      %add3A_10 = arith.addi %mul3A_2, %mul3A_9 : i32
      %multiple_of3A = tpu.assume_multiple %add3A_10, 8 : i32
      %and3A = arith.constant -16 : i32
      %and3A_11 = arith.andi %scan3A_7, %and3A : i32
      %multiple_of3A_12 = tpu.assume_multiple %and3A_11, 16 : i32
      %get3A = arith.index_cast %multiple_of3A_12 : i32 to index
      %get3A_13 = tpu.vector_load %arg9[%get3A] {strides = array<i32>} : memref<48xi32, #tpu.memory_space<vmem>>, vector<16xi32>,
      %iota3A = tpu.iota {dimensions = array<i32: 0>} : vector<16xi32>
      %sub3A = arith.subi %scan3A_7, %multiple_of3A_12 : i32
      %eq3A = vector.broadcast %sub3A : i32 to vector<16xi32>
      %eq3A_14 = arith.cmpi eq, %iota3A, %eq3A : vector<16xi32>
      %jit3A = arith.constant -2147483648 : i32
      %broadcast_in_dim3A = vector.broadcast %jit3A : i32 to vector<16xi32>
      %select_n3A = arith.select %eq3A_14, %get3A_13, %broadcast_in_dim3A : vector<16xi1>, vector<16xi32>
      %reduce_max3A = arith.constant true
      %reduce_max3A_15 = vector.broadcast %reduce_max3A : i1 to vector<16xi1>
      %reduce_max3A_16 = arith.constant -2147483648 : i32
      %reduce_max3A_17 = vector.broadcast %reduce_max3A_16 : i32 to vector<16xi32>
      %reduce_max3A_18 = arith.xori %select_n3A, %reduce_max3A_17 : vector<16xi32>
      %reduce_max3A_19 = tpu.scan <max>, %reduce_max3A_18 masked %reduce_max3A_15 : vector<16xi32>, vector<16xi1> -> vector<16xi32>
      %reduce_max3A_20 = arith.xori %reduce_max3A_19, %reduce_max3A_17 : vector<16xi32>
      %reduce_max3A_21 = vector.extract %reduce_max3A_20[15] : i32 from vector<16xi32>
      %add3A_22 = arith.constant 1 : i32
      %add3A_23 = arith.addi %scan3A_7, %add3A_22 : i32
      %and3A_24 = arith.constant -16 : i32
      %and3A_25 = arith.andi %add3A_23, %and3A_24 : i32
      %multiple_of3A_26 = tpu.assume_multiple %and3A_25, 16 : i32
      %get3A_27 = arith.index_cast %multiple_of3A_26 : i32 to index
      %get3A_28 = tpu.vector_load %arg9[%get3A_27] {strides = array<i32>} : memref<48xi32, #tpu.memory_space<vmem>>, vector<16xi32>,
      %iota3A_29 = tpu.iota {dimensions = array<i32: 0>} : vector<16xi32>
      %sub3A_30 = arith.subi %add3A_23, %multiple_of3A_26 : i32
      %eq3A_31 = vector.broadcast %sub3A_30 : i32 to vector<16xi32>
      %eq3A_32 = arith.cmpi eq, %iota3A_29, %eq3A_31 : vector<16xi32>
      %jit3A_33 = arith.constant -2147483648 : i32
      %broadcast_in_dim3A_34 = vector.broadcast %jit3A_33 : i32 to vector<16xi32>
      %select_n3A_35 = arith.select %eq3A_32, %get3A_28, %broadcast_in_dim3A_34 : vector<16xi1>, vector<16xi32>
      %reduce_max3A_36 = arith.constant true
      %reduce_max3A_37 = vector.broadcast %reduce_max3A_36 : i1 to vector<16xi1>
      %reduce_max3A_38 = arith.constant -2147483648 : i32
      %reduce_max3A_39 = vector.broadcast %reduce_max3A_38 : i32 to vector<16xi32>
      %reduce_max3A_40 = arith.xori %select_n3A_35, %reduce_max3A_39 : vector<16xi32>
      %reduce_max3A_41 = tpu.scan <max>, %reduce_max3A_40 masked %reduce_max3A_37 : vector<16xi32>, vector<16xi1> -> vector<16xi32>
      %reduce_max3A_42 = arith.xori %reduce_max3A_41, %reduce_max3A_39 : vector<16xi32>
      %reduce_max3A_43 = vector.extract %reduce_max3A_42[15] : i32 from vector<16xi32>
      %and3A_44 = arith.constant -16 : i32
      %and3A_45 = arith.andi %reduce_max3A_21, %and3A_44 : i32
      %sub3A_46 = arith.subi %reduce_max3A_43, %and3A_45 : i32
      %add3A_47 = arith.constant 127 : i32
      %add3A_48 = arith.addi %sub3A_46, %add3A_47 : i32
      %jit3A_49 = arith.constant 128 : i32
      %div3A = arith.divsi %add3A_48, %jit3A_49 : i32
      %sign3A = arith.constant 0 : i32
      %sign3A_50 = arith.cmpi sgt, %add3A_48, %sign3A : i32
      %sign3A_51 = arith.extui %sign3A_50 : i1 to i32
      %sign3A_52 = arith.constant 0 : i32
      %sign3A_53 = arith.cmpi slt, %add3A_48, %sign3A_52 : i32
      %sign3A_54 = arith.extui %sign3A_53 : i1 to i32
      %sign3A_55 = arith.subi %sign3A_51, %sign3A_54 : i32
      %sign3A_56 = arith.constant 0 : i32
      %sign3A_57 = arith.cmpi sgt, %jit3A_49, %sign3A_56 : i32
      %sign3A_58 = arith.extui %sign3A_57 : i1 to i32
      %sign3A_59 = arith.constant 0 : i32
      %sign3A_60 = arith.cmpi slt, %jit3A_49, %sign3A_59 : i32
      %sign3A_61 = arith.extui %sign3A_60 : i1 to i32
      %sign3A_62 = arith.subi %sign3A_58, %sign3A_61 : i32
      %ne3A = arith.cmpi ne, %sign3A_55, %sign3A_62 : i32
      %rem3A = arith.remsi %add3A_48, %jit3A_49 : i32
      %ne3A_63 = arith.constant 0 : i32
      %ne3A_64 = arith.cmpi ne, %rem3A, %ne3A_63 : i32
      %and3A_65 = arith.andi %ne3A, %ne3A_64 : i1
      %sub3A_66 = arith.constant 1 : i32
      %sub3A_67 = arith.subi %div3A, %sub3A_66 : i32
      %select_n3A_68 = arith.select %and3A_65, %sub3A_67, %div3A : i32
      %scan3A_69 = arith.constant 0 : i32
      %scan3A_70 = arith.constant 400 : i32
      %scan3A_71 = arith.addi %scan3A_69, %scan3A_70 : i32
      %scan3A_72 = arith.constant 4 : i32
      scf.for %scan3A_82 = %scan3A_69 to %scan3A_71 step %scan3A_72  : i32 {
        %broadcast_in_dim3A_83 = arith.constant 0.000000e+00 : f32
        %broadcast_in_dim3A_84 = vector.broadcast %broadcast_in_dim3A_83 : f32 to vector<16xf32>
        %swap3A = arith.index_cast %scan3A_82 : i32 to index
        %swap3A_85 = arith.constant 0 : index
        %swap3A_86 = tpu.vector_load %arg15[%swap3A, %swap3A_85] {strides = array<i32>} : memref<400x128xf32, #tpu.memory_space<vmem>>, vector<16xf32>,
        tpu.vector_store %arg15[%swap3A, %swap3A_85], %broadcast_in_dim3A_84 {strides = array<i32>} : memref<400x128xf32, #tpu.memory_space<vmem>>, vector<16xf32>,
        %broadcast_in_dim3A_87 = arith.constant 0.000000e+00 : f32
        %broadcast_in_dim3A_88 = vector.broadcast %broadcast_in_dim3A_87 : f32 to vector<16xf32>
        %swap3A_89 = arith.index_cast %scan3A_82 : i32 to index
        %swap3A_90 = arith.constant 16 : index
        %swap3A_91 = tpu.vector_load %arg15[%swap3A_89, %swap3A_90] {strides = array<i32>} : memref<400x128xf32, #tpu.memory_space<vmem>>, vector<16xf32>,
        tpu.vector_store %arg15[%swap3A_89, %swap3A_90], %broadcast_in_dim3A_88 {strides = array<i32>} : memref<400x128xf32, #tpu.memory_space<vmem>>, vector<16xf32>,
        %broadcast_in_dim3A_92 = arith.constant 0.000000e+00 : f32
        %broadcast_in_dim3A_93 = vector.broadcast %broadcast_in_dim3A_92 : f32 to vector<16xf32>
        %swap3A_94 = arith.index_cast %scan3A_82 : i32 to index
        %swap3A_95 = arith.constant 32 : index
        %swap3A_96 = tpu.vector_load %arg15[%swap3A_94, %swap3A_95] {strides = array<i32>} : memref<400x128xf32, #tpu.memory_space<vmem>>, vector<16xf32>,
        tpu.vector_store %arg15[%swap3A_94, %swap3A_95], %broadcast_in_dim3A_93 {strides = array<i32>} : memref<400x128xf32, #tpu.memory_space<vmem>>, vector<16xf32>,
        %broadcast_in_dim3A_97 = arith.constant 0.000000e+00 : f32
        %broadcast_in_dim3A_98 = vector.broadcast %broadcast_in_dim3A_97 : f32 to vector<16xf32>
        %swap3A_99 = arith.index_cast %scan3A_82 : i32 to index
        %swap3A_100 = arith.constant 48 : index
        %swap3A_101 = tpu.vector_load %arg15[%swap3A_99, %swap3A_100] {strides = array<i32>} : memref<400x128xf32, #tpu.memory_space<vmem>>, vector<16xf32>,
        tpu.vector_store %arg15[%swap3A_99, %swap3A_100], %broadcast_in_dim3A_98 {strides = array<i32>} : memref<400x128xf32, #tpu.memory_space<vmem>>, vector<16xf32>,
        %broadcast_in_dim3A_102 = arith.constant 0.000000e+00 : f32
        %broadcast_in_dim3A_103 = vector.broadcast %broadcast_in_dim3A_102 : f32 to vector<16xf32>
        %swap3A_104 = arith.index_cast %scan3A_82 : i32 to index
        %swap3A_105 = arith.constant 64 : index
        %swap3A_106 = tpu.vector_load %arg15[%swap3A_104, %swap3A_105] {strides = array<i32>} : memref<400x128xf32, #tpu.memory_space<vmem>>, vector<16xf32>,
        tpu.vector_store %arg15[%swap3A_104, %swap3A_105], %broadcast_in_dim3A_103 {strides = array<i32>} : memref<400x128xf32, #tpu.memory_space<vmem>>, vector<16xf32>,
        %broadcast_in_dim3A_107 = arith.constant 0.000000e+00 : f32
        %broadcast_in_dim3A_108 = vector.broadcast %broadcast_in_dim3A_107 : f32 to vector<16xf32>
        %swap3A_109 = arith.index_cast %scan3A_82 : i32 to index
        %swap3A_110 = arith.constant 80 : index
        %swap3A_111 = tpu.vector_load %arg15[%swap3A_109, %swap3A_110] {strides = array<i32>} : memref<400x128xf32, #tpu.memory_space<vmem>>, vector<16xf32>,
        tpu.vector_store %arg15[%swap3A_109, %swap3A_110], %broadcast_in_dim3A_108 {strides = array<i32>} : memref<400x128xf32, #tpu.memory_space<vmem>>, vector<16xf32>,
        %broadcast_in_dim3A_112 = arith.constant 0.000000e+00 : f32
        %broadcast_in_dim3A_113 = vector.broadcast %broadcast_in_dim3A_112 : f32 to vector<16xf32>
        %swap3A_114 = arith.index_cast %scan3A_82 : i32 to index
        %swap3A_115 = arith.constant 96 : index
        %swap3A_116 = tpu.vector_load %arg15[%swap3A_114, %swap3A_115] {strides = array<i32>} : memref<400x128xf32, #tpu.memory_space<vmem>>, vector<16xf32>,
        tpu.vector_store %arg15[%swap3A_114, %swap3A_115], %broadcast_in_dim3A_113 {strides = array<i32>} : memref<400x128xf32, #tpu.memory_space<vmem>>, vector<16xf32>,
        %broadcast_in_dim3A_117 = arith.constant 0.000000e+00 : f32
        %broadcast_in_dim3A_118 = vector.broadcast %broadcast_in_dim3A_117 : f32 to vector<16xf32>
        %swap3A_119 = arith.index_cast %scan3A_82 : i32 to index
        %swap3A_120 = arith.constant 112 : index
        %swap3A_121 = tpu.vector_load %arg15[%swap3A_119, %swap3A_120] {strides = array<i32>} : memref<400x128xf32, #tpu.memory_space<vmem>>, vector<16xf32>,
        tpu.vector_store %arg15[%swap3A_119, %swap3A_120], %broadcast_in_dim3A_118 {strides = array<i32>} : memref<400x128xf32, #tpu.memory_space<vmem>>, vector<16xf32>,
        %scan3A_122 = arith.constant 1 : i32
        %scan3A_123 = arith.addi %scan3A_82, %scan3A_122 : i32
        %broadcast_in_dim3A_124 = arith.constant 0.000000e+00 : f32
        %broadcast_in_dim3A_125 = vector.broadcast %broadcast_in_dim3A_124 : f32 to vector<16xf32>
        %swap3A_126 = arith.index_cast %scan3A_123 : i32 to index
        %swap3A_127 = arith.constant 0 : index
        %swap3A_128 = tpu.vector_load %arg15[%swap3A_126, %swap3A_127] {strides = array<i32>} : memref<400x128xf32, #tpu.memory_space<vmem>>, vector<16xf32>,
        tpu.vector_store %arg15[%swap3A_126, %swap3A_127], %broadcast_in_dim3A_125 {strides = array<i32>} : memref<400x128xf32, #tpu.memory_space<vmem>>, vector<16xf32>,
        %broadcast_in_dim3A_129 = arith.constant 0.000000e+00 : f32
        %broadcast_in_dim3A_130 = vector.broadcast %broadcast_in_dim3A_129 : f32 to vector<16xf32>
        %swap3A_131 = arith.index_cast %scan3A_123 : i32 to index
        %swap3A_132 = arith.constant 16 : index
        %swap3A_133 = tpu.vector_load %arg15[%swap3A_131, %swap3A_132] {strides = array<i32>} : memref<400x128xf32, #tpu.memory_space<vmem>>, vector<16xf32>,
        tpu.vector_store %arg15[%swap3A_131, %swap3A_132], %broadcast_in_dim3A_130 {strides = array<i32>} : memref<400x128xf32, #tpu.memory_space<vmem>>, vector<16xf32>,
        %broadcast_in_dim3A_134 = arith.constant 0.000000e+00 : f32
        %broadcast_in_dim3A_135 = vector.broadcast %broadcast_in_dim3A_134 : f32 to vector<16xf32>
        %swap3A_136 = arith.index_cast %scan3A_123 : i32 to index
        %swap3A_137 = arith.constant 32 : index
        %swap3A_138 = tpu.vector_load %arg15[%swap3A_136, %swap3A_137] {strides = array<i32>} : memref<400x128xf32, #tpu.memory_space<vmem>>, vector<16xf32>,
        tpu.vector_store %arg15[%swap3A_136, %swap3A_137], %broadcast_in_dim3A_135 {strides = array<i32>} : memref<400x128xf32, #tpu.memory_space<vmem>>, vector<16xf32>,
        %broadcast_in_dim3A_139 = arith.constant 0.000000e+00 : f32
        %broadcast_in_dim3A_140 = vector.broadcast %broadcast_in_dim3A_139 : f32 to vector<16xf32>
        %swap3A_141 = arith.index_cast %scan3A_123 : i32 to index
        %swap3A_142 = arith.constant 48 : index
        %swap3A_143 = tpu.vector_load %arg15[%swap3A_141, %swap3A_142] {strides = array<i32>} : memref<400x128xf32, #tpu.memory_space<vmem>>, vector<16xf32>,
        tpu.vector_store %arg15[%swap3A_141, %swap3A_142], %broadcast_in_dim3A_140 {strides = array<i32>} : memref<400x128xf32, #tpu.memory_space<vmem>>, vector<16xf32>,
        %broadcast_in_dim3A_144 = arith.constant 0.000000e+00 : f32
        %broadcast_in_dim3A_145 = vector.broadcast %broadcast_in_dim3A_144 : f32 to vector<16xf32>
        %swap3A_146 = arith.index_cast %scan3A_123 : i32 to index
        %swap3A_147 = arith.constant 64 : index
        %swap3A_148 = tpu.vector_load %arg15[%swap3A_146, %swap3A_147] {strides = array<i32>} : memref<400x128xf32, #tpu.memory_space<vmem>>, vector<16xf32>,
        tpu.vector_store %arg15[%swap3A_146, %swap3A_147], %broadcast_in_dim3A_145 {strides = array<i32>} : memref<400x128xf32, #tpu.memory_space<vmem>>, vector<16xf32>,
        %broadcast_in_dim3A_149 = arith.constant 0.000000e+00 : f32
        %broadcast_in_dim3A_150 = vector.broadcast %broadcast_in_dim3A_149 : f32 to vector<16xf32>
        %swap3A_151 = arith.index_cast %scan3A_123 : i32 to index
        %swap3A_152 = arith.constant 80 : index
        %swap3A_153 = tpu.vector_load %arg15[%swap3A_151, %swap3A_152] {strides = array<i32>} : memref<400x128xf32, #tpu.memory_space<vmem>>, vector<16xf32>,
        tpu.vector_store %arg15[%swap3A_151, %swap3A_152], %broadcast_in_dim3A_150 {strides = array<i32>} : memref<400x128xf32, #tpu.memory_space<vmem>>, vector<16xf32>,
        %broadcast_in_dim3A_154 = arith.constant 0.000000e+00 : f32
        %broadcast_in_dim3A_155 = vector.broadcast %broadcast_in_dim3A_154 : f32 to vector<16xf32>
        %swap3A_156 = arith.index_cast %scan3A_123 : i32 to index
        %swap3A_157 = arith.constant 96 : index
        %swap3A_158 = tpu.vector_load %arg15[%swap3A_156, %swap3A_157] {strides = array<i32>} : memref<400x128xf32, #tpu.memory_space<vmem>>, vector<16xf32>,
        tpu.vector_store %arg15[%swap3A_156, %swap3A_157], %broadcast_in_dim3A_155 {strides = array<i32>} : memref<400x128xf32, #tpu.memory_space<vmem>>, vector<16xf32>,
        %broadcast_in_dim3A_159 = arith.constant 0.000000e+00 : f32
        %broadcast_in_dim3A_160 = vector.broadcast %broadcast_in_dim3A_159 : f32 to vector<16xf32>
        %swap3A_161 = arith.index_cast %scan3A_123 : i32 to index
        %swap3A_162 = arith.constant 112 : index
        %swap3A_163 = tpu.vector_load %arg15[%swap3A_161, %swap3A_162] {strides = array<i32>} : memref<400x128xf32, #tpu.memory_space<vmem>>, vector<16xf32>,
        tpu.vector_store %arg15[%swap3A_161, %swap3A_162], %broadcast_in_dim3A_160 {strides = array<i32>} : memref<400x128xf32, #tpu.memory_space<vmem>>, vector<16xf32>,
        %scan3A_164 = arith.constant 2 : i32
        %scan3A_165 = arith.addi %scan3A_82, %scan3A_164 : i32
        %broadcast_in_dim3A_166 = arith.constant 0.000000e+00 : f32
        %broadcast_in_dim3A_167 = vector.broadcast %broadcast_in_dim3A_166 : f32 to vector<16xf32>
        %swap3A_168 = arith.index_cast %scan3A_165 : i32 to index
        %swap3A_169 = arith.constant 0 : index
        %swap3A_170 = tpu.vector_load %arg15[%swap3A_168, %swap3A_169] {strides = array<i32>} : memref<400x128xf32, #tpu.memory_space<vmem>>, vector<16xf32>,
        tpu.vector_store %arg15[%swap3A_168, %swap3A_169], %broadcast_in_dim3A_167 {strides = array<i32>} : memref<400x128xf32, #tpu.memory_space<vmem>>, vector<16xf32>,
        %broadcast_in_dim3A_171 = arith.constant 0.000000e+00 : f32
        %broadcast_in_dim3A_172 = vector.broadcast %broadcast_in_dim3A_171 : f32 to vector<16xf32>
        %swap3A_173 = arith.index_cast %scan3A_165 : i32 to index
        %swap3A_174 = arith.constant 16 : index
        %swap3A_175 = tpu.vector_load %arg15[%swap3A_173, %swap3A_174] {strides = array<i32>} : memref<400x128xf32, #tpu.memory_space<vmem>>, vector<16xf32>,
        tpu.vector_store %arg15[%swap3A_173, %swap3A_174], %broadcast_in_dim3A_172 {strides = array<i32>} : memref<400x128xf32, #tpu.memory_space<vmem>>, vector<16xf32>,
        %broadcast_in_dim3A_176 = arith.constant 0.000000e+00 : f32
        %broadcast_in_dim3A_177 = vector.broadcast %broadcast_in_dim3A_176 : f32 to vector<16xf32>
        %swap3A_178 = arith.index_cast %scan3A_165 : i32 to index
        %swap3A_179 = arith.constant 32 : index
        %swap3A_180 = tpu.vector_load %arg15[%swap3A_178, %swap3A_179] {strides = array<i32>} : memref<400x128xf32, #tpu.memory_space<vmem>>, vector<16xf32>,
        tpu.vector_store %arg15[%swap3A_178, %swap3A_179], %broadcast_in_dim3A_177 {strides = array<i32>} : memref<400x128xf32, #tpu.memory_space<vmem>>, vector<16xf32>,
        %broadcast_in_dim3A_181 = arith.constant 0.000000e+00 : f32
        %broadcast_in_dim3A_182 = vector.broadcast %broadcast_in_dim3A_181 : f32 to vector<16xf32>
        %swap3A_183 = arith.index_cast %scan3A_165 : i32 to index
        %swap3A_184 = arith.constant 48 : index
        %swap3A_185 = tpu.vector_load %arg15[%swap3A_183, %swap3A_184] {strides = array<i32>} : memref<400x128xf32, #tpu.memory_space<vmem>>, vector<16xf32>,
        tpu.vector_store %arg15[%swap3A_183, %swap3A_184], %broadcast_in_dim3A_182 {strides = array<i32>} : memref<400x128xf32, #tpu.memory_space<vmem>>, vector<16xf32>,
        %broadcast_in_dim3A_186 = arith.constant 0.000000e+00 : f32
        %broadcast_in_dim3A_187 = vector.broadcast %broadcast_in_dim3A_186 : f32 to vector<16xf32>
        %swap3A_188 = arith.index_cast %scan3A_165 : i32 to index
        %swap3A_189 = arith.constant 64 : index
        %swap3A_190 = tpu.vector_load %arg15[%swap3A_188, %swap3A_189] {strides = array<i32>} : memref<400x128xf32, #tpu.memory_space<vmem>>, vector<16xf32>,
        tpu.vector_store %arg15[%swap3A_188, %swap3A_189], %broadcast_in_dim3A_187 {strides = array<i32>} : memref<400x128xf32, #tpu.memory_space<vmem>>, vector<16xf32>,
        %broadcast_in_dim3A_191 = arith.constant 0.000000e+00 : f32
        %broadcast_in_dim3A_192 = vector.broadcast %broadcast_in_dim3A_191 : f32 to vector<16xf32>
        %swap3A_193 = arith.index_cast %scan3A_165 : i32 to index
        %swap3A_194 = arith.constant 80 : index
        %swap3A_195 = tpu.vector_load %arg15[%swap3A_193, %swap3A_194] {strides = array<i32>} : memref<400x128xf32, #tpu.memory_space<vmem>>, vector<16xf32>,
        tpu.vector_store %arg15[%swap3A_193, %swap3A_194], %broadcast_in_dim3A_192 {strides = array<i32>} : memref<400x128xf32, #tpu.memory_space<vmem>>, vector<16xf32>,
        %broadcast_in_dim3A_196 = arith.constant 0.000000e+00 : f32
        %broadcast_in_dim3A_197 = vector.broadcast %broadcast_in_dim3A_196 : f32 to vector<16xf32>
        %swap3A_198 = arith.index_cast %scan3A_165 : i32 to index
        %swap3A_199 = arith.constant 96 : index
        %swap3A_200 = tpu.vector_load %arg15[%swap3A_198, %swap3A_199] {strides = array<i32>} : memref<400x128xf32, #tpu.memory_space<vmem>>, vector<16xf32>,
        tpu.vector_store %arg15[%swap3A_198, %swap3A_199], %broadcast_in_dim3A_197 {strides = array<i32>} : memref<400x128xf32, #tpu.memory_space<vmem>>, vector<16xf32>,
        %broadcast_in_dim3A_201 = arith.constant 0.000000e+00 : f32
        %broadcast_in_dim3A_202 = vector.broadcast %broadcast_in_dim3A_201 : f32 to vector<16xf32>
        %swap3A_203 = arith.index_cast %scan3A_165 : i32 to index
        %swap3A_204 = arith.constant 112 : index
        %swap3A_205 = tpu.vector_load %arg15[%swap3A_203, %swap3A_204] {strides = array<i32>} : memref<400x128xf32, #tpu.memory_space<vmem>>, vector<16xf32>,
        tpu.vector_store %arg15[%swap3A_203, %swap3A_204], %broadcast_in_dim3A_202 {strides = array<i32>} : memref<400x128xf32, #tpu.memory_space<vmem>>, vector<16xf32>,
        %scan3A_206 = arith.constant 3 : i32
        %scan3A_207 = arith.addi %scan3A_82, %scan3A_206 : i32
        %broadcast_in_dim3A_208 = arith.constant 0.000000e+00 : f32
        %broadcast_in_dim3A_209 = vector.broadcast %broadcast_in_dim3A_208 : f32 to vector<16xf32>
        %swap3A_210 = arith.index_cast %scan3A_207 : i32 to index
        %swap3A_211 = arith.constant 0 : index
        %swap3A_212 = tpu.vector_load %arg15[%swap3A_210, %swap3A_211] {strides = array<i32>} : memref<400x128xf32, #tpu.memory_space<vmem>>, vector<16xf32>,
        tpu.vector_store %arg15[%swap3A_210, %swap3A_211], %broadcast_in_dim3A_209 {strides = array<i32>} : memref<400x128xf32, #tpu.memory_space<vmem>>, vector<16xf32>,
        %broadcast_in_dim3A_213 = arith.constant 0.000000e+00 : f32
        %broadcast_in_dim3A_214 = vector.broadcast %broadcast_in_dim3A_213 : f32 to vector<16xf32>
        %swap3A_215 = arith.index_cast %scan3A_207 : i32 to index
        %swap3A_216 = arith.constant 16 : index
        %swap3A_217 = tpu.vector_load %arg15[%swap3A_215, %swap3A_216] {strides = array<i32>} : memref<400x128xf32, #tpu.memory_space<vmem>>, vector<16xf32>,
        tpu.vector_store %arg15[%swap3A_215, %swap3A_216], %broadcast_in_dim3A_214 {strides = array<i32>} : memref<400x128xf32, #tpu.memory_space<vmem>>, vector<16xf32>,
        %broadcast_in_dim3A_218 = arith.constant 0.000000e+00 : f32
        %broadcast_in_dim3A_219 = vector.broadcast %broadcast_in_dim3A_218 : f32 to vector<16xf32>
        %swap3A_220 = arith.index_cast %scan3A_207 : i32 to index
        %swap3A_221 = arith.constant 32 : index
        %swap3A_222 = tpu.vector_load %arg15[%swap3A_220, %swap3A_221] {strides = array<i32>} : memref<400x128xf32, #tpu.memory_space<vmem>>, vector<16xf32>,
        tpu.vector_store %arg15[%swap3A_220, %swap3A_221], %broadcast_in_dim3A_219 {strides = array<i32>} : memref<400x128xf32, #tpu.memory_space<vmem>>, vector<16xf32>,
        %broadcast_in_dim3A_223 = arith.constant 0.000000e+00 : f32
        %broadcast_in_dim3A_224 = vector.broadcast %broadcast_in_dim3A_223 : f32 to vector<16xf32>
        %swap3A_225 = arith.index_cast %scan3A_207 : i32 to index
        %swap3A_226 = arith.constant 48 : index
        %swap3A_227 = tpu.vector_load %arg15[%swap3A_225, %swap3A_226] {strides = array<i32>} : memref<400x128xf32, #tpu.memory_space<vmem>>, vector<16xf32>,
        tpu.vector_store %arg15[%swap3A_225, %swap3A_226], %broadcast_in_dim3A_224 {strides = array<i32>} : memref<400x128xf32, #tpu.memory_space<vmem>>, vector<16xf32>,
        %broadcast_in_dim3A_228 = arith.constant 0.000000e+00 : f32
        %broadcast_in_dim3A_229 = vector.broadcast %broadcast_in_dim3A_228 : f32 to vector<16xf32>
        %swap3A_230 = arith.index_cast %scan3A_207 : i32 to index
        %swap3A_231 = arith.constant 64 : index
        %swap3A_232 = tpu.vector_load %arg15[%swap3A_230, %swap3A_231] {strides = array<i32>} : memref<400x128xf32, #tpu.memory_space<vmem>>, vector<16xf32>,
        tpu.vector_store %arg15[%swap3A_230, %swap3A_231], %broadcast_in_dim3A_229 {strides = array<i32>} : memref<400x128xf32, #tpu.memory_space<vmem>>, vector<16xf32>,
        %broadcast_in_dim3A_233 = arith.constant 0.000000e+00 : f32
        %broadcast_in_dim3A_234 = vector.broadcast %broadcast_in_dim3A_233 : f32 to vector<16xf32>
        %swap3A_235 = arith.index_cast %scan3A_207 : i32 to index
        %swap3A_236 = arith.constant 80 : index
        %swap3A_237 = tpu.vector_load %arg15[%swap3A_235, %swap3A_236] {strides = array<i32>} : memref<400x128xf32, #tpu.memory_space<vmem>>, vector<16xf32>,
        tpu.vector_store %arg15[%swap3A_235, %swap3A_236], %broadcast_in_dim3A_234 {strides = array<i32>} : memref<400x128xf32, #tpu.memory_space<vmem>>, vector<16xf32>,
        %broadcast_in_dim3A_238 = arith.constant 0.000000e+00 : f32
        %broadcast_in_dim3A_239 = vector.broadcast %broadcast_in_dim3A_238 : f32 to vector<16xf32>
        %swap3A_240 = arith.index_cast %scan3A_207 : i32 to index
        %swap3A_241 = arith.constant 96 : index
        %swap3A_242 = tpu.vector_load %arg15[%swap3A_240, %swap3A_241] {strides = array<i32>} : memref<400x128xf32, #tpu.memory_space<vmem>>, vector<16xf32>,
        tpu.vector_store %arg15[%swap3A_240, %swap3A_241], %broadcast_in_dim3A_239 {strides = array<i32>} : memref<400x128xf32, #tpu.memory_space<vmem>>, vector<16xf32>,
        %broadcast_in_dim3A_243 = arith.constant 0.000000e+00 : f32
        %broadcast_in_dim3A_244 = vector.broadcast %broadcast_in_dim3A_243 : f32 to vector<16xf32>
        %swap3A_245 = arith.index_cast %scan3A_207 : i32 to index
        %swap3A_246 = arith.constant 112 : index
        %swap3A_247 = tpu.vector_load %arg15[%swap3A_245, %swap3A_246] {strides = array<i32>} : memref<400x128xf32, #tpu.memory_space<vmem>>, vector<16xf32>,
        tpu.vector_store %arg15[%swap3A_245, %swap3A_246], %broadcast_in_dim3A_244 {strides = array<i32>} : memref<400x128xf32, #tpu.memory_space<vmem>>, vector<16xf32>,
      }
      %scan3A_73 = arith.constant 400 : i32
      %while3A = arith.constant 0 : i32
      %while3A_74 = arith.subi %select_n3A_68, %while3A : i32
      %while3A_75 = arith.addi %while3A, %while3A_74 : i32
      %while3A_76 = arith.constant 1 : i32
      %while3A_77 = arith.divsi %while3A_74, %while3A_76 : i32
      %while3A_78 = arith.muli %while3A_77, %while3A_76 : i32
      %while3A_79 = arith.addi %while3A, %while3A_78 : i32
      %while3A_80 = arith.constant 1 : i32
      scf.for %while3A_82 = %while3A to %while3A_79 step %while3A_80  : i32 {
        %mul3A_83 = arith.constant 128 : i32
        %mul3A_84 = arith.muli %while3A_82, %mul3A_83 : i32
        %add3A_85 = arith.addi %and3A_45, %mul3A_84 : i32
        %min3A = arith.constant 319872 : i32
        %min3A_86 = arith.minsi %add3A_85, %min3A : i32
        %multiple_of3A_87 = tpu.assume_multiple %min3A_86, 16 : i32
        %dma_start3A = tpu.memref_slice %arg4[%multiple_of3A_87] : memref<320000xi32, #tpu.memory_space<hbm>> -> memref<128xi32, #tpu.memory_space<hbm>>
        %dma_start3A_88 = tpu.memref_slice %arg4[%multiple_of3A_87] : memref<320000xi32, #tpu.memory_space<hbm>> -> memref<128xi32, #tpu.memory_space<hbm>>
        tpu.enqueue_dma source(%dma_start3A_88 : memref<128xi32, #tpu.memory_space<hbm>>) target(%arg10 : memref<128xi32, #tpu.memory_space<vmem>>) target_semaphore(%arg18 : memref<!tpu.dma_semaphore, #tpu.memory_space<semaphore_mem>>)
        %dma_start3A_89 = tpu.memref_slice %arg5[%multiple_of3A_87] : memref<320000xi32, #tpu.memory_space<hbm>> -> memref<128xi32, #tpu.memory_space<hbm>>
        %dma_start3A_90 = tpu.memref_slice %arg5[%multiple_of3A_87] : memref<320000xi32, #tpu.memory_space<hbm>> -> memref<128xi32, #tpu.memory_space<hbm>>
        tpu.enqueue_dma source(%dma_start3A_90 : memref<128xi32, #tpu.memory_space<hbm>>) target(%arg11 : memref<128xi32, #tpu.memory_space<vmem>>) target_semaphore(%arg18 : memref<!tpu.dma_semaphore, #tpu.memory_space<semaphore_mem>>)
        %dma_start3A_91 = tpu.memref_slice %arg6[%multiple_of3A_87] : memref<320000xi32, #tpu.memory_space<hbm>> -> memref<128xi32, #tpu.memory_space<hbm>>
        %dma_start3A_92 = tpu.memref_slice %arg6[%multiple_of3A_87] : memref<320000xi32, #tpu.memory_space<hbm>> -> memref<128xi32, #tpu.memory_space<hbm>>
        tpu.enqueue_dma source(%dma_start3A_92 : memref<128xi32, #tpu.memory_space<hbm>>) target(%arg12 : memref<128xi32, #tpu.memory_space<vmem>>) target_semaphore(%arg18 : memref<!tpu.dma_semaphore, #tpu.memory_space<semaphore_mem>>)
        %dma_wait3A = tpu.memref_slice %arg4[%multiple_of3A_87] : memref<320000xi32, #tpu.memory_space<hbm>> -> memref<128xi32, #tpu.memory_space<hbm>>
        %dma_wait3A_93 = tpu.memref_slice %arg4[%multiple_of3A_87] : memref<320000xi32, #tpu.memory_space<hbm>> -> memref<128xi32, #tpu.memory_space<hbm>>
        tpu.wait_dma2 semaphore(%arg18 : memref<!tpu.dma_semaphore, #tpu.memory_space<semaphore_mem>>) src(%dma_wait3A_93 : memref<128xi32, #tpu.memory_space<hbm>>) dst(%arg10 : memref<128xi32, #tpu.memory_space<vmem>>)
        %dma_wait3A_94 = tpu.memref_slice %arg5[%multiple_of3A_87] : memref<320000xi32, #tpu.memory_space<hbm>> -> memref<128xi32, #tpu.memory_space<hbm>>
        %dma_wait3A_95 = tpu.memref_slice %arg5[%multiple_of3A_87] : memref<320000xi32, #tpu.memory_space<hbm>> -> memref<128xi32, #tpu.memory_space<hbm>>
        tpu.wait_dma2 semaphore(%arg18 : memref<!tpu.dma_semaphore, #tpu.memory_space<semaphore_mem>>) src(%dma_wait3A_95 : memref<128xi32, #tpu.memory_space<hbm>>) dst(%arg11 : memref<128xi32, #tpu.memory_space<vmem>>)
        %dma_wait3A_96 = tpu.memref_slice %arg6[%multiple_of3A_87] : memref<320000xi32, #tpu.memory_space<hbm>> -> memref<128xi32, #tpu.memory_space<hbm>>
        %dma_wait3A_97 = tpu.memref_slice %arg6[%multiple_of3A_87] : memref<320000xi32, #tpu.memory_space<hbm>> -> memref<128xi32, #tpu.memory_space<hbm>>
        tpu.wait_dma2 semaphore(%arg18 : memref<!tpu.dma_semaphore, #tpu.memory_space<semaphore_mem>>) src(%dma_wait3A_97 : memref<128xi32, #tpu.memory_space<hbm>>) dst(%arg12 : memref<128xi32, #tpu.memory_space<vmem>>)
        %dma_start3A_98 = arith.constant 0 : i32
        %dma_start3A_99 = arith.constant 0 : i32
        %dma_start3A_100 = tpu.memref_slice %arg2[%dma_start3A_98, %dma_start3A_99] : memref<320000x128xf32, #tpu.memory_space<hbm>> -> memref<320000x128xf32, #tpu.memory_space<hbm>>
        tpu.enqueue_indirect_dma source(%dma_start3A_100 : memref<320000x128xf32, #tpu.memory_space<hbm>>) target(%arg14 : memref<128x128xf32, #tpu.memory_space<vmem>>) offsets(%arg10 : memref<128xi32, #tpu.memory_space<vmem>>) semaphore(%arg16 : memref<!tpu.dma_semaphore, #tpu.memory_space<semaphore_mem>>)
        %dma_start3A_101 = arith.constant 0 : i32
        %dma_start3A_102 = tpu.memref_slice %arg3[%dma_start3A_101] : memref<320000xf32, #tpu.memory_space<hbm>> -> memref<320000xf32, #tpu.memory_space<hbm>>
        tpu.enqueue_indirect_dma source(%dma_start3A_102 : memref<320000xf32, #tpu.memory_space<hbm>>) target(%arg13 : memref<128xf32, #tpu.memory_space<vmem>>) offsets(%arg11 : memref<128xi32, #tpu.memory_space<vmem>>) semaphore(%arg17 : memref<!tpu.dma_semaphore, #tpu.memory_space<semaphore_mem>>)
        %dma_wait3A_103 = arith.constant 0 : i32
        %dma_wait3A_104 = arith.constant 0 : i32
        %dma_wait3A_105 = tpu.memref_slice %arg2[%dma_wait3A_103, %dma_wait3A_104] : memref<320000x128xf32, #tpu.memory_space<hbm>> -> memref<320000x128xf32, #tpu.memory_space<hbm>>
        tpu.wait_indirect_dma semaphore(%arg16 : memref<!tpu.dma_semaphore, #tpu.memory_space<semaphore_mem>>) src(%dma_wait3A_105 : memref<320000x128xf32, #tpu.memory_space<hbm>>) dst(%arg14 : memref<128x128xf32, #tpu.memory_space<vmem>>)
        %dma_wait3A_106 = arith.constant 0 : i32
        %dma_wait3A_107 = tpu.memref_slice %arg3[%dma_wait3A_106] : memref<320000xf32, #tpu.memory_space<hbm>> -> memref<320000xf32, #tpu.memory_space<hbm>>
        tpu.wait_indirect_dma semaphore(%arg17 : memref<!tpu.dma_semaphore, #tpu.memory_space<semaphore_mem>>) src(%dma_wait3A_107 : memref<320000xf32, #tpu.memory_space<hbm>>) dst(%arg13 : memref<128xf32, #tpu.memory_space<vmem>>)
        %mul3A_108 = arith.constant 128 : i32
        %mul3A_109 = arith.muli %while3A_82, %mul3A_108 : i32
        %add3A_110 = arith.addi %and3A_45, %mul3A_109 : i32
        %max3A = arith.maxsi %reduce_max3A_21, %add3A_110 : i32
        %iota3A_111 = tpu.iota {dimensions = array<i32: 0>} : vector<16xi32>
        %add3A_112 = arith.constant 1 : i32
        %add3A_113 = vector.broadcast %add3A_112 : i32 to vector<16xi32>
        %add3A_114 = arith.addi %iota3A_111, %add3A_113 : vector<16xi32>
        %and3A_115 = arith.constant 15 : i32
        %and3A_116 = vector.broadcast %and3A_115 : i32 to vector<16xi32>
        %and3A_117 = arith.andi %add3A_114, %and3A_116 : vector<16xi32>
        %add3A_118 = arith.constant 0 : i32
        %add3A_119 = arith.addi %multiple_of3A_87, %add3A_118 : i32
        %iota3A_120 = tpu.iota {dimensions = array<i32: 0>} : vector<16xi32>
        %add3A_121 = vector.broadcast %add3A_119 : i32 to vector<16xi32>
        %add3A_122 = arith.addi %add3A_121, %iota3A_120 : vector<16xi32>
        %get3A_123 = arith.constant 0 : index
        %get3A_124 = tpu.vector_load %arg12[%get3A_123] {strides = array<i32>} : memref<128xi32, #tpu.memory_space<vmem>>, vector<16xi32>,
        %get3A_125 = arith.constant 0 : index
        %get3A_126 = tpu.vector_load %arg13[%get3A_125] {strides = array<i32>} : memref<128xf32, #tpu.memory_space<vmem>>, vector<16xf32>,
        %ge3A = vector.broadcast %max3A : i32 to vector<16xi32>
        %ge3A_127 = arith.cmpi sge, %add3A_122, %ge3A : vector<16xi32>
        %lt3A = vector.broadcast %reduce_max3A_43 : i32 to vector<16xi32>
        %lt3A_128 = arith.cmpi slt, %add3A_122, %lt3A : vector<16xi32>
        %and3A_129 = arith.andi %ge3A_127, %lt3A_128 : vector<16xi1>
        %jit3A_130 = arith.constant 0.000000e+00 : f32
        %broadcast_in_dim3A_131 = vector.broadcast %jit3A_130 : f32 to vector<16xf32>
        %select_n3A_132 = arith.select %and3A_129, %get3A_126, %broadcast_in_dim3A_131 : vector<16xi1>, vector<16xf32>
        %sub3A_133 = vector.broadcast %multiple_of3A : i32 to vector<16xi32>
        %sub3A_134 = arith.subi %get3A_124, %sub3A_133 : vector<16xi32>
        %jit3A_135 = arith.constant 0 : i32
        %jit3A_136 = arith.constant 399 : i32
        %max3A_137 = vector.broadcast %jit3A_135 : i32 to vector<16xi32>
        %max3A_138 = arith.maxsi %max3A_137, %sub3A_134 : vector<16xi32>
        %min3A_139 = vector.broadcast %jit3A_136 : i32 to vector<16xi32>
        %min3A_140 = arith.minsi %min3A_139, %max3A_138 : vector<16xi32>
        %parallel_loop3A = arith.constant 0 : i32
        %parallel_loop3A_141 = arith.constant 16 : i32
        %parallel_loop3A_142 = arith.constant 1 : i32
        %parallel_loop3A_143:2 = scf.for %parallel_loop3A_347 = %parallel_loop3A to %parallel_loop3A_141 step %parallel_loop3A_142 iter_args(%parallel_loop3A_348 = %min3A_140, %parallel_loop3A_349 = %select_n3A_132) -> (vector<16xi32>, vector<16xf32>)  : i32 {
          %parallel_loop3A_350 = vector.extract_strided_slice %parallel_loop3A_348 {offsets = [0], sizes = [1], strides = [1]} : vector<16xi32> to vector<1xi32>
          %parallel_loop3A_351 = vector.extract %parallel_loop3A_350[0] : i32 from vector<1xi32>
          %parallel_loop3A_352 = vector.extract_strided_slice %parallel_loop3A_349 {offsets = [0], sizes = [1], strides = [1]} : vector<16xf32> to vector<1xf32>
          %parallel_loop3A_353 = vector.extract %parallel_loop3A_352[0] : f32 from vector<1xf32>
          %parallel_loop3A_354 = vector.broadcast %parallel_loop3A_353 : f32 to vector<16xf32>
          %parallel_loop3A_355 = arith.constant 0 : i32
          %parallel_loop3A_356 = arith.addi %parallel_loop3A_355, %parallel_loop3A_347 : i32
          %parallel_loop3A_357 = arith.index_cast %parallel_loop3A_356 : i32 to index
          %parallel_loop3A_358 = arith.constant 0 : index
          %parallel_loop3A_359 = tpu.vector_load %arg14[%parallel_loop3A_357, %parallel_loop3A_358] {strides = array<i32>} : memref<128x128xf32, #tpu.memory_space<vmem>>, vector<16xf32>,
          %parallel_loop3A_360 = arith.mulf %parallel_loop3A_359, %parallel_loop3A_354 : vector<16xf32>
          %parallel_loop3A_361 = arith.index_cast %parallel_loop3A_351 : i32 to index
          %parallel_loop3A_362 = arith.constant 0 : index
          %parallel_loop3A_363 = tpu.vector_load %arg15[%parallel_loop3A_361, %parallel_loop3A_362] {strides = array<i32>} : memref<400x128xf32, #tpu.memory_space<vmem>>, vector<16xf32>,
          tpu.vector_store %arg15[%parallel_loop3A_361, %parallel_loop3A_362], %parallel_loop3A_360 {add = true, strides = array<i32>} : memref<400x128xf32, #tpu.memory_space<vmem>>, vector<16xf32>,
          %parallel_loop3A_364 = arith.constant 0 : i32
          %parallel_loop3A_365 = arith.addi %parallel_loop3A_364, %parallel_loop3A_347 : i32
          %parallel_loop3A_366 = arith.index_cast %parallel_loop3A_365 : i32 to index
          %parallel_loop3A_367 = arith.constant 16 : index
          %parallel_loop3A_368 = tpu.vector_load %arg14[%parallel_loop3A_366, %parallel_loop3A_367] {strides = array<i32>} : memref<128x128xf32, #tpu.memory_space<vmem>>, vector<16xf32>,
          %parallel_loop3A_369 = arith.mulf %parallel_loop3A_368, %parallel_loop3A_354 : vector<16xf32>
          %parallel_loop3A_370 = arith.index_cast %parallel_loop3A_351 : i32 to index
          %parallel_loop3A_371 = arith.constant 16 : index
          %parallel_loop3A_372 = tpu.vector_load %arg15[%parallel_loop3A_370, %parallel_loop3A_371] {strides = array<i32>} : memref<400x128xf32, #tpu.memory_space<vmem>>, vector<16xf32>,
          tpu.vector_store %arg15[%parallel_loop3A_370, %parallel_loop3A_371], %parallel_loop3A_369 {add = true, strides = array<i32>} : memref<400x128xf32, #tpu.memory_space<vmem>>, vector<16xf32>,
          %parallel_loop3A_373 = arith.constant 0 : i32
          %parallel_loop3A_374 = arith.addi %parallel_loop3A_373, %parallel_loop3A_347 : i32
          %parallel_loop3A_375 = arith.index_cast %parallel_loop3A_374 : i32 to index
          %parallel_loop3A_376 = arith.constant 32 : index
          %parallel_loop3A_377 = tpu.vector_load %arg14[%parallel_loop3A_375, %parallel_loop3A_376] {strides = array<i32>} : memref<128x128xf32, #tpu.memory_space<vmem>>, vector<16xf32>,
          %parallel_loop3A_378 = arith.mulf %parallel_loop3A_377, %parallel_loop3A_354 : vector<16xf32>
          %parallel_loop3A_379 = arith.index_cast %parallel_loop3A_351 : i32 to index
          %parallel_loop3A_380 = arith.constant 32 : index
          %parallel_loop3A_381 = tpu.vector_load %arg15[%parallel_loop3A_379, %parallel_loop3A_380] {strides = array<i32>} : memref<400x128xf32, #tpu.memory_space<vmem>>, vector<16xf32>,
          tpu.vector_store %arg15[%parallel_loop3A_379, %parallel_loop3A_380], %parallel_loop3A_378 {add = true, strides = array<i32>} : memref<400x128xf32, #tpu.memory_space<vmem>>, vector<16xf32>,
          %parallel_loop3A_382 = arith.constant 0 : i32
          %parallel_loop3A_383 = arith.addi %parallel_loop3A_382, %parallel_loop3A_347 : i32
          %parallel_loop3A_384 = arith.index_cast %parallel_loop3A_383 : i32 to index
          %parallel_loop3A_385 = arith.constant 48 : index
          %parallel_loop3A_386 = tpu.vector_load %arg14[%parallel_loop3A_384, %parallel_loop3A_385] {strides = array<i32>} : memref<128x128xf32, #tpu.memory_space<vmem>>, vector<16xf32>,
          %parallel_loop3A_387 = arith.mulf %parallel_loop3A_386, %parallel_loop3A_354 : vector<16xf32>
          %parallel_loop3A_388 = arith.index_cast %parallel_loop3A_351 : i32 to index
          %parallel_loop3A_389 = arith.constant 48 : index
          %parallel_loop3A_390 = tpu.vector_load %arg15[%parallel_loop3A_388, %parallel_loop3A_389] {strides = array<i32>} : memref<400x128xf32, #tpu.memory_space<vmem>>, vector<16xf32>,
          tpu.vector_store %arg15[%parallel_loop3A_388, %parallel_loop3A_389], %parallel_loop3A_387 {add = true, strides = array<i32>} : memref<400x128xf32, #tpu.memory_space<vmem>>, vector<16xf32>,
          %parallel_loop3A_391 = arith.constant 0 : i32
          %parallel_loop3A_392 = arith.addi %parallel_loop3A_391, %parallel_loop3A_347 : i32
          %parallel_loop3A_393 = arith.index_cast %parallel_loop3A_392 : i32 to index
          %parallel_loop3A_394 = arith.constant 64 : index
          %parallel_loop3A_395 = tpu.vector_load %arg14[%parallel_loop3A_393, %parallel_loop3A_394] {strides = array<i32>} : memref<128x128xf32, #tpu.memory_space<vmem>>, vector<16xf32>,
          %parallel_loop3A_396 = arith.mulf %parallel_loop3A_395, %parallel_loop3A_354 : vector<16xf32>
          %parallel_loop3A_397 = arith.index_cast %parallel_loop3A_351 : i32 to index
          %parallel_loop3A_398 = arith.constant 64 : index
          %parallel_loop3A_399 = tpu.vector_load %arg15[%parallel_loop3A_397, %parallel_loop3A_398] {strides = array<i32>} : memref<400x128xf32, #tpu.memory_space<vmem>>, vector<16xf32>,
          tpu.vector_store %arg15[%parallel_loop3A_397, %parallel_loop3A_398], %parallel_loop3A_396 {add = true, strides = array<i32>} : memref<400x128xf32, #tpu.memory_space<vmem>>, vector<16xf32>,
          %parallel_loop3A_400 = arith.constant 0 : i32
          %parallel_loop3A_401 = arith.addi %parallel_loop3A_400, %parallel_loop3A_347 : i32
          %parallel_loop3A_402 = arith.index_cast %parallel_loop3A_401 : i32 to index
          %parallel_loop3A_403 = arith.constant 80 : index
          %parallel_loop3A_404 = tpu.vector_load %arg14[%parallel_loop3A_402, %parallel_loop3A_403] {strides = array<i32>} : memref<128x128xf32, #tpu.memory_space<vmem>>, vector<16xf32>,
          %parallel_loop3A_405 = arith.mulf %parallel_loop3A_404, %parallel_loop3A_354 : vector<16xf32>
          %parallel_loop3A_406 = arith.index_cast %parallel_loop3A_351 : i32 to index
          %parallel_loop3A_407 = arith.constant 80 : index
          %parallel_loop3A_408 = tpu.vector_load %arg15[%parallel_loop3A_406, %parallel_loop3A_407] {strides = array<i32>} : memref<400x128xf32, #tpu.memory_space<vmem>>, vector<16xf32>,
          tpu.vector_store %arg15[%parallel_loop3A_406, %parallel_loop3A_407], %parallel_loop3A_405 {add = true, strides = array<i32>} : memref<400x128xf32, #tpu.memory_space<vmem>>, vector<16xf32>,
          %parallel_loop3A_409 = arith.constant 0 : i32
          %parallel_loop3A_410 = arith.addi %parallel_loop3A_409, %parallel_loop3A_347 : i32
          %parallel_loop3A_411 = arith.index_cast %parallel_loop3A_410 : i32 to index
          %parallel_loop3A_412 = arith.constant 96 : index
          %parallel_loop3A_413 = tpu.vector_load %arg14[%parallel_loop3A_411, %parallel_loop3A_412] {strides = array<i32>} : memref<128x128xf32, #tpu.memory_space<vmem>>, vector<16xf32>,
          %parallel_loop3A_414 = arith.mulf %parallel_loop3A_413, %parallel_loop3A_354 : vector<16xf32>
          %parallel_loop3A_415 = arith.index_cast %parallel_loop3A_351 : i32 to index
          %parallel_loop3A_416 = arith.constant 96 : index
          %parallel_loop3A_417 = tpu.vector_load %arg15[%parallel_loop3A_415, %parallel_loop3A_416] {strides = array<i32>} : memref<400x128xf32, #tpu.memory_space<vmem>>, vector<16xf32>,
          tpu.vector_store %arg15[%parallel_loop3A_415, %parallel_loop3A_416], %parallel_loop3A_414 {add = true, strides = array<i32>} : memref<400x128xf32, #tpu.memory_space<vmem>>, vector<16xf32>,
          %parallel_loop3A_418 = arith.constant 0 : i32
          %parallel_loop3A_419 = arith.addi %parallel_loop3A_418, %parallel_loop3A_347 : i32
          %parallel_loop3A_420 = arith.index_cast %parallel_loop3A_419 : i32 to index
          %parallel_loop3A_421 = arith.constant 112 : index
          %parallel_loop3A_422 = tpu.vector_load %arg14[%parallel_loop3A_420, %parallel_loop3A_421] {strides = array<i32>} : memref<128x128xf32, #tpu.memory_space<vmem>>, vector<16xf32>,
          %parallel_loop3A_423 = arith.mulf %parallel_loop3A_422, %parallel_loop3A_354 : vector<16xf32>
          %parallel_loop3A_424 = arith.index_cast %parallel_loop3A_351 : i32 to index
          %parallel_loop3A_425 = arith.constant 112 : index
          %parallel_loop3A_426 = tpu.vector_load %arg15[%parallel_loop3A_424, %parallel_loop3A_425] {strides = array<i32>} : memref<400x128xf32, #tpu.memory_space<vmem>>, vector<16xf32>,
          tpu.vector_store %arg15[%parallel_loop3A_424, %parallel_loop3A_425], %parallel_loop3A_423 {add = true, strides = array<i32>} : memref<400x128xf32, #tpu.memory_space<vmem>>, vector<16xf32>,
          %parallel_loop3A_427 = arith.constant 0 : i32
          %parallel_loop3A_428 = vector.broadcast %parallel_loop3A_427 : i32 to vector<16xi32>
          %parallel_loop3A_429 = arith.cmpi slt, %and3A_117, %parallel_loop3A_428 : vector<16xi32>
          %parallel_loop3A_430 = arith.constant 16 : i32
          %parallel_loop3A_431 = vector.broadcast %parallel_loop3A_430 : i32 to vector<16xi32>
          %parallel_loop3A_432 = arith.addi %and3A_117, %parallel_loop3A_431 : vector<16xi32>
          %parallel_loop3A_433 = arith.select %parallel_loop3A_429, %parallel_loop3A_432, %and3A_117 : vector<16xi1>, vector<16xi32>
          %parallel_loop3A_434 = vector.shape_cast %parallel_loop3A_433 : vector<16xi32> to vector<16x1xi32>
          %parallel_loop3A_435 = vector.shape_cast %parallel_loop3A_434 : vector<16x1xi32> to vector<16xi32>
          %parallel_loop3A_436 = tpu.dynamic_gather %parallel_loop3A_348[%parallel_loop3A_435] in [0] : vector<16xi32>, vector<16xi32> -> vector<16xi32>
          %parallel_loop3A_437 = arith.constant 0 : i32
          %parallel_loop3A_438 = vector.broadcast %parallel_loop3A_437 : i32 to vector<16xi32>
          %parallel_loop3A_439 = arith.cmpi slt, %and3A_117, %parallel_loop3A_438 : vector<16xi32>
          %parallel_loop3A_440 = arith.constant 16 : i32
          %parallel_loop3A_441 = vector.broadcast %parallel_loop3A_440 : i32 to vector<16xi32>
          %parallel_loop3A_442 = arith.addi %and3A_117, %parallel_loop3A_441 : vector<16xi32>
          %parallel_loop3A_443 = arith.select %parallel_loop3A_439, %parallel_loop3A_442, %and3A_117 : vector<16xi1>, vector<16xi32>
          %parallel_loop3A_444 = vector.shape_cast %parallel_loop3A_443 : vector<16xi32> to vector<16x1xi32>
          %parallel_loop3A_445 = vector.shape_cast %parallel_loop3A_444 : vector<16x1xi32> to vector<16xi32>
          %parallel_loop3A_446 = tpu.dynamic_gather %parallel_loop3A_349[%parallel_loop3A_445] in [0] : vector<16xf32>, vector<16xi32> -> vector<16xf32>
          scf.yield %parallel_loop3A_436, %parallel_loop3A_446 : vector<16xi32>, vector<16xf32>
        } {sc.loop_unroll_factor = 4 : i64, sc.parallel_access}
        %add3A_144 = arith.constant 16 : i32
        %add3A_145 = arith.addi %multiple_of3A_87, %add3A_144 : i32
        %iota3A_146 = tpu.iota {dimensions = array<i32: 0>} : vector<16xi32>
        %add3A_147 = vector.broadcast %add3A_145 : i32 to vector<16xi32>
        %add3A_148 = arith.addi %add3A_147, %iota3A_146 : vector<16xi32>
        %get3A_149 = arith.constant 16 : index
        %get3A_150 = tpu.vector_load %arg12[%get3A_149] {strides = array<i32>} : memref<128xi32, #tpu.memory_space<vmem>>, vector<16xi32>,
        %get3A_151 = arith.constant 16 : index
        %get3A_152 = tpu.vector_load %arg13[%get3A_151] {strides = array<i32>} : memref<128xf32, #tpu.memory_space<vmem>>, vector<16xf32>,
        %ge3A_153 = vector.broadcast %max3A : i32 to vector<16xi32>
        %ge3A_154 = arith.cmpi sge, %add3A_148, %ge3A_153 : vector<16xi32>
        %lt3A_155 = vector.broadcast %reduce_max3A_43 : i32 to vector<16xi32>
        %lt3A_156 = arith.cmpi slt, %add3A_148, %lt3A_155 : vector<16xi32>
        %and3A_157 = arith.andi %ge3A_154, %lt3A_156 : vector<16xi1>
        %jit3A_158 = arith.constant 0.000000e+00 : f32
        %broadcast_in_dim3A_159 = vector.broadcast %jit3A_158 : f32 to vector<16xf32>
        %select_n3A_160 = arith.select %and3A_157, %get3A_152, %broadcast_in_dim3A_159 : vector<16xi1>, vector<16xf32>
        %sub3A_161 = vector.broadcast %multiple_of3A : i32 to vector<16xi32>
        %sub3A_162 = arith.subi %get3A_150, %sub3A_161 : vector<16xi32>
        %jit3A_163 = arith.constant 0 : i32
        %jit3A_164 = arith.constant 399 : i32
        %max3A_165 = vector.broadcast %jit3A_163 : i32 to vector<16xi32>
        %max3A_166 = arith.maxsi %max3A_165, %sub3A_162 : vector<16xi32>
        %min3A_167 = vector.broadcast %jit3A_164 : i32 to vector<16xi32>
        %min3A_168 = arith.minsi %min3A_167, %max3A_166 : vector<16xi32>
        %parallel_loop3A_169 = arith.constant 0 : i32
        %parallel_loop3A_170 = arith.constant 16 : i32
        %parallel_loop3A_171 = arith.constant 1 : i32
        %parallel_loop3A_172:2 = scf.for %parallel_loop3A_347 = %parallel_loop3A_169 to %parallel_loop3A_170 step %parallel_loop3A_171 iter_args(%parallel_loop3A_348 = %min3A_168, %parallel_loop3A_349 = %select_n3A_160) -> (vector<16xi32>, vector<16xf32>)  : i32 {
          %parallel_loop3A_350 = vector.extract_strided_slice %parallel_loop3A_348 {offsets = [0], sizes = [1], strides = [1]} : vector<16xi32> to vector<1xi32>
          %parallel_loop3A_351 = vector.extract %parallel_loop3A_350[0] : i32 from vector<1xi32>
          %parallel_loop3A_352 = vector.extract_strided_slice %parallel_loop3A_349 {offsets = [0], sizes = [1], strides = [1]} : vector<16xf32> to vector<1xf32>
          %parallel_loop3A_353 = vector.extract %parallel_loop3A_352[0] : f32 from vector<1xf32>
          %parallel_loop3A_354 = vector.broadcast %parallel_loop3A_353 : f32 to vector<16xf32>
          %parallel_loop3A_355 = arith.constant 16 : i32
          %parallel_loop3A_356 = arith.addi %parallel_loop3A_355, %parallel_loop3A_347 : i32
          %parallel_loop3A_357 = arith.index_cast %parallel_loop3A_356 : i32 to index
          %parallel_loop3A_358 = arith.constant 0 : index
          %parallel_loop3A_359 = tpu.vector_load %arg14[%parallel_loop3A_357, %parallel_loop3A_358] {strides = array<i32>} : memref<128x128xf32, #tpu.memory_space<vmem>>, vector<16xf32>,
          %parallel_loop3A_360 = arith.mulf %parallel_loop3A_359, %parallel_loop3A_354 : vector<16xf32>
          %parallel_loop3A_361 = arith.index_cast %parallel_loop3A_351 : i32 to index
          %parallel_loop3A_362 = arith.constant 0 : index
          %parallel_loop3A_363 = tpu.vector_load %arg15[%parallel_loop3A_361, %parallel_loop3A_362] {strides = array<i32>} : memref<400x128xf32, #tpu.memory_space<vmem>>, vector<16xf32>,
          tpu.vector_store %arg15[%parallel_loop3A_361, %parallel_loop3A_362], %parallel_loop3A_360 {add = true, strides = array<i32>} : memref<400x128xf32, #tpu.memory_space<vmem>>, vector<16xf32>,
          %parallel_loop3A_364 = arith.constant 16 : i32
          %parallel_loop3A_365 = arith.addi %parallel_loop3A_364, %parallel_loop3A_347 : i32
          %parallel_loop3A_366 = arith.index_cast %parallel_loop3A_365 : i32 to index
          %parallel_loop3A_367 = arith.constant 16 : index
          %parallel_loop3A_368 = tpu.vector_load %arg14[%parallel_loop3A_366, %parallel_loop3A_367] {strides = array<i32>} : memref<128x128xf32, #tpu.memory_space<vmem>>, vector<16xf32>,
          %parallel_loop3A_369 = arith.mulf %parallel_loop3A_368, %parallel_loop3A_354 : vector<16xf32>
          %parallel_loop3A_370 = arith.index_cast %parallel_loop3A_351 : i32 to index
          %parallel_loop3A_371 = arith.constant 16 : index
          %parallel_loop3A_372 = tpu.vector_load %arg15[%parallel_loop3A_370, %parallel_loop3A_371] {strides = array<i32>} : memref<400x128xf32, #tpu.memory_space<vmem>>, vector<16xf32>,
          tpu.vector_store %arg15[%parallel_loop3A_370, %parallel_loop3A_371], %parallel_loop3A_369 {add = true, strides = array<i32>} : memref<400x128xf32, #tpu.memory_space<vmem>>, vector<16xf32>,
          %parallel_loop3A_373 = arith.constant 16 : i32
          %parallel_loop3A_374 = arith.addi %parallel_loop3A_373, %parallel_loop3A_347 : i32
          %parallel_loop3A_375 = arith.index_cast %parallel_loop3A_374 : i32 to index
          %parallel_loop3A_376 = arith.constant 32 : index
          %parallel_loop3A_377 = tpu.vector_load %arg14[%parallel_loop3A_375, %parallel_loop3A_376] {strides = array<i32>} : memref<128x128xf32, #tpu.memory_space<vmem>>, vector<16xf32>,
          %parallel_loop3A_378 = arith.mulf %parallel_loop3A_377, %parallel_loop3A_354 : vector<16xf32>
          %parallel_loop3A_379 = arith.index_cast %parallel_loop3A_351 : i32 to index
          %parallel_loop3A_380 = arith.constant 32 : index
          %parallel_loop3A_381 = tpu.vector_load %arg15[%parallel_loop3A_379, %parallel_loop3A_380] {strides = array<i32>} : memref<400x128xf32, #tpu.memory_space<vmem>>, vector<16xf32>,
          tpu.vector_store %arg15[%parallel_loop3A_379, %parallel_loop3A_380], %parallel_loop3A_378 {add = true, strides = array<i32>} : memref<400x128xf32, #tpu.memory_space<vmem>>, vector<16xf32>,
          %parallel_loop3A_382 = arith.constant 16 : i32
          %parallel_loop3A_383 = arith.addi %parallel_loop3A_382, %parallel_loop3A_347 : i32
          %parallel_loop3A_384 = arith.index_cast %parallel_loop3A_383 : i32 to index
          %parallel_loop3A_385 = arith.constant 48 : index
          %parallel_loop3A_386 = tpu.vector_load %arg14[%parallel_loop3A_384, %parallel_loop3A_385] {strides = array<i32>} : memref<128x128xf32, #tpu.memory_space<vmem>>, vector<16xf32>,
          %parallel_loop3A_387 = arith.mulf %parallel_loop3A_386, %parallel_loop3A_354 : vector<16xf32>
          %parallel_loop3A_388 = arith.index_cast %parallel_loop3A_351 : i32 to index
          %parallel_loop3A_389 = arith.constant 48 : index
          %parallel_loop3A_390 = tpu.vector_load %arg15[%parallel_loop3A_388, %parallel_loop3A_389] {strides = array<i32>} : memref<400x128xf32, #tpu.memory_space<vmem>>, vector<16xf32>,
          tpu.vector_store %arg15[%parallel_loop3A_388, %parallel_loop3A_389], %parallel_loop3A_387 {add = true, strides = array<i32>} : memref<400x128xf32, #tpu.memory_space<vmem>>, vector<16xf32>,
          %parallel_loop3A_391 = arith.constant 16 : i32
          %parallel_loop3A_392 = arith.addi %parallel_loop3A_391, %parallel_loop3A_347 : i32
          %parallel_loop3A_393 = arith.index_cast %parallel_loop3A_392 : i32 to index
          %parallel_loop3A_394 = arith.constant 64 : index
          %parallel_loop3A_395 = tpu.vector_load %arg14[%parallel_loop3A_393, %parallel_loop3A_394] {strides = array<i32>} : memref<128x128xf32, #tpu.memory_space<vmem>>, vector<16xf32>,
          %parallel_loop3A_396 = arith.mulf %parallel_loop3A_395, %parallel_loop3A_354 : vector<16xf32>
          %parallel_loop3A_397 = arith.index_cast %parallel_loop3A_351 : i32 to index
          %parallel_loop3A_398 = arith.constant 64 : index
          %parallel_loop3A_399 = tpu.vector_load %arg15[%parallel_loop3A_397, %parallel_loop3A_398] {strides = array<i32>} : memref<400x128xf32, #tpu.memory_space<vmem>>, vector<16xf32>,
          tpu.vector_store %arg15[%parallel_loop3A_397, %parallel_loop3A_398], %parallel_loop3A_396 {add = true, strides = array<i32>} : memref<400x128xf32, #tpu.memory_space<vmem>>, vector<16xf32>,
          %parallel_loop3A_400 = arith.constant 16 : i32
          %parallel_loop3A_401 = arith.addi %parallel_loop3A_400, %parallel_loop3A_347 : i32
          %parallel_loop3A_402 = arith.index_cast %parallel_loop3A_401 : i32 to index
          %parallel_loop3A_403 = arith.constant 80 : index
          %parallel_loop3A_404 = tpu.vector_load %arg14[%parallel_loop3A_402, %parallel_loop3A_403] {strides = array<i32>} : memref<128x128xf32, #tpu.memory_space<vmem>>, vector<16xf32>,
          %parallel_loop3A_405 = arith.mulf %parallel_loop3A_404, %parallel_loop3A_354 : vector<16xf32>
          %parallel_loop3A_406 = arith.index_cast %parallel_loop3A_351 : i32 to index
          %parallel_loop3A_407 = arith.constant 80 : index
          %parallel_loop3A_408 = tpu.vector_load %arg15[%parallel_loop3A_406, %parallel_loop3A_407] {strides = array<i32>} : memref<400x128xf32, #tpu.memory_space<vmem>>, vector<16xf32>,
          tpu.vector_store %arg15[%parallel_loop3A_406, %parallel_loop3A_407], %parallel_loop3A_405 {add = true, strides = array<i32>} : memref<400x128xf32, #tpu.memory_space<vmem>>, vector<16xf32>,
          %parallel_loop3A_409 = arith.constant 16 : i32
          %parallel_loop3A_410 = arith.addi %parallel_loop3A_409, %parallel_loop3A_347 : i32
          %parallel_loop3A_411 = arith.index_cast %parallel_loop3A_410 : i32 to index
          %parallel_loop3A_412 = arith.constant 96 : index
          %parallel_loop3A_413 = tpu.vector_load %arg14[%parallel_loop3A_411, %parallel_loop3A_412] {strides = array<i32>} : memref<128x128xf32, #tpu.memory_space<vmem>>, vector<16xf32>,
          %parallel_loop3A_414 = arith.mulf %parallel_loop3A_413, %parallel_loop3A_354 : vector<16xf32>
          %parallel_loop3A_415 = arith.index_cast %parallel_loop3A_351 : i32 to index
          %parallel_loop3A_416 = arith.constant 96 : index
          %parallel_loop3A_417 = tpu.vector_load %arg15[%parallel_loop3A_415, %parallel_loop3A_416] {strides = array<i32>} : memref<400x128xf32, #tpu.memory_space<vmem>>, vector<16xf32>,
          tpu.vector_store %arg15[%parallel_loop3A_415, %parallel_loop3A_416], %parallel_loop3A_414 {add = true, strides = array<i32>} : memref<400x128xf32, #tpu.memory_space<vmem>>, vector<16xf32>,
          %parallel_loop3A_418 = arith.constant 16 : i32
          %parallel_loop3A_419 = arith.addi %parallel_loop3A_418, %parallel_loop3A_347 : i32
          %parallel_loop3A_420 = arith.index_cast %parallel_loop3A_419 : i32 to index
          %parallel_loop3A_421 = arith.constant 112 : index
          %parallel_loop3A_422 = tpu.vector_load %arg14[%parallel_loop3A_420, %parallel_loop3A_421] {strides = array<i32>} : memref<128x128xf32, #tpu.memory_space<vmem>>, vector<16xf32>,
          %parallel_loop3A_423 = arith.mulf %parallel_loop3A_422, %parallel_loop3A_354 : vector<16xf32>
          %parallel_loop3A_424 = arith.index_cast %parallel_loop3A_351 : i32 to index
          %parallel_loop3A_425 = arith.constant 112 : index
          %parallel_loop3A_426 = tpu.vector_load %arg15[%parallel_loop3A_424, %parallel_loop3A_425] {strides = array<i32>} : memref<400x128xf32, #tpu.memory_space<vmem>>, vector<16xf32>,
          tpu.vector_store %arg15[%parallel_loop3A_424, %parallel_loop3A_425], %parallel_loop3A_423 {add = true, strides = array<i32>} : memref<400x128xf32, #tpu.memory_space<vmem>>, vector<16xf32>,
          %parallel_loop3A_427 = arith.constant 0 : i32
          %parallel_loop3A_428 = vector.broadcast %parallel_loop3A_427 : i32 to vector<16xi32>
          %parallel_loop3A_429 = arith.cmpi slt, %and3A_117, %parallel_loop3A_428 : vector<16xi32>
          %parallel_loop3A_430 = arith.constant 16 : i32
          %parallel_loop3A_431 = vector.broadcast %parallel_loop3A_430 : i32 to vector<16xi32>
          %parallel_loop3A_432 = arith.addi %and3A_117, %parallel_loop3A_431 : vector<16xi32>
          %parallel_loop3A_433 = arith.select %parallel_loop3A_429, %parallel_loop3A_432, %and3A_117 : vector<16xi1>, vector<16xi32>
          %parallel_loop3A_434 = vector.shape_cast %parallel_loop3A_433 : vector<16xi32> to vector<16x1xi32>
          %parallel_loop3A_435 = vector.shape_cast %parallel_loop3A_434 : vector<16x1xi32> to vector<16xi32>
          %parallel_loop3A_436 = tpu.dynamic_gather %parallel_loop3A_348[%parallel_loop3A_435] in [0] : vector<16xi32>, vector<16xi32> -> vector<16xi32>
          %parallel_loop3A_437 = arith.constant 0 : i32
          %parallel_loop3A_438 = vector.broadcast %parallel_loop3A_437 : i32 to vector<16xi32>
          %parallel_loop3A_439 = arith.cmpi slt, %and3A_117, %parallel_loop3A_438 : vector<16xi32>
          %parallel_loop3A_440 = arith.constant 16 : i32
          %parallel_loop3A_441 = vector.broadcast %parallel_loop3A_440 : i32 to vector<16xi32>
          %parallel_loop3A_442 = arith.addi %and3A_117, %parallel_loop3A_441 : vector<16xi32>
          %parallel_loop3A_443 = arith.select %parallel_loop3A_439, %parallel_loop3A_442, %and3A_117 : vector<16xi1>, vector<16xi32>
          %parallel_loop3A_444 = vector.shape_cast %parallel_loop3A_443 : vector<16xi32> to vector<16x1xi32>
          %parallel_loop3A_445 = vector.shape_cast %parallel_loop3A_444 : vector<16x1xi32> to vector<16xi32>
          %parallel_loop3A_446 = tpu.dynamic_gather %parallel_loop3A_349[%parallel_loop3A_445] in [0] : vector<16xf32>, vector<16xi32> -> vector<16xf32>
          scf.yield %parallel_loop3A_436, %parallel_loop3A_446 : vector<16xi32>, vector<16xf32>
        } {sc.loop_unroll_factor = 4 : i64, sc.parallel_access}
        %add3A_173 = arith.constant 32 : i32
        %add3A_174 = arith.addi %multiple_of3A_87, %add3A_173 : i32
        %iota3A_175 = tpu.iota {dimensions = array<i32: 0>} : vector<16xi32>
        %add3A_176 = vector.broadcast %add3A_174 : i32 to vector<16xi32>
        %add3A_177 = arith.addi %add3A_176, %iota3A_175 : vector<16xi32>
        %get3A_178 = arith.constant 32 : index
        %get3A_179 = tpu.vector_load %arg12[%get3A_178] {strides = array<i32>} : memref<128xi32, #tpu.memory_space<vmem>>, vector<16xi32>,
        %get3A_180 = arith.constant 32 : index
        %get3A_181 = tpu.vector_load %arg13[%get3A_180] {strides = array<i32>} : memref<128xf32, #tpu.memory_space<vmem>>, vector<16xf32>,
        %ge3A_182 = vector.broadcast %max3A : i32 to vector<16xi32>
        %ge3A_183 = arith.cmpi sge, %add3A_177, %ge3A_182 : vector<16xi32>
        %lt3A_184 = vector.broadcast %reduce_max3A_43 : i32 to vector<16xi32>
        %lt3A_185 = arith.cmpi slt, %add3A_177, %lt3A_184 : vector<16xi32>
        %and3A_186 = arith.andi %ge3A_183, %lt3A_185 : vector<16xi1>
        %jit3A_187 = arith.constant 0.000000e+00 : f32
        %broadcast_in_dim3A_188 = vector.broadcast %jit3A_187 : f32 to vector<16xf32>
        %select_n3A_189 = arith.select %and3A_186, %get3A_181, %broadcast_in_dim3A_188 : vector<16xi1>, vector<16xf32>
        %sub3A_190 = vector.broadcast %multiple_of3A : i32 to vector<16xi32>
        %sub3A_191 = arith.subi %get3A_179, %sub3A_190 : vector<16xi32>
        %jit3A_192 = arith.constant 0 : i32
        %jit3A_193 = arith.constant 399 : i32
        %max3A_194 = vector.broadcast %jit3A_192 : i32 to vector<16xi32>
        %max3A_195 = arith.maxsi %max3A_194, %sub3A_191 : vector<16xi32>
        %min3A_196 = vector.broadcast %jit3A_193 : i32 to vector<16xi32>
        %min3A_197 = arith.minsi %min3A_196, %max3A_195 : vector<16xi32>
        %parallel_loop3A_198 = arith.constant 0 : i32
        %parallel_loop3A_199 = arith.constant 16 : i32
        %parallel_loop3A_200 = arith.constant 1 : i32
        %parallel_loop3A_201:2 = scf.for %parallel_loop3A_347 = %parallel_loop3A_198 to %parallel_loop3A_199 step %parallel_loop3A_200 iter_args(%parallel_loop3A_348 = %min3A_197, %parallel_loop3A_349 = %select_n3A_189) -> (vector<16xi32>, vector<16xf32>)  : i32 {
          %parallel_loop3A_350 = vector.extract_strided_slice %parallel_loop3A_348 {offsets = [0], sizes = [1], strides = [1]} : vector<16xi32> to vector<1xi32>
          %parallel_loop3A_351 = vector.extract %parallel_loop3A_350[0] : i32 from vector<1xi32>
          %parallel_loop3A_352 = vector.extract_strided_slice %parallel_loop3A_349 {offsets = [0], sizes = [1], strides = [1]} : vector<16xf32> to vector<1xf32>
          %parallel_loop3A_353 = vector.extract %parallel_loop3A_352[0] : f32 from vector<1xf32>
          %parallel_loop3A_354 = vector.broadcast %parallel_loop3A_353 : f32 to vector<16xf32>
          %parallel_loop3A_355 = arith.constant 32 : i32
          %parallel_loop3A_356 = arith.addi %parallel_loop3A_355, %parallel_loop3A_347 : i32
          %parallel_loop3A_357 = arith.index_cast %parallel_loop3A_356 : i32 to index
          %parallel_loop3A_358 = arith.constant 0 : index
          %parallel_loop3A_359 = tpu.vector_load %arg14[%parallel_loop3A_357, %parallel_loop3A_358] {strides = array<i32>} : memref<128x128xf32, #tpu.memory_space<vmem>>, vector<16xf32>,
          %parallel_loop3A_360 = arith.mulf %parallel_loop3A_359, %parallel_loop3A_354 : vector<16xf32>
          %parallel_loop3A_361 = arith.index_cast %parallel_loop3A_351 : i32 to index
          %parallel_loop3A_362 = arith.constant 0 : index
          %parallel_loop3A_363 = tpu.vector_load %arg15[%parallel_loop3A_361, %parallel_loop3A_362] {strides = array<i32>} : memref<400x128xf32, #tpu.memory_space<vmem>>, vector<16xf32>,
          tpu.vector_store %arg15[%parallel_loop3A_361, %parallel_loop3A_362], %parallel_loop3A_360 {add = true, strides = array<i32>} : memref<400x128xf32, #tpu.memory_space<vmem>>, vector<16xf32>,
          %parallel_loop3A_364 = arith.constant 32 : i32
          %parallel_loop3A_365 = arith.addi %parallel_loop3A_364, %parallel_loop3A_347 : i32
          %parallel_loop3A_366 = arith.index_cast %parallel_loop3A_365 : i32 to index
          %parallel_loop3A_367 = arith.constant 16 : index
          %parallel_loop3A_368 = tpu.vector_load %arg14[%parallel_loop3A_366, %parallel_loop3A_367] {strides = array<i32>} : memref<128x128xf32, #tpu.memory_space<vmem>>, vector<16xf32>,
          %parallel_loop3A_369 = arith.mulf %parallel_loop3A_368, %parallel_loop3A_354 : vector<16xf32>
          %parallel_loop3A_370 = arith.index_cast %parallel_loop3A_351 : i32 to index
          %parallel_loop3A_371 = arith.constant 16 : index
          %parallel_loop3A_372 = tpu.vector_load %arg15[%parallel_loop3A_370, %parallel_loop3A_371] {strides = array<i32>} : memref<400x128xf32, #tpu.memory_space<vmem>>, vector<16xf32>,
          tpu.vector_store %arg15[%parallel_loop3A_370, %parallel_loop3A_371], %parallel_loop3A_369 {add = true, strides = array<i32>} : memref<400x128xf32, #tpu.memory_space<vmem>>, vector<16xf32>,
          %parallel_loop3A_373 = arith.constant 32 : i32
          %parallel_loop3A_374 = arith.addi %parallel_loop3A_373, %parallel_loop3A_347 : i32
          %parallel_loop3A_375 = arith.index_cast %parallel_loop3A_374 : i32 to index
          %parallel_loop3A_376 = arith.constant 32 : index
          %parallel_loop3A_377 = tpu.vector_load %arg14[%parallel_loop3A_375, %parallel_loop3A_376] {strides = array<i32>} : memref<128x128xf32, #tpu.memory_space<vmem>>, vector<16xf32>,
          %parallel_loop3A_378 = arith.mulf %parallel_loop3A_377, %parallel_loop3A_354 : vector<16xf32>
          %parallel_loop3A_379 = arith.index_cast %parallel_loop3A_351 : i32 to index
          %parallel_loop3A_380 = arith.constant 32 : index
          %parallel_loop3A_381 = tpu.vector_load %arg15[%parallel_loop3A_379, %parallel_loop3A_380] {strides = array<i32>} : memref<400x128xf32, #tpu.memory_space<vmem>>, vector<16xf32>,
          tpu.vector_store %arg15[%parallel_loop3A_379, %parallel_loop3A_380], %parallel_loop3A_378 {add = true, strides = array<i32>} : memref<400x128xf32, #tpu.memory_space<vmem>>, vector<16xf32>,
          %parallel_loop3A_382 = arith.constant 32 : i32
          %parallel_loop3A_383 = arith.addi %parallel_loop3A_382, %parallel_loop3A_347 : i32
          %parallel_loop3A_384 = arith.index_cast %parallel_loop3A_383 : i32 to index
          %parallel_loop3A_385 = arith.constant 48 : index
          %parallel_loop3A_386 = tpu.vector_load %arg14[%parallel_loop3A_384, %parallel_loop3A_385] {strides = array<i32>} : memref<128x128xf32, #tpu.memory_space<vmem>>, vector<16xf32>,
          %parallel_loop3A_387 = arith.mulf %parallel_loop3A_386, %parallel_loop3A_354 : vector<16xf32>
          %parallel_loop3A_388 = arith.index_cast %parallel_loop3A_351 : i32 to index
          %parallel_loop3A_389 = arith.constant 48 : index
          %parallel_loop3A_390 = tpu.vector_load %arg15[%parallel_loop3A_388, %parallel_loop3A_389] {strides = array<i32>} : memref<400x128xf32, #tpu.memory_space<vmem>>, vector<16xf32>,
          tpu.vector_store %arg15[%parallel_loop3A_388, %parallel_loop3A_389], %parallel_loop3A_387 {add = true, strides = array<i32>} : memref<400x128xf32, #tpu.memory_space<vmem>>, vector<16xf32>,
          %parallel_loop3A_391 = arith.constant 32 : i32
          %parallel_loop3A_392 = arith.addi %parallel_loop3A_391, %parallel_loop3A_347 : i32
          %parallel_loop3A_393 = arith.index_cast %parallel_loop3A_392 : i32 to index
          %parallel_loop3A_394 = arith.constant 64 : index
          %parallel_loop3A_395 = tpu.vector_load %arg14[%parallel_loop3A_393, %parallel_loop3A_394] {strides = array<i32>} : memref<128x128xf32, #tpu.memory_space<vmem>>, vector<16xf32>,
          %parallel_loop3A_396 = arith.mulf %parallel_loop3A_395, %parallel_loop3A_354 : vector<16xf32>
          %parallel_loop3A_397 = arith.index_cast %parallel_loop3A_351 : i32 to index
          %parallel_loop3A_398 = arith.constant 64 : index
          %parallel_loop3A_399 = tpu.vector_load %arg15[%parallel_loop3A_397, %parallel_loop3A_398] {strides = array<i32>} : memref<400x128xf32, #tpu.memory_space<vmem>>, vector<16xf32>,
          tpu.vector_store %arg15[%parallel_loop3A_397, %parallel_loop3A_398], %parallel_loop3A_396 {add = true, strides = array<i32>} : memref<400x128xf32, #tpu.memory_space<vmem>>, vector<16xf32>,
          %parallel_loop3A_400 = arith.constant 32 : i32
          %parallel_loop3A_401 = arith.addi %parallel_loop3A_400, %parallel_loop3A_347 : i32
          %parallel_loop3A_402 = arith.index_cast %parallel_loop3A_401 : i32 to index
          %parallel_loop3A_403 = arith.constant 80 : index
          %parallel_loop3A_404 = tpu.vector_load %arg14[%parallel_loop3A_402, %parallel_loop3A_403] {strides = array<i32>} : memref<128x128xf32, #tpu.memory_space<vmem>>, vector<16xf32>,
          %parallel_loop3A_405 = arith.mulf %parallel_loop3A_404, %parallel_loop3A_354 : vector<16xf32>
          %parallel_loop3A_406 = arith.index_cast %parallel_loop3A_351 : i32 to index
          %parallel_loop3A_407 = arith.constant 80 : index
          %parallel_loop3A_408 = tpu.vector_load %arg15[%parallel_loop3A_406, %parallel_loop3A_407] {strides = array<i32>} : memref<400x128xf32, #tpu.memory_space<vmem>>, vector<16xf32>,
          tpu.vector_store %arg15[%parallel_loop3A_406, %parallel_loop3A_407], %parallel_loop3A_405 {add = true, strides = array<i32>} : memref<400x128xf32, #tpu.memory_space<vmem>>, vector<16xf32>,
          %parallel_loop3A_409 = arith.constant 32 : i32
          %parallel_loop3A_410 = arith.addi %parallel_loop3A_409, %parallel_loop3A_347 : i32
          %parallel_loop3A_411 = arith.index_cast %parallel_loop3A_410 : i32 to index
          %parallel_loop3A_412 = arith.constant 96 : index
          %parallel_loop3A_413 = tpu.vector_load %arg14[%parallel_loop3A_411, %parallel_loop3A_412] {strides = array<i32>} : memref<128x128xf32, #tpu.memory_space<vmem>>, vector<16xf32>,
          %parallel_loop3A_414 = arith.mulf %parallel_loop3A_413, %parallel_loop3A_354 : vector<16xf32>
          %parallel_loop3A_415 = arith.index_cast %parallel_loop3A_351 : i32 to index
          %parallel_loop3A_416 = arith.constant 96 : index
          %parallel_loop3A_417 = tpu.vector_load %arg15[%parallel_loop3A_415, %parallel_loop3A_416] {strides = array<i32>} : memref<400x128xf32, #tpu.memory_space<vmem>>, vector<16xf32>,
          tpu.vector_store %arg15[%parallel_loop3A_415, %parallel_loop3A_416], %parallel_loop3A_414 {add = true, strides = array<i32>} : memref<400x128xf32, #tpu.memory_space<vmem>>, vector<16xf32>,
          %parallel_loop3A_418 = arith.constant 32 : i32
          %parallel_loop3A_419 = arith.addi %parallel_loop3A_418, %parallel_loop3A_347 : i32
          %parallel_loop3A_420 = arith.index_cast %parallel_loop3A_419 : i32 to index
          %parallel_loop3A_421 = arith.constant 112 : index
          %parallel_loop3A_422 = tpu.vector_load %arg14[%parallel_loop3A_420, %parallel_loop3A_421] {strides = array<i32>} : memref<128x128xf32, #tpu.memory_space<vmem>>, vector<16xf32>,
          %parallel_loop3A_423 = arith.mulf %parallel_loop3A_422, %parallel_loop3A_354 : vector<16xf32>
          %parallel_loop3A_424 = arith.index_cast %parallel_loop3A_351 : i32 to index
          %parallel_loop3A_425 = arith.constant 112 : index
          %parallel_loop3A_426 = tpu.vector_load %arg15[%parallel_loop3A_424, %parallel_loop3A_425] {strides = array<i32>} : memref<400x128xf32, #tpu.memory_space<vmem>>, vector<16xf32>,
          tpu.vector_store %arg15[%parallel_loop3A_424, %parallel_loop3A_425], %parallel_loop3A_423 {add = true, strides = array<i32>} : memref<400x128xf32, #tpu.memory_space<vmem>>, vector<16xf32>,
          %parallel_loop3A_427 = arith.constant 0 : i32
          %parallel_loop3A_428 = vector.broadcast %parallel_loop3A_427 : i32 to vector<16xi32>
          %parallel_loop3A_429 = arith.cmpi slt, %and3A_117, %parallel_loop3A_428 : vector<16xi32>
          %parallel_loop3A_430 = arith.constant 16 : i32
          %parallel_loop3A_431 = vector.broadcast %parallel_loop3A_430 : i32 to vector<16xi32>
          %parallel_loop3A_432 = arith.addi %and3A_117, %parallel_loop3A_431 : vector<16xi32>
          %parallel_loop3A_433 = arith.select %parallel_loop3A_429, %parallel_loop3A_432, %and3A_117 : vector<16xi1>, vector<16xi32>
          %parallel_loop3A_434 = vector.shape_cast %parallel_loop3A_433 : vector<16xi32> to vector<16x1xi32>
          %parallel_loop3A_435 = vector.shape_cast %parallel_loop3A_434 : vector<16x1xi32> to vector<16xi32>
          %parallel_loop3A_436 = tpu.dynamic_gather %parallel_loop3A_348[%parallel_loop3A_435] in [0] : vector<16xi32>, vector<16xi32> -> vector<16xi32>
          %parallel_loop3A_437 = arith.constant 0 : i32
          %parallel_loop3A_438 = vector.broadcast %parallel_loop3A_437 : i32 to vector<16xi32>
          %parallel_loop3A_439 = arith.cmpi slt, %and3A_117, %parallel_loop3A_438 : vector<16xi32>
          %parallel_loop3A_440 = arith.constant 16 : i32
          %parallel_loop3A_441 = vector.broadcast %parallel_loop3A_440 : i32 to vector<16xi32>
          %parallel_loop3A_442 = arith.addi %and3A_117, %parallel_loop3A_441 : vector<16xi32>
          %parallel_loop3A_443 = arith.select %parallel_loop3A_439, %parallel_loop3A_442, %and3A_117 : vector<16xi1>, vector<16xi32>
          %parallel_loop3A_444 = vector.shape_cast %parallel_loop3A_443 : vector<16xi32> to vector<16x1xi32>
          %parallel_loop3A_445 = vector.shape_cast %parallel_loop3A_444 : vector<16x1xi32> to vector<16xi32>
          %parallel_loop3A_446 = tpu.dynamic_gather %parallel_loop3A_349[%parallel_loop3A_445] in [0] : vector<16xf32>, vector<16xi32> -> vector<16xf32>
          scf.yield %parallel_loop3A_436, %parallel_loop3A_446 : vector<16xi32>, vector<16xf32>
        } {sc.loop_unroll_factor = 4 : i64, sc.parallel_access}
        %add3A_202 = arith.constant 48 : i32
        %add3A_203 = arith.addi %multiple_of3A_87, %add3A_202 : i32
        %iota3A_204 = tpu.iota {dimensions = array<i32: 0>} : vector<16xi32>
        %add3A_205 = vector.broadcast %add3A_203 : i32 to vector<16xi32>
        %add3A_206 = arith.addi %add3A_205, %iota3A_204 : vector<16xi32>
        %get3A_207 = arith.constant 48 : index
        %get3A_208 = tpu.vector_load %arg12[%get3A_207] {strides = array<i32>} : memref<128xi32, #tpu.memory_space<vmem>>, vector<16xi32>,
        %get3A_209 = arith.constant 48 : index
        %get3A_210 = tpu.vector_load %arg13[%get3A_209] {strides = array<i32>} : memref<128xf32, #tpu.memory_space<vmem>>, vector<16xf32>,
        %ge3A_211 = vector.broadcast %max3A : i32 to vector<16xi32>
        %ge3A_212 = arith.cmpi sge, %add3A_206, %ge3A_211 : vector<16xi32>
        %lt3A_213 = vector.broadcast %reduce_max3A_43 : i32 to vector<16xi32>
        %lt3A_214 = arith.cmpi slt, %add3A_206, %lt3A_213 : vector<16xi32>
        %and3A_215 = arith.andi %ge3A_212, %lt3A_214 : vector<16xi1>
        %jit3A_216 = arith.constant 0.000000e+00 : f32
        %broadcast_in_dim3A_217 = vector.broadcast %jit3A_216 : f32 to vector<16xf32>
        %select_n3A_218 = arith.select %and3A_215, %get3A_210, %broadcast_in_dim3A_217 : vector<16xi1>, vector<16xf32>
        %sub3A_219 = vector.broadcast %multiple_of3A : i32 to vector<16xi32>
        %sub3A_220 = arith.subi %get3A_208, %sub3A_219 : vector<16xi32>
        %jit3A_221 = arith.constant 0 : i32
        %jit3A_222 = arith.constant 399 : i32
        %max3A_223 = vector.broadcast %jit3A_221 : i32 to vector<16xi32>
        %max3A_224 = arith.maxsi %max3A_223, %sub3A_220 : vector<16xi32>
        %min3A_225 = vector.broadcast %jit3A_222 : i32 to vector<16xi32>
        %min3A_226 = arith.minsi %min3A_225, %max3A_224 : vector<16xi32>
        %parallel_loop3A_227 = arith.constant 0 : i32
        %parallel_loop3A_228 = arith.constant 16 : i32
        %parallel_loop3A_229 = arith.constant 1 : i32
        %parallel_loop3A_230:2 = scf.for %parallel_loop3A_347 = %parallel_loop3A_227 to %parallel_loop3A_228 step %parallel_loop3A_229 iter_args(%parallel_loop3A_348 = %min3A_226, %parallel_loop3A_349 = %select_n3A_218) -> (vector<16xi32>, vector<16xf32>)  : i32 {
          %parallel_loop3A_350 = vector.extract_strided_slice %parallel_loop3A_348 {offsets = [0], sizes = [1], strides = [1]} : vector<16xi32> to vector<1xi32>
          %parallel_loop3A_351 = vector.extract %parallel_loop3A_350[0] : i32 from vector<1xi32>
          %parallel_loop3A_352 = vector.extract_strided_slice %parallel_loop3A_349 {offsets = [0], sizes = [1], strides = [1]} : vector<16xf32> to vector<1xf32>
          %parallel_loop3A_353 = vector.extract %parallel_loop3A_352[0] : f32 from vector<1xf32>
          %parallel_loop3A_354 = vector.broadcast %parallel_loop3A_353 : f32 to vector<16xf32>
          %parallel_loop3A_355 = arith.constant 48 : i32
          %parallel_loop3A_356 = arith.addi %parallel_loop3A_355, %parallel_loop3A_347 : i32
          %parallel_loop3A_357 = arith.index_cast %parallel_loop3A_356 : i32 to index
          %parallel_loop3A_358 = arith.constant 0 : index
          %parallel_loop3A_359 = tpu.vector_load %arg14[%parallel_loop3A_357, %parallel_loop3A_358] {strides = array<i32>} : memref<128x128xf32, #tpu.memory_space<vmem>>, vector<16xf32>,
          %parallel_loop3A_360 = arith.mulf %parallel_loop3A_359, %parallel_loop3A_354 : vector<16xf32>
          %parallel_loop3A_361 = arith.index_cast %parallel_loop3A_351 : i32 to index
          %parallel_loop3A_362 = arith.constant 0 : index
          %parallel_loop3A_363 = tpu.vector_load %arg15[%parallel_loop3A_361, %parallel_loop3A_362] {strides = array<i32>} : memref<400x128xf32, #tpu.memory_space<vmem>>, vector<16xf32>,
          tpu.vector_store %arg15[%parallel_loop3A_361, %parallel_loop3A_362], %parallel_loop3A_360 {add = true, strides = array<i32>} : memref<400x128xf32, #tpu.memory_space<vmem>>, vector<16xf32>,
          %parallel_loop3A_364 = arith.constant 48 : i32
          %parallel_loop3A_365 = arith.addi %parallel_loop3A_364, %parallel_loop3A_347 : i32
          %parallel_loop3A_366 = arith.index_cast %parallel_loop3A_365 : i32 to index
          %parallel_loop3A_367 = arith.constant 16 : index
          %parallel_loop3A_368 = tpu.vector_load %arg14[%parallel_loop3A_366, %parallel_loop3A_367] {strides = array<i32>} : memref<128x128xf32, #tpu.memory_space<vmem>>, vector<16xf32>,
          %parallel_loop3A_369 = arith.mulf %parallel_loop3A_368, %parallel_loop3A_354 : vector<16xf32>
          %parallel_loop3A_370 = arith.index_cast %parallel_loop3A_351 : i32 to index
          %parallel_loop3A_371 = arith.constant 16 : index
          %parallel_loop3A_372 = tpu.vector_load %arg15[%parallel_loop3A_370, %parallel_loop3A_371] {strides = array<i32>} : memref<400x128xf32, #tpu.memory_space<vmem>>, vector<16xf32>,
          tpu.vector_store %arg15[%parallel_loop3A_370, %parallel_loop3A_371], %parallel_loop3A_369 {add = true, strides = array<i32>} : memref<400x128xf32, #tpu.memory_space<vmem>>, vector<16xf32>,
          %parallel_loop3A_373 = arith.constant 48 : i32
          %parallel_loop3A_374 = arith.addi %parallel_loop3A_373, %parallel_loop3A_347 : i32
          %parallel_loop3A_375 = arith.index_cast %parallel_loop3A_374 : i32 to index
          %parallel_loop3A_376 = arith.constant 32 : index
          %parallel_loop3A_377 = tpu.vector_load %arg14[%parallel_loop3A_375, %parallel_loop3A_376] {strides = array<i32>} : memref<128x128xf32, #tpu.memory_space<vmem>>, vector<16xf32>,
          %parallel_loop3A_378 = arith.mulf %parallel_loop3A_377, %parallel_loop3A_354 : vector<16xf32>
          %parallel_loop3A_379 = arith.index_cast %parallel_loop3A_351 : i32 to index
          %parallel_loop3A_380 = arith.constant 32 : index
          %parallel_loop3A_381 = tpu.vector_load %arg15[%parallel_loop3A_379, %parallel_loop3A_380] {strides = array<i32>} : memref<400x128xf32, #tpu.memory_space<vmem>>, vector<16xf32>,
          tpu.vector_store %arg15[%parallel_loop3A_379, %parallel_loop3A_380], %parallel_loop3A_378 {add = true, strides = array<i32>} : memref<400x128xf32, #tpu.memory_space<vmem>>, vector<16xf32>,
          %parallel_loop3A_382 = arith.constant 48 : i32
          %parallel_loop3A_383 = arith.addi %parallel_loop3A_382, %parallel_loop3A_347 : i32
          %parallel_loop3A_384 = arith.index_cast %parallel_loop3A_383 : i32 to index
          %parallel_loop3A_385 = arith.constant 48 : index
          %parallel_loop3A_386 = tpu.vector_load %arg14[%parallel_loop3A_384, %parallel_loop3A_385] {strides = array<i32>} : memref<128x128xf32, #tpu.memory_space<vmem>>, vector<16xf32>,
          %parallel_loop3A_387 = arith.mulf %parallel_loop3A_386, %parallel_loop3A_354 : vector<16xf32>
          %parallel_loop3A_388 = arith.index_cast %parallel_loop3A_351 : i32 to index
          %parallel_loop3A_389 = arith.constant 48 : index
          %parallel_loop3A_390 = tpu.vector_load %arg15[%parallel_loop3A_388, %parallel_loop3A_389] {strides = array<i32>} : memref<400x128xf32, #tpu.memory_space<vmem>>, vector<16xf32>,
          tpu.vector_store %arg15[%parallel_loop3A_388, %parallel_loop3A_389], %parallel_loop3A_387 {add = true, strides = array<i32>} : memref<400x128xf32, #tpu.memory_space<vmem>>, vector<16xf32>,
          %parallel_loop3A_391 = arith.constant 48 : i32
          %parallel_loop3A_392 = arith.addi %parallel_loop3A_391, %parallel_loop3A_347 : i32
          %parallel_loop3A_393 = arith.index_cast %parallel_loop3A_392 : i32 to index
          %parallel_loop3A_394 = arith.constant 64 : index
          %parallel_loop3A_395 = tpu.vector_load %arg14[%parallel_loop3A_393, %parallel_loop3A_394] {strides = array<i32>} : memref<128x128xf32, #tpu.memory_space<vmem>>, vector<16xf32>,
          %parallel_loop3A_396 = arith.mulf %parallel_loop3A_395, %parallel_loop3A_354 : vector<16xf32>
          %parallel_loop3A_397 = arith.index_cast %parallel_loop3A_351 : i32 to index
          %parallel_loop3A_398 = arith.constant 64 : index
          %parallel_loop3A_399 = tpu.vector_load %arg15[%parallel_loop3A_397, %parallel_loop3A_398] {strides = array<i32>} : memref<400x128xf32, #tpu.memory_space<vmem>>, vector<16xf32>,
          tpu.vector_store %arg15[%parallel_loop3A_397, %parallel_loop3A_398], %parallel_loop3A_396 {add = true, strides = array<i32>} : memref<400x128xf32, #tpu.memory_space<vmem>>, vector<16xf32>,
          %parallel_loop3A_400 = arith.constant 48 : i32
          %parallel_loop3A_401 = arith.addi %parallel_loop3A_400, %parallel_loop3A_347 : i32
          %parallel_loop3A_402 = arith.index_cast %parallel_loop3A_401 : i32 to index
          %parallel_loop3A_403 = arith.constant 80 : index
          %parallel_loop3A_404 = tpu.vector_load %arg14[%parallel_loop3A_402, %parallel_loop3A_403] {strides = array<i32>} : memref<128x128xf32, #tpu.memory_space<vmem>>, vector<16xf32>,
          %parallel_loop3A_405 = arith.mulf %parallel_loop3A_404, %parallel_loop3A_354 : vector<16xf32>
          %parallel_loop3A_406 = arith.index_cast %parallel_loop3A_351 : i32 to index
          %parallel_loop3A_407 = arith.constant 80 : index
          %parallel_loop3A_408 = tpu.vector_load %arg15[%parallel_loop3A_406, %parallel_loop3A_407] {strides = array<i32>} : memref<400x128xf32, #tpu.memory_space<vmem>>, vector<16xf32>,
          tpu.vector_store %arg15[%parallel_loop3A_406, %parallel_loop3A_407], %parallel_loop3A_405 {add = true, strides = array<i32>} : memref<400x128xf32, #tpu.memory_space<vmem>>, vector<16xf32>,
          %parallel_loop3A_409 = arith.constant 48 : i32
          %parallel_loop3A_410 = arith.addi %parallel_loop3A_409, %parallel_loop3A_347 : i32
          %parallel_loop3A_411 = arith.index_cast %parallel_loop3A_410 : i32 to index
          %parallel_loop3A_412 = arith.constant 96 : index
          %parallel_loop3A_413 = tpu.vector_load %arg14[%parallel_loop3A_411, %parallel_loop3A_412] {strides = array<i32>} : memref<128x128xf32, #tpu.memory_space<vmem>>, vector<16xf32>,
          %parallel_loop3A_414 = arith.mulf %parallel_loop3A_413, %parallel_loop3A_354 : vector<16xf32>
          %parallel_loop3A_415 = arith.index_cast %parallel_loop3A_351 : i32 to index
          %parallel_loop3A_416 = arith.constant 96 : index
          %parallel_loop3A_417 = tpu.vector_load %arg15[%parallel_loop3A_415, %parallel_loop3A_416] {strides = array<i32>} : memref<400x128xf32, #tpu.memory_space<vmem>>, vector<16xf32>,
          tpu.vector_store %arg15[%parallel_loop3A_415, %parallel_loop3A_416], %parallel_loop3A_414 {add = true, strides = array<i32>} : memref<400x128xf32, #tpu.memory_space<vmem>>, vector<16xf32>,
          %parallel_loop3A_418 = arith.constant 48 : i32
          %parallel_loop3A_419 = arith.addi %parallel_loop3A_418, %parallel_loop3A_347 : i32
          %parallel_loop3A_420 = arith.index_cast %parallel_loop3A_419 : i32 to index
          %parallel_loop3A_421 = arith.constant 112 : index
          %parallel_loop3A_422 = tpu.vector_load %arg14[%parallel_loop3A_420, %parallel_loop3A_421] {strides = array<i32>} : memref<128x128xf32, #tpu.memory_space<vmem>>, vector<16xf32>,
          %parallel_loop3A_423 = arith.mulf %parallel_loop3A_422, %parallel_loop3A_354 : vector<16xf32>
          %parallel_loop3A_424 = arith.index_cast %parallel_loop3A_351 : i32 to index
          %parallel_loop3A_425 = arith.constant 112 : index
          %parallel_loop3A_426 = tpu.vector_load %arg15[%parallel_loop3A_424, %parallel_loop3A_425] {strides = array<i32>} : memref<400x128xf32, #tpu.memory_space<vmem>>, vector<16xf32>,
          tpu.vector_store %arg15[%parallel_loop3A_424, %parallel_loop3A_425], %parallel_loop3A_423 {add = true, strides = array<i32>} : memref<400x128xf32, #tpu.memory_space<vmem>>, vector<16xf32>,
          %parallel_loop3A_427 = arith.constant 0 : i32
          %parallel_loop3A_428 = vector.broadcast %parallel_loop3A_427 : i32 to vector<16xi32>
          %parallel_loop3A_429 = arith.cmpi slt, %and3A_117, %parallel_loop3A_428 : vector<16xi32>
          %parallel_loop3A_430 = arith.constant 16 : i32
          %parallel_loop3A_431 = vector.broadcast %parallel_loop3A_430 : i32 to vector<16xi32>
          %parallel_loop3A_432 = arith.addi %and3A_117, %parallel_loop3A_431 : vector<16xi32>
          %parallel_loop3A_433 = arith.select %parallel_loop3A_429, %parallel_loop3A_432, %and3A_117 : vector<16xi1>, vector<16xi32>
          %parallel_loop3A_434 = vector.shape_cast %parallel_loop3A_433 : vector<16xi32> to vector<16x1xi32>
          %parallel_loop3A_435 = vector.shape_cast %parallel_loop3A_434 : vector<16x1xi32> to vector<16xi32>
          %parallel_loop3A_436 = tpu.dynamic_gather %parallel_loop3A_348[%parallel_loop3A_435] in [0] : vector<16xi32>, vector<16xi32> -> vector<16xi32>
          %parallel_loop3A_437 = arith.constant 0 : i32
          %parallel_loop3A_438 = vector.broadcast %parallel_loop3A_437 : i32 to vector<16xi32>
          %parallel_loop3A_439 = arith.cmpi slt, %and3A_117, %parallel_loop3A_438 : vector<16xi32>
          %parallel_loop3A_440 = arith.constant 16 : i32
          %parallel_loop3A_441 = vector.broadcast %parallel_loop3A_440 : i32 to vector<16xi32>
          %parallel_loop3A_442 = arith.addi %and3A_117, %parallel_loop3A_441 : vector<16xi32>
          %parallel_loop3A_443 = arith.select %parallel_loop3A_439, %parallel_loop3A_442, %and3A_117 : vector<16xi1>, vector<16xi32>
          %parallel_loop3A_444 = vector.shape_cast %parallel_loop3A_443 : vector<16xi32> to vector<16x1xi32>
          %parallel_loop3A_445 = vector.shape_cast %parallel_loop3A_444 : vector<16x1xi32> to vector<16xi32>
          %parallel_loop3A_446 = tpu.dynamic_gather %parallel_loop3A_349[%parallel_loop3A_445] in [0] : vector<16xf32>, vector<16xi32> -> vector<16xf32>
          scf.yield %parallel_loop3A_436, %parallel_loop3A_446 : vector<16xi32>, vector<16xf32>
        } {sc.loop_unroll_factor = 4 : i64, sc.parallel_access}
        %add3A_231 = arith.constant 64 : i32
        %add3A_232 = arith.addi %multiple_of3A_87, %add3A_231 : i32
        %iota3A_233 = tpu.iota {dimensions = array<i32: 0>} : vector<16xi32>
        %add3A_234 = vector.broadcast %add3A_232 : i32 to vector<16xi32>
        %add3A_235 = arith.addi %add3A_234, %iota3A_233 : vector<16xi32>
        %get3A_236 = arith.constant 64 : index
        %get3A_237 = tpu.vector_load %arg12[%get3A_236] {strides = array<i32>} : memref<128xi32, #tpu.memory_space<vmem>>, vector<16xi32>,
        %get3A_238 = arith.constant 64 : index
        %get3A_239 = tpu.vector_load %arg13[%get3A_238] {strides = array<i32>} : memref<128xf32, #tpu.memory_space<vmem>>, vector<16xf32>,
        %ge3A_240 = vector.broadcast %max3A : i32 to vector<16xi32>
        %ge3A_241 = arith.cmpi sge, %add3A_235, %ge3A_240 : vector<16xi32>
        %lt3A_242 = vector.broadcast %reduce_max3A_43 : i32 to vector<16xi32>
        %lt3A_243 = arith.cmpi slt, %add3A_235, %lt3A_242 : vector<16xi32>
        %and3A_244 = arith.andi %ge3A_241, %lt3A_243 : vector<16xi1>
        %jit3A_245 = arith.constant 0.000000e+00 : f32
        %broadcast_in_dim3A_246 = vector.broadcast %jit3A_245 : f32 to vector<16xf32>
        %select_n3A_247 = arith.select %and3A_244, %get3A_239, %broadcast_in_dim3A_246 : vector<16xi1>, vector<16xf32>
        %sub3A_248 = vector.broadcast %multiple_of3A : i32 to vector<16xi32>
        %sub3A_249 = arith.subi %get3A_237, %sub3A_248 : vector<16xi32>
        %jit3A_250 = arith.constant 0 : i32
        %jit3A_251 = arith.constant 399 : i32
        %max3A_252 = vector.broadcast %jit3A_250 : i32 to vector<16xi32>
        %max3A_253 = arith.maxsi %max3A_252, %sub3A_249 : vector<16xi32>
        %min3A_254 = vector.broadcast %jit3A_251 : i32 to vector<16xi32>
        %min3A_255 = arith.minsi %min3A_254, %max3A_253 : vector<16xi32>
        %parallel_loop3A_256 = arith.constant 0 : i32
        %parallel_loop3A_257 = arith.constant 16 : i32
        %parallel_loop3A_258 = arith.constant 1 : i32
        %parallel_loop3A_259:2 = scf.for %parallel_loop3A_347 = %parallel_loop3A_256 to %parallel_loop3A_257 step %parallel_loop3A_258 iter_args(%parallel_loop3A_348 = %min3A_255, %parallel_loop3A_349 = %select_n3A_247) -> (vector<16xi32>, vector<16xf32>)  : i32 {
          %parallel_loop3A_350 = vector.extract_strided_slice %parallel_loop3A_348 {offsets = [0], sizes = [1], strides = [1]} : vector<16xi32> to vector<1xi32>
          %parallel_loop3A_351 = vector.extract %parallel_loop3A_350[0] : i32 from vector<1xi32>
          %parallel_loop3A_352 = vector.extract_strided_slice %parallel_loop3A_349 {offsets = [0], sizes = [1], strides = [1]} : vector<16xf32> to vector<1xf32>
          %parallel_loop3A_353 = vector.extract %parallel_loop3A_352[0] : f32 from vector<1xf32>
          %parallel_loop3A_354 = vector.broadcast %parallel_loop3A_353 : f32 to vector<16xf32>
          %parallel_loop3A_355 = arith.constant 64 : i32
          %parallel_loop3A_356 = arith.addi %parallel_loop3A_355, %parallel_loop3A_347 : i32
          %parallel_loop3A_357 = arith.index_cast %parallel_loop3A_356 : i32 to index
          %parallel_loop3A_358 = arith.constant 0 : index
          %parallel_loop3A_359 = tpu.vector_load %arg14[%parallel_loop3A_357, %parallel_loop3A_358] {strides = array<i32>} : memref<128x128xf32, #tpu.memory_space<vmem>>, vector<16xf32>,
          %parallel_loop3A_360 = arith.mulf %parallel_loop3A_359, %parallel_loop3A_354 : vector<16xf32>
          %parallel_loop3A_361 = arith.index_cast %parallel_loop3A_351 : i32 to index
          %parallel_loop3A_362 = arith.constant 0 : index
          %parallel_loop3A_363 = tpu.vector_load %arg15[%parallel_loop3A_361, %parallel_loop3A_362] {strides = array<i32>} : memref<400x128xf32, #tpu.memory_space<vmem>>, vector<16xf32>,
          tpu.vector_store %arg15[%parallel_loop3A_361, %parallel_loop3A_362], %parallel_loop3A_360 {add = true, strides = array<i32>} : memref<400x128xf32, #tpu.memory_space<vmem>>, vector<16xf32>,
          %parallel_loop3A_364 = arith.constant 64 : i32
          %parallel_loop3A_365 = arith.addi %parallel_loop3A_364, %parallel_loop3A_347 : i32
          %parallel_loop3A_366 = arith.index_cast %parallel_loop3A_365 : i32 to index
          %parallel_loop3A_367 = arith.constant 16 : index
          %parallel_loop3A_368 = tpu.vector_load %arg14[%parallel_loop3A_366, %parallel_loop3A_367] {strides = array<i32>} : memref<128x128xf32, #tpu.memory_space<vmem>>, vector<16xf32>,
          %parallel_loop3A_369 = arith.mulf %parallel_loop3A_368, %parallel_loop3A_354 : vector<16xf32>
          %parallel_loop3A_370 = arith.index_cast %parallel_loop3A_351 : i32 to index
          %parallel_loop3A_371 = arith.constant 16 : index
          %parallel_loop3A_372 = tpu.vector_load %arg15[%parallel_loop3A_370, %parallel_loop3A_371] {strides = array<i32>} : memref<400x128xf32, #tpu.memory_space<vmem>>, vector<16xf32>,
          tpu.vector_store %arg15[%parallel_loop3A_370, %parallel_loop3A_371], %parallel_loop3A_369 {add = true, strides = array<i32>} : memref<400x128xf32, #tpu.memory_space<vmem>>, vector<16xf32>,
          %parallel_loop3A_373 = arith.constant 64 : i32
          %parallel_loop3A_374 = arith.addi %parallel_loop3A_373, %parallel_loop3A_347 : i32
          %parallel_loop3A_375 = arith.index_cast %parallel_loop3A_374 : i32 to index
          %parallel_loop3A_376 = arith.constant 32 : index
          %parallel_loop3A_377 = tpu.vector_load %arg14[%parallel_loop3A_375, %parallel_loop3A_376] {strides = array<i32>} : memref<128x128xf32, #tpu.memory_space<vmem>>, vector<16xf32>,
          %parallel_loop3A_378 = arith.mulf %parallel_loop3A_377, %parallel_loop3A_354 : vector<16xf32>
          %parallel_loop3A_379 = arith.index_cast %parallel_loop3A_351 : i32 to index
          %parallel_loop3A_380 = arith.constant 32 : index
          %parallel_loop3A_381 = tpu.vector_load %arg15[%parallel_loop3A_379, %parallel_loop3A_380] {strides = array<i32>} : memref<400x128xf32, #tpu.memory_space<vmem>>, vector<16xf32>,
          tpu.vector_store %arg15[%parallel_loop3A_379, %parallel_loop3A_380], %parallel_loop3A_378 {add = true, strides = array<i32>} : memref<400x128xf32, #tpu.memory_space<vmem>>, vector<16xf32>,
          %parallel_loop3A_382 = arith.constant 64 : i32
          %parallel_loop3A_383 = arith.addi %parallel_loop3A_382, %parallel_loop3A_347 : i32
          %parallel_loop3A_384 = arith.index_cast %parallel_loop3A_383 : i32 to index
          %parallel_loop3A_385 = arith.constant 48 : index
          %parallel_loop3A_386 = tpu.vector_load %arg14[%parallel_loop3A_384, %parallel_loop3A_385] {strides = array<i32>} : memref<128x128xf32, #tpu.memory_space<vmem>>, vector<16xf32>,
          %parallel_loop3A_387 = arith.mulf %parallel_loop3A_386, %parallel_loop3A_354 : vector<16xf32>
          %parallel_loop3A_388 = arith.index_cast %parallel_loop3A_351 : i32 to index
          %parallel_loop3A_389 = arith.constant 48 : index
          %parallel_loop3A_390 = tpu.vector_load %arg15[%parallel_loop3A_388, %parallel_loop3A_389] {strides = array<i32>} : memref<400x128xf32, #tpu.memory_space<vmem>>, vector<16xf32>,
          tpu.vector_store %arg15[%parallel_loop3A_388, %parallel_loop3A_389], %parallel_loop3A_387 {add = true, strides = array<i32>} : memref<400x128xf32, #tpu.memory_space<vmem>>, vector<16xf32>,
          %parallel_loop3A_391 = arith.constant 64 : i32
          %parallel_loop3A_392 = arith.addi %parallel_loop3A_391, %parallel_loop3A_347 : i32
          %parallel_loop3A_393 = arith.index_cast %parallel_loop3A_392 : i32 to index
          %parallel_loop3A_394 = arith.constant 64 : index
          %parallel_loop3A_395 = tpu.vector_load %arg14[%parallel_loop3A_393, %parallel_loop3A_394] {strides = array<i32>} : memref<128x128xf32, #tpu.memory_space<vmem>>, vector<16xf32>,
          %parallel_loop3A_396 = arith.mulf %parallel_loop3A_395, %parallel_loop3A_354 : vector<16xf32>
          %parallel_loop3A_397 = arith.index_cast %parallel_loop3A_351 : i32 to index
          %parallel_loop3A_398 = arith.constant 64 : index
          %parallel_loop3A_399 = tpu.vector_load %arg15[%parallel_loop3A_397, %parallel_loop3A_398] {strides = array<i32>} : memref<400x128xf32, #tpu.memory_space<vmem>>, vector<16xf32>,
          tpu.vector_store %arg15[%parallel_loop3A_397, %parallel_loop3A_398], %parallel_loop3A_396 {add = true, strides = array<i32>} : memref<400x128xf32, #tpu.memory_space<vmem>>, vector<16xf32>,
          %parallel_loop3A_400 = arith.constant 64 : i32
          %parallel_loop3A_401 = arith.addi %parallel_loop3A_400, %parallel_loop3A_347 : i32
          %parallel_loop3A_402 = arith.index_cast %parallel_loop3A_401 : i32 to index
          %parallel_loop3A_403 = arith.constant 80 : index
          %parallel_loop3A_404 = tpu.vector_load %arg14[%parallel_loop3A_402, %parallel_loop3A_403] {strides = array<i32>} : memref<128x128xf32, #tpu.memory_space<vmem>>, vector<16xf32>,
          %parallel_loop3A_405 = arith.mulf %parallel_loop3A_404, %parallel_loop3A_354 : vector<16xf32>
          %parallel_loop3A_406 = arith.index_cast %parallel_loop3A_351 : i32 to index
          %parallel_loop3A_407 = arith.constant 80 : index
          %parallel_loop3A_408 = tpu.vector_load %arg15[%parallel_loop3A_406, %parallel_loop3A_407] {strides = array<i32>} : memref<400x128xf32, #tpu.memory_space<vmem>>, vector<16xf32>,
          tpu.vector_store %arg15[%parallel_loop3A_406, %parallel_loop3A_407], %parallel_loop3A_405 {add = true, strides = array<i32>} : memref<400x128xf32, #tpu.memory_space<vmem>>, vector<16xf32>,
          %parallel_loop3A_409 = arith.constant 64 : i32
          %parallel_loop3A_410 = arith.addi %parallel_loop3A_409, %parallel_loop3A_347 : i32
          %parallel_loop3A_411 = arith.index_cast %parallel_loop3A_410 : i32 to index
          %parallel_loop3A_412 = arith.constant 96 : index
          %parallel_loop3A_413 = tpu.vector_load %arg14[%parallel_loop3A_411, %parallel_loop3A_412] {strides = array<i32>} : memref<128x128xf32, #tpu.memory_space<vmem>>, vector<16xf32>,
          %parallel_loop3A_414 = arith.mulf %parallel_loop3A_413, %parallel_loop3A_354 : vector<16xf32>
          %parallel_loop3A_415 = arith.index_cast %parallel_loop3A_351 : i32 to index
          %parallel_loop3A_416 = arith.constant 96 : index
          %parallel_loop3A_417 = tpu.vector_load %arg15[%parallel_loop3A_415, %parallel_loop3A_416] {strides = array<i32>} : memref<400x128xf32, #tpu.memory_space<vmem>>, vector<16xf32>,
          tpu.vector_store %arg15[%parallel_loop3A_415, %parallel_loop3A_416], %parallel_loop3A_414 {add = true, strides = array<i32>} : memref<400x128xf32, #tpu.memory_space<vmem>>, vector<16xf32>,
          %parallel_loop3A_418 = arith.constant 64 : i32
          %parallel_loop3A_419 = arith.addi %parallel_loop3A_418, %parallel_loop3A_347 : i32
          %parallel_loop3A_420 = arith.index_cast %parallel_loop3A_419 : i32 to index
          %parallel_loop3A_421 = arith.constant 112 : index
          %parallel_loop3A_422 = tpu.vector_load %arg14[%parallel_loop3A_420, %parallel_loop3A_421] {strides = array<i32>} : memref<128x128xf32, #tpu.memory_space<vmem>>, vector<16xf32>,
          %parallel_loop3A_423 = arith.mulf %parallel_loop3A_422, %parallel_loop3A_354 : vector<16xf32>
          %parallel_loop3A_424 = arith.index_cast %parallel_loop3A_351 : i32 to index
          %parallel_loop3A_425 = arith.constant 112 : index
          %parallel_loop3A_426 = tpu.vector_load %arg15[%parallel_loop3A_424, %parallel_loop3A_425] {strides = array<i32>} : memref<400x128xf32, #tpu.memory_space<vmem>>, vector<16xf32>,
          tpu.vector_store %arg15[%parallel_loop3A_424, %parallel_loop3A_425], %parallel_loop3A_423 {add = true, strides = array<i32>} : memref<400x128xf32, #tpu.memory_space<vmem>>, vector<16xf32>,
          %parallel_loop3A_427 = arith.constant 0 : i32
          %parallel_loop3A_428 = vector.broadcast %parallel_loop3A_427 : i32 to vector<16xi32>
          %parallel_loop3A_429 = arith.cmpi slt, %and3A_117, %parallel_loop3A_428 : vector<16xi32>
          %parallel_loop3A_430 = arith.constant 16 : i32
          %parallel_loop3A_431 = vector.broadcast %parallel_loop3A_430 : i32 to vector<16xi32>
          %parallel_loop3A_432 = arith.addi %and3A_117, %parallel_loop3A_431 : vector<16xi32>
          %parallel_loop3A_433 = arith.select %parallel_loop3A_429, %parallel_loop3A_432, %and3A_117 : vector<16xi1>, vector<16xi32>
          %parallel_loop3A_434 = vector.shape_cast %parallel_loop3A_433 : vector<16xi32> to vector<16x1xi32>
          %parallel_loop3A_435 = vector.shape_cast %parallel_loop3A_434 : vector<16x1xi32> to vector<16xi32>
          %parallel_loop3A_436 = tpu.dynamic_gather %parallel_loop3A_348[%parallel_loop3A_435] in [0] : vector<16xi32>, vector<16xi32> -> vector<16xi32>
          %parallel_loop3A_437 = arith.constant 0 : i32
          %parallel_loop3A_438 = vector.broadcast %parallel_loop3A_437 : i32 to vector<16xi32>
          %parallel_loop3A_439 = arith.cmpi slt, %and3A_117, %parallel_loop3A_438 : vector<16xi32>
          %parallel_loop3A_440 = arith.constant 16 : i32
          %parallel_loop3A_441 = vector.broadcast %parallel_loop3A_440 : i32 to vector<16xi32>
          %parallel_loop3A_442 = arith.addi %and3A_117, %parallel_loop3A_441 : vector<16xi32>
          %parallel_loop3A_443 = arith.select %parallel_loop3A_439, %parallel_loop3A_442, %and3A_117 : vector<16xi1>, vector<16xi32>
          %parallel_loop3A_444 = vector.shape_cast %parallel_loop3A_443 : vector<16xi32> to vector<16x1xi32>
          %parallel_loop3A_445 = vector.shape_cast %parallel_loop3A_444 : vector<16x1xi32> to vector<16xi32>
          %parallel_loop3A_446 = tpu.dynamic_gather %parallel_loop3A_349[%parallel_loop3A_445] in [0] : vector<16xf32>, vector<16xi32> -> vector<16xf32>
          scf.yield %parallel_loop3A_436, %parallel_loop3A_446 : vector<16xi32>, vector<16xf32>
        } {sc.loop_unroll_factor = 4 : i64, sc.parallel_access}
        %add3A_260 = arith.constant 80 : i32
        %add3A_261 = arith.addi %multiple_of3A_87, %add3A_260 : i32
        %iota3A_262 = tpu.iota {dimensions = array<i32: 0>} : vector<16xi32>
        %add3A_263 = vector.broadcast %add3A_261 : i32 to vector<16xi32>
        %add3A_264 = arith.addi %add3A_263, %iota3A_262 : vector<16xi32>
        %get3A_265 = arith.constant 80 : index
        %get3A_266 = tpu.vector_load %arg12[%get3A_265] {strides = array<i32>} : memref<128xi32, #tpu.memory_space<vmem>>, vector<16xi32>,
        %get3A_267 = arith.constant 80 : index
        %get3A_268 = tpu.vector_load %arg13[%get3A_267] {strides = array<i32>} : memref<128xf32, #tpu.memory_space<vmem>>, vector<16xf32>,
        %ge3A_269 = vector.broadcast %max3A : i32 to vector<16xi32>
        %ge3A_270 = arith.cmpi sge, %add3A_264, %ge3A_269 : vector<16xi32>
        %lt3A_271 = vector.broadcast %reduce_max3A_43 : i32 to vector<16xi32>
        %lt3A_272 = arith.cmpi slt, %add3A_264, %lt3A_271 : vector<16xi32>
        %and3A_273 = arith.andi %ge3A_270, %lt3A_272 : vector<16xi1>
        %jit3A_274 = arith.constant 0.000000e+00 : f32
        %broadcast_in_dim3A_275 = vector.broadcast %jit3A_274 : f32 to vector<16xf32>
        %select_n3A_276 = arith.select %and3A_273, %get3A_268, %broadcast_in_dim3A_275 : vector<16xi1>, vector<16xf32>
        %sub3A_277 = vector.broadcast %multiple_of3A : i32 to vector<16xi32>
        %sub3A_278 = arith.subi %get3A_266, %sub3A_277 : vector<16xi32>
        %jit3A_279 = arith.constant 0 : i32
        %jit3A_280 = arith.constant 399 : i32
        %max3A_281 = vector.broadcast %jit3A_279 : i32 to vector<16xi32>
        %max3A_282 = arith.maxsi %max3A_281, %sub3A_278 : vector<16xi32>
        %min3A_283 = vector.broadcast %jit3A_280 : i32 to vector<16xi32>
        %min3A_284 = arith.minsi %min3A_283, %max3A_282 : vector<16xi32>
        %parallel_loop3A_285 = arith.constant 0 : i32
        %parallel_loop3A_286 = arith.constant 16 : i32
        %parallel_loop3A_287 = arith.constant 1 : i32
        %parallel_loop3A_288:2 = scf.for %parallel_loop3A_347 = %parallel_loop3A_285 to %parallel_loop3A_286 step %parallel_loop3A_287 iter_args(%parallel_loop3A_348 = %min3A_284, %parallel_loop3A_349 = %select_n3A_276) -> (vector<16xi32>, vector<16xf32>)  : i32 {
          %parallel_loop3A_350 = vector.extract_strided_slice %parallel_loop3A_348 {offsets = [0], sizes = [1], strides = [1]} : vector<16xi32> to vector<1xi32>
          %parallel_loop3A_351 = vector.extract %parallel_loop3A_350[0] : i32 from vector<1xi32>
          %parallel_loop3A_352 = vector.extract_strided_slice %parallel_loop3A_349 {offsets = [0], sizes = [1], strides = [1]} : vector<16xf32> to vector<1xf32>
          %parallel_loop3A_353 = vector.extract %parallel_loop3A_352[0] : f32 from vector<1xf32>
          %parallel_loop3A_354 = vector.broadcast %parallel_loop3A_353 : f32 to vector<16xf32>
          %parallel_loop3A_355 = arith.constant 80 : i32
          %parallel_loop3A_356 = arith.addi %parallel_loop3A_355, %parallel_loop3A_347 : i32
          %parallel_loop3A_357 = arith.index_cast %parallel_loop3A_356 : i32 to index
          %parallel_loop3A_358 = arith.constant 0 : index
          %parallel_loop3A_359 = tpu.vector_load %arg14[%parallel_loop3A_357, %parallel_loop3A_358] {strides = array<i32>} : memref<128x128xf32, #tpu.memory_space<vmem>>, vector<16xf32>,
          %parallel_loop3A_360 = arith.mulf %parallel_loop3A_359, %parallel_loop3A_354 : vector<16xf32>
          %parallel_loop3A_361 = arith.index_cast %parallel_loop3A_351 : i32 to index
          %parallel_loop3A_362 = arith.constant 0 : index
          %parallel_loop3A_363 = tpu.vector_load %arg15[%parallel_loop3A_361, %parallel_loop3A_362] {strides = array<i32>} : memref<400x128xf32, #tpu.memory_space<vmem>>, vector<16xf32>,
          tpu.vector_store %arg15[%parallel_loop3A_361, %parallel_loop3A_362], %parallel_loop3A_360 {add = true, strides = array<i32>} : memref<400x128xf32, #tpu.memory_space<vmem>>, vector<16xf32>,
          %parallel_loop3A_364 = arith.constant 80 : i32
          %parallel_loop3A_365 = arith.addi %parallel_loop3A_364, %parallel_loop3A_347 : i32
          %parallel_loop3A_366 = arith.index_cast %parallel_loop3A_365 : i32 to index
          %parallel_loop3A_367 = arith.constant 16 : index
          %parallel_loop3A_368 = tpu.vector_load %arg14[%parallel_loop3A_366, %parallel_loop3A_367] {strides = array<i32>} : memref<128x128xf32, #tpu.memory_space<vmem>>, vector<16xf32>,
          %parallel_loop3A_369 = arith.mulf %parallel_loop3A_368, %parallel_loop3A_354 : vector<16xf32>
          %parallel_loop3A_370 = arith.index_cast %parallel_loop3A_351 : i32 to index
          %parallel_loop3A_371 = arith.constant 16 : index
          %parallel_loop3A_372 = tpu.vector_load %arg15[%parallel_loop3A_370, %parallel_loop3A_371] {strides = array<i32>} : memref<400x128xf32, #tpu.memory_space<vmem>>, vector<16xf32>,
          tpu.vector_store %arg15[%parallel_loop3A_370, %parallel_loop3A_371], %parallel_loop3A_369 {add = true, strides = array<i32>} : memref<400x128xf32, #tpu.memory_space<vmem>>, vector<16xf32>,
          %parallel_loop3A_373 = arith.constant 80 : i32
          %parallel_loop3A_374 = arith.addi %parallel_loop3A_373, %parallel_loop3A_347 : i32
          %parallel_loop3A_375 = arith.index_cast %parallel_loop3A_374 : i32 to index
          %parallel_loop3A_376 = arith.constant 32 : index
          %parallel_loop3A_377 = tpu.vector_load %arg14[%parallel_loop3A_375, %parallel_loop3A_376] {strides = array<i32>} : memref<128x128xf32, #tpu.memory_space<vmem>>, vector<16xf32>,
          %parallel_loop3A_378 = arith.mulf %parallel_loop3A_377, %parallel_loop3A_354 : vector<16xf32>
          %parallel_loop3A_379 = arith.index_cast %parallel_loop3A_351 : i32 to index
          %parallel_loop3A_380 = arith.constant 32 : index
          %parallel_loop3A_381 = tpu.vector_load %arg15[%parallel_loop3A_379, %parallel_loop3A_380] {strides = array<i32>} : memref<400x128xf32, #tpu.memory_space<vmem>>, vector<16xf32>,
          tpu.vector_store %arg15[%parallel_loop3A_379, %parallel_loop3A_380], %parallel_loop3A_378 {add = true, strides = array<i32>} : memref<400x128xf32, #tpu.memory_space<vmem>>, vector<16xf32>,
          %parallel_loop3A_382 = arith.constant 80 : i32
          %parallel_loop3A_383 = arith.addi %parallel_loop3A_382, %parallel_loop3A_347 : i32
          %parallel_loop3A_384 = arith.index_cast %parallel_loop3A_383 : i32 to index
          %parallel_loop3A_385 = arith.constant 48 : index
          %parallel_loop3A_386 = tpu.vector_load %arg14[%parallel_loop3A_384, %parallel_loop3A_385] {strides = array<i32>} : memref<128x128xf32, #tpu.memory_space<vmem>>, vector<16xf32>,
          %parallel_loop3A_387 = arith.mulf %parallel_loop3A_386, %parallel_loop3A_354 : vector<16xf32>
          %parallel_loop3A_388 = arith.index_cast %parallel_loop3A_351 : i32 to index
          %parallel_loop3A_389 = arith.constant 48 : index
          %parallel_loop3A_390 = tpu.vector_load %arg15[%parallel_loop3A_388, %parallel_loop3A_389] {strides = array<i32>} : memref<400x128xf32, #tpu.memory_space<vmem>>, vector<16xf32>,
          tpu.vector_store %arg15[%parallel_loop3A_388, %parallel_loop3A_389], %parallel_loop3A_387 {add = true, strides = array<i32>} : memref<400x128xf32, #tpu.memory_space<vmem>>, vector<16xf32>,
          %parallel_loop3A_391 = arith.constant 80 : i32
          %parallel_loop3A_392 = arith.addi %parallel_loop3A_391, %parallel_loop3A_347 : i32
          %parallel_loop3A_393 = arith.index_cast %parallel_loop3A_392 : i32 to index
          %parallel_loop3A_394 = arith.constant 64 : index
          %parallel_loop3A_395 = tpu.vector_load %arg14[%parallel_loop3A_393, %parallel_loop3A_394] {strides = array<i32>} : memref<128x128xf32, #tpu.memory_space<vmem>>, vector<16xf32>,
          %parallel_loop3A_396 = arith.mulf %parallel_loop3A_395, %parallel_loop3A_354 : vector<16xf32>
          %parallel_loop3A_397 = arith.index_cast %parallel_loop3A_351 : i32 to index
          %parallel_loop3A_398 = arith.constant 64 : index
          %parallel_loop3A_399 = tpu.vector_load %arg15[%parallel_loop3A_397, %parallel_loop3A_398] {strides = array<i32>} : memref<400x128xf32, #tpu.memory_space<vmem>>, vector<16xf32>,
          tpu.vector_store %arg15[%parallel_loop3A_397, %parallel_loop3A_398], %parallel_loop3A_396 {add = true, strides = array<i32>} : memref<400x128xf32, #tpu.memory_space<vmem>>, vector<16xf32>,
          %parallel_loop3A_400 = arith.constant 80 : i32
          %parallel_loop3A_401 = arith.addi %parallel_loop3A_400, %parallel_loop3A_347 : i32
          %parallel_loop3A_402 = arith.index_cast %parallel_loop3A_401 : i32 to index
          %parallel_loop3A_403 = arith.constant 80 : index
          %parallel_loop3A_404 = tpu.vector_load %arg14[%parallel_loop3A_402, %parallel_loop3A_403] {strides = array<i32>} : memref<128x128xf32, #tpu.memory_space<vmem>>, vector<16xf32>,
          %parallel_loop3A_405 = arith.mulf %parallel_loop3A_404, %parallel_loop3A_354 : vector<16xf32>
          %parallel_loop3A_406 = arith.index_cast %parallel_loop3A_351 : i32 to index
          %parallel_loop3A_407 = arith.constant 80 : index
          %parallel_loop3A_408 = tpu.vector_load %arg15[%parallel_loop3A_406, %parallel_loop3A_407] {strides = array<i32>} : memref<400x128xf32, #tpu.memory_space<vmem>>, vector<16xf32>,
          tpu.vector_store %arg15[%parallel_loop3A_406, %parallel_loop3A_407], %parallel_loop3A_405 {add = true, strides = array<i32>} : memref<400x128xf32, #tpu.memory_space<vmem>>, vector<16xf32>,
          %parallel_loop3A_409 = arith.constant 80 : i32
          %parallel_loop3A_410 = arith.addi %parallel_loop3A_409, %parallel_loop3A_347 : i32
          %parallel_loop3A_411 = arith.index_cast %parallel_loop3A_410 : i32 to index
          %parallel_loop3A_412 = arith.constant 96 : index
          %parallel_loop3A_413 = tpu.vector_load %arg14[%parallel_loop3A_411, %parallel_loop3A_412] {strides = array<i32>} : memref<128x128xf32, #tpu.memory_space<vmem>>, vector<16xf32>,
          %parallel_loop3A_414 = arith.mulf %parallel_loop3A_413, %parallel_loop3A_354 : vector<16xf32>
          %parallel_loop3A_415 = arith.index_cast %parallel_loop3A_351 : i32 to index
          %parallel_loop3A_416 = arith.constant 96 : index
          %parallel_loop3A_417 = tpu.vector_load %arg15[%parallel_loop3A_415, %parallel_loop3A_416] {strides = array<i32>} : memref<400x128xf32, #tpu.memory_space<vmem>>, vector<16xf32>,
          tpu.vector_store %arg15[%parallel_loop3A_415, %parallel_loop3A_416], %parallel_loop3A_414 {add = true, strides = array<i32>} : memref<400x128xf32, #tpu.memory_space<vmem>>, vector<16xf32>,
          %parallel_loop3A_418 = arith.constant 80 : i32
          %parallel_loop3A_419 = arith.addi %parallel_loop3A_418, %parallel_loop3A_347 : i32
          %parallel_loop3A_420 = arith.index_cast %parallel_loop3A_419 : i32 to index
          %parallel_loop3A_421 = arith.constant 112 : index
          %parallel_loop3A_422 = tpu.vector_load %arg14[%parallel_loop3A_420, %parallel_loop3A_421] {strides = array<i32>} : memref<128x128xf32, #tpu.memory_space<vmem>>, vector<16xf32>,
          %parallel_loop3A_423 = arith.mulf %parallel_loop3A_422, %parallel_loop3A_354 : vector<16xf32>
          %parallel_loop3A_424 = arith.index_cast %parallel_loop3A_351 : i32 to index
          %parallel_loop3A_425 = arith.constant 112 : index
          %parallel_loop3A_426 = tpu.vector_load %arg15[%parallel_loop3A_424, %parallel_loop3A_425] {strides = array<i32>} : memref<400x128xf32, #tpu.memory_space<vmem>>, vector<16xf32>,
          tpu.vector_store %arg15[%parallel_loop3A_424, %parallel_loop3A_425], %parallel_loop3A_423 {add = true, strides = array<i32>} : memref<400x128xf32, #tpu.memory_space<vmem>>, vector<16xf32>,
          %parallel_loop3A_427 = arith.constant 0 : i32
          %parallel_loop3A_428 = vector.broadcast %parallel_loop3A_427 : i32 to vector<16xi32>
          %parallel_loop3A_429 = arith.cmpi slt, %and3A_117, %parallel_loop3A_428 : vector<16xi32>
          %parallel_loop3A_430 = arith.constant 16 : i32
          %parallel_loop3A_431 = vector.broadcast %parallel_loop3A_430 : i32 to vector<16xi32>
          %parallel_loop3A_432 = arith.addi %and3A_117, %parallel_loop3A_431 : vector<16xi32>
          %parallel_loop3A_433 = arith.select %parallel_loop3A_429, %parallel_loop3A_432, %and3A_117 : vector<16xi1>, vector<16xi32>
          %parallel_loop3A_434 = vector.shape_cast %parallel_loop3A_433 : vector<16xi32> to vector<16x1xi32>
          %parallel_loop3A_435 = vector.shape_cast %parallel_loop3A_434 : vector<16x1xi32> to vector<16xi32>
          %parallel_loop3A_436 = tpu.dynamic_gather %parallel_loop3A_348[%parallel_loop3A_435] in [0] : vector<16xi32>, vector<16xi32> -> vector<16xi32>
          %parallel_loop3A_437 = arith.constant 0 : i32
          %parallel_loop3A_438 = vector.broadcast %parallel_loop3A_437 : i32 to vector<16xi32>
          %parallel_loop3A_439 = arith.cmpi slt, %and3A_117, %parallel_loop3A_438 : vector<16xi32>
          %parallel_loop3A_440 = arith.constant 16 : i32
          %parallel_loop3A_441 = vector.broadcast %parallel_loop3A_440 : i32 to vector<16xi32>
          %parallel_loop3A_442 = arith.addi %and3A_117, %parallel_loop3A_441 : vector<16xi32>
          %parallel_loop3A_443 = arith.select %parallel_loop3A_439, %parallel_loop3A_442, %and3A_117 : vector<16xi1>, vector<16xi32>
          %parallel_loop3A_444 = vector.shape_cast %parallel_loop3A_443 : vector<16xi32> to vector<16x1xi32>
          %parallel_loop3A_445 = vector.shape_cast %parallel_loop3A_444 : vector<16x1xi32> to vector<16xi32>
          %parallel_loop3A_446 = tpu.dynamic_gather %parallel_loop3A_349[%parallel_loop3A_445] in [0] : vector<16xf32>, vector<16xi32> -> vector<16xf32>
          scf.yield %parallel_loop3A_436, %parallel_loop3A_446 : vector<16xi32>, vector<16xf32>
        } {sc.loop_unroll_factor = 4 : i64, sc.parallel_access}
        %add3A_289 = arith.constant 96 : i32
        %add3A_290 = arith.addi %multiple_of3A_87, %add3A_289 : i32
        %iota3A_291 = tpu.iota {dimensions = array<i32: 0>} : vector<16xi32>
        %add3A_292 = vector.broadcast %add3A_290 : i32 to vector<16xi32>
        %add3A_293 = arith.addi %add3A_292, %iota3A_291 : vector<16xi32>
        %get3A_294 = arith.constant 96 : index
        %get3A_295 = tpu.vector_load %arg12[%get3A_294] {strides = array<i32>} : memref<128xi32, #tpu.memory_space<vmem>>, vector<16xi32>,
        %get3A_296 = arith.constant 96 : index
        %get3A_297 = tpu.vector_load %arg13[%get3A_296] {strides = array<i32>} : memref<128xf32, #tpu.memory_space<vmem>>, vector<16xf32>,
        %ge3A_298 = vector.broadcast %max3A : i32 to vector<16xi32>
        %ge3A_299 = arith.cmpi sge, %add3A_293, %ge3A_298 : vector<16xi32>
        %lt3A_300 = vector.broadcast %reduce_max3A_43 : i32 to vector<16xi32>
        %lt3A_301 = arith.cmpi slt, %add3A_293, %lt3A_300 : vector<16xi32>
        %and3A_302 = arith.andi %ge3A_299, %lt3A_301 : vector<16xi1>
        %jit3A_303 = arith.constant 0.000000e+00 : f32
        %broadcast_in_dim3A_304 = vector.broadcast %jit3A_303 : f32 to vector<16xf32>
        %select_n3A_305 = arith.select %and3A_302, %get3A_297, %broadcast_in_dim3A_304 : vector<16xi1>, vector<16xf32>
        %sub3A_306 = vector.broadcast %multiple_of3A : i32 to vector<16xi32>
        %sub3A_307 = arith.subi %get3A_295, %sub3A_306 : vector<16xi32>
        %jit3A_308 = arith.constant 0 : i32
        %jit3A_309 = arith.constant 399 : i32
        %max3A_310 = vector.broadcast %jit3A_308 : i32 to vector<16xi32>
        %max3A_311 = arith.maxsi %max3A_310, %sub3A_307 : vector<16xi32>
        %min3A_312 = vector.broadcast %jit3A_309 : i32 to vector<16xi32>
        %min3A_313 = arith.minsi %min3A_312, %max3A_311 : vector<16xi32>
        %parallel_loop3A_314 = arith.constant 0 : i32
        %parallel_loop3A_315 = arith.constant 16 : i32
        %parallel_loop3A_316 = arith.constant 1 : i32
        %parallel_loop3A_317:2 = scf.for %parallel_loop3A_347 = %parallel_loop3A_314 to %parallel_loop3A_315 step %parallel_loop3A_316 iter_args(%parallel_loop3A_348 = %min3A_313, %parallel_loop3A_349 = %select_n3A_305) -> (vector<16xi32>, vector<16xf32>)  : i32 {
          %parallel_loop3A_350 = vector.extract_strided_slice %parallel_loop3A_348 {offsets = [0], sizes = [1], strides = [1]} : vector<16xi32> to vector<1xi32>
          %parallel_loop3A_351 = vector.extract %parallel_loop3A_350[0] : i32 from vector<1xi32>
          %parallel_loop3A_352 = vector.extract_strided_slice %parallel_loop3A_349 {offsets = [0], sizes = [1], strides = [1]} : vector<16xf32> to vector<1xf32>
          %parallel_loop3A_353 = vector.extract %parallel_loop3A_352[0] : f32 from vector<1xf32>
          %parallel_loop3A_354 = vector.broadcast %parallel_loop3A_353 : f32 to vector<16xf32>
          %parallel_loop3A_355 = arith.constant 96 : i32
          %parallel_loop3A_356 = arith.addi %parallel_loop3A_355, %parallel_loop3A_347 : i32
          %parallel_loop3A_357 = arith.index_cast %parallel_loop3A_356 : i32 to index
          %parallel_loop3A_358 = arith.constant 0 : index
          %parallel_loop3A_359 = tpu.vector_load %arg14[%parallel_loop3A_357, %parallel_loop3A_358] {strides = array<i32>} : memref<128x128xf32, #tpu.memory_space<vmem>>, vector<16xf32>,
          %parallel_loop3A_360 = arith.mulf %parallel_loop3A_359, %parallel_loop3A_354 : vector<16xf32>
          %parallel_loop3A_361 = arith.index_cast %parallel_loop3A_351 : i32 to index
          %parallel_loop3A_362 = arith.constant 0 : index
          %parallel_loop3A_363 = tpu.vector_load %arg15[%parallel_loop3A_361, %parallel_loop3A_362] {strides = array<i32>} : memref<400x128xf32, #tpu.memory_space<vmem>>, vector<16xf32>,
          tpu.vector_store %arg15[%parallel_loop3A_361, %parallel_loop3A_362], %parallel_loop3A_360 {add = true, strides = array<i32>} : memref<400x128xf32, #tpu.memory_space<vmem>>, vector<16xf32>,
          %parallel_loop3A_364 = arith.constant 96 : i32
          %parallel_loop3A_365 = arith.addi %parallel_loop3A_364, %parallel_loop3A_347 : i32
          %parallel_loop3A_366 = arith.index_cast %parallel_loop3A_365 : i32 to index
          %parallel_loop3A_367 = arith.constant 16 : index
          %parallel_loop3A_368 = tpu.vector_load %arg14[%parallel_loop3A_366, %parallel_loop3A_367] {strides = array<i32>} : memref<128x128xf32, #tpu.memory_space<vmem>>, vector<16xf32>,
          %parallel_loop3A_369 = arith.mulf %parallel_loop3A_368, %parallel_loop3A_354 : vector<16xf32>
          %parallel_loop3A_370 = arith.index_cast %parallel_loop3A_351 : i32 to index
          %parallel_loop3A_371 = arith.constant 16 : index
          %parallel_loop3A_372 = tpu.vector_load %arg15[%parallel_loop3A_370, %parallel_loop3A_371] {strides = array<i32>} : memref<400x128xf32, #tpu.memory_space<vmem>>, vector<16xf32>,
          tpu.vector_store %arg15[%parallel_loop3A_370, %parallel_loop3A_371], %parallel_loop3A_369 {add = true, strides = array<i32>} : memref<400x128xf32, #tpu.memory_space<vmem>>, vector<16xf32>,
          %parallel_loop3A_373 = arith.constant 96 : i32
          %parallel_loop3A_374 = arith.addi %parallel_loop3A_373, %parallel_loop3A_347 : i32
          %parallel_loop3A_375 = arith.index_cast %parallel_loop3A_374 : i32 to index
          %parallel_loop3A_376 = arith.constant 32 : index
          %parallel_loop3A_377 = tpu.vector_load %arg14[%parallel_loop3A_375, %parallel_loop3A_376] {strides = array<i32>} : memref<128x128xf32, #tpu.memory_space<vmem>>, vector<16xf32>,
          %parallel_loop3A_378 = arith.mulf %parallel_loop3A_377, %parallel_loop3A_354 : vector<16xf32>
          %parallel_loop3A_379 = arith.index_cast %parallel_loop3A_351 : i32 to index
          %parallel_loop3A_380 = arith.constant 32 : index
          %parallel_loop3A_381 = tpu.vector_load %arg15[%parallel_loop3A_379, %parallel_loop3A_380] {strides = array<i32>} : memref<400x128xf32, #tpu.memory_space<vmem>>, vector<16xf32>,
          tpu.vector_store %arg15[%parallel_loop3A_379, %parallel_loop3A_380], %parallel_loop3A_378 {add = true, strides = array<i32>} : memref<400x128xf32, #tpu.memory_space<vmem>>, vector<16xf32>,
          %parallel_loop3A_382 = arith.constant 96 : i32
          %parallel_loop3A_383 = arith.addi %parallel_loop3A_382, %parallel_loop3A_347 : i32
          %parallel_loop3A_384 = arith.index_cast %parallel_loop3A_383 : i32 to index
          %parallel_loop3A_385 = arith.constant 48 : index
          %parallel_loop3A_386 = tpu.vector_load %arg14[%parallel_loop3A_384, %parallel_loop3A_385] {strides = array<i32>} : memref<128x128xf32, #tpu.memory_space<vmem>>, vector<16xf32>,
          %parallel_loop3A_387 = arith.mulf %parallel_loop3A_386, %parallel_loop3A_354 : vector<16xf32>
          %parallel_loop3A_388 = arith.index_cast %parallel_loop3A_351 : i32 to index
          %parallel_loop3A_389 = arith.constant 48 : index
          %parallel_loop3A_390 = tpu.vector_load %arg15[%parallel_loop3A_388, %parallel_loop3A_389] {strides = array<i32>} : memref<400x128xf32, #tpu.memory_space<vmem>>, vector<16xf32>,
          tpu.vector_store %arg15[%parallel_loop3A_388, %parallel_loop3A_389], %parallel_loop3A_387 {add = true, strides = array<i32>} : memref<400x128xf32, #tpu.memory_space<vmem>>, vector<16xf32>,
          %parallel_loop3A_391 = arith.constant 96 : i32
          %parallel_loop3A_392 = arith.addi %parallel_loop3A_391, %parallel_loop3A_347 : i32
          %parallel_loop3A_393 = arith.index_cast %parallel_loop3A_392 : i32 to index
          %parallel_loop3A_394 = arith.constant 64 : index
          %parallel_loop3A_395 = tpu.vector_load %arg14[%parallel_loop3A_393, %parallel_loop3A_394] {strides = array<i32>} : memref<128x128xf32, #tpu.memory_space<vmem>>, vector<16xf32>,
          %parallel_loop3A_396 = arith.mulf %parallel_loop3A_395, %parallel_loop3A_354 : vector<16xf32>
          %parallel_loop3A_397 = arith.index_cast %parallel_loop3A_351 : i32 to index
          %parallel_loop3A_398 = arith.constant 64 : index
          %parallel_loop3A_399 = tpu.vector_load %arg15[%parallel_loop3A_397, %parallel_loop3A_398] {strides = array<i32>} : memref<400x128xf32, #tpu.memory_space<vmem>>, vector<16xf32>,
          tpu.vector_store %arg15[%parallel_loop3A_397, %parallel_loop3A_398], %parallel_loop3A_396 {add = true, strides = array<i32>} : memref<400x128xf32, #tpu.memory_space<vmem>>, vector<16xf32>,
          %parallel_loop3A_400 = arith.constant 96 : i32
          %parallel_loop3A_401 = arith.addi %parallel_loop3A_400, %parallel_loop3A_347 : i32
          %parallel_loop3A_402 = arith.index_cast %parallel_loop3A_401 : i32 to index
          %parallel_loop3A_403 = arith.constant 80 : index
          %parallel_loop3A_404 = tpu.vector_load %arg14[%parallel_loop3A_402, %parallel_loop3A_403] {strides = array<i32>} : memref<128x128xf32, #tpu.memory_space<vmem>>, vector<16xf32>,
          %parallel_loop3A_405 = arith.mulf %parallel_loop3A_404, %parallel_loop3A_354 : vector<16xf32>
          %parallel_loop3A_406 = arith.index_cast %parallel_loop3A_351 : i32 to index
          %parallel_loop3A_407 = arith.constant 80 : index
          %parallel_loop3A_408 = tpu.vector_load %arg15[%parallel_loop3A_406, %parallel_loop3A_407] {strides = array<i32>} : memref<400x128xf32, #tpu.memory_space<vmem>>, vector<16xf32>,
          tpu.vector_store %arg15[%parallel_loop3A_406, %parallel_loop3A_407], %parallel_loop3A_405 {add = true, strides = array<i32>} : memref<400x128xf32, #tpu.memory_space<vmem>>, vector<16xf32>,
          %parallel_loop3A_409 = arith.constant 96 : i32
          %parallel_loop3A_410 = arith.addi %parallel_loop3A_409, %parallel_loop3A_347 : i32
          %parallel_loop3A_411 = arith.index_cast %parallel_loop3A_410 : i32 to index
          %parallel_loop3A_412 = arith.constant 96 : index
          %parallel_loop3A_413 = tpu.vector_load %arg14[%parallel_loop3A_411, %parallel_loop3A_412] {strides = array<i32>} : memref<128x128xf32, #tpu.memory_space<vmem>>, vector<16xf32>,
          %parallel_loop3A_414 = arith.mulf %parallel_loop3A_413, %parallel_loop3A_354 : vector<16xf32>
          %parallel_loop3A_415 = arith.index_cast %parallel_loop3A_351 : i32 to index
          %parallel_loop3A_416 = arith.constant 96 : index
          %parallel_loop3A_417 = tpu.vector_load %arg15[%parallel_loop3A_415, %parallel_loop3A_416] {strides = array<i32>} : memref<400x128xf32, #tpu.memory_space<vmem>>, vector<16xf32>,
          tpu.vector_store %arg15[%parallel_loop3A_415, %parallel_loop3A_416], %parallel_loop3A_414 {add = true, strides = array<i32>} : memref<400x128xf32, #tpu.memory_space<vmem>>, vector<16xf32>,
          %parallel_loop3A_418 = arith.constant 96 : i32
          %parallel_loop3A_419 = arith.addi %parallel_loop3A_418, %parallel_loop3A_347 : i32
          %parallel_loop3A_420 = arith.index_cast %parallel_loop3A_419 : i32 to index
          %parallel_loop3A_421 = arith.constant 112 : index
          %parallel_loop3A_422 = tpu.vector_load %arg14[%parallel_loop3A_420, %parallel_loop3A_421] {strides = array<i32>} : memref<128x128xf32, #tpu.memory_space<vmem>>, vector<16xf32>,
          %parallel_loop3A_423 = arith.mulf %parallel_loop3A_422, %parallel_loop3A_354 : vector<16xf32>
          %parallel_loop3A_424 = arith.index_cast %parallel_loop3A_351 : i32 to index
          %parallel_loop3A_425 = arith.constant 112 : index
          %parallel_loop3A_426 = tpu.vector_load %arg15[%parallel_loop3A_424, %parallel_loop3A_425] {strides = array<i32>} : memref<400x128xf32, #tpu.memory_space<vmem>>, vector<16xf32>,
          tpu.vector_store %arg15[%parallel_loop3A_424, %parallel_loop3A_425], %parallel_loop3A_423 {add = true, strides = array<i32>} : memref<400x128xf32, #tpu.memory_space<vmem>>, vector<16xf32>,
          %parallel_loop3A_427 = arith.constant 0 : i32
          %parallel_loop3A_428 = vector.broadcast %parallel_loop3A_427 : i32 to vector<16xi32>
          %parallel_loop3A_429 = arith.cmpi slt, %and3A_117, %parallel_loop3A_428 : vector<16xi32>
          %parallel_loop3A_430 = arith.constant 16 : i32
          %parallel_loop3A_431 = vector.broadcast %parallel_loop3A_430 : i32 to vector<16xi32>
          %parallel_loop3A_432 = arith.addi %and3A_117, %parallel_loop3A_431 : vector<16xi32>
          %parallel_loop3A_433 = arith.select %parallel_loop3A_429, %parallel_loop3A_432, %and3A_117 : vector<16xi1>, vector<16xi32>
          %parallel_loop3A_434 = vector.shape_cast %parallel_loop3A_433 : vector<16xi32> to vector<16x1xi32>
          %parallel_loop3A_435 = vector.shape_cast %parallel_loop3A_434 : vector<16x1xi32> to vector<16xi32>
          %parallel_loop3A_436 = tpu.dynamic_gather %parallel_loop3A_348[%parallel_loop3A_435] in [0] : vector<16xi32>, vector<16xi32> -> vector<16xi32>
          %parallel_loop3A_437 = arith.constant 0 : i32
          %parallel_loop3A_438 = vector.broadcast %parallel_loop3A_437 : i32 to vector<16xi32>
          %parallel_loop3A_439 = arith.cmpi slt, %and3A_117, %parallel_loop3A_438 : vector<16xi32>
          %parallel_loop3A_440 = arith.constant 16 : i32
          %parallel_loop3A_441 = vector.broadcast %parallel_loop3A_440 : i32 to vector<16xi32>
          %parallel_loop3A_442 = arith.addi %and3A_117, %parallel_loop3A_441 : vector<16xi32>
          %parallel_loop3A_443 = arith.select %parallel_loop3A_439, %parallel_loop3A_442, %and3A_117 : vector<16xi1>, vector<16xi32>
          %parallel_loop3A_444 = vector.shape_cast %parallel_loop3A_443 : vector<16xi32> to vector<16x1xi32>
          %parallel_loop3A_445 = vector.shape_cast %parallel_loop3A_444 : vector<16x1xi32> to vector<16xi32>
          %parallel_loop3A_446 = tpu.dynamic_gather %parallel_loop3A_349[%parallel_loop3A_445] in [0] : vector<16xf32>, vector<16xi32> -> vector<16xf32>
          scf.yield %parallel_loop3A_436, %parallel_loop3A_446 : vector<16xi32>, vector<16xf32>
        } {sc.loop_unroll_factor = 4 : i64, sc.parallel_access}
        %add3A_318 = arith.constant 112 : i32
        %add3A_319 = arith.addi %multiple_of3A_87, %add3A_318 : i32
        %iota3A_320 = tpu.iota {dimensions = array<i32: 0>} : vector<16xi32>
        %add3A_321 = vector.broadcast %add3A_319 : i32 to vector<16xi32>
        %add3A_322 = arith.addi %add3A_321, %iota3A_320 : vector<16xi32>
        %get3A_323 = arith.constant 112 : index
        %get3A_324 = tpu.vector_load %arg12[%get3A_323] {strides = array<i32>} : memref<128xi32, #tpu.memory_space<vmem>>, vector<16xi32>,
        %get3A_325 = arith.constant 112 : index
        %get3A_326 = tpu.vector_load %arg13[%get3A_325] {strides = array<i32>} : memref<128xf32, #tpu.memory_space<vmem>>, vector<16xf32>,
        %ge3A_327 = vector.broadcast %max3A : i32 to vector<16xi32>
        %ge3A_328 = arith.cmpi sge, %add3A_322, %ge3A_327 : vector<16xi32>
        %lt3A_329 = vector.broadcast %reduce_max3A_43 : i32 to vector<16xi32>
        %lt3A_330 = arith.cmpi slt, %add3A_322, %lt3A_329 : vector<16xi32>
        %and3A_331 = arith.andi %ge3A_328, %lt3A_330 : vector<16xi1>
        %jit3A_332 = arith.constant 0.000000e+00 : f32
        %broadcast_in_dim3A_333 = vector.broadcast %jit3A_332 : f32 to vector<16xf32>
        %select_n3A_334 = arith.select %and3A_331, %get3A_326, %broadcast_in_dim3A_333 : vector<16xi1>, vector<16xf32>
        %sub3A_335 = vector.broadcast %multiple_of3A : i32 to vector<16xi32>
        %sub3A_336 = arith.subi %get3A_324, %sub3A_335 : vector<16xi32>
        %jit3A_337 = arith.constant 0 : i32
        %jit3A_338 = arith.constant 399 : i32
        %max3A_339 = vector.broadcast %jit3A_337 : i32 to vector<16xi32>
        %max3A_340 = arith.maxsi %max3A_339, %sub3A_336 : vector<16xi32>
        %min3A_341 = vector.broadcast %jit3A_338 : i32 to vector<16xi32>
        %min3A_342 = arith.minsi %min3A_341, %max3A_340 : vector<16xi32>
        %parallel_loop3A_343 = arith.constant 0 : i32
        %parallel_loop3A_344 = arith.constant 16 : i32
        %parallel_loop3A_345 = arith.constant 1 : i32
        %parallel_loop3A_346:2 = scf.for %parallel_loop3A_347 = %parallel_loop3A_343 to %parallel_loop3A_344 step %parallel_loop3A_345 iter_args(%parallel_loop3A_348 = %min3A_342, %parallel_loop3A_349 = %select_n3A_334) -> (vector<16xi32>, vector<16xf32>)  : i32 {
          %parallel_loop3A_350 = vector.extract_strided_slice %parallel_loop3A_348 {offsets = [0], sizes = [1], strides = [1]} : vector<16xi32> to vector<1xi32>
          %parallel_loop3A_351 = vector.extract %parallel_loop3A_350[0] : i32 from vector<1xi32>
          %parallel_loop3A_352 = vector.extract_strided_slice %parallel_loop3A_349 {offsets = [0], sizes = [1], strides = [1]} : vector<16xf32> to vector<1xf32>
          %parallel_loop3A_353 = vector.extract %parallel_loop3A_352[0] : f32 from vector<1xf32>
          %parallel_loop3A_354 = vector.broadcast %parallel_loop3A_353 : f32 to vector<16xf32>
          %parallel_loop3A_355 = arith.constant 112 : i32
          %parallel_loop3A_356 = arith.addi %parallel_loop3A_355, %parallel_loop3A_347 : i32
          %parallel_loop3A_357 = arith.index_cast %parallel_loop3A_356 : i32 to index
          %parallel_loop3A_358 = arith.constant 0 : index
          %parallel_loop3A_359 = tpu.vector_load %arg14[%parallel_loop3A_357, %parallel_loop3A_358] {strides = array<i32>} : memref<128x128xf32, #tpu.memory_space<vmem>>, vector<16xf32>,
          %parallel_loop3A_360 = arith.mulf %parallel_loop3A_359, %parallel_loop3A_354 : vector<16xf32>
          %parallel_loop3A_361 = arith.index_cast %parallel_loop3A_351 : i32 to index
          %parallel_loop3A_362 = arith.constant 0 : index
          %parallel_loop3A_363 = tpu.vector_load %arg15[%parallel_loop3A_361, %parallel_loop3A_362] {strides = array<i32>} : memref<400x128xf32, #tpu.memory_space<vmem>>, vector<16xf32>,
          tpu.vector_store %arg15[%parallel_loop3A_361, %parallel_loop3A_362], %parallel_loop3A_360 {add = true, strides = array<i32>} : memref<400x128xf32, #tpu.memory_space<vmem>>, vector<16xf32>,
          %parallel_loop3A_364 = arith.constant 112 : i32
          %parallel_loop3A_365 = arith.addi %parallel_loop3A_364, %parallel_loop3A_347 : i32
          %parallel_loop3A_366 = arith.index_cast %parallel_loop3A_365 : i32 to index
          %parallel_loop3A_367 = arith.constant 16 : index
          %parallel_loop3A_368 = tpu.vector_load %arg14[%parallel_loop3A_366, %parallel_loop3A_367] {strides = array<i32>} : memref<128x128xf32, #tpu.memory_space<vmem>>, vector<16xf32>,
          %parallel_loop3A_369 = arith.mulf %parallel_loop3A_368, %parallel_loop3A_354 : vector<16xf32>
          %parallel_loop3A_370 = arith.index_cast %parallel_loop3A_351 : i32 to index
          %parallel_loop3A_371 = arith.constant 16 : index
          %parallel_loop3A_372 = tpu.vector_load %arg15[%parallel_loop3A_370, %parallel_loop3A_371] {strides = array<i32>} : memref<400x128xf32, #tpu.memory_space<vmem>>, vector<16xf32>,
          tpu.vector_store %arg15[%parallel_loop3A_370, %parallel_loop3A_371], %parallel_loop3A_369 {add = true, strides = array<i32>} : memref<400x128xf32, #tpu.memory_space<vmem>>, vector<16xf32>,
          %parallel_loop3A_373 = arith.constant 112 : i32
          %parallel_loop3A_374 = arith.addi %parallel_loop3A_373, %parallel_loop3A_347 : i32
          %parallel_loop3A_375 = arith.index_cast %parallel_loop3A_374 : i32 to index
          %parallel_loop3A_376 = arith.constant 32 : index
          %parallel_loop3A_377 = tpu.vector_load %arg14[%parallel_loop3A_375, %parallel_loop3A_376] {strides = array<i32>} : memref<128x128xf32, #tpu.memory_space<vmem>>, vector<16xf32>,
          %parallel_loop3A_378 = arith.mulf %parallel_loop3A_377, %parallel_loop3A_354 : vector<16xf32>
          %parallel_loop3A_379 = arith.index_cast %parallel_loop3A_351 : i32 to index
          %parallel_loop3A_380 = arith.constant 32 : index
          %parallel_loop3A_381 = tpu.vector_load %arg15[%parallel_loop3A_379, %parallel_loop3A_380] {strides = array<i32>} : memref<400x128xf32, #tpu.memory_space<vmem>>, vector<16xf32>,
          tpu.vector_store %arg15[%parallel_loop3A_379, %parallel_loop3A_380], %parallel_loop3A_378 {add = true, strides = array<i32>} : memref<400x128xf32, #tpu.memory_space<vmem>>, vector<16xf32>,
          %parallel_loop3A_382 = arith.constant 112 : i32
          %parallel_loop3A_383 = arith.addi %parallel_loop3A_382, %parallel_loop3A_347 : i32
          %parallel_loop3A_384 = arith.index_cast %parallel_loop3A_383 : i32 to index
          %parallel_loop3A_385 = arith.constant 48 : index
          %parallel_loop3A_386 = tpu.vector_load %arg14[%parallel_loop3A_384, %parallel_loop3A_385] {strides = array<i32>} : memref<128x128xf32, #tpu.memory_space<vmem>>, vector<16xf32>,
          %parallel_loop3A_387 = arith.mulf %parallel_loop3A_386, %parallel_loop3A_354 : vector<16xf32>
          %parallel_loop3A_388 = arith.index_cast %parallel_loop3A_351 : i32 to index
          %parallel_loop3A_389 = arith.constant 48 : index
          %parallel_loop3A_390 = tpu.vector_load %arg15[%parallel_loop3A_388, %parallel_loop3A_389] {strides = array<i32>} : memref<400x128xf32, #tpu.memory_space<vmem>>, vector<16xf32>,
          tpu.vector_store %arg15[%parallel_loop3A_388, %parallel_loop3A_389], %parallel_loop3A_387 {add = true, strides = array<i32>} : memref<400x128xf32, #tpu.memory_space<vmem>>, vector<16xf32>,
          %parallel_loop3A_391 = arith.constant 112 : i32
          %parallel_loop3A_392 = arith.addi %parallel_loop3A_391, %parallel_loop3A_347 : i32
          %parallel_loop3A_393 = arith.index_cast %parallel_loop3A_392 : i32 to index
          %parallel_loop3A_394 = arith.constant 64 : index
          %parallel_loop3A_395 = tpu.vector_load %arg14[%parallel_loop3A_393, %parallel_loop3A_394] {strides = array<i32>} : memref<128x128xf32, #tpu.memory_space<vmem>>, vector<16xf32>,
          %parallel_loop3A_396 = arith.mulf %parallel_loop3A_395, %parallel_loop3A_354 : vector<16xf32>
          %parallel_loop3A_397 = arith.index_cast %parallel_loop3A_351 : i32 to index
          %parallel_loop3A_398 = arith.constant 64 : index
          %parallel_loop3A_399 = tpu.vector_load %arg15[%parallel_loop3A_397, %parallel_loop3A_398] {strides = array<i32>} : memref<400x128xf32, #tpu.memory_space<vmem>>, vector<16xf32>,
          tpu.vector_store %arg15[%parallel_loop3A_397, %parallel_loop3A_398], %parallel_loop3A_396 {add = true, strides = array<i32>} : memref<400x128xf32, #tpu.memory_space<vmem>>, vector<16xf32>,
          %parallel_loop3A_400 = arith.constant 112 : i32
          %parallel_loop3A_401 = arith.addi %parallel_loop3A_400, %parallel_loop3A_347 : i32
          %parallel_loop3A_402 = arith.index_cast %parallel_loop3A_401 : i32 to index
          %parallel_loop3A_403 = arith.constant 80 : index
          %parallel_loop3A_404 = tpu.vector_load %arg14[%parallel_loop3A_402, %parallel_loop3A_403] {strides = array<i32>} : memref<128x128xf32, #tpu.memory_space<vmem>>, vector<16xf32>,
          %parallel_loop3A_405 = arith.mulf %parallel_loop3A_404, %parallel_loop3A_354 : vector<16xf32>
          %parallel_loop3A_406 = arith.index_cast %parallel_loop3A_351 : i32 to index
          %parallel_loop3A_407 = arith.constant 80 : index
          %parallel_loop3A_408 = tpu.vector_load %arg15[%parallel_loop3A_406, %parallel_loop3A_407] {strides = array<i32>} : memref<400x128xf32, #tpu.memory_space<vmem>>, vector<16xf32>,
          tpu.vector_store %arg15[%parallel_loop3A_406, %parallel_loop3A_407], %parallel_loop3A_405 {add = true, strides = array<i32>} : memref<400x128xf32, #tpu.memory_space<vmem>>, vector<16xf32>,
          %parallel_loop3A_409 = arith.constant 112 : i32
          %parallel_loop3A_410 = arith.addi %parallel_loop3A_409, %parallel_loop3A_347 : i32
          %parallel_loop3A_411 = arith.index_cast %parallel_loop3A_410 : i32 to index
          %parallel_loop3A_412 = arith.constant 96 : index
          %parallel_loop3A_413 = tpu.vector_load %arg14[%parallel_loop3A_411, %parallel_loop3A_412] {strides = array<i32>} : memref<128x128xf32, #tpu.memory_space<vmem>>, vector<16xf32>,
          %parallel_loop3A_414 = arith.mulf %parallel_loop3A_413, %parallel_loop3A_354 : vector<16xf32>
          %parallel_loop3A_415 = arith.index_cast %parallel_loop3A_351 : i32 to index
          %parallel_loop3A_416 = arith.constant 96 : index
          %parallel_loop3A_417 = tpu.vector_load %arg15[%parallel_loop3A_415, %parallel_loop3A_416] {strides = array<i32>} : memref<400x128xf32, #tpu.memory_space<vmem>>, vector<16xf32>,
          tpu.vector_store %arg15[%parallel_loop3A_415, %parallel_loop3A_416], %parallel_loop3A_414 {add = true, strides = array<i32>} : memref<400x128xf32, #tpu.memory_space<vmem>>, vector<16xf32>,
          %parallel_loop3A_418 = arith.constant 112 : i32
          %parallel_loop3A_419 = arith.addi %parallel_loop3A_418, %parallel_loop3A_347 : i32
          %parallel_loop3A_420 = arith.index_cast %parallel_loop3A_419 : i32 to index
          %parallel_loop3A_421 = arith.constant 112 : index
          %parallel_loop3A_422 = tpu.vector_load %arg14[%parallel_loop3A_420, %parallel_loop3A_421] {strides = array<i32>} : memref<128x128xf32, #tpu.memory_space<vmem>>, vector<16xf32>,
          %parallel_loop3A_423 = arith.mulf %parallel_loop3A_422, %parallel_loop3A_354 : vector<16xf32>
          %parallel_loop3A_424 = arith.index_cast %parallel_loop3A_351 : i32 to index
          %parallel_loop3A_425 = arith.constant 112 : index
          %parallel_loop3A_426 = tpu.vector_load %arg15[%parallel_loop3A_424, %parallel_loop3A_425] {strides = array<i32>} : memref<400x128xf32, #tpu.memory_space<vmem>>, vector<16xf32>,
          tpu.vector_store %arg15[%parallel_loop3A_424, %parallel_loop3A_425], %parallel_loop3A_423 {add = true, strides = array<i32>} : memref<400x128xf32, #tpu.memory_space<vmem>>, vector<16xf32>,
          %parallel_loop3A_427 = arith.constant 0 : i32
          %parallel_loop3A_428 = vector.broadcast %parallel_loop3A_427 : i32 to vector<16xi32>
          %parallel_loop3A_429 = arith.cmpi slt, %and3A_117, %parallel_loop3A_428 : vector<16xi32>
          %parallel_loop3A_430 = arith.constant 16 : i32
          %parallel_loop3A_431 = vector.broadcast %parallel_loop3A_430 : i32 to vector<16xi32>
          %parallel_loop3A_432 = arith.addi %and3A_117, %parallel_loop3A_431 : vector<16xi32>
          %parallel_loop3A_433 = arith.select %parallel_loop3A_429, %parallel_loop3A_432, %and3A_117 : vector<16xi1>, vector<16xi32>
          %parallel_loop3A_434 = vector.shape_cast %parallel_loop3A_433 : vector<16xi32> to vector<16x1xi32>
          %parallel_loop3A_435 = vector.shape_cast %parallel_loop3A_434 : vector<16x1xi32> to vector<16xi32>
          %parallel_loop3A_436 = tpu.dynamic_gather %parallel_loop3A_348[%parallel_loop3A_435] in [0] : vector<16xi32>, vector<16xi32> -> vector<16xi32>
          %parallel_loop3A_437 = arith.constant 0 : i32
          %parallel_loop3A_438 = vector.broadcast %parallel_loop3A_437 : i32 to vector<16xi32>
          %parallel_loop3A_439 = arith.cmpi slt, %and3A_117, %parallel_loop3A_438 : vector<16xi32>
          %parallel_loop3A_440 = arith.constant 16 : i32
          %parallel_loop3A_441 = vector.broadcast %parallel_loop3A_440 : i32 to vector<16xi32>
          %parallel_loop3A_442 = arith.addi %and3A_117, %parallel_loop3A_441 : vector<16xi32>
          %parallel_loop3A_443 = arith.select %parallel_loop3A_439, %parallel_loop3A_442, %and3A_117 : vector<16xi1>, vector<16xi32>
          %parallel_loop3A_444 = vector.shape_cast %parallel_loop3A_443 : vector<16xi32> to vector<16x1xi32>
          %parallel_loop3A_445 = vector.shape_cast %parallel_loop3A_444 : vector<16x1xi32> to vector<16xi32>
          %parallel_loop3A_446 = tpu.dynamic_gather %parallel_loop3A_349[%parallel_loop3A_445] in [0] : vector<16xf32>, vector<16xi32> -> vector<16xf32>
          scf.yield %parallel_loop3A_436, %parallel_loop3A_446 : vector<16xi32>, vector<16xf32>
        } {sc.loop_unroll_factor = 4 : i64, sc.parallel_access}
      }
      %while3A_81 = arith.constant 1 : i32
      scf.for %while3A_82 = %while3A_79 to %while3A_75 step %while3A_81  : i32 {
        %mul3A_83 = arith.constant 128 : i32
        %mul3A_84 = arith.muli %while3A_82, %mul3A_83 : i32
        %add3A_85 = arith.addi %and3A_45, %mul3A_84 : i32
        %min3A = arith.constant 319872 : i32
        %min3A_86 = arith.minsi %add3A_85, %min3A : i32
        %multiple_of3A_87 = tpu.assume_multiple %min3A_86, 16 : i32
        %dma_start3A = tpu.memref_slice %arg4[%multiple_of3A_87] : memref<320000xi32, #tpu.memory_space<hbm>> -> memref<128xi32, #tpu.memory_space<hbm>>
        %dma_start3A_88 = tpu.memref_slice %arg4[%multiple_of3A_87] : memref<320000xi32, #tpu.memory_space<hbm>> -> memref<128xi32, #tpu.memory_space<hbm>>
        tpu.enqueue_dma source(%dma_start3A_88 : memref<128xi32, #tpu.memory_space<hbm>>) target(%arg10 : memref<128xi32, #tpu.memory_space<vmem>>) target_semaphore(%arg18 : memref<!tpu.dma_semaphore, #tpu.memory_space<semaphore_mem>>)
        %dma_start3A_89 = tpu.memref_slice %arg5[%multiple_of3A_87] : memref<320000xi32, #tpu.memory_space<hbm>> -> memref<128xi32, #tpu.memory_space<hbm>>
        %dma_start3A_90 = tpu.memref_slice %arg5[%multiple_of3A_87] : memref<320000xi32, #tpu.memory_space<hbm>> -> memref<128xi32, #tpu.memory_space<hbm>>
        tpu.enqueue_dma source(%dma_start3A_90 : memref<128xi32, #tpu.memory_space<hbm>>) target(%arg11 : memref<128xi32, #tpu.memory_space<vmem>>) target_semaphore(%arg18 : memref<!tpu.dma_semaphore, #tpu.memory_space<semaphore_mem>>)
        %dma_start3A_91 = tpu.memref_slice %arg6[%multiple_of3A_87] : memref<320000xi32, #tpu.memory_space<hbm>> -> memref<128xi32, #tpu.memory_space<hbm>>
        %dma_start3A_92 = tpu.memref_slice %arg6[%multiple_of3A_87] : memref<320000xi32, #tpu.memory_space<hbm>> -> memref<128xi32, #tpu.memory_space<hbm>>
        tpu.enqueue_dma source(%dma_start3A_92 : memref<128xi32, #tpu.memory_space<hbm>>) target(%arg12 : memref<128xi32, #tpu.memory_space<vmem>>) target_semaphore(%arg18 : memref<!tpu.dma_semaphore, #tpu.memory_space<semaphore_mem>>)
        %dma_wait3A = tpu.memref_slice %arg4[%multiple_of3A_87] : memref<320000xi32, #tpu.memory_space<hbm>> -> memref<128xi32, #tpu.memory_space<hbm>>
        %dma_wait3A_93 = tpu.memref_slice %arg4[%multiple_of3A_87] : memref<320000xi32, #tpu.memory_space<hbm>> -> memref<128xi32, #tpu.memory_space<hbm>>
        tpu.wait_dma2 semaphore(%arg18 : memref<!tpu.dma_semaphore, #tpu.memory_space<semaphore_mem>>) src(%dma_wait3A_93 : memref<128xi32, #tpu.memory_space<hbm>>) dst(%arg10 : memref<128xi32, #tpu.memory_space<vmem>>)
        %dma_wait3A_94 = tpu.memref_slice %arg5[%multiple_of3A_87] : memref<320000xi32, #tpu.memory_space<hbm>> -> memref<128xi32, #tpu.memory_space<hbm>>
        %dma_wait3A_95 = tpu.memref_slice %arg5[%multiple_of3A_87] : memref<320000xi32, #tpu.memory_space<hbm>> -> memref<128xi32, #tpu.memory_space<hbm>>
        tpu.wait_dma2 semaphore(%arg18 : memref<!tpu.dma_semaphore, #tpu.memory_space<semaphore_mem>>) src(%dma_wait3A_95 : memref<128xi32, #tpu.memory_space<hbm>>) dst(%arg11 : memref<128xi32, #tpu.memory_space<vmem>>)
        %dma_wait3A_96 = tpu.memref_slice %arg6[%multiple_of3A_87] : memref<320000xi32, #tpu.memory_space<hbm>> -> memref<128xi32, #tpu.memory_space<hbm>>
        %dma_wait3A_97 = tpu.memref_slice %arg6[%multiple_of3A_87] : memref<320000xi32, #tpu.memory_space<hbm>> -> memref<128xi32, #tpu.memory_space<hbm>>
        tpu.wait_dma2 semaphore(%arg18 : memref<!tpu.dma_semaphore, #tpu.memory_space<semaphore_mem>>) src(%dma_wait3A_97 : memref<128xi32, #tpu.memory_space<hbm>>) dst(%arg12 : memref<128xi32, #tpu.memory_space<vmem>>)
        %dma_start3A_98 = arith.constant 0 : i32
        %dma_start3A_99 = arith.constant 0 : i32
        %dma_start3A_100 = tpu.memref_slice %arg2[%dma_start3A_98, %dma_start3A_99] : memref<320000x128xf32, #tpu.memory_space<hbm>> -> memref<320000x128xf32, #tpu.memory_space<hbm>>
        tpu.enqueue_indirect_dma source(%dma_start3A_100 : memref<320000x128xf32, #tpu.memory_space<hbm>>) target(%arg14 : memref<128x128xf32, #tpu.memory_space<vmem>>) offsets(%arg10 : memref<128xi32, #tpu.memory_space<vmem>>) semaphore(%arg16 : memref<!tpu.dma_semaphore, #tpu.memory_space<semaphore_mem>>)
        %dma_start3A_101 = arith.constant 0 : i32
        %dma_start3A_102 = tpu.memref_slice %arg3[%dma_start3A_101] : memref<320000xf32, #tpu.memory_space<hbm>> -> memref<320000xf32, #tpu.memory_space<hbm>>
        tpu.enqueue_indirect_dma source(%dma_start3A_102 : memref<320000xf32, #tpu.memory_space<hbm>>) target(%arg13 : memref<128xf32, #tpu.memory_space<vmem>>) offsets(%arg11 : memref<128xi32, #tpu.memory_space<vmem>>) semaphore(%arg17 : memref<!tpu.dma_semaphore, #tpu.memory_space<semaphore_mem>>)
        %dma_wait3A_103 = arith.constant 0 : i32
        %dma_wait3A_104 = arith.constant 0 : i32
        %dma_wait3A_105 = tpu.memref_slice %arg2[%dma_wait3A_103, %dma_wait3A_104] : memref<320000x128xf32, #tpu.memory_space<hbm>> -> memref<320000x128xf32, #tpu.memory_space<hbm>>
        tpu.wait_indirect_dma semaphore(%arg16 : memref<!tpu.dma_semaphore, #tpu.memory_space<semaphore_mem>>) src(%dma_wait3A_105 : memref<320000x128xf32, #tpu.memory_space<hbm>>) dst(%arg14 : memref<128x128xf32, #tpu.memory_space<vmem>>)
        %dma_wait3A_106 = arith.constant 0 : i32
        %dma_wait3A_107 = tpu.memref_slice %arg3[%dma_wait3A_106] : memref<320000xf32, #tpu.memory_space<hbm>> -> memref<320000xf32, #tpu.memory_space<hbm>>
        tpu.wait_indirect_dma semaphore(%arg17 : memref<!tpu.dma_semaphore, #tpu.memory_space<semaphore_mem>>) src(%dma_wait3A_107 : memref<320000xf32, #tpu.memory_space<hbm>>) dst(%arg13 : memref<128xf32, #tpu.memory_space<vmem>>)
        %mul3A_108 = arith.constant 128 : i32
        %mul3A_109 = arith.muli %while3A_82, %mul3A_108 : i32
        %add3A_110 = arith.addi %and3A_45, %mul3A_109 : i32
        %max3A = arith.maxsi %reduce_max3A_21, %add3A_110 : i32
        %iota3A_111 = tpu.iota {dimensions = array<i32: 0>} : vector<16xi32>
        %add3A_112 = arith.constant 1 : i32
        %add3A_113 = vector.broadcast %add3A_112 : i32 to vector<16xi32>
        %add3A_114 = arith.addi %iota3A_111, %add3A_113 : vector<16xi32>
        %and3A_115 = arith.constant 15 : i32
        %and3A_116 = vector.broadcast %and3A_115 : i32 to vector<16xi32>
        %and3A_117 = arith.andi %add3A_114, %and3A_116 : vector<16xi32>
        %add3A_118 = arith.constant 0 : i32
        %add3A_119 = arith.addi %multiple_of3A_87, %add3A_118 : i32
        %iota3A_120 = tpu.iota {dimensions = array<i32: 0>} : vector<16xi32>
        %add3A_121 = vector.broadcast %add3A_119 : i32 to vector<16xi32>
        %add3A_122 = arith.addi %add3A_121, %iota3A_120 : vector<16xi32>
        %get3A_123 = arith.constant 0 : index
        %get3A_124 = tpu.vector_load %arg12[%get3A_123] {strides = array<i32>} : memref<128xi32, #tpu.memory_space<vmem>>, vector<16xi32>,
        %get3A_125 = arith.constant 0 : index
        %get3A_126 = tpu.vector_load %arg13[%get3A_125] {strides = array<i32>} : memref<128xf32, #tpu.memory_space<vmem>>, vector<16xf32>,
        %ge3A = vector.broadcast %max3A : i32 to vector<16xi32>
        %ge3A_127 = arith.cmpi sge, %add3A_122, %ge3A : vector<16xi32>
        %lt3A = vector.broadcast %reduce_max3A_43 : i32 to vector<16xi32>
        %lt3A_128 = arith.cmpi slt, %add3A_122, %lt3A : vector<16xi32>
        %and3A_129 = arith.andi %ge3A_127, %lt3A_128 : vector<16xi1>
        %jit3A_130 = arith.constant 0.000000e+00 : f32
        %broadcast_in_dim3A_131 = vector.broadcast %jit3A_130 : f32 to vector<16xf32>
        %select_n3A_132 = arith.select %and3A_129, %get3A_126, %broadcast_in_dim3A_131 : vector<16xi1>, vector<16xf32>
        %sub3A_133 = vector.broadcast %multiple_of3A : i32 to vector<16xi32>
        %sub3A_134 = arith.subi %get3A_124, %sub3A_133 : vector<16xi32>
        %jit3A_135 = arith.constant 0 : i32
        %jit3A_136 = arith.constant 399 : i32
        %max3A_137 = vector.broadcast %jit3A_135 : i32 to vector<16xi32>
        %max3A_138 = arith.maxsi %max3A_137, %sub3A_134 : vector<16xi32>
        %min3A_139 = vector.broadcast %jit3A_136 : i32 to vector<16xi32>
        %min3A_140 = arith.minsi %min3A_139, %max3A_138 : vector<16xi32>
        %parallel_loop3A = arith.constant 0 : i32
        %parallel_loop3A_141 = arith.constant 16 : i32
        %parallel_loop3A_142 = arith.constant 1 : i32
        %parallel_loop3A_143:2 = scf.for %parallel_loop3A_347 = %parallel_loop3A to %parallel_loop3A_141 step %parallel_loop3A_142 iter_args(%parallel_loop3A_348 = %min3A_140, %parallel_loop3A_349 = %select_n3A_132) -> (vector<16xi32>, vector<16xf32>)  : i32 {
          %parallel_loop3A_350 = vector.extract_strided_slice %parallel_loop3A_348 {offsets = [0], sizes = [1], strides = [1]} : vector<16xi32> to vector<1xi32>
          %parallel_loop3A_351 = vector.extract %parallel_loop3A_350[0] : i32 from vector<1xi32>
          %parallel_loop3A_352 = vector.extract_strided_slice %parallel_loop3A_349 {offsets = [0], sizes = [1], strides = [1]} : vector<16xf32> to vector<1xf32>
          %parallel_loop3A_353 = vector.extract %parallel_loop3A_352[0] : f32 from vector<1xf32>
          %parallel_loop3A_354 = vector.broadcast %parallel_loop3A_353 : f32 to vector<16xf32>
          %parallel_loop3A_355 = arith.constant 0 : i32
          %parallel_loop3A_356 = arith.addi %parallel_loop3A_355, %parallel_loop3A_347 : i32
          %parallel_loop3A_357 = arith.index_cast %parallel_loop3A_356 : i32 to index
          %parallel_loop3A_358 = arith.constant 0 : index
          %parallel_loop3A_359 = tpu.vector_load %arg14[%parallel_loop3A_357, %parallel_loop3A_358] {strides = array<i32>} : memref<128x128xf32, #tpu.memory_space<vmem>>, vector<16xf32>,
          %parallel_loop3A_360 = arith.mulf %parallel_loop3A_359, %parallel_loop3A_354 : vector<16xf32>
          %parallel_loop3A_361 = arith.index_cast %parallel_loop3A_351 : i32 to index
          %parallel_loop3A_362 = arith.constant 0 : index
          %parallel_loop3A_363 = tpu.vector_load %arg15[%parallel_loop3A_361, %parallel_loop3A_362] {strides = array<i32>} : memref<400x128xf32, #tpu.memory_space<vmem>>, vector<16xf32>,
          tpu.vector_store %arg15[%parallel_loop3A_361, %parallel_loop3A_362], %parallel_loop3A_360 {add = true, strides = array<i32>} : memref<400x128xf32, #tpu.memory_space<vmem>>, vector<16xf32>,
          %parallel_loop3A_364 = arith.constant 0 : i32
          %parallel_loop3A_365 = arith.addi %parallel_loop3A_364, %parallel_loop3A_347 : i32
          %parallel_loop3A_366 = arith.index_cast %parallel_loop3A_365 : i32 to index
          %parallel_loop3A_367 = arith.constant 16 : index
          %parallel_loop3A_368 = tpu.vector_load %arg14[%parallel_loop3A_366, %parallel_loop3A_367] {strides = array<i32>} : memref<128x128xf32, #tpu.memory_space<vmem>>, vector<16xf32>,
          %parallel_loop3A_369 = arith.mulf %parallel_loop3A_368, %parallel_loop3A_354 : vector<16xf32>
          %parallel_loop3A_370 = arith.index_cast %parallel_loop3A_351 : i32 to index
          %parallel_loop3A_371 = arith.constant 16 : index
          %parallel_loop3A_372 = tpu.vector_load %arg15[%parallel_loop3A_370, %parallel_loop3A_371] {strides = array<i32>} : memref<400x128xf32, #tpu.memory_space<vmem>>, vector<16xf32>,
          tpu.vector_store %arg15[%parallel_loop3A_370, %parallel_loop3A_371], %parallel_loop3A_369 {add = true, strides = array<i32>} : memref<400x128xf32, #tpu.memory_space<vmem>>, vector<16xf32>,
          %parallel_loop3A_373 = arith.constant 0 : i32
          %parallel_loop3A_374 = arith.addi %parallel_loop3A_373, %parallel_loop3A_347 : i32
          %parallel_loop3A_375 = arith.index_cast %parallel_loop3A_374 : i32 to index
          %parallel_loop3A_376 = arith.constant 32 : index
          %parallel_loop3A_377 = tpu.vector_load %arg14[%parallel_loop3A_375, %parallel_loop3A_376] {strides = array<i32>} : memref<128x128xf32, #tpu.memory_space<vmem>>, vector<16xf32>,
          %parallel_loop3A_378 = arith.mulf %parallel_loop3A_377, %parallel_loop3A_354 : vector<16xf32>
          %parallel_loop3A_379 = arith.index_cast %parallel_loop3A_351 : i32 to index
          %parallel_loop3A_380 = arith.constant 32 : index
          %parallel_loop3A_381 = tpu.vector_load %arg15[%parallel_loop3A_379, %parallel_loop3A_380] {strides = array<i32>} : memref<400x128xf32, #tpu.memory_space<vmem>>, vector<16xf32>,
          tpu.vector_store %arg15[%parallel_loop3A_379, %parallel_loop3A_380], %parallel_loop3A_378 {add = true, strides = array<i32>} : memref<400x128xf32, #tpu.memory_space<vmem>>, vector<16xf32>,
          %parallel_loop3A_382 = arith.constant 0 : i32
          %parallel_loop3A_383 = arith.addi %parallel_loop3A_382, %parallel_loop3A_347 : i32
          %parallel_loop3A_384 = arith.index_cast %parallel_loop3A_383 : i32 to index
          %parallel_loop3A_385 = arith.constant 48 : index
          %parallel_loop3A_386 = tpu.vector_load %arg14[%parallel_loop3A_384, %parallel_loop3A_385] {strides = array<i32>} : memref<128x128xf32, #tpu.memory_space<vmem>>, vector<16xf32>,
          %parallel_loop3A_387 = arith.mulf %parallel_loop3A_386, %parallel_loop3A_354 : vector<16xf32>
          %parallel_loop3A_388 = arith.index_cast %parallel_loop3A_351 : i32 to index
          %parallel_loop3A_389 = arith.constant 48 : index
          %parallel_loop3A_390 = tpu.vector_load %arg15[%parallel_loop3A_388, %parallel_loop3A_389] {strides = array<i32>} : memref<400x128xf32, #tpu.memory_space<vmem>>, vector<16xf32>,
          tpu.vector_store %arg15[%parallel_loop3A_388, %parallel_loop3A_389], %parallel_loop3A_387 {add = true, strides = array<i32>} : memref<400x128xf32, #tpu.memory_space<vmem>>, vector<16xf32>,
          %parallel_loop3A_391 = arith.constant 0 : i32
          %parallel_loop3A_392 = arith.addi %parallel_loop3A_391, %parallel_loop3A_347 : i32
          %parallel_loop3A_393 = arith.index_cast %parallel_loop3A_392 : i32 to index
          %parallel_loop3A_394 = arith.constant 64 : index
          %parallel_loop3A_395 = tpu.vector_load %arg14[%parallel_loop3A_393, %parallel_loop3A_394] {strides = array<i32>} : memref<128x128xf32, #tpu.memory_space<vmem>>, vector<16xf32>,
          %parallel_loop3A_396 = arith.mulf %parallel_loop3A_395, %parallel_loop3A_354 : vector<16xf32>
          %parallel_loop3A_397 = arith.index_cast %parallel_loop3A_351 : i32 to index
          %parallel_loop3A_398 = arith.constant 64 : index
          %parallel_loop3A_399 = tpu.vector_load %arg15[%parallel_loop3A_397, %parallel_loop3A_398] {strides = array<i32>} : memref<400x128xf32, #tpu.memory_space<vmem>>, vector<16xf32>,
          tpu.vector_store %arg15[%parallel_loop3A_397, %parallel_loop3A_398], %parallel_loop3A_396 {add = true, strides = array<i32>} : memref<400x128xf32, #tpu.memory_space<vmem>>, vector<16xf32>,
          %parallel_loop3A_400 = arith.constant 0 : i32
          %parallel_loop3A_401 = arith.addi %parallel_loop3A_400, %parallel_loop3A_347 : i32
          %parallel_loop3A_402 = arith.index_cast %parallel_loop3A_401 : i32 to index
          %parallel_loop3A_403 = arith.constant 80 : index
          %parallel_loop3A_404 = tpu.vector_load %arg14[%parallel_loop3A_402, %parallel_loop3A_403] {strides = array<i32>} : memref<128x128xf32, #tpu.memory_space<vmem>>, vector<16xf32>,
          %parallel_loop3A_405 = arith.mulf %parallel_loop3A_404, %parallel_loop3A_354 : vector<16xf32>
          %parallel_loop3A_406 = arith.index_cast %parallel_loop3A_351 : i32 to index
          %parallel_loop3A_407 = arith.constant 80 : index
          %parallel_loop3A_408 = tpu.vector_load %arg15[%parallel_loop3A_406, %parallel_loop3A_407] {strides = array<i32>} : memref<400x128xf32, #tpu.memory_space<vmem>>, vector<16xf32>,
          tpu.vector_store %arg15[%parallel_loop3A_406, %parallel_loop3A_407], %parallel_loop3A_405 {add = true, strides = array<i32>} : memref<400x128xf32, #tpu.memory_space<vmem>>, vector<16xf32>,
          %parallel_loop3A_409 = arith.constant 0 : i32
          %parallel_loop3A_410 = arith.addi %parallel_loop3A_409, %parallel_loop3A_347 : i32
          %parallel_loop3A_411 = arith.index_cast %parallel_loop3A_410 : i32 to index
          %parallel_loop3A_412 = arith.constant 96 : index
          %parallel_loop3A_413 = tpu.vector_load %arg14[%parallel_loop3A_411, %parallel_loop3A_412] {strides = array<i32>} : memref<128x128xf32, #tpu.memory_space<vmem>>, vector<16xf32>,
          %parallel_loop3A_414 = arith.mulf %parallel_loop3A_413, %parallel_loop3A_354 : vector<16xf32>
          %parallel_loop3A_415 = arith.index_cast %parallel_loop3A_351 : i32 to index
          %parallel_loop3A_416 = arith.constant 96 : index
          %parallel_loop3A_417 = tpu.vector_load %arg15[%parallel_loop3A_415, %parallel_loop3A_416] {strides = array<i32>} : memref<400x128xf32, #tpu.memory_space<vmem>>, vector<16xf32>,
          tpu.vector_store %arg15[%parallel_loop3A_415, %parallel_loop3A_416], %parallel_loop3A_414 {add = true, strides = array<i32>} : memref<400x128xf32, #tpu.memory_space<vmem>>, vector<16xf32>,
          %parallel_loop3A_418 = arith.constant 0 : i32
          %parallel_loop3A_419 = arith.addi %parallel_loop3A_418, %parallel_loop3A_347 : i32
          %parallel_loop3A_420 = arith.index_cast %parallel_loop3A_419 : i32 to index
          %parallel_loop3A_421 = arith.constant 112 : index
          %parallel_loop3A_422 = tpu.vector_load %arg14[%parallel_loop3A_420, %parallel_loop3A_421] {strides = array<i32>} : memref<128x128xf32, #tpu.memory_space<vmem>>, vector<16xf32>,
          %parallel_loop3A_423 = arith.mulf %parallel_loop3A_422, %parallel_loop3A_354 : vector<16xf32>
          %parallel_loop3A_424 = arith.index_cast %parallel_loop3A_351 : i32 to index
          %parallel_loop3A_425 = arith.constant 112 : index
          %parallel_loop3A_426 = tpu.vector_load %arg15[%parallel_loop3A_424, %parallel_loop3A_425] {strides = array<i32>} : memref<400x128xf32, #tpu.memory_space<vmem>>, vector<16xf32>,
          tpu.vector_store %arg15[%parallel_loop3A_424, %parallel_loop3A_425], %parallel_loop3A_423 {add = true, strides = array<i32>} : memref<400x128xf32, #tpu.memory_space<vmem>>, vector<16xf32>,
          %parallel_loop3A_427 = arith.constant 0 : i32
          %parallel_loop3A_428 = vector.broadcast %parallel_loop3A_427 : i32 to vector<16xi32>
          %parallel_loop3A_429 = arith.cmpi slt, %and3A_117, %parallel_loop3A_428 : vector<16xi32>
          %parallel_loop3A_430 = arith.constant 16 : i32
          %parallel_loop3A_431 = vector.broadcast %parallel_loop3A_430 : i32 to vector<16xi32>
          %parallel_loop3A_432 = arith.addi %and3A_117, %parallel_loop3A_431 : vector<16xi32>
          %parallel_loop3A_433 = arith.select %parallel_loop3A_429, %parallel_loop3A_432, %and3A_117 : vector<16xi1>, vector<16xi32>
          %parallel_loop3A_434 = vector.shape_cast %parallel_loop3A_433 : vector<16xi32> to vector<16x1xi32>
          %parallel_loop3A_435 = vector.shape_cast %parallel_loop3A_434 : vector<16x1xi32> to vector<16xi32>
          %parallel_loop3A_436 = tpu.dynamic_gather %parallel_loop3A_348[%parallel_loop3A_435] in [0] : vector<16xi32>, vector<16xi32> -> vector<16xi32>
          %parallel_loop3A_437 = arith.constant 0 : i32
          %parallel_loop3A_438 = vector.broadcast %parallel_loop3A_437 : i32 to vector<16xi32>
          %parallel_loop3A_439 = arith.cmpi slt, %and3A_117, %parallel_loop3A_438 : vector<16xi32>
          %parallel_loop3A_440 = arith.constant 16 : i32
          %parallel_loop3A_441 = vector.broadcast %parallel_loop3A_440 : i32 to vector<16xi32>
          %parallel_loop3A_442 = arith.addi %and3A_117, %parallel_loop3A_441 : vector<16xi32>
          %parallel_loop3A_443 = arith.select %parallel_loop3A_439, %parallel_loop3A_442, %and3A_117 : vector<16xi1>, vector<16xi32>
          %parallel_loop3A_444 = vector.shape_cast %parallel_loop3A_443 : vector<16xi32> to vector<16x1xi32>
          %parallel_loop3A_445 = vector.shape_cast %parallel_loop3A_444 : vector<16x1xi32> to vector<16xi32>
          %parallel_loop3A_446 = tpu.dynamic_gather %parallel_loop3A_349[%parallel_loop3A_445] in [0] : vector<16xf32>, vector<16xi32> -> vector<16xf32>
          scf.yield %parallel_loop3A_436, %parallel_loop3A_446 : vector<16xi32>, vector<16xf32>
        } {sc.loop_unroll_factor = 4 : i64, sc.parallel_access}
        %add3A_144 = arith.constant 16 : i32
        %add3A_145 = arith.addi %multiple_of3A_87, %add3A_144 : i32
        %iota3A_146 = tpu.iota {dimensions = array<i32: 0>} : vector<16xi32>
        %add3A_147 = vector.broadcast %add3A_145 : i32 to vector<16xi32>
        %add3A_148 = arith.addi %add3A_147, %iota3A_146 : vector<16xi32>
        %get3A_149 = arith.constant 16 : index
        %get3A_150 = tpu.vector_load %arg12[%get3A_149] {strides = array<i32>} : memref<128xi32, #tpu.memory_space<vmem>>, vector<16xi32>,
        %get3A_151 = arith.constant 16 : index
        %get3A_152 = tpu.vector_load %arg13[%get3A_151] {strides = array<i32>} : memref<128xf32, #tpu.memory_space<vmem>>, vector<16xf32>,
        %ge3A_153 = vector.broadcast %max3A : i32 to vector<16xi32>
        %ge3A_154 = arith.cmpi sge, %add3A_148, %ge3A_153 : vector<16xi32>
        %lt3A_155 = vector.broadcast %reduce_max3A_43 : i32 to vector<16xi32>
        %lt3A_156 = arith.cmpi slt, %add3A_148, %lt3A_155 : vector<16xi32>
        %and3A_157 = arith.andi %ge3A_154, %lt3A_156 : vector<16xi1>
        %jit3A_158 = arith.constant 0.000000e+00 : f32
        %broadcast_in_dim3A_159 = vector.broadcast %jit3A_158 : f32 to vector<16xf32>
        %select_n3A_160 = arith.select %and3A_157, %get3A_152, %broadcast_in_dim3A_159 : vector<16xi1>, vector<16xf32>
        %sub3A_161 = vector.broadcast %multiple_of3A : i32 to vector<16xi32>
        %sub3A_162 = arith.subi %get3A_150, %sub3A_161 : vector<16xi32>
        %jit3A_163 = arith.constant 0 : i32
        %jit3A_164 = arith.constant 399 : i32
        %max3A_165 = vector.broadcast %jit3A_163 : i32 to vector<16xi32>
        %max3A_166 = arith.maxsi %max3A_165, %sub3A_162 : vector<16xi32>
        %min3A_167 = vector.broadcast %jit3A_164 : i32 to vector<16xi32>
        %min3A_168 = arith.minsi %min3A_167, %max3A_166 : vector<16xi32>
        %parallel_loop3A_169 = arith.constant 0 : i32
        %parallel_loop3A_170 = arith.constant 16 : i32
        %parallel_loop3A_171 = arith.constant 1 : i32
        %parallel_loop3A_172:2 = scf.for %parallel_loop3A_347 = %parallel_loop3A_169 to %parallel_loop3A_170 step %parallel_loop3A_171 iter_args(%parallel_loop3A_348 = %min3A_168, %parallel_loop3A_349 = %select_n3A_160) -> (vector<16xi32>, vector<16xf32>)  : i32 {
          %parallel_loop3A_350 = vector.extract_strided_slice %parallel_loop3A_348 {offsets = [0], sizes = [1], strides = [1]} : vector<16xi32> to vector<1xi32>
          %parallel_loop3A_351 = vector.extract %parallel_loop3A_350[0] : i32 from vector<1xi32>
          %parallel_loop3A_352 = vector.extract_strided_slice %parallel_loop3A_349 {offsets = [0], sizes = [1], strides = [1]} : vector<16xf32> to vector<1xf32>
          %parallel_loop3A_353 = vector.extract %parallel_loop3A_352[0] : f32 from vector<1xf32>
          %parallel_loop3A_354 = vector.broadcast %parallel_loop3A_353 : f32 to vector<16xf32>
          %parallel_loop3A_355 = arith.constant 16 : i32
          %parallel_loop3A_356 = arith.addi %parallel_loop3A_355, %parallel_loop3A_347 : i32
          %parallel_loop3A_357 = arith.index_cast %parallel_loop3A_356 : i32 to index
          %parallel_loop3A_358 = arith.constant 0 : index
          %parallel_loop3A_359 = tpu.vector_load %arg14[%parallel_loop3A_357, %parallel_loop3A_358] {strides = array<i32>} : memref<128x128xf32, #tpu.memory_space<vmem>>, vector<16xf32>,
          %parallel_loop3A_360 = arith.mulf %parallel_loop3A_359, %parallel_loop3A_354 : vector<16xf32>
          %parallel_loop3A_361 = arith.index_cast %parallel_loop3A_351 : i32 to index
          %parallel_loop3A_362 = arith.constant 0 : index
          %parallel_loop3A_363 = tpu.vector_load %arg15[%parallel_loop3A_361, %parallel_loop3A_362] {strides = array<i32>} : memref<400x128xf32, #tpu.memory_space<vmem>>, vector<16xf32>,
          tpu.vector_store %arg15[%parallel_loop3A_361, %parallel_loop3A_362], %parallel_loop3A_360 {add = true, strides = array<i32>} : memref<400x128xf32, #tpu.memory_space<vmem>>, vector<16xf32>,
          %parallel_loop3A_364 = arith.constant 16 : i32
          %parallel_loop3A_365 = arith.addi %parallel_loop3A_364, %parallel_loop3A_347 : i32
          %parallel_loop3A_366 = arith.index_cast %parallel_loop3A_365 : i32 to index
          %parallel_loop3A_367 = arith.constant 16 : index
          %parallel_loop3A_368 = tpu.vector_load %arg14[%parallel_loop3A_366, %parallel_loop3A_367] {strides = array<i32>} : memref<128x128xf32, #tpu.memory_space<vmem>>, vector<16xf32>,
          %parallel_loop3A_369 = arith.mulf %parallel_loop3A_368, %parallel_loop3A_354 : vector<16xf32>
          %parallel_loop3A_370 = arith.index_cast %parallel_loop3A_351 : i32 to index
          %parallel_loop3A_371 = arith.constant 16 : index
          %parallel_loop3A_372 = tpu.vector_load %arg15[%parallel_loop3A_370, %parallel_loop3A_371] {strides = array<i32>} : memref<400x128xf32, #tpu.memory_space<vmem>>, vector<16xf32>,
          tpu.vector_store %arg15[%parallel_loop3A_370, %parallel_loop3A_371], %parallel_loop3A_369 {add = true, strides = array<i32>} : memref<400x128xf32, #tpu.memory_space<vmem>>, vector<16xf32>,
          %parallel_loop3A_373 = arith.constant 16 : i32
          %parallel_loop3A_374 = arith.addi %parallel_loop3A_373, %parallel_loop3A_347 : i32
          %parallel_loop3A_375 = arith.index_cast %parallel_loop3A_374 : i32 to index
          %parallel_loop3A_376 = arith.constant 32 : index
          %parallel_loop3A_377 = tpu.vector_load %arg14[%parallel_loop3A_375, %parallel_loop3A_376] {strides = array<i32>} : memref<128x128xf32, #tpu.memory_space<vmem>>, vector<16xf32>,
          %parallel_loop3A_378 = arith.mulf %parallel_loop3A_377, %parallel_loop3A_354 : vector<16xf32>
          %parallel_loop3A_379 = arith.index_cast %parallel_loop3A_351 : i32 to index
          %parallel_loop3A_380 = arith.constant 32 : index
          %parallel_loop3A_381 = tpu.vector_load %arg15[%parallel_loop3A_379, %parallel_loop3A_380] {strides = array<i32>} : memref<400x128xf32, #tpu.memory_space<vmem>>, vector<16xf32>,
          tpu.vector_store %arg15[%parallel_loop3A_379, %parallel_loop3A_380], %parallel_loop3A_378 {add = true, strides = array<i32>} : memref<400x128xf32, #tpu.memory_space<vmem>>, vector<16xf32>,
          %parallel_loop3A_382 = arith.constant 16 : i32
          %parallel_loop3A_383 = arith.addi %parallel_loop3A_382, %parallel_loop3A_347 : i32
          %parallel_loop3A_384 = arith.index_cast %parallel_loop3A_383 : i32 to index
          %parallel_loop3A_385 = arith.constant 48 : index
          %parallel_loop3A_386 = tpu.vector_load %arg14[%parallel_loop3A_384, %parallel_loop3A_385] {strides = array<i32>} : memref<128x128xf32, #tpu.memory_space<vmem>>, vector<16xf32>,
          %parallel_loop3A_387 = arith.mulf %parallel_loop3A_386, %parallel_loop3A_354 : vector<16xf32>
          %parallel_loop3A_388 = arith.index_cast %parallel_loop3A_351 : i32 to index
          %parallel_loop3A_389 = arith.constant 48 : index
          %parallel_loop3A_390 = tpu.vector_load %arg15[%parallel_loop3A_388, %parallel_loop3A_389] {strides = array<i32>} : memref<400x128xf32, #tpu.memory_space<vmem>>, vector<16xf32>,
          tpu.vector_store %arg15[%parallel_loop3A_388, %parallel_loop3A_389], %parallel_loop3A_387 {add = true, strides = array<i32>} : memref<400x128xf32, #tpu.memory_space<vmem>>, vector<16xf32>,
          %parallel_loop3A_391 = arith.constant 16 : i32
          %parallel_loop3A_392 = arith.addi %parallel_loop3A_391, %parallel_loop3A_347 : i32
          %parallel_loop3A_393 = arith.index_cast %parallel_loop3A_392 : i32 to index
          %parallel_loop3A_394 = arith.constant 64 : index
          %parallel_loop3A_395 = tpu.vector_load %arg14[%parallel_loop3A_393, %parallel_loop3A_394] {strides = array<i32>} : memref<128x128xf32, #tpu.memory_space<vmem>>, vector<16xf32>,
          %parallel_loop3A_396 = arith.mulf %parallel_loop3A_395, %parallel_loop3A_354 : vector<16xf32>
          %parallel_loop3A_397 = arith.index_cast %parallel_loop3A_351 : i32 to index
          %parallel_loop3A_398 = arith.constant 64 : index
          %parallel_loop3A_399 = tpu.vector_load %arg15[%parallel_loop3A_397, %parallel_loop3A_398] {strides = array<i32>} : memref<400x128xf32, #tpu.memory_space<vmem>>, vector<16xf32>,
          tpu.vector_store %arg15[%parallel_loop3A_397, %parallel_loop3A_398], %parallel_loop3A_396 {add = true, strides = array<i32>} : memref<400x128xf32, #tpu.memory_space<vmem>>, vector<16xf32>,
          %parallel_loop3A_400 = arith.constant 16 : i32
          %parallel_loop3A_401 = arith.addi %parallel_loop3A_400, %parallel_loop3A_347 : i32
          %parallel_loop3A_402 = arith.index_cast %parallel_loop3A_401 : i32 to index
          %parallel_loop3A_403 = arith.constant 80 : index
          %parallel_loop3A_404 = tpu.vector_load %arg14[%parallel_loop3A_402, %parallel_loop3A_403] {strides = array<i32>} : memref<128x128xf32, #tpu.memory_space<vmem>>, vector<16xf32>,
          %parallel_loop3A_405 = arith.mulf %parallel_loop3A_404, %parallel_loop3A_354 : vector<16xf32>
          %parallel_loop3A_406 = arith.index_cast %parallel_loop3A_351 : i32 to index
          %parallel_loop3A_407 = arith.constant 80 : index
          %parallel_loop3A_408 = tpu.vector_load %arg15[%parallel_loop3A_406, %parallel_loop3A_407] {strides = array<i32>} : memref<400x128xf32, #tpu.memory_space<vmem>>, vector<16xf32>,
          tpu.vector_store %arg15[%parallel_loop3A_406, %parallel_loop3A_407], %parallel_loop3A_405 {add = true, strides = array<i32>} : memref<400x128xf32, #tpu.memory_space<vmem>>, vector<16xf32>,
          %parallel_loop3A_409 = arith.constant 16 : i32
          %parallel_loop3A_410 = arith.addi %parallel_loop3A_409, %parallel_loop3A_347 : i32
          %parallel_loop3A_411 = arith.index_cast %parallel_loop3A_410 : i32 to index
          %parallel_loop3A_412 = arith.constant 96 : index
          %parallel_loop3A_413 = tpu.vector_load %arg14[%parallel_loop3A_411, %parallel_loop3A_412] {strides = array<i32>} : memref<128x128xf32, #tpu.memory_space<vmem>>, vector<16xf32>,
          %parallel_loop3A_414 = arith.mulf %parallel_loop3A_413, %parallel_loop3A_354 : vector<16xf32>
          %parallel_loop3A_415 = arith.index_cast %parallel_loop3A_351 : i32 to index
          %parallel_loop3A_416 = arith.constant 96 : index
          %parallel_loop3A_417 = tpu.vector_load %arg15[%parallel_loop3A_415, %parallel_loop3A_416] {strides = array<i32>} : memref<400x128xf32, #tpu.memory_space<vmem>>, vector<16xf32>,
          tpu.vector_store %arg15[%parallel_loop3A_415, %parallel_loop3A_416], %parallel_loop3A_414 {add = true, strides = array<i32>} : memref<400x128xf32, #tpu.memory_space<vmem>>, vector<16xf32>,
          %parallel_loop3A_418 = arith.constant 16 : i32
          %parallel_loop3A_419 = arith.addi %parallel_loop3A_418, %parallel_loop3A_347 : i32
          %parallel_loop3A_420 = arith.index_cast %parallel_loop3A_419 : i32 to index
          %parallel_loop3A_421 = arith.constant 112 : index
          %parallel_loop3A_422 = tpu.vector_load %arg14[%parallel_loop3A_420, %parallel_loop3A_421] {strides = array<i32>} : memref<128x128xf32, #tpu.memory_space<vmem>>, vector<16xf32>,
          %parallel_loop3A_423 = arith.mulf %parallel_loop3A_422, %parallel_loop3A_354 : vector<16xf32>
          %parallel_loop3A_424 = arith.index_cast %parallel_loop3A_351 : i32 to index
          %parallel_loop3A_425 = arith.constant 112 : index
          %parallel_loop3A_426 = tpu.vector_load %arg15[%parallel_loop3A_424, %parallel_loop3A_425] {strides = array<i32>} : memref<400x128xf32, #tpu.memory_space<vmem>>, vector<16xf32>,
          tpu.vector_store %arg15[%parallel_loop3A_424, %parallel_loop3A_425], %parallel_loop3A_423 {add = true, strides = array<i32>} : memref<400x128xf32, #tpu.memory_space<vmem>>, vector<16xf32>,
          %parallel_loop3A_427 = arith.constant 0 : i32
          %parallel_loop3A_428 = vector.broadcast %parallel_loop3A_427 : i32 to vector<16xi32>
          %parallel_loop3A_429 = arith.cmpi slt, %and3A_117, %parallel_loop3A_428 : vector<16xi32>
          %parallel_loop3A_430 = arith.constant 16 : i32
          %parallel_loop3A_431 = vector.broadcast %parallel_loop3A_430 : i32 to vector<16xi32>
          %parallel_loop3A_432 = arith.addi %and3A_117, %parallel_loop3A_431 : vector<16xi32>
          %parallel_loop3A_433 = arith.select %parallel_loop3A_429, %parallel_loop3A_432, %and3A_117 : vector<16xi1>, vector<16xi32>
          %parallel_loop3A_434 = vector.shape_cast %parallel_loop3A_433 : vector<16xi32> to vector<16x1xi32>
          %parallel_loop3A_435 = vector.shape_cast %parallel_loop3A_434 : vector<16x1xi32> to vector<16xi32>
          %parallel_loop3A_436 = tpu.dynamic_gather %parallel_loop3A_348[%parallel_loop3A_435] in [0] : vector<16xi32>, vector<16xi32> -> vector<16xi32>
          %parallel_loop3A_437 = arith.constant 0 : i32
          %parallel_loop3A_438 = vector.broadcast %parallel_loop3A_437 : i32 to vector<16xi32>
          %parallel_loop3A_439 = arith.cmpi slt, %and3A_117, %parallel_loop3A_438 : vector<16xi32>
          %parallel_loop3A_440 = arith.constant 16 : i32
          %parallel_loop3A_441 = vector.broadcast %parallel_loop3A_440 : i32 to vector<16xi32>
          %parallel_loop3A_442 = arith.addi %and3A_117, %parallel_loop3A_441 : vector<16xi32>
          %parallel_loop3A_443 = arith.select %parallel_loop3A_439, %parallel_loop3A_442, %and3A_117 : vector<16xi1>, vector<16xi32>
          %parallel_loop3A_444 = vector.shape_cast %parallel_loop3A_443 : vector<16xi32> to vector<16x1xi32>
          %parallel_loop3A_445 = vector.shape_cast %parallel_loop3A_444 : vector<16x1xi32> to vector<16xi32>
          %parallel_loop3A_446 = tpu.dynamic_gather %parallel_loop3A_349[%parallel_loop3A_445] in [0] : vector<16xf32>, vector<16xi32> -> vector<16xf32>
          scf.yield %parallel_loop3A_436, %parallel_loop3A_446 : vector<16xi32>, vector<16xf32>
        } {sc.loop_unroll_factor = 4 : i64, sc.parallel_access}
        %add3A_173 = arith.constant 32 : i32
        %add3A_174 = arith.addi %multiple_of3A_87, %add3A_173 : i32
        %iota3A_175 = tpu.iota {dimensions = array<i32: 0>} : vector<16xi32>
        %add3A_176 = vector.broadcast %add3A_174 : i32 to vector<16xi32>
        %add3A_177 = arith.addi %add3A_176, %iota3A_175 : vector<16xi32>
        %get3A_178 = arith.constant 32 : index
        %get3A_179 = tpu.vector_load %arg12[%get3A_178] {strides = array<i32>} : memref<128xi32, #tpu.memory_space<vmem>>, vector<16xi32>,
        %get3A_180 = arith.constant 32 : index
        %get3A_181 = tpu.vector_load %arg13[%get3A_180] {strides = array<i32>} : memref<128xf32, #tpu.memory_space<vmem>>, vector<16xf32>,
        %ge3A_182 = vector.broadcast %max3A : i32 to vector<16xi32>
        %ge3A_183 = arith.cmpi sge, %add3A_177, %ge3A_182 : vector<16xi32>
        %lt3A_184 = vector.broadcast %reduce_max3A_43 : i32 to vector<16xi32>
        %lt3A_185 = arith.cmpi slt, %add3A_177, %lt3A_184 : vector<16xi32>
        %and3A_186 = arith.andi %ge3A_183, %lt3A_185 : vector<16xi1>
        %jit3A_187 = arith.constant 0.000000e+00 : f32
        %broadcast_in_dim3A_188 = vector.broadcast %jit3A_187 : f32 to vector<16xf32>
        %select_n3A_189 = arith.select %and3A_186, %get3A_181, %broadcast_in_dim3A_188 : vector<16xi1>, vector<16xf32>
        %sub3A_190 = vector.broadcast %multiple_of3A : i32 to vector<16xi32>
        %sub3A_191 = arith.subi %get3A_179, %sub3A_190 : vector<16xi32>
        %jit3A_192 = arith.constant 0 : i32
        %jit3A_193 = arith.constant 399 : i32
        %max3A_194 = vector.broadcast %jit3A_192 : i32 to vector<16xi32>
        %max3A_195 = arith.maxsi %max3A_194, %sub3A_191 : vector<16xi32>
        %min3A_196 = vector.broadcast %jit3A_193 : i32 to vector<16xi32>
        %min3A_197 = arith.minsi %min3A_196, %max3A_195 : vector<16xi32>
        %parallel_loop3A_198 = arith.constant 0 : i32
        %parallel_loop3A_199 = arith.constant 16 : i32
        %parallel_loop3A_200 = arith.constant 1 : i32
        %parallel_loop3A_201:2 = scf.for %parallel_loop3A_347 = %parallel_loop3A_198 to %parallel_loop3A_199 step %parallel_loop3A_200 iter_args(%parallel_loop3A_348 = %min3A_197, %parallel_loop3A_349 = %select_n3A_189) -> (vector<16xi32>, vector<16xf32>)  : i32 {
          %parallel_loop3A_350 = vector.extract_strided_slice %parallel_loop3A_348 {offsets = [0], sizes = [1], strides = [1]} : vector<16xi32> to vector<1xi32>
          %parallel_loop3A_351 = vector.extract %parallel_loop3A_350[0] : i32 from vector<1xi32>
          %parallel_loop3A_352 = vector.extract_strided_slice %parallel_loop3A_349 {offsets = [0], sizes = [1], strides = [1]} : vector<16xf32> to vector<1xf32>
          %parallel_loop3A_353 = vector.extract %parallel_loop3A_352[0] : f32 from vector<1xf32>
          %parallel_loop3A_354 = vector.broadcast %parallel_loop3A_353 : f32 to vector<16xf32>
          %parallel_loop3A_355 = arith.constant 32 : i32
          %parallel_loop3A_356 = arith.addi %parallel_loop3A_355, %parallel_loop3A_347 : i32
          %parallel_loop3A_357 = arith.index_cast %parallel_loop3A_356 : i32 to index
          %parallel_loop3A_358 = arith.constant 0 : index
          %parallel_loop3A_359 = tpu.vector_load %arg14[%parallel_loop3A_357, %parallel_loop3A_358] {strides = array<i32>} : memref<128x128xf32, #tpu.memory_space<vmem>>, vector<16xf32>,
          %parallel_loop3A_360 = arith.mulf %parallel_loop3A_359, %parallel_loop3A_354 : vector<16xf32>
          %parallel_loop3A_361 = arith.index_cast %parallel_loop3A_351 : i32 to index
          %parallel_loop3A_362 = arith.constant 0 : index
          %parallel_loop3A_363 = tpu.vector_load %arg15[%parallel_loop3A_361, %parallel_loop3A_362] {strides = array<i32>} : memref<400x128xf32, #tpu.memory_space<vmem>>, vector<16xf32>,
          tpu.vector_store %arg15[%parallel_loop3A_361, %parallel_loop3A_362], %parallel_loop3A_360 {add = true, strides = array<i32>} : memref<400x128xf32, #tpu.memory_space<vmem>>, vector<16xf32>,
          %parallel_loop3A_364 = arith.constant 32 : i32
          %parallel_loop3A_365 = arith.addi %parallel_loop3A_364, %parallel_loop3A_347 : i32
          %parallel_loop3A_366 = arith.index_cast %parallel_loop3A_365 : i32 to index
          %parallel_loop3A_367 = arith.constant 16 : index
          %parallel_loop3A_368 = tpu.vector_load %arg14[%parallel_loop3A_366, %parallel_loop3A_367] {strides = array<i32>} : memref<128x128xf32, #tpu.memory_space<vmem>>, vector<16xf32>,
          %parallel_loop3A_369 = arith.mulf %parallel_loop3A_368, %parallel_loop3A_354 : vector<16xf32>
          %parallel_loop3A_370 = arith.index_cast %parallel_loop3A_351 : i32 to index
          %parallel_loop3A_371 = arith.constant 16 : index
          %parallel_loop3A_372 = tpu.vector_load %arg15[%parallel_loop3A_370, %parallel_loop3A_371] {strides = array<i32>} : memref<400x128xf32, #tpu.memory_space<vmem>>, vector<16xf32>,
          tpu.vector_store %arg15[%parallel_loop3A_370, %parallel_loop3A_371], %parallel_loop3A_369 {add = true, strides = array<i32>} : memref<400x128xf32, #tpu.memory_space<vmem>>, vector<16xf32>,
          %parallel_loop3A_373 = arith.constant 32 : i32
          %parallel_loop3A_374 = arith.addi %parallel_loop3A_373, %parallel_loop3A_347 : i32
          %parallel_loop3A_375 = arith.index_cast %parallel_loop3A_374 : i32 to index
          %parallel_loop3A_376 = arith.constant 32 : index
          %parallel_loop3A_377 = tpu.vector_load %arg14[%parallel_loop3A_375, %parallel_loop3A_376] {strides = array<i32>} : memref<128x128xf32, #tpu.memory_space<vmem>>, vector<16xf32>,
          %parallel_loop3A_378 = arith.mulf %parallel_loop3A_377, %parallel_loop3A_354 : vector<16xf32>
          %parallel_loop3A_379 = arith.index_cast %parallel_loop3A_351 : i32 to index
          %parallel_loop3A_380 = arith.constant 32 : index
          %parallel_loop3A_381 = tpu.vector_load %arg15[%parallel_loop3A_379, %parallel_loop3A_380] {strides = array<i32>} : memref<400x128xf32, #tpu.memory_space<vmem>>, vector<16xf32>,
          tpu.vector_store %arg15[%parallel_loop3A_379, %parallel_loop3A_380], %parallel_loop3A_378 {add = true, strides = array<i32>} : memref<400x128xf32, #tpu.memory_space<vmem>>, vector<16xf32>,
          %parallel_loop3A_382 = arith.constant 32 : i32
          %parallel_loop3A_383 = arith.addi %parallel_loop3A_382, %parallel_loop3A_347 : i32
          %parallel_loop3A_384 = arith.index_cast %parallel_loop3A_383 : i32 to index
          %parallel_loop3A_385 = arith.constant 48 : index
          %parallel_loop3A_386 = tpu.vector_load %arg14[%parallel_loop3A_384, %parallel_loop3A_385] {strides = array<i32>} : memref<128x128xf32, #tpu.memory_space<vmem>>, vector<16xf32>,
          %parallel_loop3A_387 = arith.mulf %parallel_loop3A_386, %parallel_loop3A_354 : vector<16xf32>
          %parallel_loop3A_388 = arith.index_cast %parallel_loop3A_351 : i32 to index
          %parallel_loop3A_389 = arith.constant 48 : index
          %parallel_loop3A_390 = tpu.vector_load %arg15[%parallel_loop3A_388, %parallel_loop3A_389] {strides = array<i32>} : memref<400x128xf32, #tpu.memory_space<vmem>>, vector<16xf32>,
          tpu.vector_store %arg15[%parallel_loop3A_388, %parallel_loop3A_389], %parallel_loop3A_387 {add = true, strides = array<i32>} : memref<400x128xf32, #tpu.memory_space<vmem>>, vector<16xf32>,
          %parallel_loop3A_391 = arith.constant 32 : i32
          %parallel_loop3A_392 = arith.addi %parallel_loop3A_391, %parallel_loop3A_347 : i32
          %parallel_loop3A_393 = arith.index_cast %parallel_loop3A_392 : i32 to index
          %parallel_loop3A_394 = arith.constant 64 : index
          %parallel_loop3A_395 = tpu.vector_load %arg14[%parallel_loop3A_393, %parallel_loop3A_394] {strides = array<i32>} : memref<128x128xf32, #tpu.memory_space<vmem>>, vector<16xf32>,
          %parallel_loop3A_396 = arith.mulf %parallel_loop3A_395, %parallel_loop3A_354 : vector<16xf32>
          %parallel_loop3A_397 = arith.index_cast %parallel_loop3A_351 : i32 to index
          %parallel_loop3A_398 = arith.constant 64 : index
          %parallel_loop3A_399 = tpu.vector_load %arg15[%parallel_loop3A_397, %parallel_loop3A_398] {strides = array<i32>} : memref<400x128xf32, #tpu.memory_space<vmem>>, vector<16xf32>,
          tpu.vector_store %arg15[%parallel_loop3A_397, %parallel_loop3A_398], %parallel_loop3A_396 {add = true, strides = array<i32>} : memref<400x128xf32, #tpu.memory_space<vmem>>, vector<16xf32>,
          %parallel_loop3A_400 = arith.constant 32 : i32
          %parallel_loop3A_401 = arith.addi %parallel_loop3A_400, %parallel_loop3A_347 : i32
          %parallel_loop3A_402 = arith.index_cast %parallel_loop3A_401 : i32 to index
          %parallel_loop3A_403 = arith.constant 80 : index
          %parallel_loop3A_404 = tpu.vector_load %arg14[%parallel_loop3A_402, %parallel_loop3A_403] {strides = array<i32>} : memref<128x128xf32, #tpu.memory_space<vmem>>, vector<16xf32>,
          %parallel_loop3A_405 = arith.mulf %parallel_loop3A_404, %parallel_loop3A_354 : vector<16xf32>
          %parallel_loop3A_406 = arith.index_cast %parallel_loop3A_351 : i32 to index
          %parallel_loop3A_407 = arith.constant 80 : index
          %parallel_loop3A_408 = tpu.vector_load %arg15[%parallel_loop3A_406, %parallel_loop3A_407] {strides = array<i32>} : memref<400x128xf32, #tpu.memory_space<vmem>>, vector<16xf32>,
          tpu.vector_store %arg15[%parallel_loop3A_406, %parallel_loop3A_407], %parallel_loop3A_405 {add = true, strides = array<i32>} : memref<400x128xf32, #tpu.memory_space<vmem>>, vector<16xf32>,
          %parallel_loop3A_409 = arith.constant 32 : i32
          %parallel_loop3A_410 = arith.addi %parallel_loop3A_409, %parallel_loop3A_347 : i32
          %parallel_loop3A_411 = arith.index_cast %parallel_loop3A_410 : i32 to index
          %parallel_loop3A_412 = arith.constant 96 : index
          %parallel_loop3A_413 = tpu.vector_load %arg14[%parallel_loop3A_411, %parallel_loop3A_412] {strides = array<i32>} : memref<128x128xf32, #tpu.memory_space<vmem>>, vector<16xf32>,
          %parallel_loop3A_414 = arith.mulf %parallel_loop3A_413, %parallel_loop3A_354 : vector<16xf32>
          %parallel_loop3A_415 = arith.index_cast %parallel_loop3A_351 : i32 to index
          %parallel_loop3A_416 = arith.constant 96 : index
          %parallel_loop3A_417 = tpu.vector_load %arg15[%parallel_loop3A_415, %parallel_loop3A_416] {strides = array<i32>} : memref<400x128xf32, #tpu.memory_space<vmem>>, vector<16xf32>,
          tpu.vector_store %arg15[%parallel_loop3A_415, %parallel_loop3A_416], %parallel_loop3A_414 {add = true, strides = array<i32>} : memref<400x128xf32, #tpu.memory_space<vmem>>, vector<16xf32>,
          %parallel_loop3A_418 = arith.constant 32 : i32
          %parallel_loop3A_419 = arith.addi %parallel_loop3A_418, %parallel_loop3A_347 : i32
          %parallel_loop3A_420 = arith.index_cast %parallel_loop3A_419 : i32 to index
          %parallel_loop3A_421 = arith.constant 112 : index
          %parallel_loop3A_422 = tpu.vector_load %arg14[%parallel_loop3A_420, %parallel_loop3A_421] {strides = array<i32>} : memref<128x128xf32, #tpu.memory_space<vmem>>, vector<16xf32>,
          %parallel_loop3A_423 = arith.mulf %parallel_loop3A_422, %parallel_loop3A_354 : vector<16xf32>
          %parallel_loop3A_424 = arith.index_cast %parallel_loop3A_351 : i32 to index
          %parallel_loop3A_425 = arith.constant 112 : index
          %parallel_loop3A_426 = tpu.vector_load %arg15[%parallel_loop3A_424, %parallel_loop3A_425] {strides = array<i32>} : memref<400x128xf32, #tpu.memory_space<vmem>>, vector<16xf32>,
          tpu.vector_store %arg15[%parallel_loop3A_424, %parallel_loop3A_425], %parallel_loop3A_423 {add = true, strides = array<i32>} : memref<400x128xf32, #tpu.memory_space<vmem>>, vector<16xf32>,
          %parallel_loop3A_427 = arith.constant 0 : i32
          %parallel_loop3A_428 = vector.broadcast %parallel_loop3A_427 : i32 to vector<16xi32>
          %parallel_loop3A_429 = arith.cmpi slt, %and3A_117, %parallel_loop3A_428 : vector<16xi32>
          %parallel_loop3A_430 = arith.constant 16 : i32
          %parallel_loop3A_431 = vector.broadcast %parallel_loop3A_430 : i32 to vector<16xi32>
          %parallel_loop3A_432 = arith.addi %and3A_117, %parallel_loop3A_431 : vector<16xi32>
          %parallel_loop3A_433 = arith.select %parallel_loop3A_429, %parallel_loop3A_432, %and3A_117 : vector<16xi1>, vector<16xi32>
          %parallel_loop3A_434 = vector.shape_cast %parallel_loop3A_433 : vector<16xi32> to vector<16x1xi32>
          %parallel_loop3A_435 = vector.shape_cast %parallel_loop3A_434 : vector<16x1xi32> to vector<16xi32>
          %parallel_loop3A_436 = tpu.dynamic_gather %parallel_loop3A_348[%parallel_loop3A_435] in [0] : vector<16xi32>, vector<16xi32> -> vector<16xi32>
          %parallel_loop3A_437 = arith.constant 0 : i32
          %parallel_loop3A_438 = vector.broadcast %parallel_loop3A_437 : i32 to vector<16xi32>
          %parallel_loop3A_439 = arith.cmpi slt, %and3A_117, %parallel_loop3A_438 : vector<16xi32>
          %parallel_loop3A_440 = arith.constant 16 : i32
          %parallel_loop3A_441 = vector.broadcast %parallel_loop3A_440 : i32 to vector<16xi32>
          %parallel_loop3A_442 = arith.addi %and3A_117, %parallel_loop3A_441 : vector<16xi32>
          %parallel_loop3A_443 = arith.select %parallel_loop3A_439, %parallel_loop3A_442, %and3A_117 : vector<16xi1>, vector<16xi32>
          %parallel_loop3A_444 = vector.shape_cast %parallel_loop3A_443 : vector<16xi32> to vector<16x1xi32>
          %parallel_loop3A_445 = vector.shape_cast %parallel_loop3A_444 : vector<16x1xi32> to vector<16xi32>
          %parallel_loop3A_446 = tpu.dynamic_gather %parallel_loop3A_349[%parallel_loop3A_445] in [0] : vector<16xf32>, vector<16xi32> -> vector<16xf32>
          scf.yield %parallel_loop3A_436, %parallel_loop3A_446 : vector<16xi32>, vector<16xf32>
        } {sc.loop_unroll_factor = 4 : i64, sc.parallel_access}
        %add3A_202 = arith.constant 48 : i32
        %add3A_203 = arith.addi %multiple_of3A_87, %add3A_202 : i32
        %iota3A_204 = tpu.iota {dimensions = array<i32: 0>} : vector<16xi32>
        %add3A_205 = vector.broadcast %add3A_203 : i32 to vector<16xi32>
        %add3A_206 = arith.addi %add3A_205, %iota3A_204 : vector<16xi32>
        %get3A_207 = arith.constant 48 : index
        %get3A_208 = tpu.vector_load %arg12[%get3A_207] {strides = array<i32>} : memref<128xi32, #tpu.memory_space<vmem>>, vector<16xi32>,
        %get3A_209 = arith.constant 48 : index
        %get3A_210 = tpu.vector_load %arg13[%get3A_209] {strides = array<i32>} : memref<128xf32, #tpu.memory_space<vmem>>, vector<16xf32>,
        %ge3A_211 = vector.broadcast %max3A : i32 to vector<16xi32>
        %ge3A_212 = arith.cmpi sge, %add3A_206, %ge3A_211 : vector<16xi32>
        %lt3A_213 = vector.broadcast %reduce_max3A_43 : i32 to vector<16xi32>
        %lt3A_214 = arith.cmpi slt, %add3A_206, %lt3A_213 : vector<16xi32>
        %and3A_215 = arith.andi %ge3A_212, %lt3A_214 : vector<16xi1>
        %jit3A_216 = arith.constant 0.000000e+00 : f32
        %broadcast_in_dim3A_217 = vector.broadcast %jit3A_216 : f32 to vector<16xf32>
        %select_n3A_218 = arith.select %and3A_215, %get3A_210, %broadcast_in_dim3A_217 : vector<16xi1>, vector<16xf32>
        %sub3A_219 = vector.broadcast %multiple_of3A : i32 to vector<16xi32>
        %sub3A_220 = arith.subi %get3A_208, %sub3A_219 : vector<16xi32>
        %jit3A_221 = arith.constant 0 : i32
        %jit3A_222 = arith.constant 399 : i32
        %max3A_223 = vector.broadcast %jit3A_221 : i32 to vector<16xi32>
        %max3A_224 = arith.maxsi %max3A_223, %sub3A_220 : vector<16xi32>
        %min3A_225 = vector.broadcast %jit3A_222 : i32 to vector<16xi32>
        %min3A_226 = arith.minsi %min3A_225, %max3A_224 : vector<16xi32>
        %parallel_loop3A_227 = arith.constant 0 : i32
        %parallel_loop3A_228 = arith.constant 16 : i32
        %parallel_loop3A_229 = arith.constant 1 : i32
        %parallel_loop3A_230:2 = scf.for %parallel_loop3A_347 = %parallel_loop3A_227 to %parallel_loop3A_228 step %parallel_loop3A_229 iter_args(%parallel_loop3A_348 = %min3A_226, %parallel_loop3A_349 = %select_n3A_218) -> (vector<16xi32>, vector<16xf32>)  : i32 {
          %parallel_loop3A_350 = vector.extract_strided_slice %parallel_loop3A_348 {offsets = [0], sizes = [1], strides = [1]} : vector<16xi32> to vector<1xi32>
          %parallel_loop3A_351 = vector.extract %parallel_loop3A_350[0] : i32 from vector<1xi32>
          %parallel_loop3A_352 = vector.extract_strided_slice %parallel_loop3A_349 {offsets = [0], sizes = [1], strides = [1]} : vector<16xf32> to vector<1xf32>
          %parallel_loop3A_353 = vector.extract %parallel_loop3A_352[0] : f32 from vector<1xf32>
          %parallel_loop3A_354 = vector.broadcast %parallel_loop3A_353 : f32 to vector<16xf32>
          %parallel_loop3A_355 = arith.constant 48 : i32
          %parallel_loop3A_356 = arith.addi %parallel_loop3A_355, %parallel_loop3A_347 : i32
          %parallel_loop3A_357 = arith.index_cast %parallel_loop3A_356 : i32 to index
          %parallel_loop3A_358 = arith.constant 0 : index
          %parallel_loop3A_359 = tpu.vector_load %arg14[%parallel_loop3A_357, %parallel_loop3A_358] {strides = array<i32>} : memref<128x128xf32, #tpu.memory_space<vmem>>, vector<16xf32>,
          %parallel_loop3A_360 = arith.mulf %parallel_loop3A_359, %parallel_loop3A_354 : vector<16xf32>
          %parallel_loop3A_361 = arith.index_cast %parallel_loop3A_351 : i32 to index
          %parallel_loop3A_362 = arith.constant 0 : index
          %parallel_loop3A_363 = tpu.vector_load %arg15[%parallel_loop3A_361, %parallel_loop3A_362] {strides = array<i32>} : memref<400x128xf32, #tpu.memory_space<vmem>>, vector<16xf32>,
          tpu.vector_store %arg15[%parallel_loop3A_361, %parallel_loop3A_362], %parallel_loop3A_360 {add = true, strides = array<i32>} : memref<400x128xf32, #tpu.memory_space<vmem>>, vector<16xf32>,
          %parallel_loop3A_364 = arith.constant 48 : i32
          %parallel_loop3A_365 = arith.addi %parallel_loop3A_364, %parallel_loop3A_347 : i32
          %parallel_loop3A_366 = arith.index_cast %parallel_loop3A_365 : i32 to index
          %parallel_loop3A_367 = arith.constant 16 : index
          %parallel_loop3A_368 = tpu.vector_load %arg14[%parallel_loop3A_366, %parallel_loop3A_367] {strides = array<i32>} : memref<128x128xf32, #tpu.memory_space<vmem>>, vector<16xf32>,
          %parallel_loop3A_369 = arith.mulf %parallel_loop3A_368, %parallel_loop3A_354 : vector<16xf32>
          %parallel_loop3A_370 = arith.index_cast %parallel_loop3A_351 : i32 to index
          %parallel_loop3A_371 = arith.constant 16 : index
          %parallel_loop3A_372 = tpu.vector_load %arg15[%parallel_loop3A_370, %parallel_loop3A_371] {strides = array<i32>} : memref<400x128xf32, #tpu.memory_space<vmem>>, vector<16xf32>,
          tpu.vector_store %arg15[%parallel_loop3A_370, %parallel_loop3A_371], %parallel_loop3A_369 {add = true, strides = array<i32>} : memref<400x128xf32, #tpu.memory_space<vmem>>, vector<16xf32>,
          %parallel_loop3A_373 = arith.constant 48 : i32
          %parallel_loop3A_374 = arith.addi %parallel_loop3A_373, %parallel_loop3A_347 : i32
          %parallel_loop3A_375 = arith.index_cast %parallel_loop3A_374 : i32 to index
          %parallel_loop3A_376 = arith.constant 32 : index
          %parallel_loop3A_377 = tpu.vector_load %arg14[%parallel_loop3A_375, %parallel_loop3A_376] {strides = array<i32>} : memref<128x128xf32, #tpu.memory_space<vmem>>, vector<16xf32>,
          %parallel_loop3A_378 = arith.mulf %parallel_loop3A_377, %parallel_loop3A_354 : vector<16xf32>
          %parallel_loop3A_379 = arith.index_cast %parallel_loop3A_351 : i32 to index
          %parallel_loop3A_380 = arith.constant 32 : index
          %parallel_loop3A_381 = tpu.vector_load %arg15[%parallel_loop3A_379, %parallel_loop3A_380] {strides = array<i32>} : memref<400x128xf32, #tpu.memory_space<vmem>>, vector<16xf32>,
          tpu.vector_store %arg15[%parallel_loop3A_379, %parallel_loop3A_380], %parallel_loop3A_378 {add = true, strides = array<i32>} : memref<400x128xf32, #tpu.memory_space<vmem>>, vector<16xf32>,
          %parallel_loop3A_382 = arith.constant 48 : i32
          %parallel_loop3A_383 = arith.addi %parallel_loop3A_382, %parallel_loop3A_347 : i32
          %parallel_loop3A_384 = arith.index_cast %parallel_loop3A_383 : i32 to index
          %parallel_loop3A_385 = arith.constant 48 : index
          %parallel_loop3A_386 = tpu.vector_load %arg14[%parallel_loop3A_384, %parallel_loop3A_385] {strides = array<i32>} : memref<128x128xf32, #tpu.memory_space<vmem>>, vector<16xf32>,
          %parallel_loop3A_387 = arith.mulf %parallel_loop3A_386, %parallel_loop3A_354 : vector<16xf32>
          %parallel_loop3A_388 = arith.index_cast %parallel_loop3A_351 : i32 to index
          %parallel_loop3A_389 = arith.constant 48 : index
          %parallel_loop3A_390 = tpu.vector_load %arg15[%parallel_loop3A_388, %parallel_loop3A_389] {strides = array<i32>} : memref<400x128xf32, #tpu.memory_space<vmem>>, vector<16xf32>,
          tpu.vector_store %arg15[%parallel_loop3A_388, %parallel_loop3A_389], %parallel_loop3A_387 {add = true, strides = array<i32>} : memref<400x128xf32, #tpu.memory_space<vmem>>, vector<16xf32>,
          %parallel_loop3A_391 = arith.constant 48 : i32
          %parallel_loop3A_392 = arith.addi %parallel_loop3A_391, %parallel_loop3A_347 : i32
          %parallel_loop3A_393 = arith.index_cast %parallel_loop3A_392 : i32 to index
          %parallel_loop3A_394 = arith.constant 64 : index
          %parallel_loop3A_395 = tpu.vector_load %arg14[%parallel_loop3A_393, %parallel_loop3A_394] {strides = array<i32>} : memref<128x128xf32, #tpu.memory_space<vmem>>, vector<16xf32>,
          %parallel_loop3A_396 = arith.mulf %parallel_loop3A_395, %parallel_loop3A_354 : vector<16xf32>
          %parallel_loop3A_397 = arith.index_cast %parallel_loop3A_351 : i32 to index
          %parallel_loop3A_398 = arith.constant 64 : index
          %parallel_loop3A_399 = tpu.vector_load %arg15[%parallel_loop3A_397, %parallel_loop3A_398] {strides = array<i32>} : memref<400x128xf32, #tpu.memory_space<vmem>>, vector<16xf32>,
          tpu.vector_store %arg15[%parallel_loop3A_397, %parallel_loop3A_398], %parallel_loop3A_396 {add = true, strides = array<i32>} : memref<400x128xf32, #tpu.memory_space<vmem>>, vector<16xf32>,
          %parallel_loop3A_400 = arith.constant 48 : i32
          %parallel_loop3A_401 = arith.addi %parallel_loop3A_400, %parallel_loop3A_347 : i32
          %parallel_loop3A_402 = arith.index_cast %parallel_loop3A_401 : i32 to index
          %parallel_loop3A_403 = arith.constant 80 : index
          %parallel_loop3A_404 = tpu.vector_load %arg14[%parallel_loop3A_402, %parallel_loop3A_403] {strides = array<i32>} : memref<128x128xf32, #tpu.memory_space<vmem>>, vector<16xf32>,
          %parallel_loop3A_405 = arith.mulf %parallel_loop3A_404, %parallel_loop3A_354 : vector<16xf32>
          %parallel_loop3A_406 = arith.index_cast %parallel_loop3A_351 : i32 to index
          %parallel_loop3A_407 = arith.constant 80 : index
          %parallel_loop3A_408 = tpu.vector_load %arg15[%parallel_loop3A_406, %parallel_loop3A_407] {strides = array<i32>} : memref<400x128xf32, #tpu.memory_space<vmem>>, vector<16xf32>,
          tpu.vector_store %arg15[%parallel_loop3A_406, %parallel_loop3A_407], %parallel_loop3A_405 {add = true, strides = array<i32>} : memref<400x128xf32, #tpu.memory_space<vmem>>, vector<16xf32>,
          %parallel_loop3A_409 = arith.constant 48 : i32
          %parallel_loop3A_410 = arith.addi %parallel_loop3A_409, %parallel_loop3A_347 : i32
          %parallel_loop3A_411 = arith.index_cast %parallel_loop3A_410 : i32 to index
          %parallel_loop3A_412 = arith.constant 96 : index
          %parallel_loop3A_413 = tpu.vector_load %arg14[%parallel_loop3A_411, %parallel_loop3A_412] {strides = array<i32>} : memref<128x128xf32, #tpu.memory_space<vmem>>, vector<16xf32>,
          %parallel_loop3A_414 = arith.mulf %parallel_loop3A_413, %parallel_loop3A_354 : vector<16xf32>
          %parallel_loop3A_415 = arith.index_cast %parallel_loop3A_351 : i32 to index
          %parallel_loop3A_416 = arith.constant 96 : index
          %parallel_loop3A_417 = tpu.vector_load %arg15[%parallel_loop3A_415, %parallel_loop3A_416] {strides = array<i32>} : memref<400x128xf32, #tpu.memory_space<vmem>>, vector<16xf32>,
          tpu.vector_store %arg15[%parallel_loop3A_415, %parallel_loop3A_416], %parallel_loop3A_414 {add = true, strides = array<i32>} : memref<400x128xf32, #tpu.memory_space<vmem>>, vector<16xf32>,
          %parallel_loop3A_418 = arith.constant 48 : i32
          %parallel_loop3A_419 = arith.addi %parallel_loop3A_418, %parallel_loop3A_347 : i32
          %parallel_loop3A_420 = arith.index_cast %parallel_loop3A_419 : i32 to index
          %parallel_loop3A_421 = arith.constant 112 : index
          %parallel_loop3A_422 = tpu.vector_load %arg14[%parallel_loop3A_420, %parallel_loop3A_421] {strides = array<i32>} : memref<128x128xf32, #tpu.memory_space<vmem>>, vector<16xf32>,
          %parallel_loop3A_423 = arith.mulf %parallel_loop3A_422, %parallel_loop3A_354 : vector<16xf32>
          %parallel_loop3A_424 = arith.index_cast %parallel_loop3A_351 : i32 to index
          %parallel_loop3A_425 = arith.constant 112 : index
          %parallel_loop3A_426 = tpu.vector_load %arg15[%parallel_loop3A_424, %parallel_loop3A_425] {strides = array<i32>} : memref<400x128xf32, #tpu.memory_space<vmem>>, vector<16xf32>,
          tpu.vector_store %arg15[%parallel_loop3A_424, %parallel_loop3A_425], %parallel_loop3A_423 {add = true, strides = array<i32>} : memref<400x128xf32, #tpu.memory_space<vmem>>, vector<16xf32>,
          %parallel_loop3A_427 = arith.constant 0 : i32
          %parallel_loop3A_428 = vector.broadcast %parallel_loop3A_427 : i32 to vector<16xi32>
          %parallel_loop3A_429 = arith.cmpi slt, %and3A_117, %parallel_loop3A_428 : vector<16xi32>
          %parallel_loop3A_430 = arith.constant 16 : i32
          %parallel_loop3A_431 = vector.broadcast %parallel_loop3A_430 : i32 to vector<16xi32>
          %parallel_loop3A_432 = arith.addi %and3A_117, %parallel_loop3A_431 : vector<16xi32>
          %parallel_loop3A_433 = arith.select %parallel_loop3A_429, %parallel_loop3A_432, %and3A_117 : vector<16xi1>, vector<16xi32>
          %parallel_loop3A_434 = vector.shape_cast %parallel_loop3A_433 : vector<16xi32> to vector<16x1xi32>
          %parallel_loop3A_435 = vector.shape_cast %parallel_loop3A_434 : vector<16x1xi32> to vector<16xi32>
          %parallel_loop3A_436 = tpu.dynamic_gather %parallel_loop3A_348[%parallel_loop3A_435] in [0] : vector<16xi32>, vector<16xi32> -> vector<16xi32>
          %parallel_loop3A_437 = arith.constant 0 : i32
          %parallel_loop3A_438 = vector.broadcast %parallel_loop3A_437 : i32 to vector<16xi32>
          %parallel_loop3A_439 = arith.cmpi slt, %and3A_117, %parallel_loop3A_438 : vector<16xi32>
          %parallel_loop3A_440 = arith.constant 16 : i32
          %parallel_loop3A_441 = vector.broadcast %parallel_loop3A_440 : i32 to vector<16xi32>
          %parallel_loop3A_442 = arith.addi %and3A_117, %parallel_loop3A_441 : vector<16xi32>
          %parallel_loop3A_443 = arith.select %parallel_loop3A_439, %parallel_loop3A_442, %and3A_117 : vector<16xi1>, vector<16xi32>
          %parallel_loop3A_444 = vector.shape_cast %parallel_loop3A_443 : vector<16xi32> to vector<16x1xi32>
          %parallel_loop3A_445 = vector.shape_cast %parallel_loop3A_444 : vector<16x1xi32> to vector<16xi32>
          %parallel_loop3A_446 = tpu.dynamic_gather %parallel_loop3A_349[%parallel_loop3A_445] in [0] : vector<16xf32>, vector<16xi32> -> vector<16xf32>
          scf.yield %parallel_loop3A_436, %parallel_loop3A_446 : vector<16xi32>, vector<16xf32>
        } {sc.loop_unroll_factor = 4 : i64, sc.parallel_access}
        %add3A_231 = arith.constant 64 : i32
        %add3A_232 = arith.addi %multiple_of3A_87, %add3A_231 : i32
        %iota3A_233 = tpu.iota {dimensions = array<i32: 0>} : vector<16xi32>
        %add3A_234 = vector.broadcast %add3A_232 : i32 to vector<16xi32>
        %add3A_235 = arith.addi %add3A_234, %iota3A_233 : vector<16xi32>
        %get3A_236 = arith.constant 64 : index
        %get3A_237 = tpu.vector_load %arg12[%get3A_236] {strides = array<i32>} : memref<128xi32, #tpu.memory_space<vmem>>, vector<16xi32>,
        %get3A_238 = arith.constant 64 : index
        %get3A_239 = tpu.vector_load %arg13[%get3A_238] {strides = array<i32>} : memref<128xf32, #tpu.memory_space<vmem>>, vector<16xf32>,
        %ge3A_240 = vector.broadcast %max3A : i32 to vector<16xi32>
        %ge3A_241 = arith.cmpi sge, %add3A_235, %ge3A_240 : vector<16xi32>
        %lt3A_242 = vector.broadcast %reduce_max3A_43 : i32 to vector<16xi32>
        %lt3A_243 = arith.cmpi slt, %add3A_235, %lt3A_242 : vector<16xi32>
        %and3A_244 = arith.andi %ge3A_241, %lt3A_243 : vector<16xi1>
        %jit3A_245 = arith.constant 0.000000e+00 : f32
        %broadcast_in_dim3A_246 = vector.broadcast %jit3A_245 : f32 to vector<16xf32>
        %select_n3A_247 = arith.select %and3A_244, %get3A_239, %broadcast_in_dim3A_246 : vector<16xi1>, vector<16xf32>
        %sub3A_248 = vector.broadcast %multiple_of3A : i32 to vector<16xi32>
        %sub3A_249 = arith.subi %get3A_237, %sub3A_248 : vector<16xi32>
        %jit3A_250 = arith.constant 0 : i32
        %jit3A_251 = arith.constant 399 : i32
        %max3A_252 = vector.broadcast %jit3A_250 : i32 to vector<16xi32>
        %max3A_253 = arith.maxsi %max3A_252, %sub3A_249 : vector<16xi32>
        %min3A_254 = vector.broadcast %jit3A_251 : i32 to vector<16xi32>
        %min3A_255 = arith.minsi %min3A_254, %max3A_253 : vector<16xi32>
        %parallel_loop3A_256 = arith.constant 0 : i32
        %parallel_loop3A_257 = arith.constant 16 : i32
        %parallel_loop3A_258 = arith.constant 1 : i32
        %parallel_loop3A_259:2 = scf.for %parallel_loop3A_347 = %parallel_loop3A_256 to %parallel_loop3A_257 step %parallel_loop3A_258 iter_args(%parallel_loop3A_348 = %min3A_255, %parallel_loop3A_349 = %select_n3A_247) -> (vector<16xi32>, vector<16xf32>)  : i32 {
          %parallel_loop3A_350 = vector.extract_strided_slice %parallel_loop3A_348 {offsets = [0], sizes = [1], strides = [1]} : vector<16xi32> to vector<1xi32>
          %parallel_loop3A_351 = vector.extract %parallel_loop3A_350[0] : i32 from vector<1xi32>
          %parallel_loop3A_352 = vector.extract_strided_slice %parallel_loop3A_349 {offsets = [0], sizes = [1], strides = [1]} : vector<16xf32> to vector<1xf32>
          %parallel_loop3A_353 = vector.extract %parallel_loop3A_352[0] : f32 from vector<1xf32>
          %parallel_loop3A_354 = vector.broadcast %parallel_loop3A_353 : f32 to vector<16xf32>
          %parallel_loop3A_355 = arith.constant 64 : i32
          %parallel_loop3A_356 = arith.addi %parallel_loop3A_355, %parallel_loop3A_347 : i32
          %parallel_loop3A_357 = arith.index_cast %parallel_loop3A_356 : i32 to index
          %parallel_loop3A_358 = arith.constant 0 : index
          %parallel_loop3A_359 = tpu.vector_load %arg14[%parallel_loop3A_357, %parallel_loop3A_358] {strides = array<i32>} : memref<128x128xf32, #tpu.memory_space<vmem>>, vector<16xf32>,
          %parallel_loop3A_360 = arith.mulf %parallel_loop3A_359, %parallel_loop3A_354 : vector<16xf32>
          %parallel_loop3A_361 = arith.index_cast %parallel_loop3A_351 : i32 to index
          %parallel_loop3A_362 = arith.constant 0 : index
          %parallel_loop3A_363 = tpu.vector_load %arg15[%parallel_loop3A_361, %parallel_loop3A_362] {strides = array<i32>} : memref<400x128xf32, #tpu.memory_space<vmem>>, vector<16xf32>,
          tpu.vector_store %arg15[%parallel_loop3A_361, %parallel_loop3A_362], %parallel_loop3A_360 {add = true, strides = array<i32>} : memref<400x128xf32, #tpu.memory_space<vmem>>, vector<16xf32>,
          %parallel_loop3A_364 = arith.constant 64 : i32
          %parallel_loop3A_365 = arith.addi %parallel_loop3A_364, %parallel_loop3A_347 : i32
          %parallel_loop3A_366 = arith.index_cast %parallel_loop3A_365 : i32 to index
          %parallel_loop3A_367 = arith.constant 16 : index
          %parallel_loop3A_368 = tpu.vector_load %arg14[%parallel_loop3A_366, %parallel_loop3A_367] {strides = array<i32>} : memref<128x128xf32, #tpu.memory_space<vmem>>, vector<16xf32>,
          %parallel_loop3A_369 = arith.mulf %parallel_loop3A_368, %parallel_loop3A_354 : vector<16xf32>
          %parallel_loop3A_370 = arith.index_cast %parallel_loop3A_351 : i32 to index
          %parallel_loop3A_371 = arith.constant 16 : index
          %parallel_loop3A_372 = tpu.vector_load %arg15[%parallel_loop3A_370, %parallel_loop3A_371] {strides = array<i32>} : memref<400x128xf32, #tpu.memory_space<vmem>>, vector<16xf32>,
          tpu.vector_store %arg15[%parallel_loop3A_370, %parallel_loop3A_371], %parallel_loop3A_369 {add = true, strides = array<i32>} : memref<400x128xf32, #tpu.memory_space<vmem>>, vector<16xf32>,
          %parallel_loop3A_373 = arith.constant 64 : i32
          %parallel_loop3A_374 = arith.addi %parallel_loop3A_373, %parallel_loop3A_347 : i32
          %parallel_loop3A_375 = arith.index_cast %parallel_loop3A_374 : i32 to index
          %parallel_loop3A_376 = arith.constant 32 : index
          %parallel_loop3A_377 = tpu.vector_load %arg14[%parallel_loop3A_375, %parallel_loop3A_376] {strides = array<i32>} : memref<128x128xf32, #tpu.memory_space<vmem>>, vector<16xf32>,
          %parallel_loop3A_378 = arith.mulf %parallel_loop3A_377, %parallel_loop3A_354 : vector<16xf32>
          %parallel_loop3A_379 = arith.index_cast %parallel_loop3A_351 : i32 to index
          %parallel_loop3A_380 = arith.constant 32 : index
          %parallel_loop3A_381 = tpu.vector_load %arg15[%parallel_loop3A_379, %parallel_loop3A_380] {strides = array<i32>} : memref<400x128xf32, #tpu.memory_space<vmem>>, vector<16xf32>,
          tpu.vector_store %arg15[%parallel_loop3A_379, %parallel_loop3A_380], %parallel_loop3A_378 {add = true, strides = array<i32>} : memref<400x128xf32, #tpu.memory_space<vmem>>, vector<16xf32>,
          %parallel_loop3A_382 = arith.constant 64 : i32
          %parallel_loop3A_383 = arith.addi %parallel_loop3A_382, %parallel_loop3A_347 : i32
          %parallel_loop3A_384 = arith.index_cast %parallel_loop3A_383 : i32 to index
          %parallel_loop3A_385 = arith.constant 48 : index
          %parallel_loop3A_386 = tpu.vector_load %arg14[%parallel_loop3A_384, %parallel_loop3A_385] {strides = array<i32>} : memref<128x128xf32, #tpu.memory_space<vmem>>, vector<16xf32>,
          %parallel_loop3A_387 = arith.mulf %parallel_loop3A_386, %parallel_loop3A_354 : vector<16xf32>
          %parallel_loop3A_388 = arith.index_cast %parallel_loop3A_351 : i32 to index
          %parallel_loop3A_389 = arith.constant 48 : index
          %parallel_loop3A_390 = tpu.vector_load %arg15[%parallel_loop3A_388, %parallel_loop3A_389] {strides = array<i32>} : memref<400x128xf32, #tpu.memory_space<vmem>>, vector<16xf32>,
          tpu.vector_store %arg15[%parallel_loop3A_388, %parallel_loop3A_389], %parallel_loop3A_387 {add = true, strides = array<i32>} : memref<400x128xf32, #tpu.memory_space<vmem>>, vector<16xf32>,
          %parallel_loop3A_391 = arith.constant 64 : i32
          %parallel_loop3A_392 = arith.addi %parallel_loop3A_391, %parallel_loop3A_347 : i32
          %parallel_loop3A_393 = arith.index_cast %parallel_loop3A_392 : i32 to index
          %parallel_loop3A_394 = arith.constant 64 : index
          %parallel_loop3A_395 = tpu.vector_load %arg14[%parallel_loop3A_393, %parallel_loop3A_394] {strides = array<i32>} : memref<128x128xf32, #tpu.memory_space<vmem>>, vector<16xf32>,
          %parallel_loop3A_396 = arith.mulf %parallel_loop3A_395, %parallel_loop3A_354 : vector<16xf32>
          %parallel_loop3A_397 = arith.index_cast %parallel_loop3A_351 : i32 to index
          %parallel_loop3A_398 = arith.constant 64 : index
          %parallel_loop3A_399 = tpu.vector_load %arg15[%parallel_loop3A_397, %parallel_loop3A_398] {strides = array<i32>} : memref<400x128xf32, #tpu.memory_space<vmem>>, vector<16xf32>,
          tpu.vector_store %arg15[%parallel_loop3A_397, %parallel_loop3A_398], %parallel_loop3A_396 {add = true, strides = array<i32>} : memref<400x128xf32, #tpu.memory_space<vmem>>, vector<16xf32>,
          %parallel_loop3A_400 = arith.constant 64 : i32
          %parallel_loop3A_401 = arith.addi %parallel_loop3A_400, %parallel_loop3A_347 : i32
          %parallel_loop3A_402 = arith.index_cast %parallel_loop3A_401 : i32 to index
          %parallel_loop3A_403 = arith.constant 80 : index
          %parallel_loop3A_404 = tpu.vector_load %arg14[%parallel_loop3A_402, %parallel_loop3A_403] {strides = array<i32>} : memref<128x128xf32, #tpu.memory_space<vmem>>, vector<16xf32>,
          %parallel_loop3A_405 = arith.mulf %parallel_loop3A_404, %parallel_loop3A_354 : vector<16xf32>
          %parallel_loop3A_406 = arith.index_cast %parallel_loop3A_351 : i32 to index
          %parallel_loop3A_407 = arith.constant 80 : index
          %parallel_loop3A_408 = tpu.vector_load %arg15[%parallel_loop3A_406, %parallel_loop3A_407] {strides = array<i32>} : memref<400x128xf32, #tpu.memory_space<vmem>>, vector<16xf32>,
          tpu.vector_store %arg15[%parallel_loop3A_406, %parallel_loop3A_407], %parallel_loop3A_405 {add = true, strides = array<i32>} : memref<400x128xf32, #tpu.memory_space<vmem>>, vector<16xf32>,
          %parallel_loop3A_409 = arith.constant 64 : i32
          %parallel_loop3A_410 = arith.addi %parallel_loop3A_409, %parallel_loop3A_347 : i32
          %parallel_loop3A_411 = arith.index_cast %parallel_loop3A_410 : i32 to index
          %parallel_loop3A_412 = arith.constant 96 : index
          %parallel_loop3A_413 = tpu.vector_load %arg14[%parallel_loop3A_411, %parallel_loop3A_412] {strides = array<i32>} : memref<128x128xf32, #tpu.memory_space<vmem>>, vector<16xf32>,
          %parallel_loop3A_414 = arith.mulf %parallel_loop3A_413, %parallel_loop3A_354 : vector<16xf32>
          %parallel_loop3A_415 = arith.index_cast %parallel_loop3A_351 : i32 to index
          %parallel_loop3A_416 = arith.constant 96 : index
          %parallel_loop3A_417 = tpu.vector_load %arg15[%parallel_loop3A_415, %parallel_loop3A_416] {strides = array<i32>} : memref<400x128xf32, #tpu.memory_space<vmem>>, vector<16xf32>,
          tpu.vector_store %arg15[%parallel_loop3A_415, %parallel_loop3A_416], %parallel_loop3A_414 {add = true, strides = array<i32>} : memref<400x128xf32, #tpu.memory_space<vmem>>, vector<16xf32>,
          %parallel_loop3A_418 = arith.constant 64 : i32
          %parallel_loop3A_419 = arith.addi %parallel_loop3A_418, %parallel_loop3A_347 : i32
          %parallel_loop3A_420 = arith.index_cast %parallel_loop3A_419 : i32 to index
          %parallel_loop3A_421 = arith.constant 112 : index
          %parallel_loop3A_422 = tpu.vector_load %arg14[%parallel_loop3A_420, %parallel_loop3A_421] {strides = array<i32>} : memref<128x128xf32, #tpu.memory_space<vmem>>, vector<16xf32>,
          %parallel_loop3A_423 = arith.mulf %parallel_loop3A_422, %parallel_loop3A_354 : vector<16xf32>
          %parallel_loop3A_424 = arith.index_cast %parallel_loop3A_351 : i32 to index
          %parallel_loop3A_425 = arith.constant 112 : index
          %parallel_loop3A_426 = tpu.vector_load %arg15[%parallel_loop3A_424, %parallel_loop3A_425] {strides = array<i32>} : memref<400x128xf32, #tpu.memory_space<vmem>>, vector<16xf32>,
          tpu.vector_store %arg15[%parallel_loop3A_424, %parallel_loop3A_425], %parallel_loop3A_423 {add = true, strides = array<i32>} : memref<400x128xf32, #tpu.memory_space<vmem>>, vector<16xf32>,
          %parallel_loop3A_427 = arith.constant 0 : i32
          %parallel_loop3A_428 = vector.broadcast %parallel_loop3A_427 : i32 to vector<16xi32>
          %parallel_loop3A_429 = arith.cmpi slt, %and3A_117, %parallel_loop3A_428 : vector<16xi32>
          %parallel_loop3A_430 = arith.constant 16 : i32
          %parallel_loop3A_431 = vector.broadcast %parallel_loop3A_430 : i32 to vector<16xi32>
          %parallel_loop3A_432 = arith.addi %and3A_117, %parallel_loop3A_431 : vector<16xi32>
          %parallel_loop3A_433 = arith.select %parallel_loop3A_429, %parallel_loop3A_432, %and3A_117 : vector<16xi1>, vector<16xi32>
          %parallel_loop3A_434 = vector.shape_cast %parallel_loop3A_433 : vector<16xi32> to vector<16x1xi32>
          %parallel_loop3A_435 = vector.shape_cast %parallel_loop3A_434 : vector<16x1xi32> to vector<16xi32>
          %parallel_loop3A_436 = tpu.dynamic_gather %parallel_loop3A_348[%parallel_loop3A_435] in [0] : vector<16xi32>, vector<16xi32> -> vector<16xi32>
          %parallel_loop3A_437 = arith.constant 0 : i32
          %parallel_loop3A_438 = vector.broadcast %parallel_loop3A_437 : i32 to vector<16xi32>
          %parallel_loop3A_439 = arith.cmpi slt, %and3A_117, %parallel_loop3A_438 : vector<16xi32>
          %parallel_loop3A_440 = arith.constant 16 : i32
          %parallel_loop3A_441 = vector.broadcast %parallel_loop3A_440 : i32 to vector<16xi32>
          %parallel_loop3A_442 = arith.addi %and3A_117, %parallel_loop3A_441 : vector<16xi32>
          %parallel_loop3A_443 = arith.select %parallel_loop3A_439, %parallel_loop3A_442, %and3A_117 : vector<16xi1>, vector<16xi32>
          %parallel_loop3A_444 = vector.shape_cast %parallel_loop3A_443 : vector<16xi32> to vector<16x1xi32>
          %parallel_loop3A_445 = vector.shape_cast %parallel_loop3A_444 : vector<16x1xi32> to vector<16xi32>
          %parallel_loop3A_446 = tpu.dynamic_gather %parallel_loop3A_349[%parallel_loop3A_445] in [0] : vector<16xf32>, vector<16xi32> -> vector<16xf32>
          scf.yield %parallel_loop3A_436, %parallel_loop3A_446 : vector<16xi32>, vector<16xf32>
        } {sc.loop_unroll_factor = 4 : i64, sc.parallel_access}
        %add3A_260 = arith.constant 80 : i32
        %add3A_261 = arith.addi %multiple_of3A_87, %add3A_260 : i32
        %iota3A_262 = tpu.iota {dimensions = array<i32: 0>} : vector<16xi32>
        %add3A_263 = vector.broadcast %add3A_261 : i32 to vector<16xi32>
        %add3A_264 = arith.addi %add3A_263, %iota3A_262 : vector<16xi32>
        %get3A_265 = arith.constant 80 : index
        %get3A_266 = tpu.vector_load %arg12[%get3A_265] {strides = array<i32>} : memref<128xi32, #tpu.memory_space<vmem>>, vector<16xi32>,
        %get3A_267 = arith.constant 80 : index
        %get3A_268 = tpu.vector_load %arg13[%get3A_267] {strides = array<i32>} : memref<128xf32, #tpu.memory_space<vmem>>, vector<16xf32>,
        %ge3A_269 = vector.broadcast %max3A : i32 to vector<16xi32>
        %ge3A_270 = arith.cmpi sge, %add3A_264, %ge3A_269 : vector<16xi32>
        %lt3A_271 = vector.broadcast %reduce_max3A_43 : i32 to vector<16xi32>
        %lt3A_272 = arith.cmpi slt, %add3A_264, %lt3A_271 : vector<16xi32>
        %and3A_273 = arith.andi %ge3A_270, %lt3A_272 : vector<16xi1>
        %jit3A_274 = arith.constant 0.000000e+00 : f32
        %broadcast_in_dim3A_275 = vector.broadcast %jit3A_274 : f32 to vector<16xf32>
        %select_n3A_276 = arith.select %and3A_273, %get3A_268, %broadcast_in_dim3A_275 : vector<16xi1>, vector<16xf32>
        %sub3A_277 = vector.broadcast %multiple_of3A : i32 to vector<16xi32>
        %sub3A_278 = arith.subi %get3A_266, %sub3A_277 : vector<16xi32>
        %jit3A_279 = arith.constant 0 : i32
        %jit3A_280 = arith.constant 399 : i32
        %max3A_281 = vector.broadcast %jit3A_279 : i32 to vector<16xi32>
        %max3A_282 = arith.maxsi %max3A_281, %sub3A_278 : vector<16xi32>
        %min3A_283 = vector.broadcast %jit3A_280 : i32 to vector<16xi32>
        %min3A_284 = arith.minsi %min3A_283, %max3A_282 : vector<16xi32>
        %parallel_loop3A_285 = arith.constant 0 : i32
        %parallel_loop3A_286 = arith.constant 16 : i32
        %parallel_loop3A_287 = arith.constant 1 : i32
        %parallel_loop3A_288:2 = scf.for %parallel_loop3A_347 = %parallel_loop3A_285 to %parallel_loop3A_286 step %parallel_loop3A_287 iter_args(%parallel_loop3A_348 = %min3A_284, %parallel_loop3A_349 = %select_n3A_276) -> (vector<16xi32>, vector<16xf32>)  : i32 {
          %parallel_loop3A_350 = vector.extract_strided_slice %parallel_loop3A_348 {offsets = [0], sizes = [1], strides = [1]} : vector<16xi32> to vector<1xi32>
          %parallel_loop3A_351 = vector.extract %parallel_loop3A_350[0] : i32 from vector<1xi32>
          %parallel_loop3A_352 = vector.extract_strided_slice %parallel_loop3A_349 {offsets = [0], sizes = [1], strides = [1]} : vector<16xf32> to vector<1xf32>
          %parallel_loop3A_353 = vector.extract %parallel_loop3A_352[0] : f32 from vector<1xf32>
          %parallel_loop3A_354 = vector.broadcast %parallel_loop3A_353 : f32 to vector<16xf32>
          %parallel_loop3A_355 = arith.constant 80 : i32
          %parallel_loop3A_356 = arith.addi %parallel_loop3A_355, %parallel_loop3A_347 : i32
          %parallel_loop3A_357 = arith.index_cast %parallel_loop3A_356 : i32 to index
          %parallel_loop3A_358 = arith.constant 0 : index
          %parallel_loop3A_359 = tpu.vector_load %arg14[%parallel_loop3A_357, %parallel_loop3A_358] {strides = array<i32>} : memref<128x128xf32, #tpu.memory_space<vmem>>, vector<16xf32>,
          %parallel_loop3A_360 = arith.mulf %parallel_loop3A_359, %parallel_loop3A_354 : vector<16xf32>
          %parallel_loop3A_361 = arith.index_cast %parallel_loop3A_351 : i32 to index
          %parallel_loop3A_362 = arith.constant 0 : index
          %parallel_loop3A_363 = tpu.vector_load %arg15[%parallel_loop3A_361, %parallel_loop3A_362] {strides = array<i32>} : memref<400x128xf32, #tpu.memory_space<vmem>>, vector<16xf32>,
          tpu.vector_store %arg15[%parallel_loop3A_361, %parallel_loop3A_362], %parallel_loop3A_360 {add = true, strides = array<i32>} : memref<400x128xf32, #tpu.memory_space<vmem>>, vector<16xf32>,
          %parallel_loop3A_364 = arith.constant 80 : i32
          %parallel_loop3A_365 = arith.addi %parallel_loop3A_364, %parallel_loop3A_347 : i32
          %parallel_loop3A_366 = arith.index_cast %parallel_loop3A_365 : i32 to index
          %parallel_loop3A_367 = arith.constant 16 : index
          %parallel_loop3A_368 = tpu.vector_load %arg14[%parallel_loop3A_366, %parallel_loop3A_367] {strides = array<i32>} : memref<128x128xf32, #tpu.memory_space<vmem>>, vector<16xf32>,
          %parallel_loop3A_369 = arith.mulf %parallel_loop3A_368, %parallel_loop3A_354 : vector<16xf32>
          %parallel_loop3A_370 = arith.index_cast %parallel_loop3A_351 : i32 to index
          %parallel_loop3A_371 = arith.constant 16 : index
          %parallel_loop3A_372 = tpu.vector_load %arg15[%parallel_loop3A_370, %parallel_loop3A_371] {strides = array<i32>} : memref<400x128xf32, #tpu.memory_space<vmem>>, vector<16xf32>,
          tpu.vector_store %arg15[%parallel_loop3A_370, %parallel_loop3A_371], %parallel_loop3A_369 {add = true, strides = array<i32>} : memref<400x128xf32, #tpu.memory_space<vmem>>, vector<16xf32>,
          %parallel_loop3A_373 = arith.constant 80 : i32
          %parallel_loop3A_374 = arith.addi %parallel_loop3A_373, %parallel_loop3A_347 : i32
          %parallel_loop3A_375 = arith.index_cast %parallel_loop3A_374 : i32 to index
          %parallel_loop3A_376 = arith.constant 32 : index
          %parallel_loop3A_377 = tpu.vector_load %arg14[%parallel_loop3A_375, %parallel_loop3A_376] {strides = array<i32>} : memref<128x128xf32, #tpu.memory_space<vmem>>, vector<16xf32>,
          %parallel_loop3A_378 = arith.mulf %parallel_loop3A_377, %parallel_loop3A_354 : vector<16xf32>
          %parallel_loop3A_379 = arith.index_cast %parallel_loop3A_351 : i32 to index
          %parallel_loop3A_380 = arith.constant 32 : index
          %parallel_loop3A_381 = tpu.vector_load %arg15[%parallel_loop3A_379, %parallel_loop3A_380] {strides = array<i32>} : memref<400x128xf32, #tpu.memory_space<vmem>>, vector<16xf32>,
          tpu.vector_store %arg15[%parallel_loop3A_379, %parallel_loop3A_380], %parallel_loop3A_378 {add = true, strides = array<i32>} : memref<400x128xf32, #tpu.memory_space<vmem>>, vector<16xf32>,
          %parallel_loop3A_382 = arith.constant 80 : i32
          %parallel_loop3A_383 = arith.addi %parallel_loop3A_382, %parallel_loop3A_347 : i32
          %parallel_loop3A_384 = arith.index_cast %parallel_loop3A_383 : i32 to index
          %parallel_loop3A_385 = arith.constant 48 : index
          %parallel_loop3A_386 = tpu.vector_load %arg14[%parallel_loop3A_384, %parallel_loop3A_385] {strides = array<i32>} : memref<128x128xf32, #tpu.memory_space<vmem>>, vector<16xf32>,
          %parallel_loop3A_387 = arith.mulf %parallel_loop3A_386, %parallel_loop3A_354 : vector<16xf32>
          %parallel_loop3A_388 = arith.index_cast %parallel_loop3A_351 : i32 to index
          %parallel_loop3A_389 = arith.constant 48 : index
          %parallel_loop3A_390 = tpu.vector_load %arg15[%parallel_loop3A_388, %parallel_loop3A_389] {strides = array<i32>} : memref<400x128xf32, #tpu.memory_space<vmem>>, vector<16xf32>,
          tpu.vector_store %arg15[%parallel_loop3A_388, %parallel_loop3A_389], %parallel_loop3A_387 {add = true, strides = array<i32>} : memref<400x128xf32, #tpu.memory_space<vmem>>, vector<16xf32>,
          %parallel_loop3A_391 = arith.constant 80 : i32
          %parallel_loop3A_392 = arith.addi %parallel_loop3A_391, %parallel_loop3A_347 : i32
          %parallel_loop3A_393 = arith.index_cast %parallel_loop3A_392 : i32 to index
          %parallel_loop3A_394 = arith.constant 64 : index
          %parallel_loop3A_395 = tpu.vector_load %arg14[%parallel_loop3A_393, %parallel_loop3A_394] {strides = array<i32>} : memref<128x128xf32, #tpu.memory_space<vmem>>, vector<16xf32>,
          %parallel_loop3A_396 = arith.mulf %parallel_loop3A_395, %parallel_loop3A_354 : vector<16xf32>
          %parallel_loop3A_397 = arith.index_cast %parallel_loop3A_351 : i32 to index
          %parallel_loop3A_398 = arith.constant 64 : index
          %parallel_loop3A_399 = tpu.vector_load %arg15[%parallel_loop3A_397, %parallel_loop3A_398] {strides = array<i32>} : memref<400x128xf32, #tpu.memory_space<vmem>>, vector<16xf32>,
          tpu.vector_store %arg15[%parallel_loop3A_397, %parallel_loop3A_398], %parallel_loop3A_396 {add = true, strides = array<i32>} : memref<400x128xf32, #tpu.memory_space<vmem>>, vector<16xf32>,
          %parallel_loop3A_400 = arith.constant 80 : i32
          %parallel_loop3A_401 = arith.addi %parallel_loop3A_400, %parallel_loop3A_347 : i32
          %parallel_loop3A_402 = arith.index_cast %parallel_loop3A_401 : i32 to index
          %parallel_loop3A_403 = arith.constant 80 : index
          %parallel_loop3A_404 = tpu.vector_load %arg14[%parallel_loop3A_402, %parallel_loop3A_403] {strides = array<i32>} : memref<128x128xf32, #tpu.memory_space<vmem>>, vector<16xf32>,
          %parallel_loop3A_405 = arith.mulf %parallel_loop3A_404, %parallel_loop3A_354 : vector<16xf32>
          %parallel_loop3A_406 = arith.index_cast %parallel_loop3A_351 : i32 to index
          %parallel_loop3A_407 = arith.constant 80 : index
          %parallel_loop3A_408 = tpu.vector_load %arg15[%parallel_loop3A_406, %parallel_loop3A_407] {strides = array<i32>} : memref<400x128xf32, #tpu.memory_space<vmem>>, vector<16xf32>,
          tpu.vector_store %arg15[%parallel_loop3A_406, %parallel_loop3A_407], %parallel_loop3A_405 {add = true, strides = array<i32>} : memref<400x128xf32, #tpu.memory_space<vmem>>, vector<16xf32>,
          %parallel_loop3A_409 = arith.constant 80 : i32
          %parallel_loop3A_410 = arith.addi %parallel_loop3A_409, %parallel_loop3A_347 : i32
          %parallel_loop3A_411 = arith.index_cast %parallel_loop3A_410 : i32 to index
          %parallel_loop3A_412 = arith.constant 96 : index
          %parallel_loop3A_413 = tpu.vector_load %arg14[%parallel_loop3A_411, %parallel_loop3A_412] {strides = array<i32>} : memref<128x128xf32, #tpu.memory_space<vmem>>, vector<16xf32>,
          %parallel_loop3A_414 = arith.mulf %parallel_loop3A_413, %parallel_loop3A_354 : vector<16xf32>
          %parallel_loop3A_415 = arith.index_cast %parallel_loop3A_351 : i32 to index
          %parallel_loop3A_416 = arith.constant 96 : index
          %parallel_loop3A_417 = tpu.vector_load %arg15[%parallel_loop3A_415, %parallel_loop3A_416] {strides = array<i32>} : memref<400x128xf32, #tpu.memory_space<vmem>>, vector<16xf32>,
          tpu.vector_store %arg15[%parallel_loop3A_415, %parallel_loop3A_416], %parallel_loop3A_414 {add = true, strides = array<i32>} : memref<400x128xf32, #tpu.memory_space<vmem>>, vector<16xf32>,
          %parallel_loop3A_418 = arith.constant 80 : i32
          %parallel_loop3A_419 = arith.addi %parallel_loop3A_418, %parallel_loop3A_347 : i32
          %parallel_loop3A_420 = arith.index_cast %parallel_loop3A_419 : i32 to index
          %parallel_loop3A_421 = arith.constant 112 : index
          %parallel_loop3A_422 = tpu.vector_load %arg14[%parallel_loop3A_420, %parallel_loop3A_421] {strides = array<i32>} : memref<128x128xf32, #tpu.memory_space<vmem>>, vector<16xf32>,
          %parallel_loop3A_423 = arith.mulf %parallel_loop3A_422, %parallel_loop3A_354 : vector<16xf32>
          %parallel_loop3A_424 = arith.index_cast %parallel_loop3A_351 : i32 to index
          %parallel_loop3A_425 = arith.constant 112 : index
          %parallel_loop3A_426 = tpu.vector_load %arg15[%parallel_loop3A_424, %parallel_loop3A_425] {strides = array<i32>} : memref<400x128xf32, #tpu.memory_space<vmem>>, vector<16xf32>,
          tpu.vector_store %arg15[%parallel_loop3A_424, %parallel_loop3A_425], %parallel_loop3A_423 {add = true, strides = array<i32>} : memref<400x128xf32, #tpu.memory_space<vmem>>, vector<16xf32>,
          %parallel_loop3A_427 = arith.constant 0 : i32
          %parallel_loop3A_428 = vector.broadcast %parallel_loop3A_427 : i32 to vector<16xi32>
          %parallel_loop3A_429 = arith.cmpi slt, %and3A_117, %parallel_loop3A_428 : vector<16xi32>
          %parallel_loop3A_430 = arith.constant 16 : i32
          %parallel_loop3A_431 = vector.broadcast %parallel_loop3A_430 : i32 to vector<16xi32>
          %parallel_loop3A_432 = arith.addi %and3A_117, %parallel_loop3A_431 : vector<16xi32>
          %parallel_loop3A_433 = arith.select %parallel_loop3A_429, %parallel_loop3A_432, %and3A_117 : vector<16xi1>, vector<16xi32>
          %parallel_loop3A_434 = vector.shape_cast %parallel_loop3A_433 : vector<16xi32> to vector<16x1xi32>
          %parallel_loop3A_435 = vector.shape_cast %parallel_loop3A_434 : vector<16x1xi32> to vector<16xi32>
          %parallel_loop3A_436 = tpu.dynamic_gather %parallel_loop3A_348[%parallel_loop3A_435] in [0] : vector<16xi32>, vector<16xi32> -> vector<16xi32>
          %parallel_loop3A_437 = arith.constant 0 : i32
          %parallel_loop3A_438 = vector.broadcast %parallel_loop3A_437 : i32 to vector<16xi32>
          %parallel_loop3A_439 = arith.cmpi slt, %and3A_117, %parallel_loop3A_438 : vector<16xi32>
          %parallel_loop3A_440 = arith.constant 16 : i32
          %parallel_loop3A_441 = vector.broadcast %parallel_loop3A_440 : i32 to vector<16xi32>
          %parallel_loop3A_442 = arith.addi %and3A_117, %parallel_loop3A_441 : vector<16xi32>
          %parallel_loop3A_443 = arith.select %parallel_loop3A_439, %parallel_loop3A_442, %and3A_117 : vector<16xi1>, vector<16xi32>
          %parallel_loop3A_444 = vector.shape_cast %parallel_loop3A_443 : vector<16xi32> to vector<16x1xi32>
          %parallel_loop3A_445 = vector.shape_cast %parallel_loop3A_444 : vector<16x1xi32> to vector<16xi32>
          %parallel_loop3A_446 = tpu.dynamic_gather %parallel_loop3A_349[%parallel_loop3A_445] in [0] : vector<16xf32>, vector<16xi32> -> vector<16xf32>
          scf.yield %parallel_loop3A_436, %parallel_loop3A_446 : vector<16xi32>, vector<16xf32>
        } {sc.loop_unroll_factor = 4 : i64, sc.parallel_access}
        %add3A_289 = arith.constant 96 : i32
        %add3A_290 = arith.addi %multiple_of3A_87, %add3A_289 : i32
        %iota3A_291 = tpu.iota {dimensions = array<i32: 0>} : vector<16xi32>
        %add3A_292 = vector.broadcast %add3A_290 : i32 to vector<16xi32>
        %add3A_293 = arith.addi %add3A_292, %iota3A_291 : vector<16xi32>
        %get3A_294 = arith.constant 96 : index
        %get3A_295 = tpu.vector_load %arg12[%get3A_294] {strides = array<i32>} : memref<128xi32, #tpu.memory_space<vmem>>, vector<16xi32>,
        %get3A_296 = arith.constant 96 : index
        %get3A_297 = tpu.vector_load %arg13[%get3A_296] {strides = array<i32>} : memref<128xf32, #tpu.memory_space<vmem>>, vector<16xf32>,
        %ge3A_298 = vector.broadcast %max3A : i32 to vector<16xi32>
        %ge3A_299 = arith.cmpi sge, %add3A_293, %ge3A_298 : vector<16xi32>
        %lt3A_300 = vector.broadcast %reduce_max3A_43 : i32 to vector<16xi32>
        %lt3A_301 = arith.cmpi slt, %add3A_293, %lt3A_300 : vector<16xi32>
        %and3A_302 = arith.andi %ge3A_299, %lt3A_301 : vector<16xi1>
        %jit3A_303 = arith.constant 0.000000e+00 : f32
        %broadcast_in_dim3A_304 = vector.broadcast %jit3A_303 : f32 to vector<16xf32>
        %select_n3A_305 = arith.select %and3A_302, %get3A_297, %broadcast_in_dim3A_304 : vector<16xi1>, vector<16xf32>
        %sub3A_306 = vector.broadcast %multiple_of3A : i32 to vector<16xi32>
        %sub3A_307 = arith.subi %get3A_295, %sub3A_306 : vector<16xi32>
        %jit3A_308 = arith.constant 0 : i32
        %jit3A_309 = arith.constant 399 : i32
        %max3A_310 = vector.broadcast %jit3A_308 : i32 to vector<16xi32>
        %max3A_311 = arith.maxsi %max3A_310, %sub3A_307 : vector<16xi32>
        %min3A_312 = vector.broadcast %jit3A_309 : i32 to vector<16xi32>
        %min3A_313 = arith.minsi %min3A_312, %max3A_311 : vector<16xi32>
        %parallel_loop3A_314 = arith.constant 0 : i32
        %parallel_loop3A_315 = arith.constant 16 : i32
        %parallel_loop3A_316 = arith.constant 1 : i32
        %parallel_loop3A_317:2 = scf.for %parallel_loop3A_347 = %parallel_loop3A_314 to %parallel_loop3A_315 step %parallel_loop3A_316 iter_args(%parallel_loop3A_348 = %min3A_313, %parallel_loop3A_349 = %select_n3A_305) -> (vector<16xi32>, vector<16xf32>)  : i32 {
          %parallel_loop3A_350 = vector.extract_strided_slice %parallel_loop3A_348 {offsets = [0], sizes = [1], strides = [1]} : vector<16xi32> to vector<1xi32>
          %parallel_loop3A_351 = vector.extract %parallel_loop3A_350[0] : i32 from vector<1xi32>
          %parallel_loop3A_352 = vector.extract_strided_slice %parallel_loop3A_349 {offsets = [0], sizes = [1], strides = [1]} : vector<16xf32> to vector<1xf32>
          %parallel_loop3A_353 = vector.extract %parallel_loop3A_352[0] : f32 from vector<1xf32>
          %parallel_loop3A_354 = vector.broadcast %parallel_loop3A_353 : f32 to vector<16xf32>
          %parallel_loop3A_355 = arith.constant 96 : i32
          %parallel_loop3A_356 = arith.addi %parallel_loop3A_355, %parallel_loop3A_347 : i32
          %parallel_loop3A_357 = arith.index_cast %parallel_loop3A_356 : i32 to index
          %parallel_loop3A_358 = arith.constant 0 : index
          %parallel_loop3A_359 = tpu.vector_load %arg14[%parallel_loop3A_357, %parallel_loop3A_358] {strides = array<i32>} : memref<128x128xf32, #tpu.memory_space<vmem>>, vector<16xf32>,
          %parallel_loop3A_360 = arith.mulf %parallel_loop3A_359, %parallel_loop3A_354 : vector<16xf32>
          %parallel_loop3A_361 = arith.index_cast %parallel_loop3A_351 : i32 to index
          %parallel_loop3A_362 = arith.constant 0 : index
          %parallel_loop3A_363 = tpu.vector_load %arg15[%parallel_loop3A_361, %parallel_loop3A_362] {strides = array<i32>} : memref<400x128xf32, #tpu.memory_space<vmem>>, vector<16xf32>,
          tpu.vector_store %arg15[%parallel_loop3A_361, %parallel_loop3A_362], %parallel_loop3A_360 {add = true, strides = array<i32>} : memref<400x128xf32, #tpu.memory_space<vmem>>, vector<16xf32>,
          %parallel_loop3A_364 = arith.constant 96 : i32
          %parallel_loop3A_365 = arith.addi %parallel_loop3A_364, %parallel_loop3A_347 : i32
          %parallel_loop3A_366 = arith.index_cast %parallel_loop3A_365 : i32 to index
          %parallel_loop3A_367 = arith.constant 16 : index
          %parallel_loop3A_368 = tpu.vector_load %arg14[%parallel_loop3A_366, %parallel_loop3A_367] {strides = array<i32>} : memref<128x128xf32, #tpu.memory_space<vmem>>, vector<16xf32>,
          %parallel_loop3A_369 = arith.mulf %parallel_loop3A_368, %parallel_loop3A_354 : vector<16xf32>
          %parallel_loop3A_370 = arith.index_cast %parallel_loop3A_351 : i32 to index
          %parallel_loop3A_371 = arith.constant 16 : index
          %parallel_loop3A_372 = tpu.vector_load %arg15[%parallel_loop3A_370, %parallel_loop3A_371] {strides = array<i32>} : memref<400x128xf32, #tpu.memory_space<vmem>>, vector<16xf32>,
          tpu.vector_store %arg15[%parallel_loop3A_370, %parallel_loop3A_371], %parallel_loop3A_369 {add = true, strides = array<i32>} : memref<400x128xf32, #tpu.memory_space<vmem>>, vector<16xf32>,
          %parallel_loop3A_373 = arith.constant 96 : i32
          %parallel_loop3A_374 = arith.addi %parallel_loop3A_373, %parallel_loop3A_347 : i32
          %parallel_loop3A_375 = arith.index_cast %parallel_loop3A_374 : i32 to index
          %parallel_loop3A_376 = arith.constant 32 : index
          %parallel_loop3A_377 = tpu.vector_load %arg14[%parallel_loop3A_375, %parallel_loop3A_376] {strides = array<i32>} : memref<128x128xf32, #tpu.memory_space<vmem>>, vector<16xf32>,
          %parallel_loop3A_378 = arith.mulf %parallel_loop3A_377, %parallel_loop3A_354 : vector<16xf32>
          %parallel_loop3A_379 = arith.index_cast %parallel_loop3A_351 : i32 to index
          %parallel_loop3A_380 = arith.constant 32 : index
          %parallel_loop3A_381 = tpu.vector_load %arg15[%parallel_loop3A_379, %parallel_loop3A_380] {strides = array<i32>} : memref<400x128xf32, #tpu.memory_space<vmem>>, vector<16xf32>,
          tpu.vector_store %arg15[%parallel_loop3A_379, %parallel_loop3A_380], %parallel_loop3A_378 {add = true, strides = array<i32>} : memref<400x128xf32, #tpu.memory_space<vmem>>, vector<16xf32>,
          %parallel_loop3A_382 = arith.constant 96 : i32
          %parallel_loop3A_383 = arith.addi %parallel_loop3A_382, %parallel_loop3A_347 : i32
          %parallel_loop3A_384 = arith.index_cast %parallel_loop3A_383 : i32 to index
          %parallel_loop3A_385 = arith.constant 48 : index
          %parallel_loop3A_386 = tpu.vector_load %arg14[%parallel_loop3A_384, %parallel_loop3A_385] {strides = array<i32>} : memref<128x128xf32, #tpu.memory_space<vmem>>, vector<16xf32>,
          %parallel_loop3A_387 = arith.mulf %parallel_loop3A_386, %parallel_loop3A_354 : vector<16xf32>
          %parallel_loop3A_388 = arith.index_cast %parallel_loop3A_351 : i32 to index
          %parallel_loop3A_389 = arith.constant 48 : index
          %parallel_loop3A_390 = tpu.vector_load %arg15[%parallel_loop3A_388, %parallel_loop3A_389] {strides = array<i32>} : memref<400x128xf32, #tpu.memory_space<vmem>>, vector<16xf32>,
          tpu.vector_store %arg15[%parallel_loop3A_388, %parallel_loop3A_389], %parallel_loop3A_387 {add = true, strides = array<i32>} : memref<400x128xf32, #tpu.memory_space<vmem>>, vector<16xf32>,
          %parallel_loop3A_391 = arith.constant 96 : i32
          %parallel_loop3A_392 = arith.addi %parallel_loop3A_391, %parallel_loop3A_347 : i32
          %parallel_loop3A_393 = arith.index_cast %parallel_loop3A_392 : i32 to index
          %parallel_loop3A_394 = arith.constant 64 : index
          %parallel_loop3A_395 = tpu.vector_load %arg14[%parallel_loop3A_393, %parallel_loop3A_394] {strides = array<i32>} : memref<128x128xf32, #tpu.memory_space<vmem>>, vector<16xf32>,
          %parallel_loop3A_396 = arith.mulf %parallel_loop3A_395, %parallel_loop3A_354 : vector<16xf32>
          %parallel_loop3A_397 = arith.index_cast %parallel_loop3A_351 : i32 to index
          %parallel_loop3A_398 = arith.constant 64 : index
          %parallel_loop3A_399 = tpu.vector_load %arg15[%parallel_loop3A_397, %parallel_loop3A_398] {strides = array<i32>} : memref<400x128xf32, #tpu.memory_space<vmem>>, vector<16xf32>,
          tpu.vector_store %arg15[%parallel_loop3A_397, %parallel_loop3A_398], %parallel_loop3A_396 {add = true, strides = array<i32>} : memref<400x128xf32, #tpu.memory_space<vmem>>, vector<16xf32>,
          %parallel_loop3A_400 = arith.constant 96 : i32
          %parallel_loop3A_401 = arith.addi %parallel_loop3A_400, %parallel_loop3A_347 : i32
          %parallel_loop3A_402 = arith.index_cast %parallel_loop3A_401 : i32 to index
          %parallel_loop3A_403 = arith.constant 80 : index
          %parallel_loop3A_404 = tpu.vector_load %arg14[%parallel_loop3A_402, %parallel_loop3A_403] {strides = array<i32>} : memref<128x128xf32, #tpu.memory_space<vmem>>, vector<16xf32>,
          %parallel_loop3A_405 = arith.mulf %parallel_loop3A_404, %parallel_loop3A_354 : vector<16xf32>
          %parallel_loop3A_406 = arith.index_cast %parallel_loop3A_351 : i32 to index
          %parallel_loop3A_407 = arith.constant 80 : index
          %parallel_loop3A_408 = tpu.vector_load %arg15[%parallel_loop3A_406, %parallel_loop3A_407] {strides = array<i32>} : memref<400x128xf32, #tpu.memory_space<vmem>>, vector<16xf32>,
          tpu.vector_store %arg15[%parallel_loop3A_406, %parallel_loop3A_407], %parallel_loop3A_405 {add = true, strides = array<i32>} : memref<400x128xf32, #tpu.memory_space<vmem>>, vector<16xf32>,
          %parallel_loop3A_409 = arith.constant 96 : i32
          %parallel_loop3A_410 = arith.addi %parallel_loop3A_409, %parallel_loop3A_347 : i32
          %parallel_loop3A_411 = arith.index_cast %parallel_loop3A_410 : i32 to index
          %parallel_loop3A_412 = arith.constant 96 : index
          %parallel_loop3A_413 = tpu.vector_load %arg14[%parallel_loop3A_411, %parallel_loop3A_412] {strides = array<i32>} : memref<128x128xf32, #tpu.memory_space<vmem>>, vector<16xf32>,
          %parallel_loop3A_414 = arith.mulf %parallel_loop3A_413, %parallel_loop3A_354 : vector<16xf32>
          %parallel_loop3A_415 = arith.index_cast %parallel_loop3A_351 : i32 to index
          %parallel_loop3A_416 = arith.constant 96 : index
          %parallel_loop3A_417 = tpu.vector_load %arg15[%parallel_loop3A_415, %parallel_loop3A_416] {strides = array<i32>} : memref<400x128xf32, #tpu.memory_space<vmem>>, vector<16xf32>,
          tpu.vector_store %arg15[%parallel_loop3A_415, %parallel_loop3A_416], %parallel_loop3A_414 {add = true, strides = array<i32>} : memref<400x128xf32, #tpu.memory_space<vmem>>, vector<16xf32>,
          %parallel_loop3A_418 = arith.constant 96 : i32
          %parallel_loop3A_419 = arith.addi %parallel_loop3A_418, %parallel_loop3A_347 : i32
          %parallel_loop3A_420 = arith.index_cast %parallel_loop3A_419 : i32 to index
          %parallel_loop3A_421 = arith.constant 112 : index
          %parallel_loop3A_422 = tpu.vector_load %arg14[%parallel_loop3A_420, %parallel_loop3A_421] {strides = array<i32>} : memref<128x128xf32, #tpu.memory_space<vmem>>, vector<16xf32>,
          %parallel_loop3A_423 = arith.mulf %parallel_loop3A_422, %parallel_loop3A_354 : vector<16xf32>
          %parallel_loop3A_424 = arith.index_cast %parallel_loop3A_351 : i32 to index
          %parallel_loop3A_425 = arith.constant 112 : index
          %parallel_loop3A_426 = tpu.vector_load %arg15[%parallel_loop3A_424, %parallel_loop3A_425] {strides = array<i32>} : memref<400x128xf32, #tpu.memory_space<vmem>>, vector<16xf32>,
          tpu.vector_store %arg15[%parallel_loop3A_424, %parallel_loop3A_425], %parallel_loop3A_423 {add = true, strides = array<i32>} : memref<400x128xf32, #tpu.memory_space<vmem>>, vector<16xf32>,
          %parallel_loop3A_427 = arith.constant 0 : i32
          %parallel_loop3A_428 = vector.broadcast %parallel_loop3A_427 : i32 to vector<16xi32>
          %parallel_loop3A_429 = arith.cmpi slt, %and3A_117, %parallel_loop3A_428 : vector<16xi32>
          %parallel_loop3A_430 = arith.constant 16 : i32
          %parallel_loop3A_431 = vector.broadcast %parallel_loop3A_430 : i32 to vector<16xi32>
          %parallel_loop3A_432 = arith.addi %and3A_117, %parallel_loop3A_431 : vector<16xi32>
          %parallel_loop3A_433 = arith.select %parallel_loop3A_429, %parallel_loop3A_432, %and3A_117 : vector<16xi1>, vector<16xi32>
          %parallel_loop3A_434 = vector.shape_cast %parallel_loop3A_433 : vector<16xi32> to vector<16x1xi32>
          %parallel_loop3A_435 = vector.shape_cast %parallel_loop3A_434 : vector<16x1xi32> to vector<16xi32>
          %parallel_loop3A_436 = tpu.dynamic_gather %parallel_loop3A_348[%parallel_loop3A_435] in [0] : vector<16xi32>, vector<16xi32> -> vector<16xi32>
          %parallel_loop3A_437 = arith.constant 0 : i32
          %parallel_loop3A_438 = vector.broadcast %parallel_loop3A_437 : i32 to vector<16xi32>
          %parallel_loop3A_439 = arith.cmpi slt, %and3A_117, %parallel_loop3A_438 : vector<16xi32>
          %parallel_loop3A_440 = arith.constant 16 : i32
          %parallel_loop3A_441 = vector.broadcast %parallel_loop3A_440 : i32 to vector<16xi32>
          %parallel_loop3A_442 = arith.addi %and3A_117, %parallel_loop3A_441 : vector<16xi32>
          %parallel_loop3A_443 = arith.select %parallel_loop3A_439, %parallel_loop3A_442, %and3A_117 : vector<16xi1>, vector<16xi32>
          %parallel_loop3A_444 = vector.shape_cast %parallel_loop3A_443 : vector<16xi32> to vector<16x1xi32>
          %parallel_loop3A_445 = vector.shape_cast %parallel_loop3A_444 : vector<16x1xi32> to vector<16xi32>
          %parallel_loop3A_446 = tpu.dynamic_gather %parallel_loop3A_349[%parallel_loop3A_445] in [0] : vector<16xf32>, vector<16xi32> -> vector<16xf32>
          scf.yield %parallel_loop3A_436, %parallel_loop3A_446 : vector<16xi32>, vector<16xf32>
        } {sc.loop_unroll_factor = 4 : i64, sc.parallel_access}
        %add3A_318 = arith.constant 112 : i32
        %add3A_319 = arith.addi %multiple_of3A_87, %add3A_318 : i32
        %iota3A_320 = tpu.iota {dimensions = array<i32: 0>} : vector<16xi32>
        %add3A_321 = vector.broadcast %add3A_319 : i32 to vector<16xi32>
        %add3A_322 = arith.addi %add3A_321, %iota3A_320 : vector<16xi32>
        %get3A_323 = arith.constant 112 : index
        %get3A_324 = tpu.vector_load %arg12[%get3A_323] {strides = array<i32>} : memref<128xi32, #tpu.memory_space<vmem>>, vector<16xi32>,
        %get3A_325 = arith.constant 112 : index
        %get3A_326 = tpu.vector_load %arg13[%get3A_325] {strides = array<i32>} : memref<128xf32, #tpu.memory_space<vmem>>, vector<16xf32>,
        %ge3A_327 = vector.broadcast %max3A : i32 to vector<16xi32>
        %ge3A_328 = arith.cmpi sge, %add3A_322, %ge3A_327 : vector<16xi32>
        %lt3A_329 = vector.broadcast %reduce_max3A_43 : i32 to vector<16xi32>
        %lt3A_330 = arith.cmpi slt, %add3A_322, %lt3A_329 : vector<16xi32>
        %and3A_331 = arith.andi %ge3A_328, %lt3A_330 : vector<16xi1>
        %jit3A_332 = arith.constant 0.000000e+00 : f32
        %broadcast_in_dim3A_333 = vector.broadcast %jit3A_332 : f32 to vector<16xf32>
        %select_n3A_334 = arith.select %and3A_331, %get3A_326, %broadcast_in_dim3A_333 : vector<16xi1>, vector<16xf32>
        %sub3A_335 = vector.broadcast %multiple_of3A : i32 to vector<16xi32>
        %sub3A_336 = arith.subi %get3A_324, %sub3A_335 : vector<16xi32>
        %jit3A_337 = arith.constant 0 : i32
        %jit3A_338 = arith.constant 399 : i32
        %max3A_339 = vector.broadcast %jit3A_337 : i32 to vector<16xi32>
        %max3A_340 = arith.maxsi %max3A_339, %sub3A_336 : vector<16xi32>
        %min3A_341 = vector.broadcast %jit3A_338 : i32 to vector<16xi32>
        %min3A_342 = arith.minsi %min3A_341, %max3A_340 : vector<16xi32>
        %parallel_loop3A_343 = arith.constant 0 : i32
        %parallel_loop3A_344 = arith.constant 16 : i32
        %parallel_loop3A_345 = arith.constant 1 : i32
        %parallel_loop3A_346:2 = scf.for %parallel_loop3A_347 = %parallel_loop3A_343 to %parallel_loop3A_344 step %parallel_loop3A_345 iter_args(%parallel_loop3A_348 = %min3A_342, %parallel_loop3A_349 = %select_n3A_334) -> (vector<16xi32>, vector<16xf32>)  : i32 {
          %parallel_loop3A_350 = vector.extract_strided_slice %parallel_loop3A_348 {offsets = [0], sizes = [1], strides = [1]} : vector<16xi32> to vector<1xi32>
          %parallel_loop3A_351 = vector.extract %parallel_loop3A_350[0] : i32 from vector<1xi32>
          %parallel_loop3A_352 = vector.extract_strided_slice %parallel_loop3A_349 {offsets = [0], sizes = [1], strides = [1]} : vector<16xf32> to vector<1xf32>
          %parallel_loop3A_353 = vector.extract %parallel_loop3A_352[0] : f32 from vector<1xf32>
          %parallel_loop3A_354 = vector.broadcast %parallel_loop3A_353 : f32 to vector<16xf32>
          %parallel_loop3A_355 = arith.constant 112 : i32
          %parallel_loop3A_356 = arith.addi %parallel_loop3A_355, %parallel_loop3A_347 : i32
          %parallel_loop3A_357 = arith.index_cast %parallel_loop3A_356 : i32 to index
          %parallel_loop3A_358 = arith.constant 0 : index
          %parallel_loop3A_359 = tpu.vector_load %arg14[%parallel_loop3A_357, %parallel_loop3A_358] {strides = array<i32>} : memref<128x128xf32, #tpu.memory_space<vmem>>, vector<16xf32>,
          %parallel_loop3A_360 = arith.mulf %parallel_loop3A_359, %parallel_loop3A_354 : vector<16xf32>
          %parallel_loop3A_361 = arith.index_cast %parallel_loop3A_351 : i32 to index
          %parallel_loop3A_362 = arith.constant 0 : index
          %parallel_loop3A_363 = tpu.vector_load %arg15[%parallel_loop3A_361, %parallel_loop3A_362] {strides = array<i32>} : memref<400x128xf32, #tpu.memory_space<vmem>>, vector<16xf32>,
          tpu.vector_store %arg15[%parallel_loop3A_361, %parallel_loop3A_362], %parallel_loop3A_360 {add = true, strides = array<i32>} : memref<400x128xf32, #tpu.memory_space<vmem>>, vector<16xf32>,
          %parallel_loop3A_364 = arith.constant 112 : i32
          %parallel_loop3A_365 = arith.addi %parallel_loop3A_364, %parallel_loop3A_347 : i32
          %parallel_loop3A_366 = arith.index_cast %parallel_loop3A_365 : i32 to index
          %parallel_loop3A_367 = arith.constant 16 : index
          %parallel_loop3A_368 = tpu.vector_load %arg14[%parallel_loop3A_366, %parallel_loop3A_367] {strides = array<i32>} : memref<128x128xf32, #tpu.memory_space<vmem>>, vector<16xf32>,
          %parallel_loop3A_369 = arith.mulf %parallel_loop3A_368, %parallel_loop3A_354 : vector<16xf32>
          %parallel_loop3A_370 = arith.index_cast %parallel_loop3A_351 : i32 to index
          %parallel_loop3A_371 = arith.constant 16 : index
          %parallel_loop3A_372 = tpu.vector_load %arg15[%parallel_loop3A_370, %parallel_loop3A_371] {strides = array<i32>} : memref<400x128xf32, #tpu.memory_space<vmem>>, vector<16xf32>,
          tpu.vector_store %arg15[%parallel_loop3A_370, %parallel_loop3A_371], %parallel_loop3A_369 {add = true, strides = array<i32>} : memref<400x128xf32, #tpu.memory_space<vmem>>, vector<16xf32>,
          %parallel_loop3A_373 = arith.constant 112 : i32
          %parallel_loop3A_374 = arith.addi %parallel_loop3A_373, %parallel_loop3A_347 : i32
          %parallel_loop3A_375 = arith.index_cast %parallel_loop3A_374 : i32 to index
          %parallel_loop3A_376 = arith.constant 32 : index
          %parallel_loop3A_377 = tpu.vector_load %arg14[%parallel_loop3A_375, %parallel_loop3A_376] {strides = array<i32>} : memref<128x128xf32, #tpu.memory_space<vmem>>, vector<16xf32>,
          %parallel_loop3A_378 = arith.mulf %parallel_loop3A_377, %parallel_loop3A_354 : vector<16xf32>
          %parallel_loop3A_379 = arith.index_cast %parallel_loop3A_351 : i32 to index
          %parallel_loop3A_380 = arith.constant 32 : index
          %parallel_loop3A_381 = tpu.vector_load %arg15[%parallel_loop3A_379, %parallel_loop3A_380] {strides = array<i32>} : memref<400x128xf32, #tpu.memory_space<vmem>>, vector<16xf32>,
          tpu.vector_store %arg15[%parallel_loop3A_379, %parallel_loop3A_380], %parallel_loop3A_378 {add = true, strides = array<i32>} : memref<400x128xf32, #tpu.memory_space<vmem>>, vector<16xf32>,
          %parallel_loop3A_382 = arith.constant 112 : i32
          %parallel_loop3A_383 = arith.addi %parallel_loop3A_382, %parallel_loop3A_347 : i32
          %parallel_loop3A_384 = arith.index_cast %parallel_loop3A_383 : i32 to index
          %parallel_loop3A_385 = arith.constant 48 : index
          %parallel_loop3A_386 = tpu.vector_load %arg14[%parallel_loop3A_384, %parallel_loop3A_385] {strides = array<i32>} : memref<128x128xf32, #tpu.memory_space<vmem>>, vector<16xf32>,
          %parallel_loop3A_387 = arith.mulf %parallel_loop3A_386, %parallel_loop3A_354 : vector<16xf32>
          %parallel_loop3A_388 = arith.index_cast %parallel_loop3A_351 : i32 to index
          %parallel_loop3A_389 = arith.constant 48 : index
          %parallel_loop3A_390 = tpu.vector_load %arg15[%parallel_loop3A_388, %parallel_loop3A_389] {strides = array<i32>} : memref<400x128xf32, #tpu.memory_space<vmem>>, vector<16xf32>,
          tpu.vector_store %arg15[%parallel_loop3A_388, %parallel_loop3A_389], %parallel_loop3A_387 {add = true, strides = array<i32>} : memref<400x128xf32, #tpu.memory_space<vmem>>, vector<16xf32>,
          %parallel_loop3A_391 = arith.constant 112 : i32
          %parallel_loop3A_392 = arith.addi %parallel_loop3A_391, %parallel_loop3A_347 : i32
          %parallel_loop3A_393 = arith.index_cast %parallel_loop3A_392 : i32 to index
          %parallel_loop3A_394 = arith.constant 64 : index
          %parallel_loop3A_395 = tpu.vector_load %arg14[%parallel_loop3A_393, %parallel_loop3A_394] {strides = array<i32>} : memref<128x128xf32, #tpu.memory_space<vmem>>, vector<16xf32>,
          %parallel_loop3A_396 = arith.mulf %parallel_loop3A_395, %parallel_loop3A_354 : vector<16xf32>
          %parallel_loop3A_397 = arith.index_cast %parallel_loop3A_351 : i32 to index
          %parallel_loop3A_398 = arith.constant 64 : index
          %parallel_loop3A_399 = tpu.vector_load %arg15[%parallel_loop3A_397, %parallel_loop3A_398] {strides = array<i32>} : memref<400x128xf32, #tpu.memory_space<vmem>>, vector<16xf32>,
          tpu.vector_store %arg15[%parallel_loop3A_397, %parallel_loop3A_398], %parallel_loop3A_396 {add = true, strides = array<i32>} : memref<400x128xf32, #tpu.memory_space<vmem>>, vector<16xf32>,
          %parallel_loop3A_400 = arith.constant 112 : i32
          %parallel_loop3A_401 = arith.addi %parallel_loop3A_400, %parallel_loop3A_347 : i32
          %parallel_loop3A_402 = arith.index_cast %parallel_loop3A_401 : i32 to index
          %parallel_loop3A_403 = arith.constant 80 : index
          %parallel_loop3A_404 = tpu.vector_load %arg14[%parallel_loop3A_402, %parallel_loop3A_403] {strides = array<i32>} : memref<128x128xf32, #tpu.memory_space<vmem>>, vector<16xf32>,
          %parallel_loop3A_405 = arith.mulf %parallel_loop3A_404, %parallel_loop3A_354 : vector<16xf32>
          %parallel_loop3A_406 = arith.index_cast %parallel_loop3A_351 : i32 to index
          %parallel_loop3A_407 = arith.constant 80 : index
          %parallel_loop3A_408 = tpu.vector_load %arg15[%parallel_loop3A_406, %parallel_loop3A_407] {strides = array<i32>} : memref<400x128xf32, #tpu.memory_space<vmem>>, vector<16xf32>,
          tpu.vector_store %arg15[%parallel_loop3A_406, %parallel_loop3A_407], %parallel_loop3A_405 {add = true, strides = array<i32>} : memref<400x128xf32, #tpu.memory_space<vmem>>, vector<16xf32>,
          %parallel_loop3A_409 = arith.constant 112 : i32
          %parallel_loop3A_410 = arith.addi %parallel_loop3A_409, %parallel_loop3A_347 : i32
          %parallel_loop3A_411 = arith.index_cast %parallel_loop3A_410 : i32 to index
          %parallel_loop3A_412 = arith.constant 96 : index
          %parallel_loop3A_413 = tpu.vector_load %arg14[%parallel_loop3A_411, %parallel_loop3A_412] {strides = array<i32>} : memref<128x128xf32, #tpu.memory_space<vmem>>, vector<16xf32>,
          %parallel_loop3A_414 = arith.mulf %parallel_loop3A_413, %parallel_loop3A_354 : vector<16xf32>
          %parallel_loop3A_415 = arith.index_cast %parallel_loop3A_351 : i32 to index
          %parallel_loop3A_416 = arith.constant 96 : index
          %parallel_loop3A_417 = tpu.vector_load %arg15[%parallel_loop3A_415, %parallel_loop3A_416] {strides = array<i32>} : memref<400x128xf32, #tpu.memory_space<vmem>>, vector<16xf32>,
          tpu.vector_store %arg15[%parallel_loop3A_415, %parallel_loop3A_416], %parallel_loop3A_414 {add = true, strides = array<i32>} : memref<400x128xf32, #tpu.memory_space<vmem>>, vector<16xf32>,
          %parallel_loop3A_418 = arith.constant 112 : i32
          %parallel_loop3A_419 = arith.addi %parallel_loop3A_418, %parallel_loop3A_347 : i32
          %parallel_loop3A_420 = arith.index_cast %parallel_loop3A_419 : i32 to index
          %parallel_loop3A_421 = arith.constant 112 : index
          %parallel_loop3A_422 = tpu.vector_load %arg14[%parallel_loop3A_420, %parallel_loop3A_421] {strides = array<i32>} : memref<128x128xf32, #tpu.memory_space<vmem>>, vector<16xf32>,
          %parallel_loop3A_423 = arith.mulf %parallel_loop3A_422, %parallel_loop3A_354 : vector<16xf32>
          %parallel_loop3A_424 = arith.index_cast %parallel_loop3A_351 : i32 to index
          %parallel_loop3A_425 = arith.constant 112 : index
          %parallel_loop3A_426 = tpu.vector_load %arg15[%parallel_loop3A_424, %parallel_loop3A_425] {strides = array<i32>} : memref<400x128xf32, #tpu.memory_space<vmem>>, vector<16xf32>,
          tpu.vector_store %arg15[%parallel_loop3A_424, %parallel_loop3A_425], %parallel_loop3A_423 {add = true, strides = array<i32>} : memref<400x128xf32, #tpu.memory_space<vmem>>, vector<16xf32>,
          %parallel_loop3A_427 = arith.constant 0 : i32
          %parallel_loop3A_428 = vector.broadcast %parallel_loop3A_427 : i32 to vector<16xi32>
          %parallel_loop3A_429 = arith.cmpi slt, %and3A_117, %parallel_loop3A_428 : vector<16xi32>
          %parallel_loop3A_430 = arith.constant 16 : i32
          %parallel_loop3A_431 = vector.broadcast %parallel_loop3A_430 : i32 to vector<16xi32>
          %parallel_loop3A_432 = arith.addi %and3A_117, %parallel_loop3A_431 : vector<16xi32>
          %parallel_loop3A_433 = arith.select %parallel_loop3A_429, %parallel_loop3A_432, %and3A_117 : vector<16xi1>, vector<16xi32>
          %parallel_loop3A_434 = vector.shape_cast %parallel_loop3A_433 : vector<16xi32> to vector<16x1xi32>
          %parallel_loop3A_435 = vector.shape_cast %parallel_loop3A_434 : vector<16x1xi32> to vector<16xi32>
          %parallel_loop3A_436 = tpu.dynamic_gather %parallel_loop3A_348[%parallel_loop3A_435] in [0] : vector<16xi32>, vector<16xi32> -> vector<16xi32>
          %parallel_loop3A_437 = arith.constant 0 : i32
          %parallel_loop3A_438 = vector.broadcast %parallel_loop3A_437 : i32 to vector<16xi32>
          %parallel_loop3A_439 = arith.cmpi slt, %and3A_117, %parallel_loop3A_438 : vector<16xi32>
          %parallel_loop3A_440 = arith.constant 16 : i32
          %parallel_loop3A_441 = vector.broadcast %parallel_loop3A_440 : i32 to vector<16xi32>
          %parallel_loop3A_442 = arith.addi %and3A_117, %parallel_loop3A_441 : vector<16xi32>
          %parallel_loop3A_443 = arith.select %parallel_loop3A_439, %parallel_loop3A_442, %and3A_117 : vector<16xi1>, vector<16xi32>
          %parallel_loop3A_444 = vector.shape_cast %parallel_loop3A_443 : vector<16xi32> to vector<16x1xi32>
          %parallel_loop3A_445 = vector.shape_cast %parallel_loop3A_444 : vector<16x1xi32> to vector<16xi32>
          %parallel_loop3A_446 = tpu.dynamic_gather %parallel_loop3A_349[%parallel_loop3A_445] in [0] : vector<16xf32>, vector<16xi32> -> vector<16xf32>
          scf.yield %parallel_loop3A_436, %parallel_loop3A_446 : vector<16xi32>, vector<16xf32>
        } {sc.loop_unroll_factor = 4 : i64, sc.parallel_access}
      }
      "tpu.region"() ({
        %run_scoped3A = tpu.sem_alloc : memref<!tpu.dma_semaphore, #tpu.memory_space<semaphore_mem>>
        %dma_start3A = arith.constant 0 : i32
        %dma_start3A_82 = tpu.memref_slice %arg8[%multiple_of3A, %dma_start3A] : memref<320000x128xf32, #tpu.memory_space<hbm>> -> memref<400x128xf32, #tpu.memory_space<hbm>>
        %dma_start3A_83 = arith.constant 0 : i32
        %dma_start3A_84 = tpu.memref_slice %arg8[%multiple_of3A, %dma_start3A_83] : memref<320000x128xf32, #tpu.memory_space<hbm>> -> memref<400x128xf32, #tpu.memory_space<hbm>>
        tpu.enqueue_dma source(%arg15 : memref<400x128xf32, #tpu.memory_space<vmem>>) target(%dma_start3A_84 : memref<400x128xf32, #tpu.memory_space<hbm>>) target_semaphore(%run_scoped3A : memref<!tpu.dma_semaphore, #tpu.memory_space<semaphore_mem>>)
        %dma_wait3A = arith.constant 0 : i32
        %dma_wait3A_85 = tpu.memref_slice %arg8[%multiple_of3A, %dma_wait3A] : memref<320000x128xf32, #tpu.memory_space<hbm>> -> memref<400x128xf32, #tpu.memory_space<hbm>>
        %dma_wait3A_86 = arith.constant 0 : i32
        %dma_wait3A_87 = tpu.memref_slice %arg8[%multiple_of3A, %dma_wait3A_86] : memref<320000x128xf32, #tpu.memory_space<hbm>> -> memref<400x128xf32, #tpu.memory_space<hbm>>
        tpu.wait_dma2 semaphore(%run_scoped3A : memref<!tpu.dma_semaphore, #tpu.memory_space<semaphore_mem>>) src(%arg15 : memref<400x128xf32, #tpu.memory_space<vmem>>) dst(%dma_wait3A_87 : memref<400x128xf32, #tpu.memory_space<hbm>>)
        tpu.yield
      }) : () -> ()
    }
    %scan3A_6 = arith.constant 25 : i32
    return
  }
}

</mosaic_0001>

<sc_bundles>
// kernel: gather_offload_async_start
scs
__scs_entry_jumppad:
0x0: {  	(pc) =	sbr.rel $0x88, $3  }
0x1: {  	(tag) =	ssettag $0x0;
	lr =	simm.s32 $0x1  }
0x2: {  	[smem:$0x3F9C] =	sst lr;
	_ =	strace $0xD0000000  }
0x3: {  	_ = 	snop  }
0x4: {  	_ = 	snop  }
0x5: {  	_ = 	snop  }
0x6: {  	_ = 	snop  }
0x7: {  	_ = 	snop  }
__scs_overlays_trampoline_lowered:
0x8: {  	[smem:$0x3FAB] =	sst s0  }
0x9: {  	[smem:$0x3FAC] =	sst s1  }
0xa: {  	[smem:$0x3FAD] =	sst s2  }
0xb: {  	[smem:$0x3FAE] =	sst s3  }
0xc: {  	[smem:$0x3FAF] =	sst s4  }
0xd: {  	[smem:$0x3FB0] =	sst s5  }
0xe: {  	[smem:$0x3FB1] =	sst s6  }
0xf: {  	[smem:$0x3FB2] =	sst s7  }
0x10: {  	[smem:$0x3FB3] =	sst s8  }
0x11: {  	[smem:$0x3FB4] =	sst s9;
	s0 =	simm.s32 @!p0 $0x0  }
0x12: {  	s1 =	sld [smem:$0x3F9A];
	s0 =	simm.s32 @p0 $0x1  }
0x13: {  	[smem:$0x3FB5] =	sst s0;
	s0 =	simm.s32 @!p1 $0x0  }
0x14: {  	s2 =	sld [smem:$0x3F99];
	s0 =	simm.s32 @p1 $0x1  }
0x15: {  	[smem:$0x3FB6] =	sst s0;
	s0 =	simm.s32 @!p2 $0x0  }
0x16: {  	s3 =	sld [smem:$0x3FDB];
	s0 =	simm.s32 @p2 $0x1  }
0x17: {  	s4 =	simm.s32 $0x1BF5;
	[smem:$0x3FB8] =	sst s0  }
0x18: {  	s0 =	sld [smem:$0x3F9B];
	_ =	swait.ge [sflag:s4], $0x0  }
0x19: {  	s7 =	sld [smem:$0x3F9C]  }
0x1a: {  	s8 =	sadd.s32 $0xFFFFE003, lr  }
0x1b: {  	s9 =	sadd.s32 $0xFFFFFEF7, lr;
	s5 =	simm.s32 $0xFFFFFFFF;
	p2 =	slt.u32 s8, $0xFFFFF086  }
0x1c: {  	p1 =	slt.u32 s9, $0xF7A;
	s5 =	simm.s32 @!p2 $0x0  }
0x1d: {  	s5 =	simm.s32 @p1 $0x1;
	p0 =	seq.s32 s7, s2  }
0x1e: {  	s7 =	smul.u32 @!p0 $0xF7A, s2;
	p2 =	seq.s32 @!p0 s5, $0x0  }
0x1f: {  	s9 =	smul.u32 $0xF7A, s1;
	s8 =	simm.s32 @!p0 $0x1BF5;
	p2 =	por !p2, p0  }
0x20: {  	[sflag:s8] =	ssyncset.s32 @!p0 $0xFFFFF086;
	s6 =	sadd.s32 @!p0 s3, s7;
	s7 =	simm.s32 @!p0 $0x108  }
0x21: {  	s3 =	sadd.s32 s3, s9;
	s6 =	sadd.s32 @!p0 $0x88, s6;
	s7 =	simm.s32 @p2 $0x1082  }
0x22: {  	[simem:s7], [sflag:s8] =	dma.local @!p0 [hbm:s6], $0xF7A  }
0x23: {  	s9 =	sor.u32 $0xD0000000, s2;
	s6 =	simm.s32 $0x108;
	_ =	swait.ge @!p0 [sflag:s8], $0x0  }
0x24: {  	s3 =	sadd.s32 $0x88, s3;
	s6 =	simm.s32 @!p1 $0x1082;
	[sflag:s4] =	ssyncset.s32 $0xFFFFF086  }
0x25: {  	[simem:s6], [sflag:s4] =	dma.local [hbm:s3], $0xF7A  }
0x26: {  	[smem:$0x3F9C] =	sst s1;
	(tag) =	ssettag s2;
	_ =	strace s9  }
0x27: {  	s1 =	sld [smem:$0x3FAC]  }
0x28: {  	s2 =	sld [smem:$0x3FAD]  }
0x29: {  	s4 =	sld [smem:$0x3FAF]  }
0x2a: {  	p0 =	seq.s32 s5, $0x0;
	s5 =	sld [smem:$0x3FB0]  }
0x2b: {  	s6 =	sld [smem:$0x3FB1]  }
0x2c: {  	s7 =	sld [smem:$0x3FB2]  }
0x2d: {  	s3 =	simm.s32 $0x108;
	s8 =	sld [smem:$0x3FB3]  }
0x2e: {  	s3 =	simm.s32 @!p0 $0x1082;
	s9 =	sld [smem:$0x3FB4]  }
0x2f: {  	lr =	sadd.s32 s0, s3;
	s0 =	sld [smem:$0x3FAB]  }
0x30: {  	s3 =	sld [smem:$0x3FAE]  }
0x31: {  	[smem:$0x3FB7] =	sst s10  }
0x32: {  	s10 =	sld [smem:$0x3FB5];
	_ =	sdelay $0x3  }
0x33: {  	p0 =	seq.s32 s10, $0x1;
	s10 =	sld [smem:$0x3FB7];
	_ =	sdelay $0x3  }
0x34: {  	[smem:$0x3FB7] =	sst s10  }
0x35: {  	s10 =	sld [smem:$0x3FB6];
	_ =	sdelay $0x3  }
0x36: {  	p1 =	seq.s32 s10, $0x1;
	s10 =	sld [smem:$0x3FB7];
	_ =	sdelay $0x3  }
0x37: {  	[smem:$0x3FB7] =	sst s10  }
0x38: {  	s10 =	sld [smem:$0x3FB8]  }
0x39: {  	_ = 	snop;
	(pc) =	sbr.ind lr, $3  }
0x3a: {  	_ = 	snop  }
0x3b: {  	_ = 	snop  }
0x3c: {  	p2 =	seq.s32 s10, $0x1;
	s10 =	sld [smem:$0x3FB7]  }
0x3d: {  	_ =	shalt  }
0x3e: {  	_ =	shalt  }
0x3f: {  	_ =	shalt  }
0x40: {  	_ =	shalt  }
0x41: {  	_ =	shalt  }
0x42: {  	_ =	shalt  }
0x43: {  	_ =	shalt  }
0x44: {  	_ =	shalt  }
0x45: {  	_ =	shalt  }
0x46: {  	_ =	shalt  }
0x47: {  	_ =	shalt  }
0x48: {  	_ =	shalt  }
0x49: {  	_ =	shalt  }
0x4a: {  	_ =	shalt  }
0x4b: {  	_ =	shalt  }
0x4c: {  	_ =	shalt  }
0x4d: {  	_ =	shalt  }
0x4e: {  	_ =	shalt  }
0x4f: {  	_ =	shalt  }
0x50: {  	_ =	shalt  }
0x51: {  	_ =	shalt  }
0x52: {  	_ =	shalt  }
0x53: {  	_ =	shalt  }
0x54: {  	_ =	shalt  }
0x55: {  	_ =	shalt  }
0x56: {  	_ =	shalt  }
0x57: {  	_ =	shalt  }
0x58: {  	_ =	shalt  }
0x59: {  	_ =	shalt  }
0x5a: {  	_ =	shalt  }
0x5b: {  	_ =	shalt  }
0x5c: {  	_ =	shalt  }
0x5d: {  	_ =	shalt  }
0x5e: {  	_ =	shalt  }
0x5f: {  	_ =	shalt  }
0x60: {  	_ =	shalt  }
0x61: {  	_ =	shalt  }
0x62: {  	_ =	shalt  }
0x63: {  	_ =	shalt  }
0x64: {  	_ =	shalt  }
0x65: {  	_ =	shalt  }
0x66: {  	_ =	shalt  }
0x67: {  	_ =	shalt  }
0x68: {  	_ =	shalt  }
0x69: {  	_ =	shalt  }
0x6a: {  	_ =	shalt  }
0x6b: {  	_ =	shalt  }
0x6c: {  	_ =	shalt  }
0x6d: {  	_ =	shalt  }
0x6e: {  	_ =	shalt  }
0x6f: {  	_ =	shalt  }
0x70: {  	_ =	shalt  }
0x71: {  	_ =	shalt  }
0x72: {  	_ =	shalt  }
0x73: {  	_ =	shalt  }
0x74: {  	_ =	shalt  }
0x75: {  	_ =	shalt  }
0x76: {  	_ =	shalt  }
0x77: {  	_ =	shalt  }
0x78: {  	_ =	shalt  }
0x79: {  	_ =	shalt  }
0x7a: {  	_ =	shalt  }
0x7b: {  	_ =	shalt  }
0x7c: {  	_ =	shalt  }
0x7d: {  	_ =	shalt  }
0x7e: {  	_ =	shalt  }
0x7f: {  	_ =	shalt  }
0x80: {  	_ =	shalt  }
0x81: {  	_ =	shalt  }
0x82: {  	_ =	shalt  }
0x83: {  	_ =	shalt  }
0x84: {  	_ =	shalt  }
0x85: {  	_ =	shalt  }
0x86: {  	_ =	shalt  }
0x87: {  	_ =	shalt  }
.Lfunc_end0:
.L_simem_size_0:
called_computation_lowered:
.L_overlay_start_0:
0x88: {  	s2 =	sld [smem:$0x3FD9]  }
0x89: {  	s3 =	sld [smem:$0x3FFE];
	_ =	sdelay $0x1  }
0x8a: {  	s1 =	srdreg.scid  }
0x8b: {  	s0 =	sand.u32 $0x1, s1  }
0x8c: {  	s17 =	sshll.u32 s0, $0xA;
	s2 =	sadd.s32 s3, s2  }
0x8d: {  	s2 =	sadd.s32 s2, s17  }
0x8e: {  	[smem:$0x3FC3] =	sst s2  }
0x8f: {  	_ = 	snop  }
0x90: {  	s2 =	sld [smem:$0x3FD0];
	(tm) =	ssettm $0x1  }
0x91: {  	s18 =	sld [smem:$0x3FFB];
	_ =	sdelay $0x3  }
0x92: {  	_ =	strace s18  }
0x93: {  	s3 =	sld [smem:$0x3FFC];
	_ =	sdelay $0x3  }
0x94: {  	_ =	strace s3  }
0x95: {  	s3 =	sld [smem:$0x3FFD];
	_ =	sdelay $0x3  }
0x96: {  	_ =	strace s3  }
0x97: {  	_ =	strace $0x8FFFFFFF  }
0x98: {  	s19 =	sld [smem:$0x3FDB];
	_ =	sdelay $0x1  }
0x99: {  	s4 =	simm.s32 $_scs_section_size  }
0x9a: {  	s5 =	simm.s32 $_size__tile_overlayer_lowered;
	s6 =	simm.s32 $_tile_overlayer_lowered  }
0x9b: {  	s22 =	simm.s32 $0x1BFF;
	s21 =	sshll.u32 s6, $0x1;
	s3 =	sadd.s32 s4, s19  }
0x9c: {  	s7 =	simm.s32 $0x0;
	s20 =	sshll.u32 s5, $0x1;
	s5 =	sadd.s32 s21, s3  }
0x9d: {  	[timem:s7], [sflag:s22] =	dma.local [hbm:s5], s20  }
0x9e: {  	_ =	swait.ge [sflag:s22], s20  }
0x9f: {  	s4 =	ssub.s32 $0x0, s20;
	[sflag:s22] =	ssyncset.done $0x0  }
0xa0: {  	[sflag:s22] =	ssyncadd.s32 s4;
	_ =	sdelay $0x1  }
0xa1: {  	s23 =	simm.s32 $0x1B8B  }
0xa2: {  	_ =	swait.ge [sflag:s23], $0x1  }
0xa3: {  	[sflag:s23] =	ssyncset.done $0x0  }
0xa4: {  	s25 =	simm.s32 $0x1B8E;
	s24 =	sld [smem:$0x3FFE];
	[sflag:s23] =	ssyncadd.s32 $0xFFFFFFFF  }
0xa5: {  	s26 =	simm.s32 $execute0_lowered;
	[smem:$0x3FD2] =	sst s25  }
0xa6: {  	s5 =	sshll.u32 s26, $0x1;
	_ =	strace $0x80000046;
	[dreg:$0x1] =	wrdreg $0xFFFFFFFF  }
0xa7: {  	s28 =	simm.s32 $_size_execute0_lowered;
	s3 =	sadd.s32 s3, s5;
	[dreg:$0x0] =	wrdreg $0x0  }
0xa8: {  	s5 =	sshll.u32 s28, $0x1;
	[dreg:$0x2] =	wrdreg s3  }
0xa9: {  	[dreg:$0x3] =	wrdreg s5  }
0xaa: {  	[dreg:$0x4] =	wrdreg $0xC0  }
0xab: {  	_ =	task [dreg:s7], $0x5FFFF  }
0xac: {  	[dreg:$0x1] =	wrdreg $0xFFFFFFFF  }
0xad: {  	[dreg:$0x0] =	wrdreg $0x60  }
0xae: {  	[dreg:$0x2] =	wrdreg s24  }
0xaf: {  	[dreg:$0x3] =	wrdreg s2  }
0xb0: {  	[dreg:$0x4] =	wrdreg $0x9  }
0xb1: {  	_ =	task.clear_ibuf [dreg:s7], $0x5FFFF;
	_ =	strace $0x90000046  }
0xb2: {  	s29 =	simm.s32 $0x9;
	_ =	strace $0x80000048  }
0xb3: {  	_ =	swait.ge [sflag:s29], $0x1  }
0xb4: {  	[sflag:s29] =	ssyncadd.s32 $0xFFFFFFFF  }
0xb5: {  	_ =	strace $0x90000048  }
0xb6: {  	_ =	sfence  }
0xb7: {  	s30 =	sld [smem:$0x0];
	_ =	sdelay $0x2  }
0xb8: {  	s31 =	sshll.u32 s1, $0xD;
	s1 =	sshrl.u32 s1, $0x2  }
0xb9: {  	s3 =	sand.u32 $0x4000, s31;
	s1 =	sadd.s32 s1, s30  }
0xba: {  	s0 =	sor.u32 s3, s0;
	s1 =	sshll.u32 s1, $0x11  }
0xbb: {  	s0 =	sor.u32 s1, s0  }
0xbc: {  	s0 =	sadd.s32 $0x8F2B, s0  }
0xbd: {  	[sflag:s0] =	ssyncadd.remote.s32 $0x1  }
0xbe: {  	_ =	sfence.sel $0xFFFF  }
0xbf: {  	[dreg:$0x0] =	wrdreg $0xFFFFFFFF;
	(pc) =	sbr.abs _section_cstart, $3  }
0xc0: {  	[dreg:$0x1] =	wrdreg $0xFFFFFFFF  }
0xc1: {  	_ =	task.clear_ibuf [dreg:s7], $0x2FFFF;
	_ =	strace $0x9FFFFFFF  }
0xc2: {  	(tm) =	ssettm $0x7FFFFFFF  }
0xc3: {  	_ =	shalt  }
tec
execute0_lowered:
.L_overlay_start_1:
0x0: {  	(tag) =	ssettag $0x1  }
0x1: {  	s1 =	srdreg.scid;
	s6 =	rddreg [dreg:$0x0]  }
0x2: {  	s0 =	stileid.u32;
	s2 =	rddreg [dreg:$0x1];
	s1 =	sshll.u32 s1, $0x5  }
0x3: {  	s7 =	simm.s32 $0x1;
	s3 =	sshll.u32 s0, $0x6;
	s1 =	sand.u32 $0x20, s1  }
0x4: {  	s30 =	simm.s32 $0x2;
	s31 =	simm.s32 $0x3;
	s3 =	sor.u32 s3, s1  }
0x5: {  	s11 =	simm.s32 $0x0;
	s9 =	simm.s32 $0x0;
	s5 =	ssub.s32 $0x600, s3  }
0x6: {  	s4 =	sadd.s32 $0xC00, s6;
	s6 =	sadd.s32 $0xE00, s6;
	s8 =	sand.u32 $0x3E0, s5  }
0x7: {  	s1 =	rddreg [dreg:$0x2];
	_ =	strace $0x80000047;
	p0 =	sne.s32 s8, $0x0  }
0x8: {  	[sflag:s7] =	ssyncpa.u1 $0x0;
	s5 =	sshrl.u32 s5, $0xA;
	s7 =	simm.s32 @!p0 $0x0  }
0x9: {  	s10 =	smov.u32 s3;
	[sflag:s30] =	ssyncpa.u1 $0x0;
	s5 =	sadd.s32 s7, s5  }
0xa: {  	[sflag:s31] =	ssyncpa.u1 $0x0;
	s8 =	simm.s32 $0x0;
	s7 =	sadd.s32 $0x1, s5  }
.LBB2_1:
0xb: {  	p0 =	sge.u32 s9, s5  }
0xc: {  	s31 =	sadd.s32 $0xFFFFFFFF, s9;
	s12 =	sxor.u32 @!p0 $0xFFFFFFFF, s8;
	s13 =	sshrl.u32 @!p0 s10, $0x3  }
0xd: {  	s14 =	sand.u32 @!p0 $0x7, s10;
	s12 =	sand.u32 @!p0 $0x20, s12;
	s13 =	sadd.s32 @!p0 s2, s13  }
0xe: {  	[tilespmem:s12], [sflag:$0x2] =	stream.linear.gather @!p0 [hbm4b:s13+s14], $0x20, $0x38;
	[tilespmem:$0x80] =	vst v63  }
0xf: {  	p0 =	sge.u32 s31, s5  }
0x10: {  	s12 =	simm.s32 @!p0 $0x2  }
0x11: {  	_ =	swait.ge @!p0 [sflag:s12], $0x20  }
0x12: {  	[sflag:s12] =	ssyncset.done @!p0 $0x0  }
0x13: {  	[sflag:s12] =	ssyncadd.s32 @!p0 $0xFFFFFFE0;
	s12 =	sand.u32 @!p0 $0x20, s8  }
0x14: {  	(ifvalue) =	ssetifvalue @!p0 $0x7FFFFFFF;
	v0 =	vld.msk @!p0 [tilespmem:s12+$0x0 ss:$0x1], $0xffff;
	_ =	sdelay $0x4  }
0x15: {  	vm0 =	vgt.s32 @!p0 v0, $0x0  }
0x16: {  	v0 =	vnsel @!p0 vm0, $0x0, v0  }
0x17: {  	v0 =	vmin.u32 @!p0 v0, $0x320;
	_ =	sdelay $0x2  }
0x18: {  	s14 =	simm.s32 @!p0 $0x0  }
0x19: {  	s13 =	sor.u32 @!p0 $0x40, s12;
	(ifvalue) =	ssetifvalue @!p0 $0x7FFFFFFF;
	s15 =	sor.u32 @!p0 $0x10, s12;
	vm0 =	vmmov @!p0 $0xffff  }
0x1a: {  	[tilespmem:s13], [sflag:$0x1] =	stream.indirect_vreg.gather @!p0 [hbm4b:s4+s14], $0x1, v0, vm0, $0x4038;
	[tilespmem:$0x80] =	vst v63  }
0x1b: {  	v0 =	vld.msk @!p0 [tilespmem:s15+$0x0 ss:$0x1], $0xffff;
	_ =	sdelay $0x4  }
0x1c: {  	vm1 =	vgt.s32 @!p0 v0, $0x0  }
0x1d: {  	v0 =	vnsel @!p0 vm1, $0x0, v0  }
0x1e: {  	v0 =	vmin.u32 @!p0 v0, $0x320;
	_ =	sdelay $0x3  }
0x1f: {  	s12 =	sor.u32 @!p0 $0x50, s12;
	(ifvalue) =	ssetifvalue @!p0 $0x7FFFFFFF  }
0x20: {  	[tilespmem:s12], [sflag:$0x1] =	stream.indirect_vreg.gather @!p0 [hbm4b:s4+s14], $0x1, v0, vm0, $0x4038;
	[tilespmem:$0x80] =	vst v63  }
0x21: {  	s12 =	simm.s32 @!p0 $0x1  }
0x22: {  	_ =	swait.ge @!p0 [sflag:s12], $0x20  }
0x23: {  	s14 =	sshrl.u32 @!p0 s11, $0x3;
	[sflag:s12] =	ssyncset.done @!p0 $0x0  }
0x24: {  	s11 =	sand.u32 @!p0 $0x7, s11;
	[sflag:s12] =	ssyncadd.s32 @!p0 $0xFFFFFFE0;
	s12 =	sadd.s32 @!p0 s6, s14  }
0x25: {  	[hbm4b:s12+s11] =	stream.linear.scatter @!p0 [tilespmem:s13], [sflag:$0x3], $0x20, $0x38;
	[tilespmem:$0x80] =	vst v63  }
0x26: {  	s13 =	sadd.s32 $0x400, s10  }
0x27: {  	p1 =	sgt.s32 s13, $0x5FF  }
0x28: {  	s13 =	smov.u32 @p1 s3;
	p1 =	sne.s32 s9, s7  }
.Ltmp0:
0x29: {  	p0 =	slt.u32 s9, $0x2;
	(pc) =	sbr.rel @p1 .LBB2_1-.Ltmp0, $4  }
0x2a: {  	s12 =	simm.s32 @!p0 $0x3  }
0x2b: {  	_ =	swait.ge @!p0 [sflag:s12], $0x20  }
0x2c: {  	s8 =	sadd.s32 $0x20, s8;
	s11 =	smov.u32 s10;
	[sflag:s12] =	ssyncset.done @!p0 $0x0  }
0x2d: {  	s9 =	sadd.s32 $0x1, s9;
	s10 =	smov.u32 s13;
	[sflag:s12] =	ssyncadd.s32 @!p0 $0xFFFFFFE0  }
0x2e: {  	_ =	sfence.sel $0x180000  }
0x2f: {  	s2 =	simm.s32 $0x2;
	[bflag:$0x0] =	sbarrier.arrive $0xFFFF  }
0x30: {  	s30 =	simm.s32 $0x3;
	[sflag:s2] =	ssyncpa.u1 $0x1  }
0x31: {  	s31 =	simm.s32 $0x1;
	[sflag:s30] =	ssyncpa.u1 $0x1  }
0x32: {  	[sflag:s31] =	ssyncpa.u1 $0x1  }
0x33: {  	p0 =	sne.s32 s0, $0x0;
	_ =	strace $0x90000047  }
0x34: {  	s0 =	sadd.s32 @!p0 $0x100000, s1;
	[bflag:$0x2] =	sbarrier.arrive $0xFFFF  }
0x35: {  	[sflag:s0] =	ssyncadd.tile.s32 @!p0 $0x1;
	_ =	shalt  }
.Lfunc_end2:
_tile_overlayer_lowered:
.L_overlay_start_2:
0x36: {  	(tag) =	ssettag $0x2  }
0x37: {  	s0 =	rddreg [dreg:$0x0];
	s2 =	stileid.u32  }
0x38: {  	s1 =	rddreg [dreg:$0x1];
	p0 =	sne.s32 s2, $0x0  }
0x39: {  	s3 =	rddreg [dreg:$0x2];
	[bflag:$0x3] =	sbarrier.arrive $0xFFFF;
	s2 =	simm.s32 @!p0 $0x1C01  }
0x3a: {  	[timem:s3], [sflag:s2] =	dma.local @!p0 [hbm:s0], s1  }
0x3b: {  	s0 =	simm.s32 @!p0 $0x1  }
0x3c: {  	_ =	swait.ge @!p0 [sflag:s0], s1  }
0x3d: {  	s1 =	ssub.s32 @!p0 $0x0, s1;
	[sflag:s0] =	ssyncset.done @!p0 $0x0  }
0x3e: {  	[sflag:s0] =	ssyncadd.s32 @!p0 s1  }
0x3f: {  	[bflag:$0x3] =	sbarrier.arrive $0xFFFF  }
0x40: {  	_ =	shalt  }

// kernel: kernel.3.cloned.1.call-start
scs
__scs_entry_jumppad:
0x0: {  	(pc) =	sbr.rel $0x88, $3  }
0x1: {  	(tag) =	ssettag $0x0;
	lr =	simm.s32 $0x1  }
0x2: {  	[smem:$0x3F9C] =	sst lr;
	_ =	strace $0xD0000000  }
0x3: {  	_ = 	snop  }
0x4: {  	_ = 	snop  }
0x5: {  	_ = 	snop  }
0x6: {  	_ = 	snop  }
0x7: {  	_ = 	snop  }
__scs_overlays_trampoline_lowered:
0x8: {  	[smem:$0x3FAB] =	sst s0  }
0x9: {  	[smem:$0x3FAC] =	sst s1  }
0xa: {  	[smem:$0x3FAD] =	sst s2  }
0xb: {  	[smem:$0x3FAE] =	sst s3  }
0xc: {  	[smem:$0x3FAF] =	sst s4  }
0xd: {  	[smem:$0x3FB0] =	sst s5  }
0xe: {  	[smem:$0x3FB1] =	sst s6  }
0xf: {  	[smem:$0x3FB2] =	sst s7  }
0x10: {  	[smem:$0x3FB3] =	sst s8  }
0x11: {  	[smem:$0x3FB4] =	sst s9;
	s0 =	simm.s32 @!p0 $0x0  }
0x12: {  	s1 =	sld [smem:$0x3F9A];
	s0 =	simm.s32 @p0 $0x1  }
0x13: {  	[smem:$0x3FB5] =	sst s0;
	s0 =	simm.s32 @!p1 $0x0  }
0x14: {  	s2 =	sld [smem:$0x3F99];
	s0 =	simm.s32 @p1 $0x1  }
0x15: {  	[smem:$0x3FB6] =	sst s0;
	s0 =	simm.s32 @!p2 $0x0  }
0x16: {  	s3 =	sld [smem:$0x3FDB];
	s0 =	simm.s32 @p2 $0x1  }
0x17: {  	s4 =	simm.s32 $0x1BF5;
	[smem:$0x3FB8] =	sst s0  }
0x18: {  	s0 =	sld [smem:$0x3F9B];
	_ =	swait.ge [sflag:s4], $0x0  }
0x19: {  	s7 =	sld [smem:$0x3F9C]  }
0x1a: {  	s8 =	sadd.s32 $0xFFFFE003, lr  }
0x1b: {  	s9 =	sadd.s32 $0xFFFFFEF7, lr;
	s5 =	simm.s32 $0xFFFFFFFF;
	p2 =	slt.u32 s8, $0xFFFFF086  }
0x1c: {  	p1 =	slt.u32 s9, $0xF7A;
	s5 =	simm.s32 @!p2 $0x0  }
0x1d: {  	s5 =	simm.s32 @p1 $0x1;
	p0 =	seq.s32 s7, s2  }
0x1e: {  	s7 =	smul.u32 @!p0 $0xF7A, s2;
	p2 =	seq.s32 @!p0 s5, $0x0  }
0x1f: {  	s9 =	smul.u32 $0xF7A, s1;
	s8 =	simm.s32 @!p0 $0x1BF5;
	p2 =	por !p2, p0  }
0x20: {  	[sflag:s8] =	ssyncset.s32 @!p0 $0xFFFFF086;
	s6 =	sadd.s32 @!p0 s3, s7;
	s7 =	simm.s32 @!p0 $0x108  }
0x21: {  	s3 =	sadd.s32 s3, s9;
	s6 =	sadd.s32 @!p0 $0x88, s6;
	s7 =	simm.s32 @p2 $0x1082  }
0x22: {  	[simem:s7], [sflag:s8] =	dma.local @!p0 [hbm:s6], $0xF7A  }
0x23: {  	s9 =	sor.u32 $0xD0000000, s2;
	s6 =	simm.s32 $0x108;
	_ =	swait.ge @!p0 [sflag:s8], $0x0  }
0x24: {  	s3 =	sadd.s32 $0x88, s3;
	s6 =	simm.s32 @!p1 $0x1082;
	[sflag:s4] =	ssyncset.s32 $0xFFFFF086  }
0x25: {  	[simem:s6], [sflag:s4] =	dma.local [hbm:s3], $0xF7A  }
0x26: {  	[smem:$0x3F9C] =	sst s1;
	(tag) =	ssettag s2;
	_ =	strace s9  }
0x27: {  	s1 =	sld [smem:$0x3FAC]  }
0x28: {  	s2 =	sld [smem:$0x3FAD]  }
0x29: {  	s4 =	sld [smem:$0x3FAF]  }
0x2a: {  	p0 =	seq.s32 s5, $0x0;
	s5 =	sld [smem:$0x3FB0]  }
0x2b: {  	s6 =	sld [smem:$0x3FB1]  }
0x2c: {  	s7 =	sld [smem:$0x3FB2]  }
0x2d: {  	s3 =	simm.s32 $0x108;
	s8 =	sld [smem:$0x3FB3]  }
0x2e: {  	s3 =	simm.s32 @!p0 $0x1082;
	s9 =	sld [smem:$0x3FB4]  }
0x2f: {  	lr =	sadd.s32 s0, s3;
	s0 =	sld [smem:$0x3FAB]  }
0x30: {  	s3 =	sld [smem:$0x3FAE]  }
0x31: {  	[smem:$0x3FB7] =	sst s10  }
0x32: {  	s10 =	sld [smem:$0x3FB5];
	_ =	sdelay $0x3  }
0x33: {  	p0 =	seq.s32 s10, $0x1;
	s10 =	sld [smem:$0x3FB7];
	_ =	sdelay $0x3  }
0x34: {  	[smem:$0x3FB7] =	sst s10  }
0x35: {  	s10 =	sld [smem:$0x3FB6];
	_ =	sdelay $0x3  }
0x36: {  	p1 =	seq.s32 s10, $0x1;
	s10 =	sld [smem:$0x3FB7];
	_ =	sdelay $0x3  }
0x37: {  	[smem:$0x3FB7] =	sst s10  }
0x38: {  	s10 =	sld [smem:$0x3FB8]  }
0x39: {  	_ = 	snop;
	(pc) =	sbr.ind lr, $3  }
0x3a: {  	_ = 	snop  }
0x3b: {  	_ = 	snop  }
0x3c: {  	p2 =	seq.s32 s10, $0x1;
	s10 =	sld [smem:$0x3FB7]  }
0x3d: {  	_ =	shalt  }
0x3e: {  	_ =	shalt  }
0x3f: {  	_ =	shalt  }
0x40: {  	_ =	shalt  }
0x41: {  	_ =	shalt  }
0x42: {  	_ =	shalt  }
0x43: {  	_ =	shalt  }
0x44: {  	_ =	shalt  }
0x45: {  	_ =	shalt  }
0x46: {  	_ =	shalt  }
0x47: {  	_ =	shalt  }
0x48: {  	_ =	shalt  }
0x49: {  	_ =	shalt  }
0x4a: {  	_ =	shalt  }
0x4b: {  	_ =	shalt  }
0x4c: {  	_ =	shalt  }
0x4d: {  	_ =	shalt  }
0x4e: {  	_ =	shalt  }
0x4f: {  	_ =	shalt  }
0x50: {  	_ =	shalt  }
0x51: {  	_ =	shalt  }
0x52: {  	_ =	shalt  }
0x53: {  	_ =	shalt  }
0x54: {  	_ =	shalt  }
0x55: {  	_ =	shalt  }
0x56: {  	_ =	shalt  }
0x57: {  	_ =	shalt  }
0x58: {  	_ =	shalt  }
0x59: {  	_ =	shalt  }
0x5a: {  	_ =	shalt  }
0x5b: {  	_ =	shalt  }
0x5c: {  	_ =	shalt  }
0x5d: {  	_ =	shalt  }
0x5e: {  	_ =	shalt  }
0x5f: {  	_ =	shalt  }
0x60: {  	_ =	shalt  }
0x61: {  	_ =	shalt  }
0x62: {  	_ =	shalt  }
0x63: {  	_ =	shalt  }
0x64: {  	_ =	shalt  }
0x65: {  	_ =	shalt  }
0x66: {  	_ =	shalt  }
0x67: {  	_ =	shalt  }
0x68: {  	_ =	shalt  }
0x69: {  	_ =	shalt  }
0x6a: {  	_ =	shalt  }
0x6b: {  	_ =	shalt  }
0x6c: {  	_ =	shalt  }
0x6d: {  	_ =	shalt  }
0x6e: {  	_ =	shalt  }
0x6f: {  	_ =	shalt  }
0x70: {  	_ =	shalt  }
0x71: {  	_ =	shalt  }
0x72: {  	_ =	shalt  }
0x73: {  	_ =	shalt  }
0x74: {  	_ =	shalt  }
0x75: {  	_ =	shalt  }
0x76: {  	_ =	shalt  }
0x77: {  	_ =	shalt  }
0x78: {  	_ =	shalt  }
0x79: {  	_ =	shalt  }
0x7a: {  	_ =	shalt  }
0x7b: {  	_ =	shalt  }
0x7c: {  	_ =	shalt  }
0x7d: {  	_ =	shalt  }
0x7e: {  	_ =	shalt  }
0x7f: {  	_ =	shalt  }
0x80: {  	_ =	shalt  }
0x81: {  	_ =	shalt  }
0x82: {  	_ =	shalt  }
0x83: {  	_ =	shalt  }
0x84: {  	_ =	shalt  }
0x85: {  	_ =	shalt  }
0x86: {  	_ =	shalt  }
0x87: {  	_ =	shalt  }
.Lfunc_end0:
.L_simem_size_0:
called_computation.1_lowered:
.L_overlay_start_0:
0x88: {  	s2 =	sld [smem:$0x3FD9]  }
0x89: {  	s3 =	sld [smem:$0x3FFE];
	_ =	sdelay $0x1  }
0x8a: {  	s1 =	srdreg.scid  }
0x8b: {  	s0 =	sand.u32 $0x1, s1  }
0x8c: {  	s17 =	sshll.u32 s0, $0xA;
	s2 =	sadd.s32 s3, s2  }
0x8d: {  	s2 =	sadd.s32 s2, s17  }
0x8e: {  	[smem:$0x3FC3] =	sst s2  }
0x8f: {  	_ = 	snop  }
0x90: {  	s2 =	sld [smem:$0x3FC9]  }
0x91: {  	s18 =	sld [smem:$0x3FC8]  }
0x92: {  	s4 =	sld [smem:$0x3FC7]  }
0x93: {  	s5 =	sld [smem:$0x3FC6]  }
0x94: {  	s6 =	sld [smem:$0x3FC5]  }
0x95: {  	s7 =	sld [smem:$0x3FD0];
	(tm) =	ssettm $0x1  }
0x96: {  	s8 =	sld [smem:$0x3FFB];
	_ =	sdelay $0x3  }
0x97: {  	_ =	strace s8  }
0x98: {  	s8 =	sld [smem:$0x3FFC];
	_ =	sdelay $0x3  }
0x99: {  	_ =	strace s8  }
0x9a: {  	s8 =	sld [smem:$0x3FFD];
	_ =	sdelay $0x3  }
0x9b: {  	_ =	strace s8  }
0x9c: {  	_ =	strace $0x8FFFFFFF  }
0x9d: {  	s19 =	sld [smem:$0x3FDB];
	_ =	sdelay $0x1  }
0x9e: {  	s9 =	simm.s32 $_scs_section_size  }
0x9f: {  	s10 =	simm.s32 $_size__tile_overlayer_lowered;
	s11 =	simm.s32 $_tile_overlayer_lowered  }
0xa0: {  	s22 =	simm.s32 $0x1BFF;
	s21 =	sshll.u32 s11, $0x1;
	s8 =	sadd.s32 s9, s19  }
0xa1: {  	s12 =	simm.s32 $0x0;
	s20 =	sshll.u32 s10, $0x1;
	s10 =	sadd.s32 s21, s8  }
0xa2: {  	[timem:s12], [sflag:s22] =	dma.local [hbm:s10], s20  }
0xa3: {  	_ =	swait.ge [sflag:s22], s20  }
0xa4: {  	s9 =	ssub.s32 $0x0, s20;
	[sflag:s22] =	ssyncset.done $0x0  }
0xa5: {  	[sflag:s22] =	ssyncadd.s32 s9;
	_ =	sdelay $0x1  }
0xa6: {  	s23 =	simm.s32 $0x1B8B  }
0xa7: {  	_ =	swait.ge [sflag:s23], $0x1  }
0xa8: {  	[sflag:s23] =	ssyncset.done $0x0  }
0xa9: {  	s25 =	simm.s32 $0x1B8E;
	s24 =	sld [smem:$0x3FFE];
	[sflag:s23] =	ssyncadd.s32 $0xFFFFFFFF  }
0xaa: {  	s26 =	simm.s32 $execute0_lowered;
	[smem:$0x3FD2] =	sst s25  }
0xab: {  	s10 =	sshll.u32 s26, $0x1;
	_ =	strace $0x80000049;
	[dreg:$0x1] =	wrdreg $0xFFFFFFFF  }
0xac: {  	s28 =	simm.s32 $_size_execute0_lowered;
	s8 =	sadd.s32 s8, s10;
	[dreg:$0x0] =	wrdreg $0x0  }
0xad: {  	s10 =	sshll.u32 s28, $0x1;
	[dreg:$0x2] =	wrdreg s8  }
0xae: {  	[dreg:$0x3] =	wrdreg s10  }
0xaf: {  	[dreg:$0x4] =	wrdreg $0xC0  }
0xb0: {  	_ =	task [dreg:s12], $0x5FFFF  }
0xb1: {  	[dreg:$0x1] =	wrdreg $0xFFFFFFFF  }
0xb2: {  	[dreg:$0x0] =	wrdreg $0x60  }
0xb3: {  	[dreg:$0x2] =	wrdreg s2  }
0xb4: {  	[dreg:$0x3] =	wrdreg s18  }
0xb5: {  	[dreg:$0x4] =	wrdreg s5  }
0xb6: {  	[dreg:$0x5] =	wrdreg s6  }
0xb7: {  	[dreg:$0x6] =	wrdreg s4  }
0xb8: {  	[dreg:$0x7] =	wrdreg s24  }
0xb9: {  	[dreg:$0x8] =	wrdreg s7  }
0xba: {  	[dreg:$0x9] =	wrdreg $0x9  }
0xbb: {  	_ =	task.clear_ibuf [dreg:s12], $0xAFFFF;
	_ =	strace $0x90000049  }
0xbc: {  	s29 =	simm.s32 $0x9;
	_ =	strace $0x8000004B  }
0xbd: {  	_ =	swait.ge [sflag:s29], $0x1  }
0xbe: {  	[sflag:s29] =	ssyncadd.s32 $0xFFFFFFFF  }
0xbf: {  	_ =	strace $0x9000004B  }
0xc0: {  	_ =	sfence  }
0xc1: {  	s30 =	sld [smem:$0x0];
	_ =	sdelay $0x2  }
0xc2: {  	s31 =	sshll.u32 s1, $0xD;
	s1 =	sshrl.u32 s1, $0x2  }
0xc3: {  	s3 =	sand.u32 $0x4000, s31;
	s1 =	sadd.s32 s1, s30  }
0xc4: {  	s0 =	sor.u32 s3, s0;
	s1 =	sshll.u32 s1, $0x11  }
0xc5: {  	s0 =	sor.u32 s1, s0  }
0xc6: {  	s0 =	sadd.s32 $0x8F2B, s0  }
0xc7: {  	[sflag:s0] =	ssyncadd.remote.s32 $0x1  }
0xc8: {  	_ =	sfence.sel $0xFFFF  }
0xc9: {  	[dreg:$0x0] =	wrdreg $0xFFFFFFFF;
	(pc) =	sbr.abs _section_cstart, $3  }
0xca: {  	[dreg:$0x1] =	wrdreg $0xFFFFFFFF  }
0xcb: {  	_ =	task.clear_ibuf [dreg:s12], $0x2FFFF;
	_ =	strace $0x9FFFFFFF  }
0xcc: {  	(tm) =	ssettm $0x7FFFFFFF  }
0xcd: {  	_ =	shalt  }
tec
execute0_lowered:
.L_overlay_start_1:
0x0: {  	(tag) =	ssettag $0x1  }
0x1: {  	s0 =	rddreg [dreg:$0x0]  }
0x2: {  	s1 =	rddreg [dreg:$0x1]  }
0x3: {  	s2 =	rddreg [dreg:$0x2]  }
0x4: {  	s4 =	rddreg [dreg:$0x3]  }
0x5: {  	s5 =	rddreg [dreg:$0x4]  }
0x6: {  	s3 =	rddreg [dreg:$0x5]  }
0x7: {  	s6 =	srdreg.scid;
	s7 =	stileid.u32  }
0x8: {  	s8 =	simm.s32 $0x0;
	s13 =	simm.s32 $0x1;
	s14 =	simm.s32 $0x80  }
0x9: {  	v0 =	vimm.s32 $0xFEDCBA9;
	v1 =	vimm.s32 $0x87654321;
	s15 =	simm.s32 $0x100;
	s6 =	sand.u32 $0x1, s6;
	s7 =	sshll.u32 s7, $0x1  }
0xa: {  	s16 =	simm.s32 $0x180;
	s17 =	simm.s32 $0x3;
	v0 =	vunpack.c.l.s4.s8 v0;
	v1 =	vunpack.c.l.s4.s8 v1;
	s7 =	sor.u32 s6, s7  }
0xb: {  	s18 =	simm.s32 $0x280;
	s9 =	sshll.u32 s7, $0x4;
	s7 =	smul.u32 $0x2710, s7  }
.Ltmp0:
0xc: {  	[smem:$0x7FF] =	sst s8;
	s6 =	ssub.s32 $0x2, s6;
	v0 =	vunpack.c.0.s8.s32 v0;
	v1 =	vunpack.c.0.s8.s32 v1;
	(pc) =	sbr.rel .LBB2_1-.Ltmp0, $4  }
0xd: {  	_ =	strace $0x8000004A;
	s30 =	sshrl.u32 s6, $0x1;
	s3 =	sadd.s32 s9, s3  }
0xe: {  	s6 =	ssub.s32 s6, s30;
	[dreg:$0x8] =	wrdreg s7;
	s3 =	sadd.s32 $0x1000, s3;
	v2 =	vcombine.low v1, v0  }
0xf: {  	s19 =	simm.s32 $0x200;
	s31 =	smax.u32 s6, $0x1;
	[dreg:$0x9] =	wrdreg s3  }
0x10: {  	s20 =	simm.s32 $0x2;
	v0 =	vimm.f32 $0.0e+00;
	v1 =	vlaneseq.u32;
	s6 =	simm.s32 $0x0;
	[dreg:$0xa] =	wrdreg s31;
	v2 =	vand.u32 $0xF, v2  }
.LBB2_24:
0x11: {  	s6 =	rddreg [dreg:$0xb]  }
0x12: {  	s3 =	rddreg [dreg:$0xa];
	s6 =	sadd.s32 $0x1, s6  }
0x13: {  	p0 =	sne.s32 s6, s3  }
.Ltmp1:
0x14: {  	_ = 	snop;
	(pc) =	sbr.rel @!p0 .LBB2_25-.Ltmp1, $1  }
0x15: {  	_ =	sdelay $0x3  }
.LBB2_1:
0x16: {  	[dreg:$0xb] =	wrdreg s6  }
.Ltmp2:
0x17: {  	s3 =	rddreg [dreg:$0x9];
	s31 =	simm.s32 $0x4;
	(pc) =	sbr.rel .LBB2_2-.Ltmp2, $4  }
0x18: {  	[tilespmem:s8], [sflag:$0x4] =	stream.linear.gather [hbm4b:s3+s8], $0x80, $0x38;
	[tilespmem:$0x10A80] =	vst v63  }
0x19: {  	_ =	swait.ge [sflag:s31], $0x80  }
0x1a: {  	[sflag:s31] =	ssyncset.done $0x0  }
0x1b: {  	s6 =	simm.s32 $0x0;
	[sflag:s31] =	ssyncadd.s32 $0xFFFFFF80  }
.LBB2_23:
0x1c: {  	s3 =	rddreg [dreg:$0xd]  }
0x1d: {  	s6 =	rddreg [dreg:$0x6];
	s3 =	sshll.u32 s3, $0x4  }
0x1e: {  	s30 =	simm.s32 $0x4280;
	s31 =	simm.s32 $0x4;
	s3 =	sadd.s32 s6, s3  }
0x1f: {  	[hbm4b:s3+s8] =	stream.linear.scatter [tilespmem:s30], [sflag:$0x4], $0xC800, $0x38;
	[tilespmem:$0x10A80] =	vst v63  }
0x20: {  	_ =	swait.ge [sflag:s31], $0xC800  }
0x21: {  	s6 =	rddreg [dreg:$0xc]  }
0x22: {  	p0 =	sne.s32 s6, $0x19  }
.Ltmp3:
0x23: {  	_ = 	snop;
	(pc) =	sbr.rel @!p0 .LBB2_24-.Ltmp3, $3  }
0x24: {  	_ =	sdelay $0x1  }
0x25: {  	[sflag:s31] =	ssyncset.done $0x0  }
0x26: {  	[sflag:s31] =	ssyncadd.s32 $0xFFFF3800  }
.LBB2_2:
0x27: {  	s3 =	smov.u32 s6  }
0x28: {  	s30 =	sand.u32 $0x10, s6;
	s9 =	sadd.s32 $0x1, s3  }
0x29: {  	s6 =	simm.s32 $0x4380;
	v4 =	vld [tilespmem:s30+$0x0];
	s31 =	sand.u32 $0x30, s9  }
0x2a: {  	v3 =	vld [tilespmem:s31+$0x0];
	[tilespmem:s6+$0xFFFFFF00] =	vst v0  }
0x2b: {  	[tilespmem:s6+$0xF0] =	vst v0  }
0x2c: {  	[tilespmem:s6+$0xE0] =	vst v0  }
0x2d: {  	[tilespmem:s6+$0xD0] =	vst v0  }
0x2e: {  	[tilespmem:s6+$0xC0] =	vst v0  }
0x2f: {  	[tilespmem:s6+$0xB0] =	vst v0  }
0x30: {  	[tilespmem:s6+$0xA0] =	vst v0  }
0x31: {  	[tilespmem:s6+$0x90] =	vst v0  }
0x32: {  	[tilespmem:s6+$0x80] =	vst v0  }
0x33: {  	[tilespmem:s6+$0x70] =	vst v0  }
0x34: {  	[tilespmem:s6+$0x60] =	vst v0  }
0x35: {  	[tilespmem:s6+$0x50] =	vst v0  }
0x36: {  	[tilespmem:s6+$0x40] =	vst v0  }
0x37: {  	[tilespmem:s6+$0x30] =	vst v0  }
0x38: {  	[tilespmem:s6+$0x20] =	vst v0  }
0x39: {  	[tilespmem:s6+$0x10] =	vst v0  }
0x3a: {  	[tilespmem:s6+$0x0] =	vst v0  }
0x3b: {  	[tilespmem:s6+$0xFFFFFFF0] =	vst v0  }
0x3c: {  	[tilespmem:s6+$0xFFFFFFE0] =	vst v0  }
0x3d: {  	[tilespmem:s6+$0xFFFFFFD0] =	vst v0  }
0x3e: {  	[tilespmem:s6+$0xFFFFFFC0] =	vst v0  }
0x3f: {  	[tilespmem:s6+$0xFFFFFFB0] =	vst v0  }
0x40: {  	[tilespmem:s6+$0xFFFFFFA0] =	vst v0  }
0x41: {  	[tilespmem:s6+$0xFFFFFF90] =	vst v0  }
0x42: {  	[tilespmem:s6+$0xFFFFFF80] =	vst v0  }
0x43: {  	[tilespmem:s6+$0xFFFFFF70] =	vst v0  }
0x44: {  	[tilespmem:s6+$0xFFFFFF60] =	vst v0  }
0x45: {  	[tilespmem:s6+$0xFFFFFF50] =	vst v0  }
0x46: {  	[tilespmem:s6+$0xFFFFFF40] =	vst v0  }
0x47: {  	[tilespmem:s6+$0xFFFFFF30] =	vst v0  }
0x48: {  	s7 =	simm.s32 $0x0;
	[tilespmem:s6+$0xFFFFFF20] =	vst v0  }
.LBB2_3:
0x49: {  	s7 =	sadd.s32 $0x4, s7;
	[tilespmem:s6+$0xFFFFFF10] =	vst v0;
	s6 =	sadd.s32 $0x200, s6  }
0x4a: {  	[tilespmem:s6+$0xFFFFFF00] =	vst v0;
	p0 =	slt.u32 s7, $0x18C  }
0x4b: {  	[tilespmem:s6+$0xF0] =	vst v0  }
0x4c: {  	[tilespmem:s6+$0xE0] =	vst v0  }
0x4d: {  	[tilespmem:s6+$0xD0] =	vst v0  }
0x4e: {  	[tilespmem:s6+$0xC0] =	vst v0  }
0x4f: {  	[tilespmem:s6+$0xB0] =	vst v0  }
0x50: {  	[tilespmem:s6+$0xA0] =	vst v0  }
0x51: {  	[tilespmem:s6+$0x90] =	vst v0  }
0x52: {  	[tilespmem:s6+$0x80] =	vst v0  }
0x53: {  	[tilespmem:s6+$0x70] =	vst v0  }
0x54: {  	[tilespmem:s6+$0x60] =	vst v0  }
0x55: {  	[tilespmem:s6+$0x50] =	vst v0  }
0x56: {  	[tilespmem:s6+$0x40] =	vst v0  }
0x57: {  	[tilespmem:s6+$0x30] =	vst v0  }
0x58: {  	[tilespmem:s6+$0x20] =	vst v0  }
0x59: {  	[tilespmem:s6+$0x10] =	vst v0  }
0x5a: {  	[tilespmem:s6+$0x0] =	vst v0  }
0x5b: {  	[tilespmem:s6+$0xFFFFFFF0] =	vst v0  }
0x5c: {  	[tilespmem:s6+$0xFFFFFFE0] =	vst v0  }
0x5d: {  	[tilespmem:s6+$0xFFFFFFD0] =	vst v0  }
0x5e: {  	[tilespmem:s6+$0xFFFFFFC0] =	vst v0  }
0x5f: {  	[tilespmem:s6+$0xFFFFFFB0] =	vst v0  }
0x60: {  	[tilespmem:s6+$0xFFFFFFA0] =	vst v0  }
0x61: {  	[tilespmem:s6+$0xFFFFFF90] =	vst v0  }
0x62: {  	[tilespmem:s6+$0xFFFFFF80] =	vst v0  }
0x63: {  	[tilespmem:s6+$0xFFFFFF70] =	vst v0  }
.Ltmp4:
0x64: {  	[tilespmem:s6+$0xFFFFFF60] =	vst v0;
	(pc) =	sbr.rel @p0 .LBB2_3-.Ltmp4, $4  }
0x65: {  	[tilespmem:s6+$0xFFFFFF50] =	vst v0  }
0x66: {  	[tilespmem:s6+$0xFFFFFF40] =	vst v0  }
0x67: {  	[tilespmem:s6+$0xFFFFFF30] =	vst v0  }
0x68: {  	[tilespmem:s6+$0xFFFFFF20] =	vst v0  }
0x69: {  	s23 =	sand.u32 $0xF, s3  }
0x6a: {  	s24 =	sand.u32 $0xF, s9;
	v5 =	vmov s23  }
0x6b: {  	v4 =	vxor.u32 $0x80000000, v4;
	v63 =	vmov s24;
	vm0 =	veq.s32 v5, v1  }
0x6c: {  	v3 =	vxor.u32 $0x80000000, v3;
	vm15 =	veq.s32 v63, v1;
	v4 =	vnsel vm0, $0x0, v4  }
0x6d: {  	v3 =	vnsel vm15, $0x0, v3;
	(xrf0) =	vmax.scan.msk.u32 $0xffff, v4  }
0x6e: {  	(xrf0) =	vmax.scan.msk.u32 $0xffff, v3;
	_ =	sdelay $0x4  }
0x6f: {  	v3, _, _ =	vpop (xrf0)  }
0x70: {  	(v2sf) =	vpush v3, $0xF;
	v3, _, _ =	vpop (xrf0)  }
0x71: {  	(v2sf) =	vpush v3, $0xF;
	_ =	sdelay $0xd  }
0x72: {  	s25 =	spop (v2sf)  }
0x73: {  	s24 =	sxor.u32 $0x80000000, s25;
	s26 =	spop (v2sf)  }
0x74: {  	[tilespmem:s6+$0xFFFFFF10] =	vst v0;
	s6 =	sxor.u32 $0x80000000, s26;
	s25 =	sand.u32 $0xFFFFFFF0, s24  }
0x75: {  	s7 =	ssub.s32 s6, s25  }
0x76: {  	s7 =	sadd.s32 $0x7F, s7  }
0x77: {  	s28 =	sand.u32 $0x7F, s7  }
0x78: {  	s29 =	sshra.s32 s7, $0x1F;
	p1 =	slt.s32 s7, $0x1;
	p0 =	sne.s32 s28, $0x0  }
0x79: {  	[dreg:$0xc] =	wrdreg s9;
	s9 =	sshrl.u32 s29, $0x19;
	p0 =	por !p1, !p0  }
0x7a: {  	s7 =	sadd.s32 s9, s7;
	s9 =	simm.s32 $0x1;
	p0 =	por !p0, !p0  }
0x7b: {  	s7 =	sshra.s32 s7, $0x7;
	s9 =	simm.s32 @!p0 $0x0  }
0x7c: {  	s26 =	ssub.s32 s7, s9  }
0x7d: {  	p0 =	slt.s32 s26, $0x1  }
.Ltmp5:
0x7e: {  	_ = 	snop;
	(pc) =	sbr.rel @p0 .LBB2_23-.Ltmp5, $4  }
0x7f: {  	s30 =	smul.u32 $0x190, s3  }
0x80: {  	s31 =	rddreg [dreg:$0x8]  }
0x81: {  	s3 =	sadd.s32 s31, s30  }
0x82: {  	[dreg:$0xd] =	wrdreg s3  }
0x83: {  	s3 =	rddreg [dreg:$0xd]  }
0x84: {  	v3 =	vmov s6;
	s29 =	simm.s32 $0x0;
	v4 =	vmov s3  }
.LBB2_6:
0x85: {  	s3 =	sshll.u32 s29, $0x7  }
0x86: {  	s9 =	sadd.s32 s25, s3  }
0x87: {  	p0 =	slt.s32 s9, $0x4E180;
	s30 =	smov.u32 s9  }
0x88: {  	s30 =	simm.s32 @!p0 $0x4E180  }
0x89: {  	s28 =	sshrl.u32 s30, $0x3  }
0x8a: {  	s6 =	sadd.s32 s2, s28  }
0x8b: {  	[tilespmem:s14], [sflag:$0x3] =	stream.linear.gather [hbm4b:s6+s8], $0x80, $0x38;
	[tilespmem:$0x10A80] =	vst v63  }
0x8c: {  	s7 =	sadd.s32 s4, s28  }
0x8d: {  	[tilespmem:s15], [sflag:$0x3] =	stream.linear.gather [hbm4b:s7+s8], $0x80, $0x38;
	[tilespmem:$0x10A80] =	vst v63  }
0x8e: {  	s3 =	sadd.s32 s5, s28  }
0x8f: {  	[tilespmem:s16], [sflag:$0x3] =	stream.linear.gather [hbm4b:s3+s8], $0x80, $0x38;
	[tilespmem:$0x10A80] =	vst v63  }
0x90: {  	_ =	swait.ge [sflag:s17], $0x80  }
0x91: {  	[sflag:s17] =	ssyncset.done $0x0  }
0x92: {  	[sflag:s17] =	ssyncadd.s32 $0xFFFFFF80  }
0x93: {  	_ =	swait.ge [sflag:s17], $0x80  }
0x94: {  	[sflag:s17] =	ssyncset.done $0x0  }
0x95: {  	[sflag:s17] =	ssyncadd.s32 $0xFFFFFF80  }
0x96: {  	_ =	swait.ge [sflag:s17], $0x80  }
0x97: {  	[sflag:s17] =	ssyncset.done $0x0  }
0x98: {  	[sflag:s17] =	ssyncadd.s32 $0xFFFFFF80  }
0x99: {  	[tilespmem:s18], [sflag:$0x1] =	stream.indirect.gather [hbm4b:s0+s14], $0x80, s14, s14, $0xb8;
	[tilespmem:$0x10A80] =	vst v63  }
0x9a: {  	_ = 	snop  }
0x9b: {  	[tilespmem:s19], [sflag:$0x2] =	stream.indirect.gather [hbm4b:s1+s14], $0x1, s15, s14, $0xb8;
	[tilespmem:$0x10A80] =	vst v63  }
0x9c: {  	_ =	swait.ge [sflag:s13], $0x4000  }
0x9d: {  	[sflag:s13] =	ssyncset.done $0x0  }
0x9e: {  	[sflag:s13] =	ssyncadd.s32 $0xFFFFC000  }
0x9f: {  	_ =	swait.ge [sflag:s20], $0x80  }
0xa0: {  	[sflag:s20] =	ssyncset.done $0x0  }
0xa1: {  	[sflag:s20] =	ssyncadd.s32 $0xFFFFFF80  }
0xa2: {  	v5 =	vld [tilespmem:$0x180];
	_ =	sdelay $0x4  }
0xa3: {  	v5 =	vsub.s32 v5, v4  }
0xa4: {  	vm0 =	vgt.s32 v5, $0x0  }
0xa5: {  	v5 =	vnsel vm0, $0x0, v5  }
0xa6: {  	v6 =	vmin.u32 v5, $0x18F  }
0xa7: {  	(v2sf) =	vpush v6, $0x0;
	_ =	sdelay $0x7  }
0xa8: {  	v5 =	vld [tilespmem:$0x200]  }
0xa9: {  	p0 =	sgt.s32 s24, s9  }
0xaa: {  	s22 =	simm.s32 $0x380;
	s9 =	smov.u32 @p0 s24;
	v7 =	vor.u32 s30, v1  }
0xab: {  	vm15 =	vge.s32 v7, s9;
	vm1 =	vlt.s32 v7, v3;
	v7 =	vld [tilespmem:s22+$0xFFFFFF00]  }
0xac: {  	vm0 =	vmand vm15, vm1  }
0xad: {  	v8 =	vnsel vm0, $0x0, v5  }
0xae: {  	v5 =	vbroadcast v8, $0x0  }
0xaf: {  	s10 =	spop (v2sf)  }
0xb0: {  	v7 =	vmul.f32 v7, v5;
	s3 =	sshll.u32 s10, $0x9  }
0xb1: {  	s12 =	sshra.s32 s3, $0x2  }
0xb2: {  	[tilespmem:s12+$0x4280] =	vst.add.f32.msk $0xffff, v7  }
0xb3: {  	v7 =	vld [tilespmem:s22+$0xFFFFFF10];
	_ =	sdelay $0x4  }
0xb4: {  	v7 =	vmul.f32 v7, v5;
	_ =	sdelay $0x1  }
0xb5: {  	[tilespmem:s12+$0x4290] =	vst.add.f32.msk $0xffff, v7  }
0xb6: {  	v7 =	vld [tilespmem:s22+$0xFFFFFF20];
	_ =	sdelay $0x4  }
0xb7: {  	v7 =	vmul.f32 v7, v5;
	_ =	sdelay $0x1  }
0xb8: {  	[tilespmem:s12+$0x42A0] =	vst.add.f32.msk $0xffff, v7  }
0xb9: {  	v7 =	vld [tilespmem:s22+$0xFFFFFF30];
	_ =	sdelay $0x4  }
0xba: {  	v7 =	vmul.f32 v7, v5;
	_ =	sdelay $0x1  }
0xbb: {  	[tilespmem:s12+$0x42B0] =	vst.add.f32.msk $0xffff, v7  }
0xbc: {  	v7 =	vld [tilespmem:s22+$0xFFFFFF40];
	_ =	sdelay $0x2  }
0xbd: {  	v6 =	vperm.xlane v6, v2;
	_ =	sdelay $0x1  }
0xbe: {  	(v2sf) =	vpush v6, $0x0;
	v7 =	vmul.f32 v7, v5;
	_ =	sdelay $0x1  }
0xbf: {  	[tilespmem:s12+$0x42C0] =	vst.add.f32.msk $0xffff, v7  }
0xc0: {  	v9 =	vperm.xlane v6, v2;
	v7 =	vld [tilespmem:s22+$0xFFFFFF50];
	_ =	sdelay $0x1  }
0xc1: {  	v6 =	vperm.xlane v9, v2;
	(v2sf) =	vpush v9, $0x0;
	_ =	sdelay $0x1  }
0xc2: {  	v11 =	vperm.xlane v6, v2;
	(v2sf) =	vpush v6, $0x0  }
0xc3: {  	v7 =	vmul.f32 v7, v5  }
0xc4: {  	(v2sf) =	vpush v11, $0x0  }
0xc5: {  	[tilespmem:s12+$0x42D0] =	vst.add.f32.msk $0xffff, v7  }
0xc6: {  	v7 =	vld [tilespmem:s22+$0xFFFFFF80]  }
0xc7: {  	s6 =	simm.s32 $0x580;
	v8 =	vperm.xlane v8, v2;
	v6 =	vld [tilespmem:s22+$0xFFFFFF60]  }
0xc8: {  	v12 =	vld [tilespmem:s6+$0xFFFFFF00]  }
0xc9: {  	v13 =	vld [tilespmem:s22+$0x0];
	v10 =	vbroadcast v8, $0x0  }
0xca: {  	v14 =	vld [tilespmem:s22+$0x80];
	s11 =	spop (v2sf)  }
0xcb: {  	s31 =	simm.s32 $0x780;
	v19 =	vld [tilespmem:s6+$0x0];
	v15 =	vperm.xlane v8, v2;
	s3 =	sshll.u32 s11, $0x9;
	v17 =	vmul.f32 v10, v7  }
0xcc: {  	v9 =	vld [tilespmem:s31+$0xFFFFFF00];
	s7 =	sshra.s32 s3, $0x2;
	v6 =	vmul.f32 v6, v5  }
0xcd: {  	v7 =	vbroadcast v15, $0x0;
	[tilespmem:s7+$0x4280] =	vst.add.f32.msk $0xffff, v17  }
0xce: {  	[tilespmem:s12+$0x42E0] =	vst.add.f32.msk $0xffff, v6;
	v6 =	vperm.xlane v15, v2  }
0xcf: {  	s21 =	spop (v2sf);
	v13 =	vmul.f32 v7, v13;
	v15 =	vld [tilespmem:s6+$0xFFFFFF80]  }
0xd0: {  	s3 =	sshll.u32 s21, $0x9;
	v17 =	vld [tilespmem:s22+$0xFFFFFF90];
	v18 =	vperm.xlane v6, v2;
	v8 =	vbroadcast v6, $0x0  }
0xd1: {  	s23 =	spop (v2sf);
	s10 =	sshra.s32 s3, $0x2;
	v16 =	vld [tilespmem:s22+$0xFFFFFF70]  }
0xd2: {  	s3 =	sshll.u32 s23, $0x9;
	[tilespmem:s10+$0x4280] =	vst.add.f32.msk $0xffff, v13;
	v6 =	vbroadcast v18, $0x0;
	v14 =	vmul.f32 v8, v14  }
0xd3: {  	s21 =	spop (v2sf);
	s11 =	sshra.s32 s3, $0x2;
	v13 =	vld [tilespmem:s22+$0x10]  }
0xd4: {  	s28 =	sshll.u32 s21, $0x9;
	v12 =	vmul.f32 v12, v6;
	[tilespmem:s11+$0x4280] =	vst.add.f32.msk $0xffff, v14  }
0xd5: {  	s3 =	sshra.s32 s28, $0x2;
	v14 =	vld [tilespmem:s22+$0x90]  }
0xd6: {  	[tilespmem:s3+$0x4280] =	vst.add.f32.msk $0xffff, v12;
	v12 =	vmul.f32 v17, v10  }
0xd7: {  	v17 =	vld [tilespmem:s6+$0xFFFFFF10]  }
0xd8: {  	[tilespmem:s7+$0x4290] =	vst.add.f32.msk $0xffff, v12;
	v12 =	vmul.f32 v13, v7  }
0xd9: {  	v13 =	vld [tilespmem:s22+$0xFFFFFFA0]  }
0xda: {  	[tilespmem:s10+$0x4290] =	vst.add.f32.msk $0xffff, v12;
	v12 =	vmul.f32 v14, v8  }
0xdb: {  	v14 =	vld [tilespmem:s22+$0x20]  }
0xdc: {  	v17 =	vmul.f32 v17, v6;
	[tilespmem:s11+$0x4290] =	vst.add.f32.msk $0xffff, v12  }
0xdd: {  	v12 =	vld [tilespmem:s22+$0xA0]  }
0xde: {  	[tilespmem:s3+$0x4290] =	vst.add.f32.msk $0xffff, v17;
	v13 =	vmul.f32 v13, v10  }
0xdf: {  	v17 =	vld [tilespmem:s6+$0xFFFFFF20]  }
0xe0: {  	[tilespmem:s7+$0x42A0] =	vst.add.f32.msk $0xffff, v13;
	v13 =	vmul.f32 v14, v7  }
0xe1: {  	v14 =	vld [tilespmem:s22+$0xFFFFFFB0]  }
0xe2: {  	[tilespmem:s10+$0x42A0] =	vst.add.f32.msk $0xffff, v13;
	v12 =	vmul.f32 v12, v8  }
0xe3: {  	v13 =	vld [tilespmem:s22+$0x30]  }
0xe4: {  	v17 =	vmul.f32 v17, v6;
	[tilespmem:s11+$0x42A0] =	vst.add.f32.msk $0xffff, v12  }
0xe5: {  	v12 =	vld [tilespmem:s22+$0xB0]  }
0xe6: {  	[tilespmem:s3+$0x42A0] =	vst.add.f32.msk $0xffff, v17;
	v14 =	vmul.f32 v14, v10  }
0xe7: {  	v17 =	vld [tilespmem:s6+$0xFFFFFF30]  }
0xe8: {  	[tilespmem:s7+$0x42B0] =	vst.add.f32.msk $0xffff, v14;
	v13 =	vmul.f32 v13, v7  }
0xe9: {  	v14 =	vld [tilespmem:s22+$0xFFFFFFC0]  }
0xea: {  	[tilespmem:s10+$0x42B0] =	vst.add.f32.msk $0xffff, v13;
	v12 =	vmul.f32 v12, v8  }
0xeb: {  	v13 =	vld [tilespmem:s22+$0x40]  }
0xec: {  	v17 =	vmul.f32 v17, v6;
	[tilespmem:s11+$0x42B0] =	vst.add.f32.msk $0xffff, v12  }
0xed: {  	v12 =	vld [tilespmem:s22+$0xC0]  }
0xee: {  	[tilespmem:s3+$0x42B0] =	vst.add.f32.msk $0xffff, v17;
	v14 =	vmul.f32 v14, v10  }
0xef: {  	v17 =	vld [tilespmem:s6+$0xFFFFFF40]  }
0xf0: {  	[tilespmem:s7+$0x42C0] =	vst.add.f32.msk $0xffff, v14;
	v13 =	vmul.f32 v13, v7  }
0xf1: {  	v14 =	vld [tilespmem:s22+$0xFFFFFFD0]  }
0xf2: {  	[tilespmem:s10+$0x42C0] =	vst.add.f32.msk $0xffff, v13;
	v12 =	vmul.f32 v12, v8  }
0xf3: {  	v13 =	vld [tilespmem:s22+$0x50]  }
0xf4: {  	v17 =	vmul.f32 v17, v6;
	[tilespmem:s11+$0x42C0] =	vst.add.f32.msk $0xffff, v12  }
0xf5: {  	v12 =	vld [tilespmem:s22+$0xD0]  }
0xf6: {  	[tilespmem:s3+$0x42C0] =	vst.add.f32.msk $0xffff, v17  }
0xf7: {  	v14 =	vmul.f32 v14, v10;
	v17 =	vld [tilespmem:s6+$0x80]  }
0xf8: {  	v20 =	vld [tilespmem:s6+$0xFFFFFF50]  }
0xf9: {  	[tilespmem:s7+$0x42D0] =	vst.add.f32.msk $0xffff, v14;
	v13 =	vmul.f32 v13, v7  }
0xfa: {  	v14 =	vld [tilespmem:s22+$0xFFFFFFE0]  }
0xfb: {  	v12 =	vmul.f32 v12, v8;
	[tilespmem:s10+$0x42D0] =	vst.add.f32.msk $0xffff, v13  }
0xfc: {  	v11 =	vperm.xlane v11, v2;
	v13 =	vperm.xlane v18, v2;
	v24 =	vld [tilespmem:s22+$0x60]  }
0xfd: {  	v18 =	vmul.f32 v16, v5;
	v16 =	vmul.f32 v20, v6;
	[tilespmem:s11+$0x42D0] =	vst.add.f32.msk $0xffff, v12  }
0xfe: {  	(v2sf) =	vpush v11, $0x0;
	v20 =	vperm.xlane v11, v2;
	v12 =	vperm.xlane v13, v2;
	v21 =	vld [tilespmem:s22+$0xE0]  }
0xff: {  	v13 =	vbroadcast v13, $0x0;
	v14 =	vmul.f32 v14, v10;
	[tilespmem:s3+$0x42D0] =	vst.add.f32.msk $0xffff, v16  }
0x100: {  	v16 =	vperm.xlane v20, v2;
	v26 =	vperm.xlane v12, v2;
	(v2sf) =	vpush v20, $0x0;
	v25 =	vld [tilespmem:s6+$0xFFFFFF60]  }
0x101: {  	v22 =	vmul.f32 v13, v15;
	v12 =	vbroadcast v12, $0x0;
	[tilespmem:s7+$0x42E0] =	vst.add.f32.msk $0xffff, v14  }
0x102: {  	v15 =	vperm.xlane v16, v2;
	v11 =	vperm.xlane v26, v2;
	(v2sf) =	vpush v16, $0x0;
	v20 =	vld [tilespmem:s22+$0xFFFFFFF0]  }
0x103: {  	v5 =	vmov s9;
	v23 =	vmul.f32 v12, v19;
	v16 =	vbroadcast v26, $0x0  }
0x104: {  	s21 =	simm.s32 $0x8;
	s9 =	simm.s32 $0x980;
	[tilespmem:s12+$0x42F0] =	vst.add.f32.msk $0xffff, v18;
	v14 =	vbroadcast v11, $0x0;
	(v2sf) =	vpush v15, $0x0;
	v18 =	vmul.f32 v21, v8  }
.LBB2_7:
0x105: {  	v19 =	vld [tilespmem:s9+$0xFFFFFF00];
	v26 =	vmul.f32 v16, v17;
	v17 =	vmul.f32 v24, v7  }
0x106: {  	v24 =	vmul.f32 v9, v14;
	v9 =	vmul.f32 v25, v6;
	[tilespmem:s11+$0x42E0] =	vst.add.f32.msk $0xffff, v18  }
0x107: {  	v18 =	vmul.f32 v20, v10;
	[tilespmem:s10+$0x42E0] =	vst.add.f32.msk $0xffff, v17;
	v10 =	vmov v13  }
0x108: {  	[tilespmem:s3+$0x42E0] =	vst.add.f32.msk $0xffff, v9  }
0x109: {  	v13 =	vld [tilespmem:s22+$0xF0]  }
0x10a: {  	v21 =	vld [tilespmem:s22+$0x70];
	v9 =	vmov v19;
	s22 =	smov.u32 s6;
	s6 =	smov.u32 s31;
	s31 =	smov.u32 s9  }
0x10b: {  	v19 =	vld [tilespmem:s22+$0xFFFFFF70]  }
0x10c: {  	[tilespmem:s7+$0x42F0] =	vst.add.f32.msk $0xffff, v18  }
0x10d: {  	v20 =	vld [tilespmem:s6+$0xFFFFFF80];
	s7 =	spop (v2sf)  }
0x10e: {  	v18 =	vld [tilespmem:s6+$0x0];
	s7 =	sshll.u32 s7, $0x9;
	v13 =	vmul.f32 v13, v8;
	v8 =	vmov v16  }
0x10f: {  	v17 =	vld [tilespmem:s6+$0x80];
	s7 =	sshra.s32 s7, $0x2;
	s12 =	spop (v2sf);
	v21 =	vmul.f32 v21, v7;
	v7 =	vmov v12  }
0x110: {  	v19 =	vmul.f32 v19, v6;
	[tilespmem:s7+$0x4280] =	vst.add.f32.msk $0xffff, v22;
	s12 =	sshll.u32 s12, $0x9;
	v6 =	vmov v14  }
0x111: {  	v12 =	vld [tilespmem:s22+$0xFFFFFF90];
	s12 =	sshra.s32 s12, $0x2;
	s23 =	spop (v2sf)  }
0x112: {  	[tilespmem:s12+$0x4280] =	vst.add.f32.msk $0xffff, v23;
	s23 =	sshll.u32 s23, $0x9  }
0x113: {  	s28 =	spop (v2sf);
	v14 =	vld [tilespmem:s22+$0x10];
	s23 =	sshra.s32 s23, $0x2  }
0x114: {  	s28 =	sshll.u32 s28, $0x9;
	[tilespmem:s23+$0x4280] =	vst.add.f32.msk $0xffff, v26  }
0x115: {  	s28 =	sshra.s32 s28, $0x2;
	v16 =	vld [tilespmem:s22+$0x90]  }
0x116: {  	[tilespmem:s28+$0x4280] =	vst.add.f32.msk $0xffff, v24;
	v12 =	vmul.f32 v12, v10  }
0x117: {  	v22 =	vld [tilespmem:s6+$0xFFFFFF10]  }
0x118: {  	[tilespmem:s7+$0x4290] =	vst.add.f32.msk $0xffff, v12;
	v12 =	vmul.f32 v14, v7  }
0x119: {  	v14 =	vld [tilespmem:s22+$0xFFFFFFA0]  }
0x11a: {  	[tilespmem:s12+$0x4290] =	vst.add.f32.msk $0xffff, v12;
	v12 =	vmul.f32 v16, v8  }
0x11b: {  	v16 =	vld [tilespmem:s22+$0x20]  }
0x11c: {  	v22 =	vmul.f32 v22, v6;
	[tilespmem:s23+$0x4290] =	vst.add.f32.msk $0xffff, v12  }
0x11d: {  	v12 =	vld [tilespmem:s22+$0xA0]  }
0x11e: {  	[tilespmem:s28+$0x4290] =	vst.add.f32.msk $0xffff, v22;
	v14 =	vmul.f32 v14, v10  }
0x11f: {  	v22 =	vld [tilespmem:s6+$0xFFFFFF20]  }
0x120: {  	[tilespmem:s7+$0x42A0] =	vst.add.f32.msk $0xffff, v14;
	v14 =	vmul.f32 v16, v7  }
0x121: {  	v16 =	vld [tilespmem:s22+$0xFFFFFFB0]  }
0x122: {  	[tilespmem:s12+$0x42A0] =	vst.add.f32.msk $0xffff, v14;
	v12 =	vmul.f32 v12, v8  }
0x123: {  	v14 =	vld [tilespmem:s22+$0x30]  }
0x124: {  	v22 =	vmul.f32 v22, v6;
	[tilespmem:s23+$0x42A0] =	vst.add.f32.msk $0xffff, v12  }
0x125: {  	v12 =	vld [tilespmem:s22+$0xB0]  }
0x126: {  	[tilespmem:s28+$0x42A0] =	vst.add.f32.msk $0xffff, v22;
	v16 =	vmul.f32 v16, v10  }
0x127: {  	v22 =	vld [tilespmem:s6+$0xFFFFFF30]  }
0x128: {  	[tilespmem:s7+$0x42B0] =	vst.add.f32.msk $0xffff, v16;
	v14 =	vmul.f32 v14, v7  }
0x129: {  	v16 =	vld [tilespmem:s22+$0xFFFFFFC0]  }
0x12a: {  	[tilespmem:s12+$0x42B0] =	vst.add.f32.msk $0xffff, v14;
	v12 =	vmul.f32 v12, v8  }
0x12b: {  	v14 =	vld [tilespmem:s22+$0x40]  }
0x12c: {  	v22 =	vmul.f32 v22, v6;
	[tilespmem:s23+$0x42B0] =	vst.add.f32.msk $0xffff, v12  }
0x12d: {  	v12 =	vld [tilespmem:s22+$0xC0]  }
0x12e: {  	[tilespmem:s28+$0x42B0] =	vst.add.f32.msk $0xffff, v22;
	v16 =	vmul.f32 v16, v10  }
0x12f: {  	v22 =	vld [tilespmem:s6+$0xFFFFFF40]  }
0x130: {  	[tilespmem:s7+$0x42C0] =	vst.add.f32.msk $0xffff, v16;
	v14 =	vmul.f32 v14, v7  }
0x131: {  	v16 =	vld [tilespmem:s22+$0xFFFFFFD0]  }
0x132: {  	s21 =	sadd.s32 $0x4, s21;
	[tilespmem:s12+$0x42C0] =	vst.add.f32.msk $0xffff, v14;
	v12 =	vmul.f32 v12, v8  }
0x133: {  	p0 =	slt.u32 s21, $0xC;
	v14 =	vld [tilespmem:s22+$0x50]  }
0x134: {  	v22 =	vmul.f32 v22, v6;
	[tilespmem:s23+$0x42C0] =	vst.add.f32.msk $0xffff, v12  }
0x135: {  	v12 =	vld [tilespmem:s22+$0xD0]  }
0x136: {  	[tilespmem:s28+$0x42C0] =	vst.add.f32.msk $0xffff, v22;
	v16 =	vmul.f32 v16, v10  }
0x137: {  	v22 =	vld [tilespmem:s6+$0xFFFFFF50]  }
0x138: {  	[tilespmem:s7+$0x42D0] =	vst.add.f32.msk $0xffff, v16;
	v14 =	vmul.f32 v14, v7  }
0x139: {  	v16 =	vld [tilespmem:s22+$0xFFFFFFE0]  }
0x13a: {  	[tilespmem:s12+$0x42D0] =	vst.add.f32.msk $0xffff, v14;
	v12 =	vmul.f32 v12, v8  }
0x13b: {  	v24 =	vld [tilespmem:s22+$0x60]  }
0x13c: {  	v11 =	vperm.xlane v11, v2;
	v14 =	vperm.xlane v15, v2;
	[tilespmem:s23+$0x42D0] =	vst.add.f32.msk $0xffff, v12  }
0x13d: {  	v12 =	vmul.f32 v22, v6;
	v26 =	vld [tilespmem:s22+$0xE0]  }
0x13e: {  	v23 =	vperm.xlane v11, v2;
	v15 =	vperm.xlane v14, v2;
	(v2sf) =	vpush v14, $0x0;
	[tilespmem:s11+$0x42F0] =	vst.add.f32.msk $0xffff, v13;
	s11 =	smov.u32 s23  }
0x13f: {  	v13 =	vbroadcast v11, $0x0;
	v11 =	vmul.f32 v16, v10;
	[tilespmem:s28+$0x42D0] =	vst.add.f32.msk $0xffff, v12  }
.Ltmp6:
0x140: {  	v14 =	vperm.xlane v15, v2;
	v16 =	vperm.xlane v23, v2;
	v25 =	vld [tilespmem:s6+$0xFFFFFF60];
	(v2sf) =	vpush v15, $0x0;
	(pc) =	sbr.rel @p0 .LBB2_7-.Ltmp6, $4  }
0x141: {  	v12 =	vbroadcast v23, $0x0;
	v22 =	vmul.f32 v13, v20;
	[tilespmem:s7+$0x42E0] =	vst.add.f32.msk $0xffff, v11  }
0x142: {  	v15 =	vperm.xlane v14, v2;
	v11 =	vperm.xlane v16, v2;
	(v2sf) =	vpush v14, $0x0;
	v20 =	vld [tilespmem:s22+$0xFFFFFFF0]  }
0x143: {  	v23 =	vmul.f32 v12, v18;
	v16 =	vbroadcast v16, $0x0;
	[tilespmem:s10+$0x42F0] =	vst.add.f32.msk $0xffff, v21;
	s10 =	smov.u32 s12  }
0x144: {  	s9 =	sadd.s32 $0x200, s9;
	v18 =	vmul.f32 v26, v8;
	v14 =	vbroadcast v11, $0x0;
	(v2sf) =	vpush v15, $0x0;
	[tilespmem:s3+$0x42F0] =	vst.add.f32.msk $0xffff, v19;
	s3 =	smov.u32 s28  }
0x145: {  	_ = 	snop  }
0x146: {  	v19 =	vmul.f32 v24, v7;
	v24 =	vld [tilespmem:s31+$0x80]  }
0x147: {  	v21 =	vmul.f32 v25, v6;
	[tilespmem:s11+$0x42E0] =	vst.add.f32.msk $0xffff, v18  }
0x148: {  	[tilespmem:s10+$0x42E0] =	vst.add.f32.msk $0xffff, v19  }
0x149: {  	[tilespmem:s3+$0x42E0] =	vst.add.f32.msk $0xffff, v21  }
0x14a: {  	v18 =	vld [tilespmem:s22+$0xF0]  }
0x14b: {  	v21 =	vld [tilespmem:s31+$0x0]  }
0x14c: {  	v19 =	vmul.f32 v20, v10;
	v20 =	vld [tilespmem:s22+$0x70]  }
0x14d: {  	v10 =	vld [tilespmem:s6+$0xFFFFFF70];
	s23 =	spop (v2sf)  }
0x14e: {  	[tilespmem:s7+$0x42F0] =	vst.add.f32.msk $0xffff, v19;
	s7 =	sshll.u32 s23, $0x9  }
0x14f: {  	v19 =	vld [tilespmem:s31+$0xFFFFFF80];
	s7 =	sshra.s32 s7, $0x2;
	s9 =	spop (v2sf)  }
0x150: {  	[tilespmem:s7+$0x4280] =	vst.add.f32.msk $0xffff, v22;
	s9 =	sshll.u32 s9, $0x9  }
0x151: {  	v22 =	vld [tilespmem:s6+$0xFFFFFF90];
	s9 =	sshra.s32 s9, $0x2;
	s12 =	spop (v2sf)  }
0x152: {  	v17 =	vmul.f32 v16, v17;
	[tilespmem:s9+$0x4280] =	vst.add.f32.msk $0xffff, v23;
	s12 =	sshll.u32 s12, $0x9  }
0x153: {  	s28 =	spop (v2sf);
	v23 =	vld [tilespmem:s6+$0x10];
	s21 =	sshra.s32 s12, $0x2  }
0x154: {  	v9 =	vmul.f32 v9, v14;
	s23 =	sshll.u32 s28, $0x9;
	[tilespmem:s21+$0x4280] =	vst.add.f32.msk $0xffff, v17  }
0x155: {  	s22 =	sshra.s32 s23, $0x2;
	v17 =	vld [tilespmem:s6+$0x90]  }
0x156: {  	[tilespmem:s22+$0x4280] =	vst.add.f32.msk $0xffff, v9;
	v9 =	vmul.f32 v22, v13  }
0x157: {  	v22 =	vld [tilespmem:s31+$0xFFFFFF10]  }
0x158: {  	[tilespmem:s7+$0x4290] =	vst.add.f32.msk $0xffff, v9;
	v9 =	vmul.f32 v23, v12  }
0x159: {  	v23 =	vld [tilespmem:s6+$0xFFFFFFA0]  }
0x15a: {  	[tilespmem:s9+$0x4290] =	vst.add.f32.msk $0xffff, v9;
	v9 =	vmul.f32 v17, v16  }
0x15b: {  	v17 =	vld [tilespmem:s6+$0x20]  }
0x15c: {  	v22 =	vmul.f32 v22, v14;
	[tilespmem:s21+$0x4290] =	vst.add.f32.msk $0xffff, v9  }
0x15d: {  	v9 =	vld [tilespmem:s6+$0xA0]  }
0x15e: {  	[tilespmem:s22+$0x4290] =	vst.add.f32.msk $0xffff, v22;
	v22 =	vmul.f32 v23, v13  }
0x15f: {  	v23 =	vld [tilespmem:s31+$0xFFFFFF20]  }
0x160: {  	[tilespmem:s7+$0x42A0] =	vst.add.f32.msk $0xffff, v22;
	v17 =	vmul.f32 v17, v12  }
0x161: {  	v22 =	vld [tilespmem:s6+$0xFFFFFFB0]  }
0x162: {  	[tilespmem:s9+$0x42A0] =	vst.add.f32.msk $0xffff, v17;
	v9 =	vmul.f32 v9, v16  }
0x163: {  	v17 =	vld [tilespmem:s6+$0x30]  }
0x164: {  	v23 =	vmul.f32 v23, v14;
	[tilespmem:s21+$0x42A0] =	vst.add.f32.msk $0xffff, v9  }
0x165: {  	v9 =	vld [tilespmem:s6+$0xB0]  }
0x166: {  	[tilespmem:s22+$0x42A0] =	vst.add.f32.msk $0xffff, v23;
	v22 =	vmul.f32 v22, v13  }
0x167: {  	v23 =	vld [tilespmem:s31+$0xFFFFFF30]  }
0x168: {  	[tilespmem:s7+$0x42B0] =	vst.add.f32.msk $0xffff, v22;
	v17 =	vmul.f32 v17, v12  }
0x169: {  	v15 =	vperm.xlane v15, v2;
	v22 =	vld [tilespmem:s6+$0xFFFFFFC0]  }
0x16a: {  	v8 =	vmul.f32 v18, v8;
	[tilespmem:s9+$0x42B0] =	vst.add.f32.msk $0xffff, v17  }
0x16b: {  	(v2sf) =	vpush v15, $0x0;
	v15 =	vperm.xlane v15, v2;
	v9 =	vmul.f32 v9, v16;
	v17 =	vld [tilespmem:s6+$0x40]  }
0x16c: {  	[tilespmem:s11+$0x42F0] =	vst.add.f32.msk $0xffff, v8  }
0x16d: {  	(v2sf) =	vpush v15, $0x0;
	v15 =	vperm.xlane v15, v2;
	v23 =	vmul.f32 v23, v14;
	[tilespmem:s21+$0x42B0] =	vst.add.f32.msk $0xffff, v9  }
0x16e: {  	v9 =	vld [tilespmem:s6+$0xC0];
	v22 =	vmul.f32 v22, v13  }
0x16f: {  	(v2sf) =	vpush v15, $0x0;
	[tilespmem:s22+$0x42B0] =	vst.add.f32.msk $0xffff, v23  }
0x170: {  	[tilespmem:s7+$0x42C0] =	vst.add.f32.msk $0xffff, v22;
	v15 =	vmul.f32 v17, v12  }
0x171: {  	v17 =	vld [tilespmem:s6+$0xFFFFFFD0]  }
0x172: {  	[tilespmem:s9+$0x42C0] =	vst.add.f32.msk $0xffff, v15  }
0x173: {  	v7 =	vmul.f32 v20, v7;
	v15 =	vld [tilespmem:s6+$0x50]  }
0x174: {  	v6 =	vmul.f32 v10, v6;
	v23 =	vld [tilespmem:s31+$0xFFFFFF40]  }
0x175: {  	[tilespmem:s10+$0x42F0] =	vst.add.f32.msk $0xffff, v7;
	v9 =	vmul.f32 v9, v16  }
0x176: {  	v11 =	vperm.xlane v11, v2;
	[tilespmem:s3+$0x42F0] =	vst.add.f32.msk $0xffff, v6;
	v17 =	vmul.f32 v17, v13  }
0x177: {  	[tilespmem:s21+$0x42C0] =	vst.add.f32.msk $0xffff, v9  }
0x178: {  	[tilespmem:s7+$0x42D0] =	vst.add.f32.msk $0xffff, v17;
	v15 =	vmul.f32 v15, v12;
	v17 =	vperm.xlane v11, v2  }
0x179: {  	v22 =	vmul.f32 v23, v14;
	v9 =	vld [tilespmem:s6+$0xD0];
	v11 =	vbroadcast v11, $0x0  }
0x17a: {  	s28 =	spop (v2sf);
	[tilespmem:s9+$0x42D0] =	vst.add.f32.msk $0xffff, v15;
	v15 =	vperm.xlane v17, v2  }
0x17b: {  	s12 =	sshll.u32 s28, $0x9;
	[tilespmem:s22+$0x42C0] =	vst.add.f32.msk $0xffff, v22;
	v8 =	vmul.f32 v11, v19;
	v17 =	vbroadcast v17, $0x0  }
0x17c: {  	s10 =	sshra.s32 s12, $0x2;
	s23 =	spop (v2sf);
	v22 =	vld [tilespmem:s31+$0xFFFFFF50]  }
0x17d: {  	s11 =	sshll.u32 s23, $0x9;
	v7 =	vmul.f32 v17, v21;
	v15 =	vbroadcast v15, $0x0;
	[tilespmem:s10+$0x4280] =	vst.add.f32.msk $0xffff, v8  }
0x17e: {  	s11 =	sshra.s32 s11, $0x2;
	s28 =	spop (v2sf);
	v8 =	vld [tilespmem:s31+$0xFFFFFF90]  }
0x17f: {  	s12 =	sshll.u32 s28, $0x9;
	v19 =	vmul.f32 v15, v24;
	[tilespmem:s11+$0x4280] =	vst.add.f32.msk $0xffff, v7  }
0x180: {  	s12 =	sshra.s32 s12, $0x2;
	v7 =	vld [tilespmem:s31+$0x10]  }
0x181: {  	[tilespmem:s12+$0x4280] =	vst.add.f32.msk $0xffff, v19  }
0x182: {  	v9 =	vmul.f32 v9, v16;
	v19 =	vld [tilespmem:s31+$0x90]  }
0x183: {  	v18 =	vld [tilespmem:s6+$0xFFFFFFE0];
	v8 =	vmul.f32 v8, v11  }
0x184: {  	[tilespmem:s21+$0x42D0] =	vst.add.f32.msk $0xffff, v9  }
0x185: {  	[tilespmem:s10+$0x4290] =	vst.add.f32.msk $0xffff, v8;
	v7 =	vmul.f32 v7, v17  }
0x186: {  	v8 =	vld [tilespmem:s31+$0xFFFFFFA0]  }
0x187: {  	[tilespmem:s11+$0x4290] =	vst.add.f32.msk $0xffff, v7;
	v7 =	vmul.f32 v19, v15  }
0x188: {  	v9 =	vld [tilespmem:s31+$0x20]  }
0x189: {  	[tilespmem:s12+$0x4290] =	vst.add.f32.msk $0xffff, v7  }
0x18a: {  	v7 =	vmul.f32 v22, v14;
	v19 =	vld [tilespmem:s31+$0xA0]  }
0x18b: {  	v20 =	vld [tilespmem:s6+$0x60];
	v8 =	vmul.f32 v8, v11  }
0x18c: {  	[tilespmem:s22+$0x42D0] =	vst.add.f32.msk $0xffff, v7  }
0x18d: {  	[tilespmem:s10+$0x42A0] =	vst.add.f32.msk $0xffff, v8;
	v7 =	vmul.f32 v9, v17  }
0x18e: {  	v8 =	vld [tilespmem:s31+$0xFFFFFFB0]  }
0x18f: {  	[tilespmem:s11+$0x42A0] =	vst.add.f32.msk $0xffff, v7;
	v7 =	vmul.f32 v19, v15  }
0x190: {  	v9 =	vld [tilespmem:s31+$0x30]  }
0x191: {  	[tilespmem:s12+$0x42A0] =	vst.add.f32.msk $0xffff, v7  }
0x192: {  	v7 =	vmul.f32 v18, v13;
	v18 =	vld [tilespmem:s31+$0xB0]  }
0x193: {  	v21 =	vld [tilespmem:s6+$0xE0];
	v8 =	vmul.f32 v8, v11  }
0x194: {  	[tilespmem:s7+$0x42E0] =	vst.add.f32.msk $0xffff, v7  }
0x195: {  	[tilespmem:s10+$0x42B0] =	vst.add.f32.msk $0xffff, v8;
	v7 =	vmul.f32 v9, v17  }
0x196: {  	v8 =	vld [tilespmem:s31+$0xFFFFFFC0]  }
0x197: {  	[tilespmem:s11+$0x42B0] =	vst.add.f32.msk $0xffff, v7;
	v7 =	vmul.f32 v18, v15  }
0x198: {  	v9 =	vld [tilespmem:s31+$0x40]  }
0x199: {  	[tilespmem:s12+$0x42B0] =	vst.add.f32.msk $0xffff, v7  }
0x19a: {  	v7 =	vld [tilespmem:s31+$0xC0]  }
0x19b: {  	v19 =	vld [tilespmem:s31+$0xFFFFFF60];
	v8 =	vmul.f32 v8, v11  }
0x19c: {  	v10 =	vld [tilespmem:s6+$0xFFFFFFF0]  }
0x19d: {  	[tilespmem:s10+$0x42C0] =	vst.add.f32.msk $0xffff, v8;
	v6 =	vmul.f32 v9, v17  }
0x19e: {  	v8 =	vld [tilespmem:s31+$0xFFFFFFD0]  }
0x19f: {  	[tilespmem:s11+$0x42C0] =	vst.add.f32.msk $0xffff, v6;
	v6 =	vmul.f32 v7, v15  }
0x1a0: {  	v7 =	vld [tilespmem:s31+$0x50]  }
0x1a1: {  	v19 =	vmul.f32 v19, v14;
	[tilespmem:s12+$0x42C0] =	vst.add.f32.msk $0xffff, v6  }
0x1a2: {  	v6 =	vmul.f32 v20, v12;
	v18 =	vld [tilespmem:s31+$0xD0]  }
0x1a3: {  	[tilespmem:s22+$0x42E0] =	vst.add.f32.msk $0xffff, v19  }
0x1a4: {  	[tilespmem:s9+$0x42E0] =	vst.add.f32.msk $0xffff, v6;
	v6 =	vmul.f32 v8, v11  }
0x1a5: {  	v19 =	vld [tilespmem:s31+$0xFFFFFF70]  }
0x1a6: {  	[tilespmem:s10+$0x42D0] =	vst.add.f32.msk $0xffff, v6;
	v6 =	vmul.f32 v7, v17  }
0x1a7: {  	v7 =	vld [tilespmem:s31+$0xFFFFFFE0];
	v8 =	vmul.f32 v18, v15  }
0x1a8: {  	[tilespmem:s11+$0x42D0] =	vst.add.f32.msk $0xffff, v6  }
0x1a9: {  	[tilespmem:s12+$0x42D0] =	vst.add.f32.msk $0xffff, v8  }
0x1aa: {  	v9 =	vmul.f32 v21, v16;
	v8 =	vld [tilespmem:s31+$0x60]  }
0x1ab: {  	v6 =	vld [tilespmem:s31+$0xE0]  }
0x1ac: {  	[tilespmem:s21+$0x42E0] =	vst.add.f32.msk $0xffff, v9  }
0x1ad: {  	v9 =	vld [tilespmem:s6+$0xF0];
	v7 =	vmul.f32 v7, v11  }
0x1ae: {  	v18 =	vld [tilespmem:s6+$0x70]  }
0x1af: {  	[tilespmem:s10+$0x42E0] =	vst.add.f32.msk $0xffff, v7;
	v8 =	vmul.f32 v8, v17  }
0x1b0: {  	v7 =	vld [tilespmem:s31+$0xFFFFFFF0];
	v6 =	vmul.f32 v6, v15  }
0x1b1: {  	[tilespmem:s11+$0x42E0] =	vst.add.f32.msk $0xffff, v8  }
0x1b2: {  	[tilespmem:s12+$0x42E0] =	vst.add.f32.msk $0xffff, v6  }
0x1b3: {  	v6 =	vmul.f32 v10, v13;
	v8 =	vld [tilespmem:s31+$0xF0]  }
0x1b4: {  	v9 =	vmul.f32 v9, v16;
	v10 =	vld [tilespmem:s31+$0x70]  }
0x1b5: {  	[tilespmem:s7+$0x42F0] =	vst.add.f32.msk $0xffff, v6;
	v6 =	vmul.f32 v18, v12  }
0x1b6: {  	[tilespmem:s21+$0x42F0] =	vst.add.f32.msk $0xffff, v9;
	v12 =	vmul.f32 v19, v14  }
0x1b7: {  	[tilespmem:s9+$0x42F0] =	vst.add.f32.msk $0xffff, v6;
	v6 =	vmul.f32 v7, v11  }
0x1b8: {  	[tilespmem:s22+$0x42F0] =	vst.add.f32.msk $0xffff, v12;
	v7 =	vmul.f32 v8, v15  }
0x1b9: {  	[tilespmem:s10+$0x42F0] =	vst.add.f32.msk $0xffff, v6;
	v6 =	vmul.f32 v10, v17  }
0x1ba: {  	[tilespmem:s12+$0x42F0] =	vst.add.f32.msk $0xffff, v7  }
0x1bb: {  	[tilespmem:s11+$0x42F0] =	vst.add.f32.msk $0xffff, v6  }
0x1bc: {  	v6 =	vld [tilespmem:$0x190];
	_ =	sdelay $0x4  }
0x1bd: {  	v6 =	vsub.s32 v6, v4  }
0x1be: {  	vm0 =	vgt.s32 v6, $0x0  }
0x1bf: {  	v6 =	vnsel vm0, $0x0, v6  }
0x1c0: {  	v6 =	vmin.u32 v6, $0x18F  }
0x1c1: {  	(v2sf) =	vpush v6, $0x0;
	_ =	sdelay $0x7  }
0x1c2: {  	v7 =	vld [tilespmem:$0x210]  }
0x1c3: {  	s7 =	sadd.s32 $0x10, s30  }
0x1c4: {  	s22 =	simm.s32 $0xC70;
	v8 =	vor.u32 s7, v1  }
0x1c5: {  	vm15 =	vge.s32 v8, v5;
	vm1 =	vlt.s32 v8, v3;
	v8 =	vld [tilespmem:s22+$0xFFFFFE10]  }
0x1c6: {  	vm0 =	vmand vm15, vm1  }
0x1c7: {  	v7 =	vnsel vm0, $0x0, v7  }
0x1c8: {  	v11 =	vbroadcast v7, $0x0  }
0x1c9: {  	s9 =	spop (v2sf)  }
0x1ca: {  	v8 =	vmul.f32 v8, v11;
	s3 =	sshll.u32 s9, $0x9  }
0x1cb: {  	s12 =	sshra.s32 s3, $0x2  }
0x1cc: {  	[tilespmem:s12+$0x4280] =	vst.add.f32.msk $0xffff, v8  }
0x1cd: {  	v8 =	vld [tilespmem:s22+$0xFFFFFE20];
	_ =	sdelay $0x4  }
0x1ce: {  	v8 =	vmul.f32 v8, v11;
	_ =	sdelay $0x1  }
0x1cf: {  	[tilespmem:s12+$0x4290] =	vst.add.f32.msk $0xffff, v8  }
0x1d0: {  	v8 =	vld [tilespmem:s22+$0xFFFFFE30];
	_ =	sdelay $0x4  }
0x1d1: {  	v8 =	vmul.f32 v8, v11;
	_ =	sdelay $0x1  }
0x1d2: {  	[tilespmem:s12+$0x42A0] =	vst.add.f32.msk $0xffff, v8  }
0x1d3: {  	v8 =	vld [tilespmem:s22+$0xFFFFFE40];
	_ =	sdelay $0x4  }
0x1d4: {  	v8 =	vmul.f32 v8, v11;
	_ =	sdelay $0x1  }
0x1d5: {  	[tilespmem:s12+$0x42B0] =	vst.add.f32.msk $0xffff, v8  }
0x1d6: {  	v6 =	vperm.xlane v6, v2;
	v8 =	vld [tilespmem:s22+$0xFFFFFE50];
	_ =	sdelay $0x1  }
0x1d7: {  	v9 =	vperm.xlane v6, v2  }
0x1d8: {  	(v2sf) =	vpush v6, $0x0  }
0x1d9: {  	(v2sf) =	vpush v9, $0x0  }
0x1da: {  	v8 =	vmul.f32 v8, v11;
	_ =	sdelay $0x1  }
0x1db: {  	[tilespmem:s12+$0x42C0] =	vst.add.f32.msk $0xffff, v8  }
0x1dc: {  	v8 =	vld [tilespmem:s22+$0xFFFFFE60]  }
0x1dd: {  	v6 =	vperm.xlane v9, v2;
	_ =	sdelay $0x1  }
0x1de: {  	v12 =	vperm.xlane v6, v2;
	(v2sf) =	vpush v6, $0x0;
	_ =	sdelay $0x1  }
0x1df: {  	(v2sf) =	vpush v12, $0x0;
	v8 =	vmul.f32 v8, v11  }
0x1e0: {  	v14 =	vld [tilespmem:s22+$0xFFFFFF10];
	v7 =	vperm.xlane v7, v2  }
0x1e1: {  	[tilespmem:s12+$0x42D0] =	vst.add.f32.msk $0xffff, v8  }
0x1e2: {  	s6 =	simm.s32 $0xE70;
	v16 =	vperm.xlane v7, v2;
	v6 =	vld [tilespmem:s22+$0xFFFFFE70]  }
0x1e3: {  	v13 =	vld [tilespmem:s6+$0xFFFFFE10]  }
0x1e4: {  	v10 =	vbroadcast v7, $0x0;
	v7 =	vbroadcast v16, $0x0;
	s10 =	spop (v2sf);
	v8 =	vld [tilespmem:s22+$0xFFFFFE90]  }
0x1e5: {  	v15 =	vld [tilespmem:s22+$0xFFFFFF90];
	s3 =	sshll.u32 s10, $0x9;
	s11 =	spop (v2sf)  }
0x1e6: {  	s31 =	simm.s32 $0x1070;
	v21 =	vld [tilespmem:s6+$0xFFFFFF10];
	v14 =	vmul.f32 v7, v14;
	s7 =	sshra.s32 s3, $0x2;
	s3 =	sshll.u32 s11, $0x9  }
0x1e7: {  	v9 =	vld [tilespmem:s31+$0xFFFFFE10];
	s10 =	sshra.s32 s3, $0x2;
	v6 =	vmul.f32 v6, v11  }
0x1e8: {  	[tilespmem:s10+$0x4280] =	vst.add.f32.msk $0xffff, v14  }
0x1e9: {  	v17 =	vmul.f32 v10, v8;
	[tilespmem:s12+$0x42E0] =	vst.add.f32.msk $0xffff, v6;
	v6 =	vperm.xlane v16, v2  }
0x1ea: {  	v14 =	vld [tilespmem:s22+$0xFFFFFF20]  }
0x1eb: {  	[tilespmem:s7+$0x4280] =	vst.add.f32.msk $0xffff, v17;
	v19 =	vperm.xlane v6, v2;
	v8 =	vbroadcast v6, $0x0  }
0x1ec: {  	s21 =	spop (v2sf);
	v17 =	vld [tilespmem:s22+$0xFFFFFEA0]  }
0x1ed: {  	s3 =	sshll.u32 s21, $0x9;
	v16 =	vld [tilespmem:s6+$0xFFFFFE90];
	v6 =	vbroadcast v19, $0x0;
	v15 =	vmul.f32 v8, v15  }
0x1ee: {  	s11 =	sshra.s32 s3, $0x2;
	s23 =	spop (v2sf);
	v18 =	vld [tilespmem:s22+$0xFFFFFE80]  }
0x1ef: {  	s28 =	sshll.u32 s23, $0x9;
	v13 =	vmul.f32 v13, v6;
	[tilespmem:s11+$0x4280] =	vst.add.f32.msk $0xffff, v15  }
0x1f0: {  	s3 =	sshra.s32 s28, $0x2;
	v15 =	vld [tilespmem:s22+$0xFFFFFFA0]  }
0x1f1: {  	[tilespmem:s3+$0x4280] =	vst.add.f32.msk $0xffff, v13;
	v13 =	vmul.f32 v17, v10  }
0x1f2: {  	v17 =	vld [tilespmem:s6+$0xFFFFFE20]  }
0x1f3: {  	[tilespmem:s7+$0x4290] =	vst.add.f32.msk $0xffff, v13;
	v13 =	vmul.f32 v14, v7  }
0x1f4: {  	v14 =	vld [tilespmem:s22+$0xFFFFFEB0]  }
0x1f5: {  	[tilespmem:s10+$0x4290] =	vst.add.f32.msk $0xffff, v13;
	v13 =	vmul.f32 v15, v8  }
0x1f6: {  	v15 =	vld [tilespmem:s22+$0xFFFFFF30]  }
0x1f7: {  	v17 =	vmul.f32 v17, v6;
	[tilespmem:s11+$0x4290] =	vst.add.f32.msk $0xffff, v13  }
0x1f8: {  	v13 =	vld [tilespmem:s22+$0xFFFFFFB0]  }
0x1f9: {  	[tilespmem:s3+$0x4290] =	vst.add.f32.msk $0xffff, v17;
	v14 =	vmul.f32 v14, v10  }
0x1fa: {  	v17 =	vld [tilespmem:s6+$0xFFFFFE30]  }
0x1fb: {  	[tilespmem:s7+$0x42A0] =	vst.add.f32.msk $0xffff, v14;
	v14 =	vmul.f32 v15, v7  }
0x1fc: {  	v15 =	vld [tilespmem:s22+$0xFFFFFEC0]  }
0x1fd: {  	[tilespmem:s10+$0x42A0] =	vst.add.f32.msk $0xffff, v14;
	v13 =	vmul.f32 v13, v8  }
0x1fe: {  	v14 =	vld [tilespmem:s22+$0xFFFFFF40]  }
0x1ff: {  	v17 =	vmul.f32 v17, v6;
	[tilespmem:s11+$0x42A0] =	vst.add.f32.msk $0xffff, v13  }
0x200: {  	v13 =	vld [tilespmem:s22+$0xFFFFFFC0]  }
0x201: {  	[tilespmem:s3+$0x42A0] =	vst.add.f32.msk $0xffff, v17;
	v15 =	vmul.f32 v15, v10  }
0x202: {  	v17 =	vld [tilespmem:s6+$0xFFFFFE40]  }
0x203: {  	[tilespmem:s7+$0x42B0] =	vst.add.f32.msk $0xffff, v15;
	v14 =	vmul.f32 v14, v7  }
0x204: {  	v15 =	vld [tilespmem:s22+$0xFFFFFED0]  }
0x205: {  	[tilespmem:s10+$0x42B0] =	vst.add.f32.msk $0xffff, v14;
	v13 =	vmul.f32 v13, v8  }
0x206: {  	v14 =	vld [tilespmem:s22+$0xFFFFFF50]  }
0x207: {  	v17 =	vmul.f32 v17, v6;
	[tilespmem:s11+$0x42B0] =	vst.add.f32.msk $0xffff, v13  }
0x208: {  	v13 =	vld [tilespmem:s22+$0xFFFFFFD0]  }
0x209: {  	[tilespmem:s3+$0x42B0] =	vst.add.f32.msk $0xffff, v17;
	v15 =	vmul.f32 v15, v10  }
0x20a: {  	v17 =	vld [tilespmem:s6+$0xFFFFFE50]  }
0x20b: {  	[tilespmem:s7+$0x42C0] =	vst.add.f32.msk $0xffff, v15;
	v14 =	vmul.f32 v14, v7  }
0x20c: {  	v15 =	vld [tilespmem:s22+$0xFFFFFEE0]  }
0x20d: {  	[tilespmem:s10+$0x42C0] =	vst.add.f32.msk $0xffff, v14;
	v13 =	vmul.f32 v13, v8  }
0x20e: {  	v14 =	vld [tilespmem:s22+$0xFFFFFF60]  }
0x20f: {  	v17 =	vmul.f32 v17, v6;
	[tilespmem:s11+$0x42C0] =	vst.add.f32.msk $0xffff, v13  }
0x210: {  	v13 =	vld [tilespmem:s22+$0xFFFFFFE0]  }
0x211: {  	[tilespmem:s3+$0x42C0] =	vst.add.f32.msk $0xffff, v17  }
0x212: {  	v15 =	vmul.f32 v15, v10;
	v17 =	vld [tilespmem:s6+$0xFFFFFF90]  }
0x213: {  	v20 =	vld [tilespmem:s6+$0xFFFFFE60]  }
0x214: {  	[tilespmem:s7+$0x42D0] =	vst.add.f32.msk $0xffff, v15;
	v14 =	vmul.f32 v14, v7  }
0x215: {  	v15 =	vld [tilespmem:s22+$0xFFFFFEF0]  }
0x216: {  	v13 =	vmul.f32 v13, v8;
	[tilespmem:s10+$0x42D0] =	vst.add.f32.msk $0xffff, v14  }
0x217: {  	v12 =	vperm.xlane v12, v2;
	v14 =	vperm.xlane v19, v2;
	v24 =	vld [tilespmem:s22+$0xFFFFFF70]  }
0x218: {  	v18 =	vmul.f32 v18, v11;
	v11 =	vmul.f32 v20, v6;
	[tilespmem:s11+$0x42D0] =	vst.add.f32.msk $0xffff, v13  }
0x219: {  	(v2sf) =	vpush v12, $0x0;
	v19 =	vperm.xlane v12, v2;
	v20 =	vperm.xlane v14, v2;
	v26 =	vld [tilespmem:s22+$0xFFFFFFF0]  }
0x21a: {  	v13 =	vbroadcast v14, $0x0;
	v14 =	vmul.f32 v15, v10;
	[tilespmem:s3+$0x42D0] =	vst.add.f32.msk $0xffff, v11  }
0x21b: {  	v23 =	vperm.xlane v19, v2;
	(v2sf) =	vpush v19, $0x0;
	v27 =	vperm.xlane v20, v2;
	v25 =	vld [tilespmem:s6+$0xFFFFFE70]  }
0x21c: {  	v22 =	vmul.f32 v13, v16;
	v12 =	vbroadcast v20, $0x0;
	[tilespmem:s7+$0x42E0] =	vst.add.f32.msk $0xffff, v14  }
0x21d: {  	v15 =	vperm.xlane v23, v2;
	(v2sf) =	vpush v23, $0x0;
	v11 =	vperm.xlane v27, v2;
	v20 =	vld [tilespmem:s22+$0xFFFFFF00]  }
0x21e: {  	v23 =	vmul.f32 v12, v21;
	v16 =	vbroadcast v27, $0x0  }
0x21f: {  	s9 =	simm.s32 $0x1270;
	s21 =	simm.s32 $0x8;
	[tilespmem:s12+$0x42F0] =	vst.add.f32.msk $0xffff, v18;
	(v2sf) =	vpush v15, $0x0;
	v14 =	vbroadcast v11, $0x0;
	v18 =	vmul.f32 v26, v8  }
.LBB2_9:
0x220: {  	v19 =	vld [tilespmem:s9+$0xFFFFFE10];
	v26 =	vmul.f32 v16, v17;
	v17 =	vmul.f32 v24, v7  }
0x221: {  	v24 =	vmul.f32 v9, v14;
	v9 =	vmul.f32 v25, v6;
	[tilespmem:s11+$0x42E0] =	vst.add.f32.msk $0xffff, v18  }
0x222: {  	v18 =	vmul.f32 v20, v10;
	[tilespmem:s10+$0x42E0] =	vst.add.f32.msk $0xffff, v17;
	v10 =	vmov v13  }
0x223: {  	[tilespmem:s3+$0x42E0] =	vst.add.f32.msk $0xffff, v9  }
0x224: {  	v13 =	vld [tilespmem:s22+$0x0]  }
0x225: {  	v21 =	vld [tilespmem:s22+$0xFFFFFF80];
	v9 =	vmov v19;
	s22 =	smov.u32 s6;
	s6 =	smov.u32 s31;
	s31 =	smov.u32 s9  }
0x226: {  	v19 =	vld [tilespmem:s22+$0xFFFFFE80]  }
0x227: {  	[tilespmem:s7+$0x42F0] =	vst.add.f32.msk $0xffff, v18  }
0x228: {  	v20 =	vld [tilespmem:s6+$0xFFFFFE90];
	s7 =	spop (v2sf)  }
0x229: {  	v18 =	vld [tilespmem:s6+$0xFFFFFF10];
	s7 =	sshll.u32 s7, $0x9;
	v13 =	vmul.f32 v13, v8;
	v8 =	vmov v16  }
0x22a: {  	v17 =	vld [tilespmem:s6+$0xFFFFFF90];
	s7 =	sshra.s32 s7, $0x2;
	s12 =	spop (v2sf);
	v21 =	vmul.f32 v21, v7;
	v7 =	vmov v12  }
0x22b: {  	v19 =	vmul.f32 v19, v6;
	[tilespmem:s7+$0x4280] =	vst.add.f32.msk $0xffff, v22;
	s12 =	sshll.u32 s12, $0x9;
	v6 =	vmov v14  }
0x22c: {  	v12 =	vld [tilespmem:s22+$0xFFFFFEA0];
	s12 =	sshra.s32 s12, $0x2;
	s23 =	spop (v2sf)  }
0x22d: {  	[tilespmem:s12+$0x4280] =	vst.add.f32.msk $0xffff, v23;
	s23 =	sshll.u32 s23, $0x9  }
0x22e: {  	s28 =	spop (v2sf);
	v14 =	vld [tilespmem:s22+$0xFFFFFF20];
	s23 =	sshra.s32 s23, $0x2  }
0x22f: {  	s28 =	sshll.u32 s28, $0x9;
	[tilespmem:s23+$0x4280] =	vst.add.f32.msk $0xffff, v26  }
0x230: {  	s28 =	sshra.s32 s28, $0x2;
	v16 =	vld [tilespmem:s22+$0xFFFFFFA0]  }
0x231: {  	[tilespmem:s28+$0x4280] =	vst.add.f32.msk $0xffff, v24;
	v12 =	vmul.f32 v12, v10  }
0x232: {  	v22 =	vld [tilespmem:s6+$0xFFFFFE20]  }
0x233: {  	[tilespmem:s7+$0x4290] =	vst.add.f32.msk $0xffff, v12;
	v12 =	vmul.f32 v14, v7  }
0x234: {  	v14 =	vld [tilespmem:s22+$0xFFFFFEB0]  }
0x235: {  	[tilespmem:s12+$0x4290] =	vst.add.f32.msk $0xffff, v12;
	v12 =	vmul.f32 v16, v8  }
0x236: {  	v16 =	vld [tilespmem:s22+$0xFFFFFF30]  }
0x237: {  	v22 =	vmul.f32 v22, v6;
	[tilespmem:s23+$0x4290] =	vst.add.f32.msk $0xffff, v12  }
0x238: {  	v12 =	vld [tilespmem:s22+$0xFFFFFFB0]  }
0x239: {  	[tilespmem:s28+$0x4290] =	vst.add.f32.msk $0xffff, v22;
	v14 =	vmul.f32 v14, v10  }
0x23a: {  	v22 =	vld [tilespmem:s6+$0xFFFFFE30]  }
0x23b: {  	[tilespmem:s7+$0x42A0] =	vst.add.f32.msk $0xffff, v14;
	v14 =	vmul.f32 v16, v7  }
0x23c: {  	v16 =	vld [tilespmem:s22+$0xFFFFFEC0]  }
0x23d: {  	[tilespmem:s12+$0x42A0] =	vst.add.f32.msk $0xffff, v14;
	v12 =	vmul.f32 v12, v8  }
0x23e: {  	v14 =	vld [tilespmem:s22+$0xFFFFFF40]  }
0x23f: {  	v22 =	vmul.f32 v22, v6;
	[tilespmem:s23+$0x42A0] =	vst.add.f32.msk $0xffff, v12  }
0x240: {  	v12 =	vld [tilespmem:s22+$0xFFFFFFC0]  }
0x241: {  	[tilespmem:s28+$0x42A0] =	vst.add.f32.msk $0xffff, v22;
	v16 =	vmul.f32 v16, v10  }
0x242: {  	v22 =	vld [tilespmem:s6+$0xFFFFFE40]  }
0x243: {  	[tilespmem:s7+$0x42B0] =	vst.add.f32.msk $0xffff, v16;
	v14 =	vmul.f32 v14, v7  }
0x244: {  	v16 =	vld [tilespmem:s22+$0xFFFFFED0]  }
0x245: {  	[tilespmem:s12+$0x42B0] =	vst.add.f32.msk $0xffff, v14;
	v12 =	vmul.f32 v12, v8  }
0x246: {  	v14 =	vld [tilespmem:s22+$0xFFFFFF50]  }
0x247: {  	v22 =	vmul.f32 v22, v6;
	[tilespmem:s23+$0x42B0] =	vst.add.f32.msk $0xffff, v12  }
0x248: {  	v12 =	vld [tilespmem:s22+$0xFFFFFFD0]  }
0x249: {  	[tilespmem:s28+$0x42B0] =	vst.add.f32.msk $0xffff, v22;
	v16 =	vmul.f32 v16, v10  }
0x24a: {  	v22 =	vld [tilespmem:s6+$0xFFFFFE50]  }
0x24b: {  	[tilespmem:s7+$0x42C0] =	vst.add.f32.msk $0xffff, v16;
	v14 =	vmul.f32 v14, v7  }
0x24c: {  	v16 =	vld [tilespmem:s22+$0xFFFFFEE0]  }
0x24d: {  	s21 =	sadd.s32 $0x4, s21;
	[tilespmem:s12+$0x42C0] =	vst.add.f32.msk $0xffff, v14;
	v12 =	vmul.f32 v12, v8  }
0x24e: {  	p0 =	slt.u32 s21, $0xC;
	v14 =	vld [tilespmem:s22+$0xFFFFFF60]  }
0x24f: {  	v22 =	vmul.f32 v22, v6;
	[tilespmem:s23+$0x42C0] =	vst.add.f32.msk $0xffff, v12  }
0x250: {  	v12 =	vld [tilespmem:s22+$0xFFFFFFE0]  }
0x251: {  	[tilespmem:s28+$0x42C0] =	vst.add.f32.msk $0xffff, v22;
	v16 =	vmul.f32 v16, v10  }
0x252: {  	v22 =	vld [tilespmem:s6+$0xFFFFFE60]  }
0x253: {  	[tilespmem:s7+$0x42D0] =	vst.add.f32.msk $0xffff, v16;
	v14 =	vmul.f32 v14, v7  }
0x254: {  	v16 =	vld [tilespmem:s22+$0xFFFFFEF0]  }
0x255: {  	[tilespmem:s12+$0x42D0] =	vst.add.f32.msk $0xffff, v14;
	v12 =	vmul.f32 v12, v8  }
0x256: {  	v24 =	vld [tilespmem:s22+$0xFFFFFF70]  }
0x257: {  	v11 =	vperm.xlane v11, v2;
	v14 =	vperm.xlane v15, v2;
	[tilespmem:s23+$0x42D0] =	vst.add.f32.msk $0xffff, v12  }
0x258: {  	v12 =	vmul.f32 v22, v6;
	v26 =	vld [tilespmem:s22+$0xFFFFFFF0]  }
0x259: {  	v23 =	vperm.xlane v11, v2;
	v15 =	vperm.xlane v14, v2;
	(v2sf) =	vpush v14, $0x0;
	[tilespmem:s11+$0x42F0] =	vst.add.f32.msk $0xffff, v13;
	s11 =	smov.u32 s23  }
0x25a: {  	v13 =	vbroadcast v11, $0x0;
	v11 =	vmul.f32 v16, v10;
	[tilespmem:s28+$0x42D0] =	vst.add.f32.msk $0xffff, v12  }
.Ltmp7:
0x25b: {  	v14 =	vperm.xlane v15, v2;
	v16 =	vperm.xlane v23, v2;
	v25 =	vld [tilespmem:s6+$0xFFFFFE70];
	(v2sf) =	vpush v15, $0x0;
	(pc) =	sbr.rel @p0 .LBB2_9-.Ltmp7, $4  }
0x25c: {  	v12 =	vbroadcast v23, $0x0;
	v22 =	vmul.f32 v13, v20;
	[tilespmem:s7+$0x42E0] =	vst.add.f32.msk $0xffff, v11  }
0x25d: {  	v15 =	vperm.xlane v14, v2;
	v11 =	vperm.xlane v16, v2;
	(v2sf) =	vpush v14, $0x0;
	v20 =	vld [tilespmem:s22+$0xFFFFFF00]  }
0x25e: {  	v23 =	vmul.f32 v12, v18;
	v16 =	vbroadcast v16, $0x0;
	[tilespmem:s10+$0x42F0] =	vst.add.f32.msk $0xffff, v21;
	s10 =	smov.u32 s12  }
0x25f: {  	s9 =	sadd.s32 $0x200, s9;
	v18 =	vmul.f32 v26, v8;
	v14 =	vbroadcast v11, $0x0;
	(v2sf) =	vpush v15, $0x0;
	[tilespmem:s3+$0x42F0] =	vst.add.f32.msk $0xffff, v19;
	s3 =	smov.u32 s28  }
0x260: {  	_ = 	snop  }
0x261: {  	v19 =	vmul.f32 v24, v7;
	v24 =	vld [tilespmem:s31+$0xFFFFFF90]  }
0x262: {  	v21 =	vmul.f32 v25, v6;
	[tilespmem:s11+$0x42E0] =	vst.add.f32.msk $0xffff, v18  }
0x263: {  	[tilespmem:s10+$0x42E0] =	vst.add.f32.msk $0xffff, v19  }
0x264: {  	[tilespmem:s3+$0x42E0] =	vst.add.f32.msk $0xffff, v21  }
0x265: {  	v18 =	vld [tilespmem:s22+$0x0]  }
0x266: {  	v21 =	vld [tilespmem:s31+$0xFFFFFF10]  }
0x267: {  	v19 =	vmul.f32 v20, v10;
	v20 =	vld [tilespmem:s22+$0xFFFFFF80]  }
0x268: {  	v10 =	vld [tilespmem:s6+$0xFFFFFE80];
	s23 =	spop (v2sf)  }
0x269: {  	[tilespmem:s7+$0x42F0] =	vst.add.f32.msk $0xffff, v19;
	s7 =	sshll.u32 s23, $0x9  }
0x26a: {  	v19 =	vld [tilespmem:s31+$0xFFFFFE90];
	s7 =	sshra.s32 s7, $0x2;
	s9 =	spop (v2sf)  }
0x26b: {  	[tilespmem:s7+$0x4280] =	vst.add.f32.msk $0xffff, v22;
	s9 =	sshll.u32 s9, $0x9  }
0x26c: {  	v22 =	vld [tilespmem:s6+$0xFFFFFEA0];
	s9 =	sshra.s32 s9, $0x2;
	s12 =	spop (v2sf)  }
0x26d: {  	v17 =	vmul.f32 v16, v17;
	[tilespmem:s9+$0x4280] =	vst.add.f32.msk $0xffff, v23;
	s12 =	sshll.u32 s12, $0x9  }
0x26e: {  	s28 =	spop (v2sf);
	v23 =	vld [tilespmem:s6+$0xFFFFFF20];
	s21 =	sshra.s32 s12, $0x2  }
0x26f: {  	v9 =	vmul.f32 v9, v14;
	s23 =	sshll.u32 s28, $0x9;
	[tilespmem:s21+$0x4280] =	vst.add.f32.msk $0xffff, v17  }
0x270: {  	s22 =	sshra.s32 s23, $0x2;
	v17 =	vld [tilespmem:s6+$0xFFFFFFA0]  }
0x271: {  	[tilespmem:s22+$0x4280] =	vst.add.f32.msk $0xffff, v9;
	v9 =	vmul.f32 v22, v13  }
0x272: {  	v22 =	vld [tilespmem:s31+$0xFFFFFE20]  }
0x273: {  	[tilespmem:s7+$0x4290] =	vst.add.f32.msk $0xffff, v9;
	v9 =	vmul.f32 v23, v12  }
0x274: {  	v23 =	vld [tilespmem:s6+$0xFFFFFEB0]  }
0x275: {  	[tilespmem:s9+$0x4290] =	vst.add.f32.msk $0xffff, v9;
	v9 =	vmul.f32 v17, v16  }
0x276: {  	v17 =	vld [tilespmem:s6+$0xFFFFFF30]  }
0x277: {  	v22 =	vmul.f32 v22, v14;
	[tilespmem:s21+$0x4290] =	vst.add.f32.msk $0xffff, v9  }
0x278: {  	v9 =	vld [tilespmem:s6+$0xFFFFFFB0]  }
0x279: {  	[tilespmem:s22+$0x4290] =	vst.add.f32.msk $0xffff, v22;
	v22 =	vmul.f32 v23, v13  }
0x27a: {  	v23 =	vld [tilespmem:s31+$0xFFFFFE30]  }
0x27b: {  	[tilespmem:s7+$0x42A0] =	vst.add.f32.msk $0xffff, v22;
	v17 =	vmul.f32 v17, v12  }
0x27c: {  	v22 =	vld [tilespmem:s6+$0xFFFFFEC0]  }
0x27d: {  	[tilespmem:s9+$0x42A0] =	vst.add.f32.msk $0xffff, v17;
	v9 =	vmul.f32 v9, v16  }
0x27e: {  	v17 =	vld [tilespmem:s6+$0xFFFFFF40]  }
0x27f: {  	v23 =	vmul.f32 v23, v14;
	[tilespmem:s21+$0x42A0] =	vst.add.f32.msk $0xffff, v9  }
0x280: {  	v9 =	vld [tilespmem:s6+$0xFFFFFFC0]  }
0x281: {  	[tilespmem:s22+$0x42A0] =	vst.add.f32.msk $0xffff, v23;
	v22 =	vmul.f32 v22, v13  }
0x282: {  	v23 =	vld [tilespmem:s31+$0xFFFFFE40]  }
0x283: {  	[tilespmem:s7+$0x42B0] =	vst.add.f32.msk $0xffff, v22;
	v17 =	vmul.f32 v17, v12  }
0x284: {  	v15 =	vperm.xlane v15, v2;
	v22 =	vld [tilespmem:s6+$0xFFFFFED0]  }
0x285: {  	v8 =	vmul.f32 v18, v8;
	[tilespmem:s9+$0x42B0] =	vst.add.f32.msk $0xffff, v17  }
0x286: {  	(v2sf) =	vpush v15, $0x0;
	v15 =	vperm.xlane v15, v2;
	v9 =	vmul.f32 v9, v16;
	v17 =	vld [tilespmem:s6+$0xFFFFFF50]  }
0x287: {  	[tilespmem:s11+$0x42F0] =	vst.add.f32.msk $0xffff, v8  }
0x288: {  	(v2sf) =	vpush v15, $0x0;
	v15 =	vperm.xlane v15, v2;
	v23 =	vmul.f32 v23, v14;
	[tilespmem:s21+$0x42B0] =	vst.add.f32.msk $0xffff, v9  }
0x289: {  	v9 =	vld [tilespmem:s6+$0xFFFFFFD0];
	v22 =	vmul.f32 v22, v13  }
0x28a: {  	(v2sf) =	vpush v15, $0x0;
	[tilespmem:s22+$0x42B0] =	vst.add.f32.msk $0xffff, v23  }
0x28b: {  	[tilespmem:s7+$0x42C0] =	vst.add.f32.msk $0xffff, v22;
	v15 =	vmul.f32 v17, v12  }
0x28c: {  	v17 =	vld [tilespmem:s6+$0xFFFFFEE0]  }
0x28d: {  	[tilespmem:s9+$0x42C0] =	vst.add.f32.msk $0xffff, v15  }
0x28e: {  	v7 =	vmul.f32 v20, v7;
	v15 =	vld [tilespmem:s6+$0xFFFFFF60]  }
0x28f: {  	v6 =	vmul.f32 v10, v6;
	v23 =	vld [tilespmem:s31+$0xFFFFFE50]  }
0x290: {  	[tilespmem:s10+$0x42F0] =	vst.add.f32.msk $0xffff, v7;
	v9 =	vmul.f32 v9, v16  }
0x291: {  	v11 =	vperm.xlane v11, v2;
	[tilespmem:s3+$0x42F0] =	vst.add.f32.msk $0xffff, v6;
	v17 =	vmul.f32 v17, v13  }
0x292: {  	[tilespmem:s21+$0x42C0] =	vst.add.f32.msk $0xffff, v9  }
0x293: {  	[tilespmem:s7+$0x42D0] =	vst.add.f32.msk $0xffff, v17;
	v15 =	vmul.f32 v15, v12;
	v17 =	vperm.xlane v11, v2  }
0x294: {  	v22 =	vmul.f32 v23, v14;
	v9 =	vld [tilespmem:s6+$0xFFFFFFE0];
	v11 =	vbroadcast v11, $0x0  }
0x295: {  	s28 =	spop (v2sf);
	[tilespmem:s9+$0x42D0] =	vst.add.f32.msk $0xffff, v15;
	v15 =	vperm.xlane v17, v2  }
0x296: {  	s12 =	sshll.u32 s28, $0x9;
	[tilespmem:s22+$0x42C0] =	vst.add.f32.msk $0xffff, v22;
	v8 =	vmul.f32 v11, v19;
	v17 =	vbroadcast v17, $0x0  }
0x297: {  	s10 =	sshra.s32 s12, $0x2;
	s23 =	spop (v2sf);
	v22 =	vld [tilespmem:s31+$0xFFFFFE60]  }
0x298: {  	s11 =	sshll.u32 s23, $0x9;
	v7 =	vmul.f32 v17, v21;
	v15 =	vbroadcast v15, $0x0;
	[tilespmem:s10+$0x4280] =	vst.add.f32.msk $0xffff, v8  }
0x299: {  	s11 =	sshra.s32 s11, $0x2;
	s28 =	spop (v2sf);
	v8 =	vld [tilespmem:s31+$0xFFFFFEA0]  }
0x29a: {  	s12 =	sshll.u32 s28, $0x9;
	v19 =	vmul.f32 v15, v24;
	[tilespmem:s11+$0x4280] =	vst.add.f32.msk $0xffff, v7  }
0x29b: {  	s12 =	sshra.s32 s12, $0x2;
	v7 =	vld [tilespmem:s31+$0xFFFFFF20]  }
0x29c: {  	[tilespmem:s12+$0x4280] =	vst.add.f32.msk $0xffff, v19  }
0x29d: {  	v9 =	vmul.f32 v9, v16;
	v19 =	vld [tilespmem:s31+$0xFFFFFFA0]  }
0x29e: {  	v18 =	vld [tilespmem:s6+$0xFFFFFEF0];
	v8 =	vmul.f32 v8, v11  }
0x29f: {  	[tilespmem:s21+$0x42D0] =	vst.add.f32.msk $0xffff, v9  }
0x2a0: {  	[tilespmem:s10+$0x4290] =	vst.add.f32.msk $0xffff, v8;
	v7 =	vmul.f32 v7, v17  }
0x2a1: {  	v8 =	vld [tilespmem:s31+$0xFFFFFEB0]  }
0x2a2: {  	[tilespmem:s11+$0x4290] =	vst.add.f32.msk $0xffff, v7;
	v7 =	vmul.f32 v19, v15  }
0x2a3: {  	v9 =	vld [tilespmem:s31+$0xFFFFFF30]  }
0x2a4: {  	[tilespmem:s12+$0x4290] =	vst.add.f32.msk $0xffff, v7  }
0x2a5: {  	v7 =	vmul.f32 v22, v14;
	v19 =	vld [tilespmem:s31+$0xFFFFFFB0]  }
0x2a6: {  	v20 =	vld [tilespmem:s6+$0xFFFFFF70];
	v8 =	vmul.f32 v8, v11  }
0x2a7: {  	[tilespmem:s22+$0x42D0] =	vst.add.f32.msk $0xffff, v7  }
0x2a8: {  	[tilespmem:s10+$0x42A0] =	vst.add.f32.msk $0xffff, v8;
	v7 =	vmul.f32 v9, v17  }
0x2a9: {  	v8 =	vld [tilespmem:s31+$0xFFFFFEC0]  }
0x2aa: {  	[tilespmem:s11+$0x42A0] =	vst.add.f32.msk $0xffff, v7;
	v7 =	vmul.f32 v19, v15  }
0x2ab: {  	v9 =	vld [tilespmem:s31+$0xFFFFFF40]  }
0x2ac: {  	[tilespmem:s12+$0x42A0] =	vst.add.f32.msk $0xffff, v7  }
0x2ad: {  	v7 =	vmul.f32 v18, v13;
	v18 =	vld [tilespmem:s31+$0xFFFFFFC0]  }
0x2ae: {  	v21 =	vld [tilespmem:s6+$0xFFFFFFF0];
	v8 =	vmul.f32 v8, v11  }
0x2af: {  	[tilespmem:s7+$0x42E0] =	vst.add.f32.msk $0xffff, v7  }
0x2b0: {  	[tilespmem:s10+$0x42B0] =	vst.add.f32.msk $0xffff, v8;
	v7 =	vmul.f32 v9, v17  }
0x2b1: {  	v8 =	vld [tilespmem:s31+$0xFFFFFED0]  }
0x2b2: {  	[tilespmem:s11+$0x42B0] =	vst.add.f32.msk $0xffff, v7;
	v7 =	vmul.f32 v18, v15  }
0x2b3: {  	v9 =	vld [tilespmem:s31+$0xFFFFFF50]  }
0x2b4: {  	[tilespmem:s12+$0x42B0] =	vst.add.f32.msk $0xffff, v7  }
0x2b5: {  	v7 =	vld [tilespmem:s31+$0xFFFFFFD0]  }
0x2b6: {  	v19 =	vld [tilespmem:s31+$0xFFFFFE70];
	v8 =	vmul.f32 v8, v11  }
0x2b7: {  	v10 =	vld [tilespmem:s6+$0xFFFFFF00]  }
0x2b8: {  	[tilespmem:s10+$0x42C0] =	vst.add.f32.msk $0xffff, v8;
	v6 =	vmul.f32 v9, v17  }
0x2b9: {  	v8 =	vld [tilespmem:s31+$0xFFFFFEE0]  }
0x2ba: {  	[tilespmem:s11+$0x42C0] =	vst.add.f32.msk $0xffff, v6;
	v6 =	vmul.f32 v7, v15  }
0x2bb: {  	v7 =	vld [tilespmem:s31+$0xFFFFFF60]  }
0x2bc: {  	v19 =	vmul.f32 v19, v14;
	[tilespmem:s12+$0x42C0] =	vst.add.f32.msk $0xffff, v6  }
0x2bd: {  	v6 =	vmul.f32 v20, v12;
	v18 =	vld [tilespmem:s31+$0xFFFFFFE0]  }
0x2be: {  	[tilespmem:s22+$0x42E0] =	vst.add.f32.msk $0xffff, v19  }
0x2bf: {  	[tilespmem:s9+$0x42E0] =	vst.add.f32.msk $0xffff, v6;
	v6 =	vmul.f32 v8, v11  }
0x2c0: {  	v19 =	vld [tilespmem:s31+$0xFFFFFE80]  }
0x2c1: {  	[tilespmem:s10+$0x42D0] =	vst.add.f32.msk $0xffff, v6;
	v6 =	vmul.f32 v7, v17  }
0x2c2: {  	v7 =	vld [tilespmem:s31+$0xFFFFFEF0];
	v8 =	vmul.f32 v18, v15  }
0x2c3: {  	[tilespmem:s11+$0x42D0] =	vst.add.f32.msk $0xffff, v6  }
0x2c4: {  	[tilespmem:s12+$0x42D0] =	vst.add.f32.msk $0xffff, v8  }
0x2c5: {  	v9 =	vmul.f32 v21, v16;
	v8 =	vld [tilespmem:s31+$0xFFFFFF70]  }
0x2c6: {  	v6 =	vld [tilespmem:s31+$0xFFFFFFF0]  }
0x2c7: {  	[tilespmem:s21+$0x42E0] =	vst.add.f32.msk $0xffff, v9  }
0x2c8: {  	v9 =	vld [tilespmem:s6+$0x0];
	v7 =	vmul.f32 v7, v11  }
0x2c9: {  	v18 =	vld [tilespmem:s6+$0xFFFFFF80]  }
0x2ca: {  	[tilespmem:s10+$0x42E0] =	vst.add.f32.msk $0xffff, v7;
	v8 =	vmul.f32 v8, v17  }
0x2cb: {  	v7 =	vld [tilespmem:s31+$0xFFFFFF00];
	v6 =	vmul.f32 v6, v15  }
0x2cc: {  	[tilespmem:s11+$0x42E0] =	vst.add.f32.msk $0xffff, v8  }
0x2cd: {  	[tilespmem:s12+$0x42E0] =	vst.add.f32.msk $0xffff, v6  }
0x2ce: {  	v6 =	vmul.f32 v10, v13;
	v8 =	vld [tilespmem:s31+$0x0]  }
0x2cf: {  	v9 =	vmul.f32 v9, v16;
	v10 =	vld [tilespmem:s31+$0xFFFFFF80]  }
0x2d0: {  	[tilespmem:s7+$0x42F0] =	vst.add.f32.msk $0xffff, v6;
	v6 =	vmul.f32 v18, v12  }
0x2d1: {  	[tilespmem:s21+$0x42F0] =	vst.add.f32.msk $0xffff, v9;
	v12 =	vmul.f32 v19, v14  }
0x2d2: {  	[tilespmem:s9+$0x42F0] =	vst.add.f32.msk $0xffff, v6;
	v6 =	vmul.f32 v7, v11  }
0x2d3: {  	[tilespmem:s22+$0x42F0] =	vst.add.f32.msk $0xffff, v12;
	v7 =	vmul.f32 v8, v15  }
0x2d4: {  	[tilespmem:s10+$0x42F0] =	vst.add.f32.msk $0xffff, v6;
	v6 =	vmul.f32 v10, v17  }
0x2d5: {  	[tilespmem:s12+$0x42F0] =	vst.add.f32.msk $0xffff, v7  }
0x2d6: {  	[tilespmem:s11+$0x42F0] =	vst.add.f32.msk $0xffff, v6  }
0x2d7: {  	v6 =	vld [tilespmem:$0x1A0];
	_ =	sdelay $0x4  }
0x2d8: {  	v6 =	vsub.s32 v6, v4  }
0x2d9: {  	vm0 =	vgt.s32 v6, $0x0  }
0x2da: {  	v6 =	vnsel vm0, $0x0, v6  }
0x2db: {  	v6 =	vmin.u32 v6, $0x18F  }
0x2dc: {  	(v2sf) =	vpush v6, $0x0;
	_ =	sdelay $0x7  }
0x2dd: {  	v7 =	vld [tilespmem:$0x220]  }
0x2de: {  	s7 =	sadd.s32 $0x20, s30  }
0x2df: {  	s22 =	simm.s32 $0x1470;
	v8 =	vor.u32 s7, v1  }
0x2e0: {  	vm15 =	vge.s32 v8, v5;
	vm1 =	vlt.s32 v8, v3;
	v8 =	vld [tilespmem:s22+$0xFFFFFE10]  }
0x2e1: {  	vm0 =	vmand vm15, vm1  }
0x2e2: {  	v7 =	vnsel vm0, $0x0, v7  }
0x2e3: {  	v11 =	vbroadcast v7, $0x0  }
0x2e4: {  	s9 =	spop (v2sf)  }
0x2e5: {  	v8 =	vmul.f32 v8, v11;
	s3 =	sshll.u32 s9, $0x9  }
0x2e6: {  	s12 =	sshra.s32 s3, $0x2  }
0x2e7: {  	[tilespmem:s12+$0x4280] =	vst.add.f32.msk $0xffff, v8  }
0x2e8: {  	v8 =	vld [tilespmem:s22+$0xFFFFFE20];
	_ =	sdelay $0x4  }
0x2e9: {  	v8 =	vmul.f32 v8, v11;
	_ =	sdelay $0x1  }
0x2ea: {  	[tilespmem:s12+$0x4290] =	vst.add.f32.msk $0xffff, v8  }
0x2eb: {  	v8 =	vld [tilespmem:s22+$0xFFFFFE30];
	_ =	sdelay $0x4  }
0x2ec: {  	v8 =	vmul.f32 v8, v11;
	_ =	sdelay $0x1  }
0x2ed: {  	[tilespmem:s12+$0x42A0] =	vst.add.f32.msk $0xffff, v8  }
0x2ee: {  	v8 =	vld [tilespmem:s22+$0xFFFFFE40];
	_ =	sdelay $0x4  }
0x2ef: {  	v8 =	vmul.f32 v8, v11;
	_ =	sdelay $0x1  }
0x2f0: {  	[tilespmem:s12+$0x42B0] =	vst.add.f32.msk $0xffff, v8  }
0x2f1: {  	v6 =	vperm.xlane v6, v2;
	v8 =	vld [tilespmem:s22+$0xFFFFFE50];
	_ =	sdelay $0x1  }
0x2f2: {  	v9 =	vperm.xlane v6, v2  }
0x2f3: {  	(v2sf) =	vpush v6, $0x0  }
0x2f4: {  	(v2sf) =	vpush v9, $0x0  }
0x2f5: {  	v8 =	vmul.f32 v8, v11;
	_ =	sdelay $0x1  }
0x2f6: {  	[tilespmem:s12+$0x42C0] =	vst.add.f32.msk $0xffff, v8  }
0x2f7: {  	v8 =	vld [tilespmem:s22+$0xFFFFFE60]  }
0x2f8: {  	v6 =	vperm.xlane v9, v2;
	_ =	sdelay $0x1  }
0x2f9: {  	v12 =	vperm.xlane v6, v2;
	(v2sf) =	vpush v6, $0x0;
	_ =	sdelay $0x1  }
0x2fa: {  	(v2sf) =	vpush v12, $0x0;
	v8 =	vmul.f32 v8, v11  }
0x2fb: {  	v14 =	vld [tilespmem:s22+$0xFFFFFF10];
	v7 =	vperm.xlane v7, v2  }
0x2fc: {  	[tilespmem:s12+$0x42D0] =	vst.add.f32.msk $0xffff, v8  }
0x2fd: {  	s6 =	simm.s32 $0x1670;
	v16 =	vperm.xlane v7, v2;
	v6 =	vld [tilespmem:s22+$0xFFFFFE70]  }
0x2fe: {  	v13 =	vld [tilespmem:s6+$0xFFFFFE10]  }
0x2ff: {  	v10 =	vbroadcast v7, $0x0;
	v7 =	vbroadcast v16, $0x0;
	s10 =	spop (v2sf);
	v8 =	vld [tilespmem:s22+$0xFFFFFE90]  }
0x300: {  	v15 =	vld [tilespmem:s22+$0xFFFFFF90];
	s3 =	sshll.u32 s10, $0x9;
	s11 =	spop (v2sf)  }
0x301: {  	s31 =	simm.s32 $0x1870;
	v21 =	vld [tilespmem:s6+$0xFFFFFF10];
	v14 =	vmul.f32 v7, v14;
	s7 =	sshra.s32 s3, $0x2;
	s3 =	sshll.u32 s11, $0x9  }
0x302: {  	v9 =	vld [tilespmem:s31+$0xFFFFFE10];
	s10 =	sshra.s32 s3, $0x2;
	v6 =	vmul.f32 v6, v11  }
0x303: {  	[tilespmem:s10+$0x4280] =	vst.add.f32.msk $0xffff, v14  }
0x304: {  	v17 =	vmul.f32 v10, v8;
	[tilespmem:s12+$0x42E0] =	vst.add.f32.msk $0xffff, v6;
	v6 =	vperm.xlane v16, v2  }
0x305: {  	v14 =	vld [tilespmem:s22+$0xFFFFFF20]  }
0x306: {  	[tilespmem:s7+$0x4280] =	vst.add.f32.msk $0xffff, v17;
	v19 =	vperm.xlane v6, v2;
	v8 =	vbroadcast v6, $0x0  }
0x307: {  	s21 =	spop (v2sf);
	v17 =	vld [tilespmem:s22+$0xFFFFFEA0]  }
0x308: {  	s3 =	sshll.u32 s21, $0x9;
	v16 =	vld [tilespmem:s6+$0xFFFFFE90];
	v6 =	vbroadcast v19, $0x0;
	v15 =	vmul.f32 v8, v15  }
0x309: {  	s11 =	sshra.s32 s3, $0x2;
	s23 =	spop (v2sf);
	v18 =	vld [tilespmem:s22+$0xFFFFFE80]  }
0x30a: {  	s28 =	sshll.u32 s23, $0x9;
	v13 =	vmul.f32 v13, v6;
	[tilespmem:s11+$0x4280] =	vst.add.f32.msk $0xffff, v15  }
0x30b: {  	s3 =	sshra.s32 s28, $0x2;
	v15 =	vld [tilespmem:s22+$0xFFFFFFA0]  }
0x30c: {  	[tilespmem:s3+$0x4280] =	vst.add.f32.msk $0xffff, v13;
	v13 =	vmul.f32 v17, v10  }
0x30d: {  	v17 =	vld [tilespmem:s6+$0xFFFFFE20]  }
0x30e: {  	[tilespmem:s7+$0x4290] =	vst.add.f32.msk $0xffff, v13;
	v13 =	vmul.f32 v14, v7  }
0x30f: {  	v14 =	vld [tilespmem:s22+$0xFFFFFEB0]  }
0x310: {  	[tilespmem:s10+$0x4290] =	vst.add.f32.msk $0xffff, v13;
	v13 =	vmul.f32 v15, v8  }
0x311: {  	v15 =	vld [tilespmem:s22+$0xFFFFFF30]  }
0x312: {  	v17 =	vmul.f32 v17, v6;
	[tilespmem:s11+$0x4290] =	vst.add.f32.msk $0xffff, v13  }
0x313: {  	v13 =	vld [tilespmem:s22+$0xFFFFFFB0]  }
0x314: {  	[tilespmem:s3+$0x4290] =	vst.add.f32.msk $0xffff, v17;
	v14 =	vmul.f32 v14, v10  }
0x315: {  	v17 =	vld [tilespmem:s6+$0xFFFFFE30]  }
0x316: {  	[tilespmem:s7+$0x42A0] =	vst.add.f32.msk $0xffff, v14;
	v14 =	vmul.f32 v15, v7  }
0x317: {  	v15 =	vld [tilespmem:s22+$0xFFFFFEC0]  }
0x318: {  	[tilespmem:s10+$0x42A0] =	vst.add.f32.msk $0xffff, v14;
	v13 =	vmul.f32 v13, v8  }
0x319: {  	v14 =	vld [tilespmem:s22+$0xFFFFFF40]  }
0x31a: {  	v17 =	vmul.f32 v17, v6;
	[tilespmem:s11+$0x42A0] =	vst.add.f32.msk $0xffff, v13  }
0x31b: {  	v13 =	vld [tilespmem:s22+$0xFFFFFFC0]  }
0x31c: {  	[tilespmem:s3+$0x42A0] =	vst.add.f32.msk $0xffff, v17;
	v15 =	vmul.f32 v15, v10  }
0x31d: {  	v17 =	vld [tilespmem:s6+$0xFFFFFE40]  }
0x31e: {  	[tilespmem:s7+$0x42B0] =	vst.add.f32.msk $0xffff, v15;
	v14 =	vmul.f32 v14, v7  }
0x31f: {  	v15 =	vld [tilespmem:s22+$0xFFFFFED0]  }
0x320: {  	[tilespmem:s10+$0x42B0] =	vst.add.f32.msk $0xffff, v14;
	v13 =	vmul.f32 v13, v8  }
0x321: {  	v14 =	vld [tilespmem:s22+$0xFFFFFF50]  }
0x322: {  	v17 =	vmul.f32 v17, v6;
	[tilespmem:s11+$0x42B0] =	vst.add.f32.msk $0xffff, v13  }
0x323: {  	v13 =	vld [tilespmem:s22+$0xFFFFFFD0]  }
0x324: {  	[tilespmem:s3+$0x42B0] =	vst.add.f32.msk $0xffff, v17;
	v15 =	vmul.f32 v15, v10  }
0x325: {  	v17 =	vld [tilespmem:s6+$0xFFFFFE50]  }
0x326: {  	[tilespmem:s7+$0x42C0] =	vst.add.f32.msk $0xffff, v15;
	v14 =	vmul.f32 v14, v7  }
0x327: {  	v15 =	vld [tilespmem:s22+$0xFFFFFEE0]  }
0x328: {  	[tilespmem:s10+$0x42C0] =	vst.add.f32.msk $0xffff, v14;
	v13 =	vmul.f32 v13, v8  }
0x329: {  	v14 =	vld [tilespmem:s22+$0xFFFFFF60]  }
0x32a: {  	v17 =	vmul.f32 v17, v6;
	[tilespmem:s11+$0x42C0] =	vst.add.f32.msk $0xffff, v13  }
0x32b: {  	v13 =	vld [tilespmem:s22+$0xFFFFFFE0]  }
0x32c: {  	[tilespmem:s3+$0x42C0] =	vst.add.f32.msk $0xffff, v17  }
0x32d: {  	v15 =	vmul.f32 v15, v10;
	v17 =	vld [tilespmem:s6+$0xFFFFFF90]  }
0x32e: {  	v20 =	vld [tilespmem:s6+$0xFFFFFE60]  }
0x32f: {  	[tilespmem:s7+$0x42D0] =	vst.add.f32.msk $0xffff, v15;
	v14 =	vmul.f32 v14, v7  }
0x330: {  	v15 =	vld [tilespmem:s22+$0xFFFFFEF0]  }
0x331: {  	v13 =	vmul.f32 v13, v8;
	[tilespmem:s10+$0x42D0] =	vst.add.f32.msk $0xffff, v14  }
0x332: {  	v12 =	vperm.xlane v12, v2;
	v14 =	vperm.xlane v19, v2;
	v24 =	vld [tilespmem:s22+$0xFFFFFF70]  }
0x333: {  	v18 =	vmul.f32 v18, v11;
	v11 =	vmul.f32 v20, v6;
	[tilespmem:s11+$0x42D0] =	vst.add.f32.msk $0xffff, v13  }
0x334: {  	(v2sf) =	vpush v12, $0x0;
	v19 =	vperm.xlane v12, v2;
	v20 =	vperm.xlane v14, v2;
	v26 =	vld [tilespmem:s22+$0xFFFFFFF0]  }
0x335: {  	v13 =	vbroadcast v14, $0x0;
	v14 =	vmul.f32 v15, v10;
	[tilespmem:s3+$0x42D0] =	vst.add.f32.msk $0xffff, v11  }
0x336: {  	v23 =	vperm.xlane v19, v2;
	(v2sf) =	vpush v19, $0x0;
	v27 =	vperm.xlane v20, v2;
	v25 =	vld [tilespmem:s6+$0xFFFFFE70]  }
0x337: {  	v22 =	vmul.f32 v13, v16;
	v12 =	vbroadcast v20, $0x0;
	[tilespmem:s7+$0x42E0] =	vst.add.f32.msk $0xffff, v14  }
0x338: {  	v15 =	vperm.xlane v23, v2;
	(v2sf) =	vpush v23, $0x0;
	v11 =	vperm.xlane v27, v2;
	v20 =	vld [tilespmem:s22+$0xFFFFFF00]  }
0x339: {  	v23 =	vmul.f32 v12, v21;
	v16 =	vbroadcast v27, $0x0  }
0x33a: {  	s9 =	simm.s32 $0x1A70;
	s21 =	simm.s32 $0x8;
	[tilespmem:s12+$0x42F0] =	vst.add.f32.msk $0xffff, v18;
	(v2sf) =	vpush v15, $0x0;
	v14 =	vbroadcast v11, $0x0;
	v18 =	vmul.f32 v26, v8  }
.LBB2_11:
0x33b: {  	v19 =	vld [tilespmem:s9+$0xFFFFFE10];
	v26 =	vmul.f32 v16, v17;
	v17 =	vmul.f32 v24, v7  }
0x33c: {  	v24 =	vmul.f32 v9, v14;
	v9 =	vmul.f32 v25, v6;
	[tilespmem:s11+$0x42E0] =	vst.add.f32.msk $0xffff, v18  }
0x33d: {  	v18 =	vmul.f32 v20, v10;
	[tilespmem:s10+$0x42E0] =	vst.add.f32.msk $0xffff, v17;
	v10 =	vmov v13  }
0x33e: {  	[tilespmem:s3+$0x42E0] =	vst.add.f32.msk $0xffff, v9  }
0x33f: {  	v13 =	vld [tilespmem:s22+$0x0]  }
0x340: {  	v21 =	vld [tilespmem:s22+$0xFFFFFF80];
	v9 =	vmov v19;
	s22 =	smov.u32 s6;
	s6 =	smov.u32 s31;
	s31 =	smov.u32 s9  }
0x341: {  	v19 =	vld [tilespmem:s22+$0xFFFFFE80]  }
0x342: {  	[tilespmem:s7+$0x42F0] =	vst.add.f32.msk $0xffff, v18  }
0x343: {  	v20 =	vld [tilespmem:s6+$0xFFFFFE90];
	s7 =	spop (v2sf)  }
0x344: {  	v18 =	vld [tilespmem:s6+$0xFFFFFF10];
	s7 =	sshll.u32 s7, $0x9;
	v13 =	vmul.f32 v13, v8;
	v8 =	vmov v16  }
0x345: {  	v17 =	vld [tilespmem:s6+$0xFFFFFF90];
	s7 =	sshra.s32 s7, $0x2;
	s12 =	spop (v2sf);
	v21 =	vmul.f32 v21, v7;
	v7 =	vmov v12  }
0x346: {  	v19 =	vmul.f32 v19, v6;
	[tilespmem:s7+$0x4280] =	vst.add.f32.msk $0xffff, v22;
	s12 =	sshll.u32 s12, $0x9;
	v6 =	vmov v14  }
0x347: {  	v12 =	vld [tilespmem:s22+$0xFFFFFEA0];
	s12 =	sshra.s32 s12, $0x2;
	s23 =	spop (v2sf)  }
0x348: {  	[tilespmem:s12+$0x4280] =	vst.add.f32.msk $0xffff, v23;
	s23 =	sshll.u32 s23, $0x9  }
0x349: {  	s28 =	spop (v2sf);
	v14 =	vld [tilespmem:s22+$0xFFFFFF20];
	s23 =	sshra.s32 s23, $0x2  }
0x34a: {  	s28 =	sshll.u32 s28, $0x9;
	[tilespmem:s23+$0x4280] =	vst.add.f32.msk $0xffff, v26  }
0x34b: {  	s28 =	sshra.s32 s28, $0x2;
	v16 =	vld [tilespmem:s22+$0xFFFFFFA0]  }
0x34c: {  	[tilespmem:s28+$0x4280] =	vst.add.f32.msk $0xffff, v24;
	v12 =	vmul.f32 v12, v10  }
0x34d: {  	v22 =	vld [tilespmem:s6+$0xFFFFFE20]  }
0x34e: {  	[tilespmem:s7+$0x4290] =	vst.add.f32.msk $0xffff, v12;
	v12 =	vmul.f32 v14, v7  }
0x34f: {  	v14 =	vld [tilespmem:s22+$0xFFFFFEB0]  }
0x350: {  	[tilespmem:s12+$0x4290] =	vst.add.f32.msk $0xffff, v12;
	v12 =	vmul.f32 v16, v8  }
0x351: {  	v16 =	vld [tilespmem:s22+$0xFFFFFF30]  }
0x352: {  	v22 =	vmul.f32 v22, v6;
	[tilespmem:s23+$0x4290] =	vst.add.f32.msk $0xffff, v12  }
0x353: {  	v12 =	vld [tilespmem:s22+$0xFFFFFFB0]  }
0x354: {  	[tilespmem:s28+$0x4290] =	vst.add.f32.msk $0xffff, v22;
	v14 =	vmul.f32 v14, v10  }
0x355: {  	v22 =	vld [tilespmem:s6+$0xFFFFFE30]  }
0x356: {  	[tilespmem:s7+$0x42A0] =	vst.add.f32.msk $0xffff, v14;
	v14 =	vmul.f32 v16, v7  }
0x357: {  	v16 =	vld [tilespmem:s22+$0xFFFFFEC0]  }
0x358: {  	[tilespmem:s12+$0x42A0] =	vst.add.f32.msk $0xffff, v14;
	v12 =	vmul.f32 v12, v8  }
0x359: {  	v14 =	vld [tilespmem:s22+$0xFFFFFF40]  }
0x35a: {  	v22 =	vmul.f32 v22, v6;
	[tilespmem:s23+$0x42A0] =	vst.add.f32.msk $0xffff, v12  }
0x35b: {  	v12 =	vld [tilespmem:s22+$0xFFFFFFC0]  }
0x35c: {  	[tilespmem:s28+$0x42A0] =	vst.add.f32.msk $0xffff, v22;
	v16 =	vmul.f32 v16, v10  }
0x35d: {  	v22 =	vld [tilespmem:s6+$0xFFFFFE40]  }
0x35e: {  	[tilespmem:s7+$0x42B0] =	vst.add.f32.msk $0xffff, v16;
	v14 =	vmul.f32 v14, v7  }
0x35f: {  	v16 =	vld [tilespmem:s22+$0xFFFFFED0]  }
0x360: {  	[tilespmem:s12+$0x42B0] =	vst.add.f32.msk $0xffff, v14;
	v12 =	vmul.f32 v12, v8  }
0x361: {  	v14 =	vld [tilespmem:s22+$0xFFFFFF50]  }
0x362: {  	v22 =	vmul.f32 v22, v6;
	[tilespmem:s23+$0x42B0] =	vst.add.f32.msk $0xffff, v12  }
0x363: {  	v12 =	vld [tilespmem:s22+$0xFFFFFFD0]  }
0x364: {  	[tilespmem:s28+$0x42B0] =	vst.add.f32.msk $0xffff, v22;
	v16 =	vmul.f32 v16, v10  }
0x365: {  	v22 =	vld [tilespmem:s6+$0xFFFFFE50]  }
0x366: {  	[tilespmem:s7+$0x42C0] =	vst.add.f32.msk $0xffff, v16;
	v14 =	vmul.f32 v14, v7  }
0x367: {  	v16 =	vld [tilespmem:s22+$0xFFFFFEE0]  }
0x368: {  	s21 =	sadd.s32 $0x4, s21;
	[tilespmem:s12+$0x42C0] =	vst.add.f32.msk $0xffff, v14;
	v12 =	vmul.f32 v12, v8  }
0x369: {  	p0 =	slt.u32 s21, $0xC;
	v14 =	vld [tilespmem:s22+$0xFFFFFF60]  }
0x36a: {  	v22 =	vmul.f32 v22, v6;
	[tilespmem:s23+$0x42C0] =	vst.add.f32.msk $0xffff, v12  }
0x36b: {  	v12 =	vld [tilespmem:s22+$0xFFFFFFE0]  }
0x36c: {  	[tilespmem:s28+$0x42C0] =	vst.add.f32.msk $0xffff, v22;
	v16 =	vmul.f32 v16, v10  }
0x36d: {  	v22 =	vld [tilespmem:s6+$0xFFFFFE60]  }
0x36e: {  	[tilespmem:s7+$0x42D0] =	vst.add.f32.msk $0xffff, v16;
	v14 =	vmul.f32 v14, v7  }
0x36f: {  	v16 =	vld [tilespmem:s22+$0xFFFFFEF0]  }
0x370: {  	[tilespmem:s12+$0x42D0] =	vst.add.f32.msk $0xffff, v14;
	v12 =	vmul.f32 v12, v8  }
0x371: {  	v24 =	vld [tilespmem:s22+$0xFFFFFF70]  }
0x372: {  	v11 =	vperm.xlane v11, v2;
	v14 =	vperm.xlane v15, v2;
	[tilespmem:s23+$0x42D0] =	vst.add.f32.msk $0xffff, v12  }
0x373: {  	v12 =	vmul.f32 v22, v6;
	v26 =	vld [tilespmem:s22+$0xFFFFFFF0]  }
0x374: {  	v23 =	vperm.xlane v11, v2;
	v15 =	vperm.xlane v14, v2;
	(v2sf) =	vpush v14, $0x0;
	[tilespmem:s11+$0x42F0] =	vst.add.f32.msk $0xffff, v13;
	s11 =	smov.u32 s23  }
0x375: {  	v13 =	vbroadcast v11, $0x0;
	v11 =	vmul.f32 v16, v10;
	[tilespmem:s28+$0x42D0] =	vst.add.f32.msk $0xffff, v12  }
.Ltmp8:
0x376: {  	v14 =	vperm.xlane v15, v2;
	v16 =	vperm.xlane v23, v2;
	v25 =	vld [tilespmem:s6+$0xFFFFFE70];
	(v2sf) =	vpush v15, $0x0;
	(pc) =	sbr.rel @p0 .LBB2_11-.Ltmp8, $4  }
0x377: {  	v12 =	vbroadcast v23, $0x0;
	v22 =	vmul.f32 v13, v20;
	[tilespmem:s7+$0x42E0] =	vst.add.f32.msk $0xffff, v11  }
0x378: {  	v15 =	vperm.xlane v14, v2;
	v11 =	vperm.xlane v16, v2;
	(v2sf) =	vpush v14, $0x0;
	v20 =	vld [tilespmem:s22+$0xFFFFFF00]  }
0x379: {  	v23 =	vmul.f32 v12, v18;
	v16 =	vbroadcast v16, $0x0;
	[tilespmem:s10+$0x42F0] =	vst.add.f32.msk $0xffff, v21;
	s10 =	smov.u32 s12  }
0x37a: {  	s9 =	sadd.s32 $0x200, s9;
	v18 =	vmul.f32 v26, v8;
	v14 =	vbroadcast v11, $0x0;
	(v2sf) =	vpush v15, $0x0;
	[tilespmem:s3+$0x42F0] =	vst.add.f32.msk $0xffff, v19;
	s3 =	smov.u32 s28  }
0x37b: {  	_ = 	snop  }
0x37c: {  	v19 =	vmul.f32 v24, v7;
	v24 =	vld [tilespmem:s31+$0xFFFFFF90]  }
0x37d: {  	v21 =	vmul.f32 v25, v6;
	[tilespmem:s11+$0x42E0] =	vst.add.f32.msk $0xffff, v18  }
0x37e: {  	[tilespmem:s10+$0x42E0] =	vst.add.f32.msk $0xffff, v19  }
0x37f: {  	[tilespmem:s3+$0x42E0] =	vst.add.f32.msk $0xffff, v21  }
0x380: {  	v18 =	vld [tilespmem:s22+$0x0]  }
0x381: {  	v21 =	vld [tilespmem:s31+$0xFFFFFF10]  }
0x382: {  	v19 =	vmul.f32 v20, v10;
	v20 =	vld [tilespmem:s22+$0xFFFFFF80]  }
0x383: {  	v10 =	vld [tilespmem:s6+$0xFFFFFE80];
	s23 =	spop (v2sf)  }
0x384: {  	[tilespmem:s7+$0x42F0] =	vst.add.f32.msk $0xffff, v19;
	s7 =	sshll.u32 s23, $0x9  }
0x385: {  	v19 =	vld [tilespmem:s31+$0xFFFFFE90];
	s7 =	sshra.s32 s7, $0x2;
	s9 =	spop (v2sf)  }
0x386: {  	[tilespmem:s7+$0x4280] =	vst.add.f32.msk $0xffff, v22;
	s9 =	sshll.u32 s9, $0x9  }
0x387: {  	v22 =	vld [tilespmem:s6+$0xFFFFFEA0];
	s9 =	sshra.s32 s9, $0x2;
	s12 =	spop (v2sf)  }
0x388: {  	v17 =	vmul.f32 v16, v17;
	[tilespmem:s9+$0x4280] =	vst.add.f32.msk $0xffff, v23;
	s12 =	sshll.u32 s12, $0x9  }
0x389: {  	s28 =	spop (v2sf);
	v23 =	vld [tilespmem:s6+$0xFFFFFF20];
	s21 =	sshra.s32 s12, $0x2  }
0x38a: {  	v9 =	vmul.f32 v9, v14;
	s23 =	sshll.u32 s28, $0x9;
	[tilespmem:s21+$0x4280] =	vst.add.f32.msk $0xffff, v17  }
0x38b: {  	s22 =	sshra.s32 s23, $0x2;
	v17 =	vld [tilespmem:s6+$0xFFFFFFA0]  }
0x38c: {  	[tilespmem:s22+$0x4280] =	vst.add.f32.msk $0xffff, v9;
	v9 =	vmul.f32 v22, v13  }
0x38d: {  	v22 =	vld [tilespmem:s31+$0xFFFFFE20]  }
0x38e: {  	[tilespmem:s7+$0x4290] =	vst.add.f32.msk $0xffff, v9;
	v9 =	vmul.f32 v23, v12  }
0x38f: {  	v23 =	vld [tilespmem:s6+$0xFFFFFEB0]  }
0x390: {  	[tilespmem:s9+$0x4290] =	vst.add.f32.msk $0xffff, v9;
	v9 =	vmul.f32 v17, v16  }
0x391: {  	v17 =	vld [tilespmem:s6+$0xFFFFFF30]  }
0x392: {  	v22 =	vmul.f32 v22, v14;
	[tilespmem:s21+$0x4290] =	vst.add.f32.msk $0xffff, v9  }
0x393: {  	v9 =	vld [tilespmem:s6+$0xFFFFFFB0]  }
0x394: {  	[tilespmem:s22+$0x4290] =	vst.add.f32.msk $0xffff, v22;
	v22 =	vmul.f32 v23, v13  }
0x395: {  	v23 =	vld [tilespmem:s31+$0xFFFFFE30]  }
0x396: {  	[tilespmem:s7+$0x42A0] =	vst.add.f32.msk $0xffff, v22;
	v17 =	vmul.f32 v17, v12  }
0x397: {  	v22 =	vld [tilespmem:s6+$0xFFFFFEC0]  }
0x398: {  	[tilespmem:s9+$0x42A0] =	vst.add.f32.msk $0xffff, v17;
	v9 =	vmul.f32 v9, v16  }
0x399: {  	v17 =	vld [tilespmem:s6+$0xFFFFFF40]  }
0x39a: {  	v23 =	vmul.f32 v23, v14;
	[tilespmem:s21+$0x42A0] =	vst.add.f32.msk $0xffff, v9  }
0x39b: {  	v9 =	vld [tilespmem:s6+$0xFFFFFFC0]  }
0x39c: {  	[tilespmem:s22+$0x42A0] =	vst.add.f32.msk $0xffff, v23;
	v22 =	vmul.f32 v22, v13  }
0x39d: {  	v23 =	vld [tilespmem:s31+$0xFFFFFE40]  }
0x39e: {  	[tilespmem:s7+$0x42B0] =	vst.add.f32.msk $0xffff, v22;
	v17 =	vmul.f32 v17, v12  }
0x39f: {  	v15 =	vperm.xlane v15, v2;
	v22 =	vld [tilespmem:s6+$0xFFFFFED0]  }
0x3a0: {  	v8 =	vmul.f32 v18, v8;
	[tilespmem:s9+$0x42B0] =	vst.add.f32.msk $0xffff, v17  }
0x3a1: {  	(v2sf) =	vpush v15, $0x0;
	v15 =	vperm.xlane v15, v2;
	v9 =	vmul.f32 v9, v16;
	v17 =	vld [tilespmem:s6+$0xFFFFFF50]  }
0x3a2: {  	[tilespmem:s11+$0x42F0] =	vst.add.f32.msk $0xffff, v8  }
0x3a3: {  	(v2sf) =	vpush v15, $0x0;
	v15 =	vperm.xlane v15, v2;
	v23 =	vmul.f32 v23, v14;
	[tilespmem:s21+$0x42B0] =	vst.add.f32.msk $0xffff, v9  }
0x3a4: {  	v9 =	vld [tilespmem:s6+$0xFFFFFFD0];
	v22 =	vmul.f32 v22, v13  }
0x3a5: {  	(v2sf) =	vpush v15, $0x0;
	[tilespmem:s22+$0x42B0] =	vst.add.f32.msk $0xffff, v23  }
0x3a6: {  	[tilespmem:s7+$0x42C0] =	vst.add.f32.msk $0xffff, v22;
	v15 =	vmul.f32 v17, v12  }
0x3a7: {  	v17 =	vld [tilespmem:s6+$0xFFFFFEE0]  }
0x3a8: {  	[tilespmem:s9+$0x42C0] =	vst.add.f32.msk $0xffff, v15  }
0x3a9: {  	v7 =	vmul.f32 v20, v7;
	v15 =	vld [tilespmem:s6+$0xFFFFFF60]  }
0x3aa: {  	v6 =	vmul.f32 v10, v6;
	v23 =	vld [tilespmem:s31+$0xFFFFFE50]  }
0x3ab: {  	[tilespmem:s10+$0x42F0] =	vst.add.f32.msk $0xffff, v7;
	v9 =	vmul.f32 v9, v16  }
0x3ac: {  	v11 =	vperm.xlane v11, v2;
	[tilespmem:s3+$0x42F0] =	vst.add.f32.msk $0xffff, v6;
	v17 =	vmul.f32 v17, v13  }
0x3ad: {  	[tilespmem:s21+$0x42C0] =	vst.add.f32.msk $0xffff, v9  }
0x3ae: {  	[tilespmem:s7+$0x42D0] =	vst.add.f32.msk $0xffff, v17;
	v15 =	vmul.f32 v15, v12;
	v17 =	vperm.xlane v11, v2  }
0x3af: {  	v22 =	vmul.f32 v23, v14;
	v9 =	vld [tilespmem:s6+$0xFFFFFFE0];
	v11 =	vbroadcast v11, $0x0  }
0x3b0: {  	s28 =	spop (v2sf);
	[tilespmem:s9+$0x42D0] =	vst.add.f32.msk $0xffff, v15;
	v15 =	vperm.xlane v17, v2  }
0x3b1: {  	s12 =	sshll.u32 s28, $0x9;
	[tilespmem:s22+$0x42C0] =	vst.add.f32.msk $0xffff, v22;
	v8 =	vmul.f32 v11, v19;
	v17 =	vbroadcast v17, $0x0  }
0x3b2: {  	s10 =	sshra.s32 s12, $0x2;
	s23 =	spop (v2sf);
	v22 =	vld [tilespmem:s31+$0xFFFFFE60]  }
0x3b3: {  	s11 =	sshll.u32 s23, $0x9;
	v7 =	vmul.f32 v17, v21;
	v15 =	vbroadcast v15, $0x0;
	[tilespmem:s10+$0x4280] =	vst.add.f32.msk $0xffff, v8  }
0x3b4: {  	s11 =	sshra.s32 s11, $0x2;
	s28 =	spop (v2sf);
	v8 =	vld [tilespmem:s31+$0xFFFFFEA0]  }
0x3b5: {  	s12 =	sshll.u32 s28, $0x9;
	v19 =	vmul.f32 v15, v24;
	[tilespmem:s11+$0x4280] =	vst.add.f32.msk $0xffff, v7  }
0x3b6: {  	s12 =	sshra.s32 s12, $0x2;
	v7 =	vld [tilespmem:s31+$0xFFFFFF20]  }
0x3b7: {  	[tilespmem:s12+$0x4280] =	vst.add.f32.msk $0xffff, v19  }
0x3b8: {  	v9 =	vmul.f32 v9, v16;
	v19 =	vld [tilespmem:s31+$0xFFFFFFA0]  }
0x3b9: {  	v18 =	vld [tilespmem:s6+$0xFFFFFEF0];
	v8 =	vmul.f32 v8, v11  }
0x3ba: {  	[tilespmem:s21+$0x42D0] =	vst.add.f32.msk $0xffff, v9  }
0x3bb: {  	[tilespmem:s10+$0x4290] =	vst.add.f32.msk $0xffff, v8;
	v7 =	vmul.f32 v7, v17  }
0x3bc: {  	v8 =	vld [tilespmem:s31+$0xFFFFFEB0]  }
0x3bd: {  	[tilespmem:s11+$0x4290] =	vst.add.f32.msk $0xffff, v7;
	v7 =	vmul.f32 v19, v15  }
0x3be: {  	v9 =	vld [tilespmem:s31+$0xFFFFFF30]  }
0x3bf: {  	[tilespmem:s12+$0x4290] =	vst.add.f32.msk $0xffff, v7  }
0x3c0: {  	v7 =	vmul.f32 v22, v14;
	v19 =	vld [tilespmem:s31+$0xFFFFFFB0]  }
0x3c1: {  	v20 =	vld [tilespmem:s6+$0xFFFFFF70];
	v8 =	vmul.f32 v8, v11  }
0x3c2: {  	[tilespmem:s22+$0x42D0] =	vst.add.f32.msk $0xffff, v7  }
0x3c3: {  	[tilespmem:s10+$0x42A0] =	vst.add.f32.msk $0xffff, v8;
	v7 =	vmul.f32 v9, v17  }
0x3c4: {  	v8 =	vld [tilespmem:s31+$0xFFFFFEC0]  }
0x3c5: {  	[tilespmem:s11+$0x42A0] =	vst.add.f32.msk $0xffff, v7;
	v7 =	vmul.f32 v19, v15  }
0x3c6: {  	v9 =	vld [tilespmem:s31+$0xFFFFFF40]  }
0x3c7: {  	[tilespmem:s12+$0x42A0] =	vst.add.f32.msk $0xffff, v7  }
0x3c8: {  	v7 =	vmul.f32 v18, v13;
	v18 =	vld [tilespmem:s31+$0xFFFFFFC0]  }
0x3c9: {  	v21 =	vld [tilespmem:s6+$0xFFFFFFF0];
	v8 =	vmul.f32 v8, v11  }
0x3ca: {  	[tilespmem:s7+$0x42E0] =	vst.add.f32.msk $0xffff, v7  }
0x3cb: {  	[tilespmem:s10+$0x42B0] =	vst.add.f32.msk $0xffff, v8;
	v7 =	vmul.f32 v9, v17  }
0x3cc: {  	v8 =	vld [tilespmem:s31+$0xFFFFFED0]  }
0x3cd: {  	[tilespmem:s11+$0x42B0] =	vst.add.f32.msk $0xffff, v7;
	v7 =	vmul.f32 v18, v15  }
0x3ce: {  	v9 =	vld [tilespmem:s31+$0xFFFFFF50]  }
0x3cf: {  	[tilespmem:s12+$0x42B0] =	vst.add.f32.msk $0xffff, v7  }
0x3d0: {  	v7 =	vld [tilespmem:s31+$0xFFFFFFD0]  }
0x3d1: {  	v19 =	vld [tilespmem:s31+$0xFFFFFE70];
	v8 =	vmul.f32 v8, v11  }
0x3d2: {  	v10 =	vld [tilespmem:s6+$0xFFFFFF00]  }
0x3d3: {  	[tilespmem:s10+$0x42C0] =	vst.add.f32.msk $0xffff, v8;
	v6 =	vmul.f32 v9, v17  }
0x3d4: {  	v8 =	vld [tilespmem:s31+$0xFFFFFEE0]  }
0x3d5: {  	[tilespmem:s11+$0x42C0] =	vst.add.f32.msk $0xffff, v6;
	v6 =	vmul.f32 v7, v15  }
0x3d6: {  	v7 =	vld [tilespmem:s31+$0xFFFFFF60]  }
0x3d7: {  	v19 =	vmul.f32 v19, v14;
	[tilespmem:s12+$0x42C0] =	vst.add.f32.msk $0xffff, v6  }
0x3d8: {  	v6 =	vmul.f32 v20, v12;
	v18 =	vld [tilespmem:s31+$0xFFFFFFE0]  }
0x3d9: {  	[tilespmem:s22+$0x42E0] =	vst.add.f32.msk $0xffff, v19  }
0x3da: {  	[tilespmem:s9+$0x42E0] =	vst.add.f32.msk $0xffff, v6;
	v6 =	vmul.f32 v8, v11  }
0x3db: {  	v19 =	vld [tilespmem:s31+$0xFFFFFE80]  }
0x3dc: {  	[tilespmem:s10+$0x42D0] =	vst.add.f32.msk $0xffff, v6;
	v6 =	vmul.f32 v7, v17  }
0x3dd: {  	v7 =	vld [tilespmem:s31+$0xFFFFFEF0];
	v8 =	vmul.f32 v18, v15  }
0x3de: {  	[tilespmem:s11+$0x42D0] =	vst.add.f32.msk $0xffff, v6  }
0x3df: {  	[tilespmem:s12+$0x42D0] =	vst.add.f32.msk $0xffff, v8  }
0x3e0: {  	v9 =	vmul.f32 v21, v16;
	v8 =	vld [tilespmem:s31+$0xFFFFFF70]  }
0x3e1: {  	v6 =	vld [tilespmem:s31+$0xFFFFFFF0]  }
0x3e2: {  	[tilespmem:s21+$0x42E0] =	vst.add.f32.msk $0xffff, v9  }
0x3e3: {  	v9 =	vld [tilespmem:s6+$0x0];
	v7 =	vmul.f32 v7, v11  }
0x3e4: {  	v18 =	vld [tilespmem:s6+$0xFFFFFF80]  }
0x3e5: {  	[tilespmem:s10+$0x42E0] =	vst.add.f32.msk $0xffff, v7;
	v8 =	vmul.f32 v8, v17  }
0x3e6: {  	v7 =	vld [tilespmem:s31+$0xFFFFFF00];
	v6 =	vmul.f32 v6, v15  }
0x3e7: {  	[tilespmem:s11+$0x42E0] =	vst.add.f32.msk $0xffff, v8  }
0x3e8: {  	[tilespmem:s12+$0x42E0] =	vst.add.f32.msk $0xffff, v6  }
0x3e9: {  	v6 =	vmul.f32 v10, v13;
	v8 =	vld [tilespmem:s31+$0x0]  }
0x3ea: {  	v9 =	vmul.f32 v9, v16;
	v10 =	vld [tilespmem:s31+$0xFFFFFF80]  }
0x3eb: {  	[tilespmem:s7+$0x42F0] =	vst.add.f32.msk $0xffff, v6;
	v6 =	vmul.f32 v18, v12  }
0x3ec: {  	[tilespmem:s21+$0x42F0] =	vst.add.f32.msk $0xffff, v9;
	v12 =	vmul.f32 v19, v14  }
0x3ed: {  	[tilespmem:s9+$0x42F0] =	vst.add.f32.msk $0xffff, v6;
	v6 =	vmul.f32 v7, v11  }
0x3ee: {  	[tilespmem:s22+$0x42F0] =	vst.add.f32.msk $0xffff, v12;
	v7 =	vmul.f32 v8, v15  }
0x3ef: {  	[tilespmem:s10+$0x42F0] =	vst.add.f32.msk $0xffff, v6;
	v6 =	vmul.f32 v10, v17  }
0x3f0: {  	[tilespmem:s12+$0x42F0] =	vst.add.f32.msk $0xffff, v7  }
0x3f1: {  	[tilespmem:s11+$0x42F0] =	vst.add.f32.msk $0xffff, v6  }
0x3f2: {  	v6 =	vld [tilespmem:$0x1B0];
	_ =	sdelay $0x4  }
0x3f3: {  	v6 =	vsub.s32 v6, v4  }
0x3f4: {  	vm0 =	vgt.s32 v6, $0x0  }
0x3f5: {  	v6 =	vnsel vm0, $0x0, v6  }
0x3f6: {  	v6 =	vmin.u32 v6, $0x18F  }
0x3f7: {  	(v2sf) =	vpush v6, $0x0;
	_ =	sdelay $0x7  }
0x3f8: {  	v7 =	vld [tilespmem:$0x230]  }
0x3f9: {  	s7 =	sadd.s32 $0x30, s30  }
0x3fa: {  	s22 =	simm.s32 $0x1C70;
	v8 =	vor.u32 s7, v1  }
0x3fb: {  	vm15 =	vge.s32 v8, v5;
	vm1 =	vlt.s32 v8, v3;
	v8 =	vld [tilespmem:s22+$0xFFFFFE10]  }
0x3fc: {  	vm0 =	vmand vm15, vm1  }
0x3fd: {  	v7 =	vnsel vm0, $0x0, v7  }
0x3fe: {  	v11 =	vbroadcast v7, $0x0  }
0x3ff: {  	s9 =	spop (v2sf)  }
0x400: {  	v8 =	vmul.f32 v8, v11;
	s3 =	sshll.u32 s9, $0x9  }
0x401: {  	s12 =	sshra.s32 s3, $0x2  }
0x402: {  	[tilespmem:s12+$0x4280] =	vst.add.f32.msk $0xffff, v8  }
0x403: {  	v8 =	vld [tilespmem:s22+$0xFFFFFE20];
	_ =	sdelay $0x4  }
0x404: {  	v8 =	vmul.f32 v8, v11;
	_ =	sdelay $0x1  }
0x405: {  	[tilespmem:s12+$0x4290] =	vst.add.f32.msk $0xffff, v8  }
0x406: {  	v8 =	vld [tilespmem:s22+$0xFFFFFE30];
	_ =	sdelay $0x4  }
0x407: {  	v8 =	vmul.f32 v8, v11;
	_ =	sdelay $0x1  }
0x408: {  	[tilespmem:s12+$0x42A0] =	vst.add.f32.msk $0xffff, v8  }
0x409: {  	v8 =	vld [tilespmem:s22+$0xFFFFFE40];
	_ =	sdelay $0x4  }
0x40a: {  	v8 =	vmul.f32 v8, v11;
	_ =	sdelay $0x1  }
0x40b: {  	[tilespmem:s12+$0x42B0] =	vst.add.f32.msk $0xffff, v8  }
0x40c: {  	v6 =	vperm.xlane v6, v2;
	v8 =	vld [tilespmem:s22+$0xFFFFFE50];
	_ =	sdelay $0x1  }
0x40d: {  	v9 =	vperm.xlane v6, v2  }
0x40e: {  	(v2sf) =	vpush v6, $0x0  }
0x40f: {  	(v2sf) =	vpush v9, $0x0  }
0x410: {  	v8 =	vmul.f32 v8, v11;
	_ =	sdelay $0x1  }
0x411: {  	[tilespmem:s12+$0x42C0] =	vst.add.f32.msk $0xffff, v8  }
0x412: {  	v8 =	vld [tilespmem:s22+$0xFFFFFE60]  }
0x413: {  	v6 =	vperm.xlane v9, v2;
	_ =	sdelay $0x1  }
0x414: {  	v12 =	vperm.xlane v6, v2;
	(v2sf) =	vpush v6, $0x0;
	_ =	sdelay $0x1  }
0x415: {  	(v2sf) =	vpush v12, $0x0;
	v8 =	vmul.f32 v8, v11  }
0x416: {  	v14 =	vld [tilespmem:s22+$0xFFFFFF10];
	v7 =	vperm.xlane v7, v2  }
0x417: {  	[tilespmem:s12+$0x42D0] =	vst.add.f32.msk $0xffff, v8  }
0x418: {  	s6 =	simm.s32 $0x1E70;
	v16 =	vperm.xlane v7, v2;
	v6 =	vld [tilespmem:s22+$0xFFFFFE70]  }
0x419: {  	v13 =	vld [tilespmem:s6+$0xFFFFFE10]  }
0x41a: {  	v10 =	vbroadcast v7, $0x0;
	v7 =	vbroadcast v16, $0x0;
	s10 =	spop (v2sf);
	v8 =	vld [tilespmem:s22+$0xFFFFFE90]  }
0x41b: {  	v15 =	vld [tilespmem:s22+$0xFFFFFF90];
	s3 =	sshll.u32 s10, $0x9;
	s11 =	spop (v2sf)  }
0x41c: {  	s31 =	simm.s32 $0x2070;
	v21 =	vld [tilespmem:s6+$0xFFFFFF10];
	v14 =	vmul.f32 v7, v14;
	s7 =	sshra.s32 s3, $0x2;
	s3 =	sshll.u32 s11, $0x9  }
0x41d: {  	v9 =	vld [tilespmem:s31+$0xFFFFFE10];
	s10 =	sshra.s32 s3, $0x2;
	v6 =	vmul.f32 v6, v11  }
0x41e: {  	[tilespmem:s10+$0x4280] =	vst.add.f32.msk $0xffff, v14  }
0x41f: {  	v17 =	vmul.f32 v10, v8;
	[tilespmem:s12+$0x42E0] =	vst.add.f32.msk $0xffff, v6;
	v6 =	vperm.xlane v16, v2  }
0x420: {  	v14 =	vld [tilespmem:s22+$0xFFFFFF20]  }
0x421: {  	[tilespmem:s7+$0x4280] =	vst.add.f32.msk $0xffff, v17;
	v19 =	vperm.xlane v6, v2;
	v8 =	vbroadcast v6, $0x0  }
0x422: {  	s21 =	spop (v2sf);
	v17 =	vld [tilespmem:s22+$0xFFFFFEA0]  }
0x423: {  	s3 =	sshll.u32 s21, $0x9;
	v16 =	vld [tilespmem:s6+$0xFFFFFE90];
	v6 =	vbroadcast v19, $0x0;
	v15 =	vmul.f32 v8, v15  }
0x424: {  	s11 =	sshra.s32 s3, $0x2;
	s23 =	spop (v2sf);
	v18 =	vld [tilespmem:s22+$0xFFFFFE80]  }
0x425: {  	s28 =	sshll.u32 s23, $0x9;
	v13 =	vmul.f32 v13, v6;
	[tilespmem:s11+$0x4280] =	vst.add.f32.msk $0xffff, v15  }
0x426: {  	s3 =	sshra.s32 s28, $0x2;
	v15 =	vld [tilespmem:s22+$0xFFFFFFA0]  }
0x427: {  	[tilespmem:s3+$0x4280] =	vst.add.f32.msk $0xffff, v13;
	v13 =	vmul.f32 v17, v10  }
0x428: {  	v17 =	vld [tilespmem:s6+$0xFFFFFE20]  }
0x429: {  	[tilespmem:s7+$0x4290] =	vst.add.f32.msk $0xffff, v13;
	v13 =	vmul.f32 v14, v7  }
0x42a: {  	v14 =	vld [tilespmem:s22+$0xFFFFFEB0]  }
0x42b: {  	[tilespmem:s10+$0x4290] =	vst.add.f32.msk $0xffff, v13;
	v13 =	vmul.f32 v15, v8  }
0x42c: {  	v15 =	vld [tilespmem:s22+$0xFFFFFF30]  }
0x42d: {  	v17 =	vmul.f32 v17, v6;
	[tilespmem:s11+$0x4290] =	vst.add.f32.msk $0xffff, v13  }
0x42e: {  	v13 =	vld [tilespmem:s22+$0xFFFFFFB0]  }
0x42f: {  	[tilespmem:s3+$0x4290] =	vst.add.f32.msk $0xffff, v17;
	v14 =	vmul.f32 v14, v10  }
0x430: {  	v17 =	vld [tilespmem:s6+$0xFFFFFE30]  }
0x431: {  	[tilespmem:s7+$0x42A0] =	vst.add.f32.msk $0xffff, v14;
	v14 =	vmul.f32 v15, v7  }
0x432: {  	v15 =	vld [tilespmem:s22+$0xFFFFFEC0]  }
0x433: {  	[tilespmem:s10+$0x42A0] =	vst.add.f32.msk $0xffff, v14;
	v13 =	vmul.f32 v13, v8  }
0x434: {  	v14 =	vld [tilespmem:s22+$0xFFFFFF40]  }
0x435: {  	v17 =	vmul.f32 v17, v6;
	[tilespmem:s11+$0x42A0] =	vst.add.f32.msk $0xffff, v13  }
0x436: {  	v13 =	vld [tilespmem:s22+$0xFFFFFFC0]  }
0x437: {  	[tilespmem:s3+$0x42A0] =	vst.add.f32.msk $0xffff, v17;
	v15 =	vmul.f32 v15, v10  }
0x438: {  	v17 =	vld [tilespmem:s6+$0xFFFFFE40]  }
0x439: {  	[tilespmem:s7+$0x42B0] =	vst.add.f32.msk $0xffff, v15;
	v14 =	vmul.f32 v14, v7  }
0x43a: {  	v15 =	vld [tilespmem:s22+$0xFFFFFED0]  }
0x43b: {  	[tilespmem:s10+$0x42B0] =	vst.add.f32.msk $0xffff, v14;
	v13 =	vmul.f32 v13, v8  }
0x43c: {  	v14 =	vld [tilespmem:s22+$0xFFFFFF50]  }
0x43d: {  	v17 =	vmul.f32 v17, v6;
	[tilespmem:s11+$0x42B0] =	vst.add.f32.msk $0xffff, v13  }
0x43e: {  	v13 =	vld [tilespmem:s22+$0xFFFFFFD0]  }
0x43f: {  	[tilespmem:s3+$0x42B0] =	vst.add.f32.msk $0xffff, v17;
	v15 =	vmul.f32 v15, v10  }
0x440: {  	v17 =	vld [tilespmem:s6+$0xFFFFFE50]  }
0x441: {  	[tilespmem:s7+$0x42C0] =	vst.add.f32.msk $0xffff, v15;
	v14 =	vmul.f32 v14, v7  }
0x442: {  	v15 =	vld [tilespmem:s22+$0xFFFFFEE0]  }
0x443: {  	[tilespmem:s10+$0x42C0] =	vst.add.f32.msk $0xffff, v14;
	v13 =	vmul.f32 v13, v8  }
0x444: {  	v14 =	vld [tilespmem:s22+$0xFFFFFF60]  }
0x445: {  	v17 =	vmul.f32 v17, v6;
	[tilespmem:s11+$0x42C0] =	vst.add.f32.msk $0xffff, v13  }
0x446: {  	v13 =	vld [tilespmem:s22+$0xFFFFFFE0]  }
0x447: {  	[tilespmem:s3+$0x42C0] =	vst.add.f32.msk $0xffff, v17  }
0x448: {  	v15 =	vmul.f32 v15, v10;
	v17 =	vld [tilespmem:s6+$0xFFFFFF90]  }
0x449: {  	v20 =	vld [tilespmem:s6+$0xFFFFFE60]  }
0x44a: {  	[tilespmem:s7+$0x42D0] =	vst.add.f32.msk $0xffff, v15;
	v14 =	vmul.f32 v14, v7  }
0x44b: {  	v15 =	vld [tilespmem:s22+$0xFFFFFEF0]  }
0x44c: {  	v13 =	vmul.f32 v13, v8;
	[tilespmem:s10+$0x42D0] =	vst.add.f32.msk $0xffff, v14  }
0x44d: {  	v12 =	vperm.xlane v12, v2;
	v14 =	vperm.xlane v19, v2;
	v24 =	vld [tilespmem:s22+$0xFFFFFF70]  }
0x44e: {  	v18 =	vmul.f32 v18, v11;
	v11 =	vmul.f32 v20, v6;
	[tilespmem:s11+$0x42D0] =	vst.add.f32.msk $0xffff, v13  }
0x44f: {  	(v2sf) =	vpush v12, $0x0;
	v19 =	vperm.xlane v12, v2;
	v20 =	vperm.xlane v14, v2;
	v26 =	vld [tilespmem:s22+$0xFFFFFFF0]  }
0x450: {  	v13 =	vbroadcast v14, $0x0;
	v14 =	vmul.f32 v15, v10;
	[tilespmem:s3+$0x42D0] =	vst.add.f32.msk $0xffff, v11  }
0x451: {  	v23 =	vperm.xlane v19, v2;
	(v2sf) =	vpush v19, $0x0;
	v27 =	vperm.xlane v20, v2;
	v25 =	vld [tilespmem:s6+$0xFFFFFE70]  }
0x452: {  	v22 =	vmul.f32 v13, v16;
	v12 =	vbroadcast v20, $0x0;
	[tilespmem:s7+$0x42E0] =	vst.add.f32.msk $0xffff, v14  }
0x453: {  	v15 =	vperm.xlane v23, v2;
	(v2sf) =	vpush v23, $0x0;
	v11 =	vperm.xlane v27, v2;
	v20 =	vld [tilespmem:s22+$0xFFFFFF00]  }
0x454: {  	v23 =	vmul.f32 v12, v21;
	v16 =	vbroadcast v27, $0x0  }
0x455: {  	s9 =	simm.s32 $0x2270;
	s21 =	simm.s32 $0x8;
	[tilespmem:s12+$0x42F0] =	vst.add.f32.msk $0xffff, v18;
	(v2sf) =	vpush v15, $0x0;
	v14 =	vbroadcast v11, $0x0;
	v18 =	vmul.f32 v26, v8  }
.LBB2_13:
0x456: {  	v19 =	vld [tilespmem:s9+$0xFFFFFE10];
	v26 =	vmul.f32 v16, v17;
	v17 =	vmul.f32 v24, v7  }
0x457: {  	v24 =	vmul.f32 v9, v14;
	v9 =	vmul.f32 v25, v6;
	[tilespmem:s11+$0x42E0] =	vst.add.f32.msk $0xffff, v18  }
0x458: {  	v18 =	vmul.f32 v20, v10;
	[tilespmem:s10+$0x42E0] =	vst.add.f32.msk $0xffff, v17;
	v10 =	vmov v13  }
0x459: {  	[tilespmem:s3+$0x42E0] =	vst.add.f32.msk $0xffff, v9  }
0x45a: {  	v13 =	vld [tilespmem:s22+$0x0]  }
0x45b: {  	v21 =	vld [tilespmem:s22+$0xFFFFFF80];
	v9 =	vmov v19;
	s22 =	smov.u32 s6;
	s6 =	smov.u32 s31;
	s31 =	smov.u32 s9  }
0x45c: {  	v19 =	vld [tilespmem:s22+$0xFFFFFE80]  }
0x45d: {  	[tilespmem:s7+$0x42F0] =	vst.add.f32.msk $0xffff, v18  }
0x45e: {  	v20 =	vld [tilespmem:s6+$0xFFFFFE90];
	s7 =	spop (v2sf)  }
0x45f: {  	v18 =	vld [tilespmem:s6+$0xFFFFFF10];
	s7 =	sshll.u32 s7, $0x9;
	v13 =	vmul.f32 v13, v8;
	v8 =	vmov v16  }
0x460: {  	v17 =	vld [tilespmem:s6+$0xFFFFFF90];
	s7 =	sshra.s32 s7, $0x2;
	s12 =	spop (v2sf);
	v21 =	vmul.f32 v21, v7;
	v7 =	vmov v12  }
0x461: {  	v19 =	vmul.f32 v19, v6;
	[tilespmem:s7+$0x4280] =	vst.add.f32.msk $0xffff, v22;
	s12 =	sshll.u32 s12, $0x9;
	v6 =	vmov v14  }
0x462: {  	v12 =	vld [tilespmem:s22+$0xFFFFFEA0];
	s12 =	sshra.s32 s12, $0x2;
	s23 =	spop (v2sf)  }
0x463: {  	[tilespmem:s12+$0x4280] =	vst.add.f32.msk $0xffff, v23;
	s23 =	sshll.u32 s23, $0x9  }
0x464: {  	s28 =	spop (v2sf);
	v14 =	vld [tilespmem:s22+$0xFFFFFF20];
	s23 =	sshra.s32 s23, $0x2  }
0x465: {  	s28 =	sshll.u32 s28, $0x9;
	[tilespmem:s23+$0x4280] =	vst.add.f32.msk $0xffff, v26  }
0x466: {  	s28 =	sshra.s32 s28, $0x2;
	v16 =	vld [tilespmem:s22+$0xFFFFFFA0]  }
0x467: {  	[tilespmem:s28+$0x4280] =	vst.add.f32.msk $0xffff, v24;
	v12 =	vmul.f32 v12, v10  }
0x468: {  	v22 =	vld [tilespmem:s6+$0xFFFFFE20]  }
0x469: {  	[tilespmem:s7+$0x4290] =	vst.add.f32.msk $0xffff, v12;
	v12 =	vmul.f32 v14, v7  }
0x46a: {  	v14 =	vld [tilespmem:s22+$0xFFFFFEB0]  }
0x46b: {  	[tilespmem:s12+$0x4290] =	vst.add.f32.msk $0xffff, v12;
	v12 =	vmul.f32 v16, v8  }
0x46c: {  	v16 =	vld [tilespmem:s22+$0xFFFFFF30]  }
0x46d: {  	v22 =	vmul.f32 v22, v6;
	[tilespmem:s23+$0x4290] =	vst.add.f32.msk $0xffff, v12  }
0x46e: {  	v12 =	vld [tilespmem:s22+$0xFFFFFFB0]  }
0x46f: {  	[tilespmem:s28+$0x4290] =	vst.add.f32.msk $0xffff, v22;
	v14 =	vmul.f32 v14, v10  }
0x470: {  	v22 =	vld [tilespmem:s6+$0xFFFFFE30]  }
0x471: {  	[tilespmem:s7+$0x42A0] =	vst.add.f32.msk $0xffff, v14;
	v14 =	vmul.f32 v16, v7  }
0x472: {  	v16 =	vld [tilespmem:s22+$0xFFFFFEC0]  }
0x473: {  	[tilespmem:s12+$0x42A0] =	vst.add.f32.msk $0xffff, v14;
	v12 =	vmul.f32 v12, v8  }
0x474: {  	v14 =	vld [tilespmem:s22+$0xFFFFFF40]  }
0x475: {  	v22 =	vmul.f32 v22, v6;
	[tilespmem:s23+$0x42A0] =	vst.add.f32.msk $0xffff, v12  }
0x476: {  	v12 =	vld [tilespmem:s22+$0xFFFFFFC0]  }
0x477: {  	[tilespmem:s28+$0x42A0] =	vst.add.f32.msk $0xffff, v22;
	v16 =	vmul.f32 v16, v10  }
0x478: {  	v22 =	vld [tilespmem:s6+$0xFFFFFE40]  }
0x479: {  	[tilespmem:s7+$0x42B0] =	vst.add.f32.msk $0xffff, v16;
	v14 =	vmul.f32 v14, v7  }
0x47a: {  	v16 =	vld [tilespmem:s22+$0xFFFFFED0]  }
0x47b: {  	[tilespmem:s12+$0x42B0] =	vst.add.f32.msk $0xffff, v14;
	v12 =	vmul.f32 v12, v8  }
0x47c: {  	v14 =	vld [tilespmem:s22+$0xFFFFFF50]  }
0x47d: {  	v22 =	vmul.f32 v22, v6;
	[tilespmem:s23+$0x42B0] =	vst.add.f32.msk $0xffff, v12  }
0x47e: {  	v12 =	vld [tilespmem:s22+$0xFFFFFFD0]  }
0x47f: {  	[tilespmem:s28+$0x42B0] =	vst.add.f32.msk $0xffff, v22;
	v16 =	vmul.f32 v16, v10  }
0x480: {  	v22 =	vld [tilespmem:s6+$0xFFFFFE50]  }
0x481: {  	[tilespmem:s7+$0x42C0] =	vst.add.f32.msk $0xffff, v16;
	v14 =	vmul.f32 v14, v7  }
0x482: {  	v16 =	vld [tilespmem:s22+$0xFFFFFEE0]  }
0x483: {  	s21 =	sadd.s32 $0x4, s21;
	[tilespmem:s12+$0x42C0] =	vst.add.f32.msk $0xffff, v14;
	v12 =	vmul.f32 v12, v8  }
0x484: {  	p0 =	slt.u32 s21, $0xC;
	v14 =	vld [tilespmem:s22+$0xFFFFFF60]  }
0x485: {  	v22 =	vmul.f32 v22, v6;
	[tilespmem:s23+$0x42C0] =	vst.add.f32.msk $0xffff, v12  }
0x486: {  	v12 =	vld [tilespmem:s22+$0xFFFFFFE0]  }
0x487: {  	[tilespmem:s28+$0x42C0] =	vst.add.f32.msk $0xffff, v22;
	v16 =	vmul.f32 v16, v10  }
0x488: {  	v22 =	vld [tilespmem:s6+$0xFFFFFE60]  }
0x489: {  	[tilespmem:s7+$0x42D0] =	vst.add.f32.msk $0xffff, v16;
	v14 =	vmul.f32 v14, v7  }
0x48a: {  	v16 =	vld [tilespmem:s22+$0xFFFFFEF0]  }
0x48b: {  	[tilespmem:s12+$0x42D0] =	vst.add.f32.msk $0xffff, v14;
	v12 =	vmul.f32 v12, v8  }
0x48c: {  	v24 =	vld [tilespmem:s22+$0xFFFFFF70]  }
0x48d: {  	v11 =	vperm.xlane v11, v2;
	v14 =	vperm.xlane v15, v2;
	[tilespmem:s23+$0x42D0] =	vst.add.f32.msk $0xffff, v12  }
0x48e: {  	v12 =	vmul.f32 v22, v6;
	v26 =	vld [tilespmem:s22+$0xFFFFFFF0]  }
0x48f: {  	v23 =	vperm.xlane v11, v2;
	v15 =	vperm.xlane v14, v2;
	(v2sf) =	vpush v14, $0x0;
	[tilespmem:s11+$0x42F0] =	vst.add.f32.msk $0xffff, v13;
	s11 =	smov.u32 s23  }
0x490: {  	v13 =	vbroadcast v11, $0x0;
	v11 =	vmul.f32 v16, v10;
	[tilespmem:s28+$0x42D0] =	vst.add.f32.msk $0xffff, v12  }
.Ltmp9:
0x491: {  	v14 =	vperm.xlane v15, v2;
	v16 =	vperm.xlane v23, v2;
	v25 =	vld [tilespmem:s6+$0xFFFFFE70];
	(v2sf) =	vpush v15, $0x0;
	(pc) =	sbr.rel @p0 .LBB2_13-.Ltmp9, $4  }
0x492: {  	v12 =	vbroadcast v23, $0x0;
	v22 =	vmul.f32 v13, v20;
	[tilespmem:s7+$0x42E0] =	vst.add.f32.msk $0xffff, v11  }
0x493: {  	v15 =	vperm.xlane v14, v2;
	v11 =	vperm.xlane v16, v2;
	(v2sf) =	vpush v14, $0x0;
	v20 =	vld [tilespmem:s22+$0xFFFFFF00]  }
0x494: {  	v23 =	vmul.f32 v12, v18;
	v16 =	vbroadcast v16, $0x0;
	[tilespmem:s10+$0x42F0] =	vst.add.f32.msk $0xffff, v21;
	s10 =	smov.u32 s12  }
0x495: {  	s9 =	sadd.s32 $0x200, s9;
	v18 =	vmul.f32 v26, v8;
	v14 =	vbroadcast v11, $0x0;
	(v2sf) =	vpush v15, $0x0;
	[tilespmem:s3+$0x42F0] =	vst.add.f32.msk $0xffff, v19;
	s3 =	smov.u32 s28  }
0x496: {  	_ = 	snop  }
0x497: {  	v19 =	vmul.f32 v24, v7;
	v24 =	vld [tilespmem:s31+$0xFFFFFF90]  }
0x498: {  	v21 =	vmul.f32 v25, v6;
	[tilespmem:s11+$0x42E0] =	vst.add.f32.msk $0xffff, v18  }
0x499: {  	[tilespmem:s10+$0x42E0] =	vst.add.f32.msk $0xffff, v19  }
0x49a: {  	[tilespmem:s3+$0x42E0] =	vst.add.f32.msk $0xffff, v21  }
0x49b: {  	v18 =	vld [tilespmem:s22+$0x0]  }
0x49c: {  	v21 =	vld [tilespmem:s31+$0xFFFFFF10]  }
0x49d: {  	v19 =	vmul.f32 v20, v10;
	v20 =	vld [tilespmem:s22+$0xFFFFFF80]  }
0x49e: {  	v10 =	vld [tilespmem:s6+$0xFFFFFE80];
	s23 =	spop (v2sf)  }
0x49f: {  	[tilespmem:s7+$0x42F0] =	vst.add.f32.msk $0xffff, v19;
	s7 =	sshll.u32 s23, $0x9  }
0x4a0: {  	v19 =	vld [tilespmem:s31+$0xFFFFFE90];
	s7 =	sshra.s32 s7, $0x2;
	s9 =	spop (v2sf)  }
0x4a1: {  	[tilespmem:s7+$0x4280] =	vst.add.f32.msk $0xffff, v22;
	s9 =	sshll.u32 s9, $0x9  }
0x4a2: {  	v22 =	vld [tilespmem:s6+$0xFFFFFEA0];
	s9 =	sshra.s32 s9, $0x2;
	s12 =	spop (v2sf)  }
0x4a3: {  	v17 =	vmul.f32 v16, v17;
	[tilespmem:s9+$0x4280] =	vst.add.f32.msk $0xffff, v23;
	s12 =	sshll.u32 s12, $0x9  }
0x4a4: {  	s28 =	spop (v2sf);
	v23 =	vld [tilespmem:s6+$0xFFFFFF20];
	s21 =	sshra.s32 s12, $0x2  }
0x4a5: {  	v9 =	vmul.f32 v9, v14;
	s23 =	sshll.u32 s28, $0x9;
	[tilespmem:s21+$0x4280] =	vst.add.f32.msk $0xffff, v17  }
0x4a6: {  	s22 =	sshra.s32 s23, $0x2;
	v17 =	vld [tilespmem:s6+$0xFFFFFFA0]  }
0x4a7: {  	[tilespmem:s22+$0x4280] =	vst.add.f32.msk $0xffff, v9;
	v9 =	vmul.f32 v22, v13  }
0x4a8: {  	v22 =	vld [tilespmem:s31+$0xFFFFFE20]  }
0x4a9: {  	[tilespmem:s7+$0x4290] =	vst.add.f32.msk $0xffff, v9;
	v9 =	vmul.f32 v23, v12  }
0x4aa: {  	v23 =	vld [tilespmem:s6+$0xFFFFFEB0]  }
0x4ab: {  	[tilespmem:s9+$0x4290] =	vst.add.f32.msk $0xffff, v9;
	v9 =	vmul.f32 v17, v16  }
0x4ac: {  	v17 =	vld [tilespmem:s6+$0xFFFFFF30]  }
0x4ad: {  	v22 =	vmul.f32 v22, v14;
	[tilespmem:s21+$0x4290] =	vst.add.f32.msk $0xffff, v9  }
0x4ae: {  	v9 =	vld [tilespmem:s6+$0xFFFFFFB0]  }
0x4af: {  	[tilespmem:s22+$0x4290] =	vst.add.f32.msk $0xffff, v22;
	v22 =	vmul.f32 v23, v13  }
0x4b0: {  	v23 =	vld [tilespmem:s31+$0xFFFFFE30]  }
0x4b1: {  	[tilespmem:s7+$0x42A0] =	vst.add.f32.msk $0xffff, v22;
	v17 =	vmul.f32 v17, v12  }
0x4b2: {  	v22 =	vld [tilespmem:s6+$0xFFFFFEC0]  }
0x4b3: {  	[tilespmem:s9+$0x42A0] =	vst.add.f32.msk $0xffff, v17;
	v9 =	vmul.f32 v9, v16  }
0x4b4: {  	v17 =	vld [tilespmem:s6+$0xFFFFFF40]  }
0x4b5: {  	v23 =	vmul.f32 v23, v14;
	[tilespmem:s21+$0x42A0] =	vst.add.f32.msk $0xffff, v9  }
0x4b6: {  	v9 =	vld [tilespmem:s6+$0xFFFFFFC0]  }
0x4b7: {  	[tilespmem:s22+$0x42A0] =	vst.add.f32.msk $0xffff, v23;
	v22 =	vmul.f32 v22, v13  }
0x4b8: {  	v23 =	vld [tilespmem:s31+$0xFFFFFE40]  }
0x4b9: {  	[tilespmem:s7+$0x42B0] =	vst.add.f32.msk $0xffff, v22;
	v17 =	vmul.f32 v17, v12  }
0x4ba: {  	v15 =	vperm.xlane v15, v2;
	v22 =	vld [tilespmem:s6+$0xFFFFFED0]  }
0x4bb: {  	v8 =	vmul.f32 v18, v8;
	[tilespmem:s9+$0x42B0] =	vst.add.f32.msk $0xffff, v17  }
0x4bc: {  	(v2sf) =	vpush v15, $0x0;
	v15 =	vperm.xlane v15, v2;
	v9 =	vmul.f32 v9, v16;
	v17 =	vld [tilespmem:s6+$0xFFFFFF50]  }
0x4bd: {  	[tilespmem:s11+$0x42F0] =	vst.add.f32.msk $0xffff, v8  }
0x4be: {  	(v2sf) =	vpush v15, $0x0;
	v15 =	vperm.xlane v15, v2;
	v23 =	vmul.f32 v23, v14;
	[tilespmem:s21+$0x42B0] =	vst.add.f32.msk $0xffff, v9  }
0x4bf: {  	v9 =	vld [tilespmem:s6+$0xFFFFFFD0];
	v22 =	vmul.f32 v22, v13  }
0x4c0: {  	(v2sf) =	vpush v15, $0x0;
	[tilespmem:s22+$0x42B0] =	vst.add.f32.msk $0xffff, v23  }
0x4c1: {  	[tilespmem:s7+$0x42C0] =	vst.add.f32.msk $0xffff, v22;
	v15 =	vmul.f32 v17, v12  }
0x4c2: {  	v17 =	vld [tilespmem:s6+$0xFFFFFEE0]  }
0x4c3: {  	[tilespmem:s9+$0x42C0] =	vst.add.f32.msk $0xffff, v15  }
0x4c4: {  	v7 =	vmul.f32 v20, v7;
	v15 =	vld [tilespmem:s6+$0xFFFFFF60]  }
0x4c5: {  	v6 =	vmul.f32 v10, v6;
	v23 =	vld [tilespmem:s31+$0xFFFFFE50]  }
0x4c6: {  	[tilespmem:s10+$0x42F0] =	vst.add.f32.msk $0xffff, v7;
	v9 =	vmul.f32 v9, v16  }
0x4c7: {  	v11 =	vperm.xlane v11, v2;
	[tilespmem:s3+$0x42F0] =	vst.add.f32.msk $0xffff, v6;
	v17 =	vmul.f32 v17, v13  }
0x4c8: {  	[tilespmem:s21+$0x42C0] =	vst.add.f32.msk $0xffff, v9  }
0x4c9: {  	[tilespmem:s7+$0x42D0] =	vst.add.f32.msk $0xffff, v17;
	v15 =	vmul.f32 v15, v12;
	v17 =	vperm.xlane v11, v2  }
0x4ca: {  	v22 =	vmul.f32 v23, v14;
	v9 =	vld [tilespmem:s6+$0xFFFFFFE0];
	v11 =	vbroadcast v11, $0x0  }
0x4cb: {  	s28 =	spop (v2sf);
	[tilespmem:s9+$0x42D0] =	vst.add.f32.msk $0xffff, v15;
	v15 =	vperm.xlane v17, v2  }
0x4cc: {  	s12 =	sshll.u32 s28, $0x9;
	[tilespmem:s22+$0x42C0] =	vst.add.f32.msk $0xffff, v22;
	v8 =	vmul.f32 v11, v19;
	v17 =	vbroadcast v17, $0x0  }
0x4cd: {  	s10 =	sshra.s32 s12, $0x2;
	s23 =	spop (v2sf);
	v22 =	vld [tilespmem:s31+$0xFFFFFE60]  }
0x4ce: {  	s11 =	sshll.u32 s23, $0x9;
	v7 =	vmul.f32 v17, v21;
	v15 =	vbroadcast v15, $0x0;
	[tilespmem:s10+$0x4280] =	vst.add.f32.msk $0xffff, v8  }
0x4cf: {  	s11 =	sshra.s32 s11, $0x2;
	s28 =	spop (v2sf);
	v8 =	vld [tilespmem:s31+$0xFFFFFEA0]  }
0x4d0: {  	s12 =	sshll.u32 s28, $0x9;
	v19 =	vmul.f32 v15, v24;
	[tilespmem:s11+$0x4280] =	vst.add.f32.msk $0xffff, v7  }
0x4d1: {  	s12 =	sshra.s32 s12, $0x2;
	v7 =	vld [tilespmem:s31+$0xFFFFFF20]  }
0x4d2: {  	[tilespmem:s12+$0x4280] =	vst.add.f32.msk $0xffff, v19  }
0x4d3: {  	v9 =	vmul.f32 v9, v16;
	v19 =	vld [tilespmem:s31+$0xFFFFFFA0]  }
0x4d4: {  	v18 =	vld [tilespmem:s6+$0xFFFFFEF0];
	v8 =	vmul.f32 v8, v11  }
0x4d5: {  	[tilespmem:s21+$0x42D0] =	vst.add.f32.msk $0xffff, v9  }
0x4d6: {  	[tilespmem:s10+$0x4290] =	vst.add.f32.msk $0xffff, v8;
	v7 =	vmul.f32 v7, v17  }
0x4d7: {  	v8 =	vld [tilespmem:s31+$0xFFFFFEB0]  }
0x4d8: {  	[tilespmem:s11+$0x4290] =	vst.add.f32.msk $0xffff, v7;
	v7 =	vmul.f32 v19, v15  }
0x4d9: {  	v9 =	vld [tilespmem:s31+$0xFFFFFF30]  }
0x4da: {  	[tilespmem:s12+$0x4290] =	vst.add.f32.msk $0xffff, v7  }
0x4db: {  	v7 =	vmul.f32 v22, v14;
	v19 =	vld [tilespmem:s31+$0xFFFFFFB0]  }
0x4dc: {  	v20 =	vld [tilespmem:s6+$0xFFFFFF70];
	v8 =	vmul.f32 v8, v11  }
0x4dd: {  	[tilespmem:s22+$0x42D0] =	vst.add.f32.msk $0xffff, v7  }
0x4de: {  	[tilespmem:s10+$0x42A0] =	vst.add.f32.msk $0xffff, v8;
	v7 =	vmul.f32 v9, v17  }
0x4df: {  	v8 =	vld [tilespmem:s31+$0xFFFFFEC0]  }
0x4e0: {  	[tilespmem:s11+$0x42A0] =	vst.add.f32.msk $0xffff, v7;
	v7 =	vmul.f32 v19, v15  }
0x4e1: {  	v9 =	vld [tilespmem:s31+$0xFFFFFF40]  }
0x4e2: {  	[tilespmem:s12+$0x42A0] =	vst.add.f32.msk $0xffff, v7  }
0x4e3: {  	v7 =	vmul.f32 v18, v13;
	v18 =	vld [tilespmem:s31+$0xFFFFFFC0]  }
0x4e4: {  	v21 =	vld [tilespmem:s6+$0xFFFFFFF0];
	v8 =	vmul.f32 v8, v11  }
0x4e5: {  	[tilespmem:s7+$0x42E0] =	vst.add.f32.msk $0xffff, v7  }
0x4e6: {  	[tilespmem:s10+$0x42B0] =	vst.add.f32.msk $0xffff, v8;
	v7 =	vmul.f32 v9, v17  }
0x4e7: {  	v8 =	vld [tilespmem:s31+$0xFFFFFED0]  }
0x4e8: {  	[tilespmem:s11+$0x42B0] =	vst.add.f32.msk $0xffff, v7;
	v7 =	vmul.f32 v18, v15  }
0x4e9: {  	v9 =	vld [tilespmem:s31+$0xFFFFFF50]  }
0x4ea: {  	[tilespmem:s12+$0x42B0] =	vst.add.f32.msk $0xffff, v7  }
0x4eb: {  	v7 =	vld [tilespmem:s31+$0xFFFFFFD0]  }
0x4ec: {  	v19 =	vld [tilespmem:s31+$0xFFFFFE70];
	v8 =	vmul.f32 v8, v11  }
0x4ed: {  	v10 =	vld [tilespmem:s6+$0xFFFFFF00]  }
0x4ee: {  	[tilespmem:s10+$0x42C0] =	vst.add.f32.msk $0xffff, v8;
	v6 =	vmul.f32 v9, v17  }
0x4ef: {  	v8 =	vld [tilespmem:s31+$0xFFFFFEE0]  }
0x4f0: {  	[tilespmem:s11+$0x42C0] =	vst.add.f32.msk $0xffff, v6;
	v6 =	vmul.f32 v7, v15  }
0x4f1: {  	v7 =	vld [tilespmem:s31+$0xFFFFFF60]  }
0x4f2: {  	v19 =	vmul.f32 v19, v14;
	[tilespmem:s12+$0x42C0] =	vst.add.f32.msk $0xffff, v6  }
0x4f3: {  	v6 =	vmul.f32 v20, v12;
	v18 =	vld [tilespmem:s31+$0xFFFFFFE0]  }
0x4f4: {  	[tilespmem:s22+$0x42E0] =	vst.add.f32.msk $0xffff, v19  }
0x4f5: {  	[tilespmem:s9+$0x42E0] =	vst.add.f32.msk $0xffff, v6;
	v6 =	vmul.f32 v8, v11  }
0x4f6: {  	v19 =	vld [tilespmem:s31+$0xFFFFFE80]  }
0x4f7: {  	[tilespmem:s10+$0x42D0] =	vst.add.f32.msk $0xffff, v6;
	v6 =	vmul.f32 v7, v17  }
0x4f8: {  	v7 =	vld [tilespmem:s31+$0xFFFFFEF0];
	v8 =	vmul.f32 v18, v15  }
0x4f9: {  	[tilespmem:s11+$0x42D0] =	vst.add.f32.msk $0xffff, v6  }
0x4fa: {  	[tilespmem:s12+$0x42D0] =	vst.add.f32.msk $0xffff, v8  }
0x4fb: {  	v9 =	vmul.f32 v21, v16;
	v8 =	vld [tilespmem:s31+$0xFFFFFF70]  }
0x4fc: {  	v6 =	vld [tilespmem:s31+$0xFFFFFFF0]  }
0x4fd: {  	[tilespmem:s21+$0x42E0] =	vst.add.f32.msk $0xffff, v9  }
0x4fe: {  	v9 =	vld [tilespmem:s6+$0x0];
	v7 =	vmul.f32 v7, v11  }
0x4ff: {  	v18 =	vld [tilespmem:s6+$0xFFFFFF80]  }
0x500: {  	[tilespmem:s10+$0x42E0] =	vst.add.f32.msk $0xffff, v7;
	v8 =	vmul.f32 v8, v17  }
0x501: {  	v7 =	vld [tilespmem:s31+$0xFFFFFF00];
	v6 =	vmul.f32 v6, v15  }
0x502: {  	[tilespmem:s11+$0x42E0] =	vst.add.f32.msk $0xffff, v8  }
0x503: {  	[tilespmem:s12+$0x42E0] =	vst.add.f32.msk $0xffff, v6  }
0x504: {  	v6 =	vmul.f32 v10, v13;
	v8 =	vld [tilespmem:s31+$0x0]  }
0x505: {  	v9 =	vmul.f32 v9, v16;
	v10 =	vld [tilespmem:s31+$0xFFFFFF80]  }
0x506: {  	[tilespmem:s7+$0x42F0] =	vst.add.f32.msk $0xffff, v6;
	v6 =	vmul.f32 v18, v12  }
0x507: {  	[tilespmem:s21+$0x42F0] =	vst.add.f32.msk $0xffff, v9;
	v12 =	vmul.f32 v19, v14  }
0x508: {  	[tilespmem:s9+$0x42F0] =	vst.add.f32.msk $0xffff, v6;
	v6 =	vmul.f32 v7, v11  }
0x509: {  	[tilespmem:s22+$0x42F0] =	vst.add.f32.msk $0xffff, v12;
	v7 =	vmul.f32 v8, v15  }
0x50a: {  	[tilespmem:s10+$0x42F0] =	vst.add.f32.msk $0xffff, v6;
	v6 =	vmul.f32 v10, v17  }
0x50b: {  	[tilespmem:s12+$0x42F0] =	vst.add.f32.msk $0xffff, v7  }
0x50c: {  	[tilespmem:s11+$0x42F0] =	vst.add.f32.msk $0xffff, v6  }
0x50d: {  	v6 =	vld [tilespmem:$0x1C0];
	_ =	sdelay $0x4  }
0x50e: {  	v6 =	vsub.s32 v6, v4  }
0x50f: {  	vm0 =	vgt.s32 v6, $0x0  }
0x510: {  	v6 =	vnsel vm0, $0x0, v6  }
0x511: {  	v6 =	vmin.u32 v6, $0x18F  }
0x512: {  	(v2sf) =	vpush v6, $0x0;
	_ =	sdelay $0x7  }
0x513: {  	v7 =	vld [tilespmem:$0x240]  }
0x514: {  	s7 =	sadd.s32 $0x40, s30  }
0x515: {  	s22 =	simm.s32 $0x2470;
	v8 =	vor.u32 s7, v1  }
0x516: {  	vm15 =	vge.s32 v8, v5;
	vm1 =	vlt.s32 v8, v3;
	v8 =	vld [tilespmem:s22+$0xFFFFFE10]  }
0x517: {  	vm0 =	vmand vm15, vm1  }
0x518: {  	v7 =	vnsel vm0, $0x0, v7  }
0x519: {  	v11 =	vbroadcast v7, $0x0  }
0x51a: {  	s9 =	spop (v2sf)  }
0x51b: {  	v8 =	vmul.f32 v8, v11;
	s3 =	sshll.u32 s9, $0x9  }
0x51c: {  	s12 =	sshra.s32 s3, $0x2  }
0x51d: {  	[tilespmem:s12+$0x4280] =	vst.add.f32.msk $0xffff, v8  }
0x51e: {  	v8 =	vld [tilespmem:s22+$0xFFFFFE20];
	_ =	sdelay $0x4  }
0x51f: {  	v8 =	vmul.f32 v8, v11;
	_ =	sdelay $0x1  }
0x520: {  	[tilespmem:s12+$0x4290] =	vst.add.f32.msk $0xffff, v8  }
0x521: {  	v8 =	vld [tilespmem:s22+$0xFFFFFE30];
	_ =	sdelay $0x4  }
0x522: {  	v8 =	vmul.f32 v8, v11;
	_ =	sdelay $0x1  }
0x523: {  	[tilespmem:s12+$0x42A0] =	vst.add.f32.msk $0xffff, v8  }
0x524: {  	v8 =	vld [tilespmem:s22+$0xFFFFFE40];
	_ =	sdelay $0x4  }
0x525: {  	v8 =	vmul.f32 v8, v11;
	_ =	sdelay $0x1  }
0x526: {  	[tilespmem:s12+$0x42B0] =	vst.add.f32.msk $0xffff, v8  }
0x527: {  	v6 =	vperm.xlane v6, v2;
	v8 =	vld [tilespmem:s22+$0xFFFFFE50];
	_ =	sdelay $0x1  }
0x528: {  	v9 =	vperm.xlane v6, v2  }
0x529: {  	(v2sf) =	vpush v6, $0x0  }
0x52a: {  	(v2sf) =	vpush v9, $0x0  }
0x52b: {  	v8 =	vmul.f32 v8, v11;
	_ =	sdelay $0x1  }
0x52c: {  	[tilespmem:s12+$0x42C0] =	vst.add.f32.msk $0xffff, v8  }
0x52d: {  	v8 =	vld [tilespmem:s22+$0xFFFFFE60]  }
0x52e: {  	v6 =	vperm.xlane v9, v2;
	_ =	sdelay $0x1  }
0x52f: {  	v12 =	vperm.xlane v6, v2;
	(v2sf) =	vpush v6, $0x0;
	_ =	sdelay $0x1  }
0x530: {  	(v2sf) =	vpush v12, $0x0;
	v8 =	vmul.f32 v8, v11  }
0x531: {  	v14 =	vld [tilespmem:s22+$0xFFFFFF10];
	v7 =	vperm.xlane v7, v2  }
0x532: {  	[tilespmem:s12+$0x42D0] =	vst.add.f32.msk $0xffff, v8  }
0x533: {  	s6 =	simm.s32 $0x2670;
	v16 =	vperm.xlane v7, v2;
	v6 =	vld [tilespmem:s22+$0xFFFFFE70]  }
0x534: {  	v13 =	vld [tilespmem:s6+$0xFFFFFE10]  }
0x535: {  	v10 =	vbroadcast v7, $0x0;
	v7 =	vbroadcast v16, $0x0;
	s10 =	spop (v2sf);
	v8 =	vld [tilespmem:s22+$0xFFFFFE90]  }
0x536: {  	v15 =	vld [tilespmem:s22+$0xFFFFFF90];
	s3 =	sshll.u32 s10, $0x9;
	s11 =	spop (v2sf)  }
0x537: {  	s31 =	simm.s32 $0x2870;
	v21 =	vld [tilespmem:s6+$0xFFFFFF10];
	v14 =	vmul.f32 v7, v14;
	s7 =	sshra.s32 s3, $0x2;
	s3 =	sshll.u32 s11, $0x9  }
0x538: {  	v9 =	vld [tilespmem:s31+$0xFFFFFE10];
	s10 =	sshra.s32 s3, $0x2;
	v6 =	vmul.f32 v6, v11  }
0x539: {  	[tilespmem:s10+$0x4280] =	vst.add.f32.msk $0xffff, v14  }
0x53a: {  	v17 =	vmul.f32 v10, v8;
	[tilespmem:s12+$0x42E0] =	vst.add.f32.msk $0xffff, v6;
	v6 =	vperm.xlane v16, v2  }
0x53b: {  	v14 =	vld [tilespmem:s22+$0xFFFFFF20]  }
0x53c: {  	[tilespmem:s7+$0x4280] =	vst.add.f32.msk $0xffff, v17;
	v19 =	vperm.xlane v6, v2;
	v8 =	vbroadcast v6, $0x0  }
0x53d: {  	s21 =	spop (v2sf);
	v17 =	vld [tilespmem:s22+$0xFFFFFEA0]  }
0x53e: {  	s3 =	sshll.u32 s21, $0x9;
	v16 =	vld [tilespmem:s6+$0xFFFFFE90];
	v6 =	vbroadcast v19, $0x0;
	v15 =	vmul.f32 v8, v15  }
0x53f: {  	s11 =	sshra.s32 s3, $0x2;
	s23 =	spop (v2sf);
	v18 =	vld [tilespmem:s22+$0xFFFFFE80]  }
0x540: {  	s28 =	sshll.u32 s23, $0x9;
	v13 =	vmul.f32 v13, v6;
	[tilespmem:s11+$0x4280] =	vst.add.f32.msk $0xffff, v15  }
0x541: {  	s3 =	sshra.s32 s28, $0x2;
	v15 =	vld [tilespmem:s22+$0xFFFFFFA0]  }
0x542: {  	[tilespmem:s3+$0x4280] =	vst.add.f32.msk $0xffff, v13;
	v13 =	vmul.f32 v17, v10  }
0x543: {  	v17 =	vld [tilespmem:s6+$0xFFFFFE20]  }
0x544: {  	[tilespmem:s7+$0x4290] =	vst.add.f32.msk $0xffff, v13;
	v13 =	vmul.f32 v14, v7  }
0x545: {  	v14 =	vld [tilespmem:s22+$0xFFFFFEB0]  }
0x546: {  	[tilespmem:s10+$0x4290] =	vst.add.f32.msk $0xffff, v13;
	v13 =	vmul.f32 v15, v8  }
0x547: {  	v15 =	vld [tilespmem:s22+$0xFFFFFF30]  }
0x548: {  	v17 =	vmul.f32 v17, v6;
	[tilespmem:s11+$0x4290] =	vst.add.f32.msk $0xffff, v13  }
0x549: {  	v13 =	vld [tilespmem:s22+$0xFFFFFFB0]  }
0x54a: {  	[tilespmem:s3+$0x4290] =	vst.add.f32.msk $0xffff, v17;
	v14 =	vmul.f32 v14, v10  }
0x54b: {  	v17 =	vld [tilespmem:s6+$0xFFFFFE30]  }
0x54c: {  	[tilespmem:s7+$0x42A0] =	vst.add.f32.msk $0xffff, v14;
	v14 =	vmul.f32 v15, v7  }
0x54d: {  	v15 =	vld [tilespmem:s22+$0xFFFFFEC0]  }
0x54e: {  	[tilespmem:s10+$0x42A0] =	vst.add.f32.msk $0xffff, v14;
	v13 =	vmul.f32 v13, v8  }
0x54f: {  	v14 =	vld [tilespmem:s22+$0xFFFFFF40]  }
0x550: {  	v17 =	vmul.f32 v17, v6;
	[tilespmem:s11+$0x42A0] =	vst.add.f32.msk $0xffff, v13  }
0x551: {  	v13 =	vld [tilespmem:s22+$0xFFFFFFC0]  }
0x552: {  	[tilespmem:s3+$0x42A0] =	vst.add.f32.msk $0xffff, v17;
	v15 =	vmul.f32 v15, v10  }
0x553: {  	v17 =	vld [tilespmem:s6+$0xFFFFFE40]  }
0x554: {  	[tilespmem:s7+$0x42B0] =	vst.add.f32.msk $0xffff, v15;
	v14 =	vmul.f32 v14, v7  }
0x555: {  	v15 =	vld [tilespmem:s22+$0xFFFFFED0]  }
0x556: {  	[tilespmem:s10+$0x42B0] =	vst.add.f32.msk $0xffff, v14;
	v13 =	vmul.f32 v13, v8  }
0x557: {  	v14 =	vld [tilespmem:s22+$0xFFFFFF50]  }
0x558: {  	v17 =	vmul.f32 v17, v6;
	[tilespmem:s11+$0x42B0] =	vst.add.f32.msk $0xffff, v13  }
0x559: {  	v13 =	vld [tilespmem:s22+$0xFFFFFFD0]  }
0x55a: {  	[tilespmem:s3+$0x42B0] =	vst.add.f32.msk $0xffff, v17;
	v15 =	vmul.f32 v15, v10  }
0x55b: {  	v17 =	vld [tilespmem:s6+$0xFFFFFE50]  }
0x55c: {  	[tilespmem:s7+$0x42C0] =	vst.add.f32.msk $0xffff, v15;
	v14 =	vmul.f32 v14, v7  }
0x55d: {  	v15 =	vld [tilespmem:s22+$0xFFFFFEE0]  }
0x55e: {  	[tilespmem:s10+$0x42C0] =	vst.add.f32.msk $0xffff, v14;
	v13 =	vmul.f32 v13, v8  }
0x55f: {  	v14 =	vld [tilespmem:s22+$0xFFFFFF60]  }
0x560: {  	v17 =	vmul.f32 v17, v6;
	[tilespmem:s11+$0x42C0] =	vst.add.f32.msk $0xffff, v13  }
0x561: {  	v13 =	vld [tilespmem:s22+$0xFFFFFFE0]  }
0x562: {  	[tilespmem:s3+$0x42C0] =	vst.add.f32.msk $0xffff, v17  }
0x563: {  	v15 =	vmul.f32 v15, v10;
	v17 =	vld [tilespmem:s6+$0xFFFFFF90]  }
0x564: {  	v20 =	vld [tilespmem:s6+$0xFFFFFE60]  }
0x565: {  	[tilespmem:s7+$0x42D0] =	vst.add.f32.msk $0xffff, v15;
	v14 =	vmul.f32 v14, v7  }
0x566: {  	v15 =	vld [tilespmem:s22+$0xFFFFFEF0]  }
0x567: {  	v13 =	vmul.f32 v13, v8;
	[tilespmem:s10+$0x42D0] =	vst.add.f32.msk $0xffff, v14  }
0x568: {  	v12 =	vperm.xlane v12, v2;
	v14 =	vperm.xlane v19, v2;
	v24 =	vld [tilespmem:s22+$0xFFFFFF70]  }
0x569: {  	v18 =	vmul.f32 v18, v11;
	v11 =	vmul.f32 v20, v6;
	[tilespmem:s11+$0x42D0] =	vst.add.f32.msk $0xffff, v13  }
0x56a: {  	(v2sf) =	vpush v12, $0x0;
	v19 =	vperm.xlane v12, v2;
	v20 =	vperm.xlane v14, v2;
	v26 =	vld [tilespmem:s22+$0xFFFFFFF0]  }
0x56b: {  	v13 =	vbroadcast v14, $0x0;
	v14 =	vmul.f32 v15, v10;
	[tilespmem:s3+$0x42D0] =	vst.add.f32.msk $0xffff, v11  }
0x56c: {  	v23 =	vperm.xlane v19, v2;
	(v2sf) =	vpush v19, $0x0;
	v27 =	vperm.xlane v20, v2;
	v25 =	vld [tilespmem:s6+$0xFFFFFE70]  }
0x56d: {  	v22 =	vmul.f32 v13, v16;
	v12 =	vbroadcast v20, $0x0;
	[tilespmem:s7+$0x42E0] =	vst.add.f32.msk $0xffff, v14  }
0x56e: {  	v15 =	vperm.xlane v23, v2;
	(v2sf) =	vpush v23, $0x0;
	v11 =	vperm.xlane v27, v2;
	v20 =	vld [tilespmem:s22+$0xFFFFFF00]  }
0x56f: {  	v23 =	vmul.f32 v12, v21;
	v16 =	vbroadcast v27, $0x0  }
0x570: {  	s9 =	simm.s32 $0x2A70;
	s21 =	simm.s32 $0x8;
	[tilespmem:s12+$0x42F0] =	vst.add.f32.msk $0xffff, v18;
	(v2sf) =	vpush v15, $0x0;
	v14 =	vbroadcast v11, $0x0;
	v18 =	vmul.f32 v26, v8  }
.LBB2_15:
0x571: {  	v19 =	vld [tilespmem:s9+$0xFFFFFE10];
	v26 =	vmul.f32 v16, v17;
	v17 =	vmul.f32 v24, v7  }
0x572: {  	v24 =	vmul.f32 v9, v14;
	v9 =	vmul.f32 v25, v6;
	[tilespmem:s11+$0x42E0] =	vst.add.f32.msk $0xffff, v18  }
0x573: {  	v18 =	vmul.f32 v20, v10;
	[tilespmem:s10+$0x42E0] =	vst.add.f32.msk $0xffff, v17;
	v10 =	vmov v13  }
0x574: {  	[tilespmem:s3+$0x42E0] =	vst.add.f32.msk $0xffff, v9  }
0x575: {  	v13 =	vld [tilespmem:s22+$0x0]  }
0x576: {  	v21 =	vld [tilespmem:s22+$0xFFFFFF80];
	v9 =	vmov v19;
	s22 =	smov.u32 s6;
	s6 =	smov.u32 s31;
	s31 =	smov.u32 s9  }
0x577: {  	v19 =	vld [tilespmem:s22+$0xFFFFFE80]  }
0x578: {  	[tilespmem:s7+$0x42F0] =	vst.add.f32.msk $0xffff, v18  }
0x579: {  	v20 =	vld [tilespmem:s6+$0xFFFFFE90];
	s7 =	spop (v2sf)  }
0x57a: {  	v18 =	vld [tilespmem:s6+$0xFFFFFF10];
	s7 =	sshll.u32 s7, $0x9;
	v13 =	vmul.f32 v13, v8;
	v8 =	vmov v16  }
0x57b: {  	v17 =	vld [tilespmem:s6+$0xFFFFFF90];
	s7 =	sshra.s32 s7, $0x2;
	s12 =	spop (v2sf);
	v21 =	vmul.f32 v21, v7;
	v7 =	vmov v12  }
0x57c: {  	v19 =	vmul.f32 v19, v6;
	[tilespmem:s7+$0x4280] =	vst.add.f32.msk $0xffff, v22;
	s12 =	sshll.u32 s12, $0x9;
	v6 =	vmov v14  }
0x57d: {  	v12 =	vld [tilespmem:s22+$0xFFFFFEA0];
	s12 =	sshra.s32 s12, $0x2;
	s23 =	spop (v2sf)  }
0x57e: {  	[tilespmem:s12+$0x4280] =	vst.add.f32.msk $0xffff, v23;
	s23 =	sshll.u32 s23, $0x9  }
0x57f: {  	s28 =	spop (v2sf);
	v14 =	vld [tilespmem:s22+$0xFFFFFF20];
	s23 =	sshra.s32 s23, $0x2  }
0x580: {  	s28 =	sshll.u32 s28, $0x9;
	[tilespmem:s23+$0x4280] =	vst.add.f32.msk $0xffff, v26  }
0x581: {  	s28 =	sshra.s32 s28, $0x2;
	v16 =	vld [tilespmem:s22+$0xFFFFFFA0]  }
0x582: {  	[tilespmem:s28+$0x4280] =	vst.add.f32.msk $0xffff, v24;
	v12 =	vmul.f32 v12, v10  }
0x583: {  	v22 =	vld [tilespmem:s6+$0xFFFFFE20]  }
0x584: {  	[tilespmem:s7+$0x4290] =	vst.add.f32.msk $0xffff, v12;
	v12 =	vmul.f32 v14, v7  }
0x585: {  	v14 =	vld [tilespmem:s22+$0xFFFFFEB0]  }
0x586: {  	[tilespmem:s12+$0x4290] =	vst.add.f32.msk $0xffff, v12;
	v12 =	vmul.f32 v16, v8  }
0x587: {  	v16 =	vld [tilespmem:s22+$0xFFFFFF30]  }
0x588: {  	v22 =	vmul.f32 v22, v6;
	[tilespmem:s23+$0x4290] =	vst.add.f32.msk $0xffff, v12  }
0x589: {  	v12 =	vld [tilespmem:s22+$0xFFFFFFB0]  }
0x58a: {  	[tilespmem:s28+$0x4290] =	vst.add.f32.msk $0xffff, v22;
	v14 =	vmul.f32 v14, v10  }
0x58b: {  	v22 =	vld [tilespmem:s6+$0xFFFFFE30]  }
0x58c: {  	[tilespmem:s7+$0x42A0] =	vst.add.f32.msk $0xffff, v14;
	v14 =	vmul.f32 v16, v7  }
0x58d: {  	v16 =	vld [tilespmem:s22+$0xFFFFFEC0]  }
0x58e: {  	[tilespmem:s12+$0x42A0] =	vst.add.f32.msk $0xffff, v14;
	v12 =	vmul.f32 v12, v8  }
0x58f: {  	v14 =	vld [tilespmem:s22+$0xFFFFFF40]  }
0x590: {  	v22 =	vmul.f32 v22, v6;
	[tilespmem:s23+$0x42A0] =	vst.add.f32.msk $0xffff, v12  }
0x591: {  	v12 =	vld [tilespmem:s22+$0xFFFFFFC0]  }
0x592: {  	[tilespmem:s28+$0x42A0] =	vst.add.f32.msk $0xffff, v22;
	v16 =	vmul.f32 v16, v10  }
0x593: {  	v22 =	vld [tilespmem:s6+$0xFFFFFE40]  }
0x594: {  	[tilespmem:s7+$0x42B0] =	vst.add.f32.msk $0xffff, v16;
	v14 =	vmul.f32 v14, v7  }
0x595: {  	v16 =	vld [tilespmem:s22+$0xFFFFFED0]  }
0x596: {  	[tilespmem:s12+$0x42B0] =	vst.add.f32.msk $0xffff, v14;
	v12 =	vmul.f32 v12, v8  }
0x597: {  	v14 =	vld [tilespmem:s22+$0xFFFFFF50]  }
0x598: {  	v22 =	vmul.f32 v22, v6;
	[tilespmem:s23+$0x42B0] =	vst.add.f32.msk $0xffff, v12  }
0x599: {  	v12 =	vld [tilespmem:s22+$0xFFFFFFD0]  }
0x59a: {  	[tilespmem:s28+$0x42B0] =	vst.add.f32.msk $0xffff, v22;
	v16 =	vmul.f32 v16, v10  }
0x59b: {  	v22 =	vld [tilespmem:s6+$0xFFFFFE50]  }
0x59c: {  	[tilespmem:s7+$0x42C0] =	vst.add.f32.msk $0xffff, v16;
	v14 =	vmul.f32 v14, v7  }
0x59d: {  	v16 =	vld [tilespmem:s22+$0xFFFFFEE0]  }
0x59e: {  	s21 =	sadd.s32 $0x4, s21;
	[tilespmem:s12+$0x42C0] =	vst.add.f32.msk $0xffff, v14;
	v12 =	vmul.f32 v12, v8  }
0x59f: {  	p0 =	slt.u32 s21, $0xC;
	v14 =	vld [tilespmem:s22+$0xFFFFFF60]  }
0x5a0: {  	v22 =	vmul.f32 v22, v6;
	[tilespmem:s23+$0x42C0] =	vst.add.f32.msk $0xffff, v12  }
0x5a1: {  	v12 =	vld [tilespmem:s22+$0xFFFFFFE0]  }
0x5a2: {  	[tilespmem:s28+$0x42C0] =	vst.add.f32.msk $0xffff, v22;
	v16 =	vmul.f32 v16, v10  }
0x5a3: {  	v22 =	vld [tilespmem:s6+$0xFFFFFE60]  }
0x5a4: {  	[tilespmem:s7+$0x42D0] =	vst.add.f32.msk $0xffff, v16;
	v14 =	vmul.f32 v14, v7  }
0x5a5: {  	v16 =	vld [tilespmem:s22+$0xFFFFFEF0]  }
0x5a6: {  	[tilespmem:s12+$0x42D0] =	vst.add.f32.msk $0xffff, v14;
	v12 =	vmul.f32 v12, v8  }
0x5a7: {  	v24 =	vld [tilespmem:s22+$0xFFFFFF70]  }
0x5a8: {  	v11 =	vperm.xlane v11, v2;
	v14 =	vperm.xlane v15, v2;
	[tilespmem:s23+$0x42D0] =	vst.add.f32.msk $0xffff, v12  }
0x5a9: {  	v12 =	vmul.f32 v22, v6;
	v26 =	vld [tilespmem:s22+$0xFFFFFFF0]  }
0x5aa: {  	v23 =	vperm.xlane v11, v2;
	v15 =	vperm.xlane v14, v2;
	(v2sf) =	vpush v14, $0x0;
	[tilespmem:s11+$0x42F0] =	vst.add.f32.msk $0xffff, v13;
	s11 =	smov.u32 s23  }
0x5ab: {  	v13 =	vbroadcast v11, $0x0;
	v11 =	vmul.f32 v16, v10;
	[tilespmem:s28+$0x42D0] =	vst.add.f32.msk $0xffff, v12  }
.Ltmp10:
0x5ac: {  	v14 =	vperm.xlane v15, v2;
	v16 =	vperm.xlane v23, v2;
	v25 =	vld [tilespmem:s6+$0xFFFFFE70];
	(v2sf) =	vpush v15, $0x0;
	(pc) =	sbr.rel @p0 .LBB2_15-.Ltmp10, $4  }
0x5ad: {  	v12 =	vbroadcast v23, $0x0;
	v22 =	vmul.f32 v13, v20;
	[tilespmem:s7+$0x42E0] =	vst.add.f32.msk $0xffff, v11  }
0x5ae: {  	v15 =	vperm.xlane v14, v2;
	v11 =	vperm.xlane v16, v2;
	(v2sf) =	vpush v14, $0x0;
	v20 =	vld [tilespmem:s22+$0xFFFFFF00]  }
0x5af: {  	v23 =	vmul.f32 v12, v18;
	v16 =	vbroadcast v16, $0x0;
	[tilespmem:s10+$0x42F0] =	vst.add.f32.msk $0xffff, v21;
	s10 =	smov.u32 s12  }
0x5b0: {  	s9 =	sadd.s32 $0x200, s9;
	v18 =	vmul.f32 v26, v8;
	v14 =	vbroadcast v11, $0x0;
	(v2sf) =	vpush v15, $0x0;
	[tilespmem:s3+$0x42F0] =	vst.add.f32.msk $0xffff, v19;
	s3 =	smov.u32 s28  }
0x5b1: {  	_ = 	snop  }
0x5b2: {  	v19 =	vmul.f32 v24, v7;
	v24 =	vld [tilespmem:s31+$0xFFFFFF90]  }
0x5b3: {  	v21 =	vmul.f32 v25, v6;
	[tilespmem:s11+$0x42E0] =	vst.add.f32.msk $0xffff, v18  }
0x5b4: {  	[tilespmem:s10+$0x42E0] =	vst.add.f32.msk $0xffff, v19  }
0x5b5: {  	[tilespmem:s3+$0x42E0] =	vst.add.f32.msk $0xffff, v21  }
0x5b6: {  	v18 =	vld [tilespmem:s22+$0x0]  }
0x5b7: {  	v21 =	vld [tilespmem:s31+$0xFFFFFF10]  }
0x5b8: {  	v19 =	vmul.f32 v20, v10;
	v20 =	vld [tilespmem:s22+$0xFFFFFF80]  }
0x5b9: {  	v10 =	vld [tilespmem:s6+$0xFFFFFE80];
	s23 =	spop (v2sf)  }
0x5ba: {  	[tilespmem:s7+$0x42F0] =	vst.add.f32.msk $0xffff, v19;
	s7 =	sshll.u32 s23, $0x9  }
0x5bb: {  	v19 =	vld [tilespmem:s31+$0xFFFFFE90];
	s7 =	sshra.s32 s7, $0x2;
	s9 =	spop (v2sf)  }
0x5bc: {  	[tilespmem:s7+$0x4280] =	vst.add.f32.msk $0xffff, v22;
	s9 =	sshll.u32 s9, $0x9  }
0x5bd: {  	v22 =	vld [tilespmem:s6+$0xFFFFFEA0];
	s9 =	sshra.s32 s9, $0x2;
	s12 =	spop (v2sf)  }
0x5be: {  	v17 =	vmul.f32 v16, v17;
	[tilespmem:s9+$0x4280] =	vst.add.f32.msk $0xffff, v23;
	s12 =	sshll.u32 s12, $0x9  }
0x5bf: {  	s28 =	spop (v2sf);
	v23 =	vld [tilespmem:s6+$0xFFFFFF20];
	s21 =	sshra.s32 s12, $0x2  }
0x5c0: {  	v9 =	vmul.f32 v9, v14;
	s23 =	sshll.u32 s28, $0x9;
	[tilespmem:s21+$0x4280] =	vst.add.f32.msk $0xffff, v17  }
0x5c1: {  	s22 =	sshra.s32 s23, $0x2;
	v17 =	vld [tilespmem:s6+$0xFFFFFFA0]  }
0x5c2: {  	[tilespmem:s22+$0x4280] =	vst.add.f32.msk $0xffff, v9;
	v9 =	vmul.f32 v22, v13  }
0x5c3: {  	v22 =	vld [tilespmem:s31+$0xFFFFFE20]  }
0x5c4: {  	[tilespmem:s7+$0x4290] =	vst.add.f32.msk $0xffff, v9;
	v9 =	vmul.f32 v23, v12  }
0x5c5: {  	v23 =	vld [tilespmem:s6+$0xFFFFFEB0]  }
0x5c6: {  	[tilespmem:s9+$0x4290] =	vst.add.f32.msk $0xffff, v9;
	v9 =	vmul.f32 v17, v16  }
0x5c7: {  	v17 =	vld [tilespmem:s6+$0xFFFFFF30]  }
0x5c8: {  	v22 =	vmul.f32 v22, v14;
	[tilespmem:s21+$0x4290] =	vst.add.f32.msk $0xffff, v9  }
0x5c9: {  	v9 =	vld [tilespmem:s6+$0xFFFFFFB0]  }
0x5ca: {  	[tilespmem:s22+$0x4290] =	vst.add.f32.msk $0xffff, v22;
	v22 =	vmul.f32 v23, v13  }
0x5cb: {  	v23 =	vld [tilespmem:s31+$0xFFFFFE30]  }
0x5cc: {  	[tilespmem:s7+$0x42A0] =	vst.add.f32.msk $0xffff, v22;
	v17 =	vmul.f32 v17, v12  }
0x5cd: {  	v22 =	vld [tilespmem:s6+$0xFFFFFEC0]  }
0x5ce: {  	[tilespmem:s9+$0x42A0] =	vst.add.f32.msk $0xffff, v17;
	v9 =	vmul.f32 v9, v16  }
0x5cf: {  	v17 =	vld [tilespmem:s6+$0xFFFFFF40]  }
0x5d0: {  	v23 =	vmul.f32 v23, v14;
	[tilespmem:s21+$0x42A0] =	vst.add.f32.msk $0xffff, v9  }
0x5d1: {  	v9 =	vld [tilespmem:s6+$0xFFFFFFC0]  }
0x5d2: {  	[tilespmem:s22+$0x42A0] =	vst.add.f32.msk $0xffff, v23;
	v22 =	vmul.f32 v22, v13  }
0x5d3: {  	v23 =	vld [tilespmem:s31+$0xFFFFFE40]  }
0x5d4: {  	[tilespmem:s7+$0x42B0] =	vst.add.f32.msk $0xffff, v22;
	v17 =	vmul.f32 v17, v12  }
0x5d5: {  	v15 =	vperm.xlane v15, v2;
	v22 =	vld [tilespmem:s6+$0xFFFFFED0]  }
0x5d6: {  	v8 =	vmul.f32 v18, v8;
	[tilespmem:s9+$0x42B0] =	vst.add.f32.msk $0xffff, v17  }
0x5d7: {  	(v2sf) =	vpush v15, $0x0;
	v15 =	vperm.xlane v15, v2;
	v9 =	vmul.f32 v9, v16;
	v17 =	vld [tilespmem:s6+$0xFFFFFF50]  }
0x5d8: {  	[tilespmem:s11+$0x42F0] =	vst.add.f32.msk $0xffff, v8  }
0x5d9: {  	(v2sf) =	vpush v15, $0x0;
	v15 =	vperm.xlane v15, v2;
	v23 =	vmul.f32 v23, v14;
	[tilespmem:s21+$0x42B0] =	vst.add.f32.msk $0xffff, v9  }
0x5da: {  	v9 =	vld [tilespmem:s6+$0xFFFFFFD0];
	v22 =	vmul.f32 v22, v13  }
0x5db: {  	(v2sf) =	vpush v15, $0x0;
	[tilespmem:s22+$0x42B0] =	vst.add.f32.msk $0xffff, v23  }
0x5dc: {  	[tilespmem:s7+$0x42C0] =	vst.add.f32.msk $0xffff, v22;
	v15 =	vmul.f32 v17, v12  }
0x5dd: {  	v17 =	vld [tilespmem:s6+$0xFFFFFEE0]  }
0x5de: {  	[tilespmem:s9+$0x42C0] =	vst.add.f32.msk $0xffff, v15  }
0x5df: {  	v7 =	vmul.f32 v20, v7;
	v15 =	vld [tilespmem:s6+$0xFFFFFF60]  }
0x5e0: {  	v6 =	vmul.f32 v10, v6;
	v23 =	vld [tilespmem:s31+$0xFFFFFE50]  }
0x5e1: {  	[tilespmem:s10+$0x42F0] =	vst.add.f32.msk $0xffff, v7;
	v9 =	vmul.f32 v9, v16  }
0x5e2: {  	v11 =	vperm.xlane v11, v2;
	[tilespmem:s3+$0x42F0] =	vst.add.f32.msk $0xffff, v6;
	v17 =	vmul.f32 v17, v13  }
0x5e3: {  	[tilespmem:s21+$0x42C0] =	vst.add.f32.msk $0xffff, v9  }
0x5e4: {  	[tilespmem:s7+$0x42D0] =	vst.add.f32.msk $0xffff, v17;
	v15 =	vmul.f32 v15, v12;
	v17 =	vperm.xlane v11, v2  }
0x5e5: {  	v22 =	vmul.f32 v23, v14;
	v9 =	vld [tilespmem:s6+$0xFFFFFFE0];
	v11 =	vbroadcast v11, $0x0  }
0x5e6: {  	s28 =	spop (v2sf);
	[tilespmem:s9+$0x42D0] =	vst.add.f32.msk $0xffff, v15;
	v15 =	vperm.xlane v17, v2  }
0x5e7: {  	s12 =	sshll.u32 s28, $0x9;
	[tilespmem:s22+$0x42C0] =	vst.add.f32.msk $0xffff, v22;
	v8 =	vmul.f32 v11, v19;
	v17 =	vbroadcast v17, $0x0  }
0x5e8: {  	s10 =	sshra.s32 s12, $0x2;
	s23 =	spop (v2sf);
	v22 =	vld [tilespmem:s31+$0xFFFFFE60]  }
0x5e9: {  	s11 =	sshll.u32 s23, $0x9;
	v7 =	vmul.f32 v17, v21;
	v15 =	vbroadcast v15, $0x0;
	[tilespmem:s10+$0x4280] =	vst.add.f32.msk $0xffff, v8  }
0x5ea: {  	s11 =	sshra.s32 s11, $0x2;
	s28 =	spop (v2sf);
	v8 =	vld [tilespmem:s31+$0xFFFFFEA0]  }
0x5eb: {  	s12 =	sshll.u32 s28, $0x9;
	v19 =	vmul.f32 v15, v24;
	[tilespmem:s11+$0x4280] =	vst.add.f32.msk $0xffff, v7  }
0x5ec: {  	s12 =	sshra.s32 s12, $0x2;
	v7 =	vld [tilespmem:s31+$0xFFFFFF20]  }
0x5ed: {  	[tilespmem:s12+$0x4280] =	vst.add.f32.msk $0xffff, v19  }
0x5ee: {  	v9 =	vmul.f32 v9, v16;
	v19 =	vld [tilespmem:s31+$0xFFFFFFA0]  }
0x5ef: {  	v18 =	vld [tilespmem:s6+$0xFFFFFEF0];
	v8 =	vmul.f32 v8, v11  }
0x5f0: {  	[tilespmem:s21+$0x42D0] =	vst.add.f32.msk $0xffff, v9  }
0x5f1: {  	[tilespmem:s10+$0x4290] =	vst.add.f32.msk $0xffff, v8;
	v7 =	vmul.f32 v7, v17  }
0x5f2: {  	v8 =	vld [tilespmem:s31+$0xFFFFFEB0]  }
0x5f3: {  	[tilespmem:s11+$0x4290] =	vst.add.f32.msk $0xffff, v7;
	v7 =	vmul.f32 v19, v15  }
0x5f4: {  	v9 =	vld [tilespmem:s31+$0xFFFFFF30]  }
0x5f5: {  	[tilespmem:s12+$0x4290] =	vst.add.f32.msk $0xffff, v7  }
0x5f6: {  	v7 =	vmul.f32 v22, v14;
	v19 =	vld [tilespmem:s31+$0xFFFFFFB0]  }
0x5f7: {  	v20 =	vld [tilespmem:s6+$0xFFFFFF70];
	v8 =	vmul.f32 v8, v11  }
0x5f8: {  	[tilespmem:s22+$0x42D0] =	vst.add.f32.msk $0xffff, v7  }
0x5f9: {  	[tilespmem:s10+$0x42A0] =	vst.add.f32.msk $0xffff, v8;
	v7 =	vmul.f32 v9, v17  }
0x5fa: {  	v8 =	vld [tilespmem:s31+$0xFFFFFEC0]  }
0x5fb: {  	[tilespmem:s11+$0x42A0] =	vst.add.f32.msk $0xffff, v7;
	v7 =	vmul.f32 v19, v15  }
0x5fc: {  	v9 =	vld [tilespmem:s31+$0xFFFFFF40]  }
0x5fd: {  	[tilespmem:s12+$0x42A0] =	vst.add.f32.msk $0xffff, v7  }
0x5fe: {  	v7 =	vmul.f32 v18, v13;
	v18 =	vld [tilespmem:s31+$0xFFFFFFC0]  }
0x5ff: {  	v21 =	vld [tilespmem:s6+$0xFFFFFFF0];
	v8 =	vmul.f32 v8, v11  }
0x600: {  	[tilespmem:s7+$0x42E0] =	vst.add.f32.msk $0xffff, v7  }
0x601: {  	[tilespmem:s10+$0x42B0] =	vst.add.f32.msk $0xffff, v8;
	v7 =	vmul.f32 v9, v17  }
0x602: {  	v8 =	vld [tilespmem:s31+$0xFFFFFED0]  }
0x603: {  	[tilespmem:s11+$0x42B0] =	vst.add.f32.msk $0xffff, v7;
	v7 =	vmul.f32 v18, v15  }
0x604: {  	v9 =	vld [tilespmem:s31+$0xFFFFFF50]  }
0x605: {  	[tilespmem:s12+$0x42B0] =	vst.add.f32.msk $0xffff, v7  }
0x606: {  	v7 =	vld [tilespmem:s31+$0xFFFFFFD0]  }
0x607: {  	v19 =	vld [tilespmem:s31+$0xFFFFFE70];
	v8 =	vmul.f32 v8, v11  }
0x608: {  	v10 =	vld [tilespmem:s6+$0xFFFFFF00]  }
0x609: {  	[tilespmem:s10+$0x42C0] =	vst.add.f32.msk $0xffff, v8;
	v6 =	vmul.f32 v9, v17  }
0x60a: {  	v8 =	vld [tilespmem:s31+$0xFFFFFEE0]  }
0x60b: {  	[tilespmem:s11+$0x42C0] =	vst.add.f32.msk $0xffff, v6;
	v6 =	vmul.f32 v7, v15  }
0x60c: {  	v7 =	vld [tilespmem:s31+$0xFFFFFF60]  }
0x60d: {  	v19 =	vmul.f32 v19, v14;
	[tilespmem:s12+$0x42C0] =	vst.add.f32.msk $0xffff, v6  }
0x60e: {  	v6 =	vmul.f32 v20, v12;
	v18 =	vld [tilespmem:s31+$0xFFFFFFE0]  }
0x60f: {  	[tilespmem:s22+$0x42E0] =	vst.add.f32.msk $0xffff, v19  }
0x610: {  	[tilespmem:s9+$0x42E0] =	vst.add.f32.msk $0xffff, v6;
	v6 =	vmul.f32 v8, v11  }
0x611: {  	v19 =	vld [tilespmem:s31+$0xFFFFFE80]  }
0x612: {  	[tilespmem:s10+$0x42D0] =	vst.add.f32.msk $0xffff, v6;
	v6 =	vmul.f32 v7, v17  }
0x613: {  	v7 =	vld [tilespmem:s31+$0xFFFFFEF0];
	v8 =	vmul.f32 v18, v15  }
0x614: {  	[tilespmem:s11+$0x42D0] =	vst.add.f32.msk $0xffff, v6  }
0x615: {  	[tilespmem:s12+$0x42D0] =	vst.add.f32.msk $0xffff, v8  }
0x616: {  	v9 =	vmul.f32 v21, v16;
	v8 =	vld [tilespmem:s31+$0xFFFFFF70]  }
0x617: {  	v6 =	vld [tilespmem:s31+$0xFFFFFFF0]  }
0x618: {  	[tilespmem:s21+$0x42E0] =	vst.add.f32.msk $0xffff, v9  }
0x619: {  	v9 =	vld [tilespmem:s6+$0x0];
	v7 =	vmul.f32 v7, v11  }
0x61a: {  	v18 =	vld [tilespmem:s6+$0xFFFFFF80]  }
0x61b: {  	[tilespmem:s10+$0x42E0] =	vst.add.f32.msk $0xffff, v7;
	v8 =	vmul.f32 v8, v17  }
0x61c: {  	v7 =	vld [tilespmem:s31+$0xFFFFFF00];
	v6 =	vmul.f32 v6, v15  }
0x61d: {  	[tilespmem:s11+$0x42E0] =	vst.add.f32.msk $0xffff, v8  }
0x61e: {  	[tilespmem:s12+$0x42E0] =	vst.add.f32.msk $0xffff, v6  }
0x61f: {  	v6 =	vmul.f32 v10, v13;
	v8 =	vld [tilespmem:s31+$0x0]  }
0x620: {  	v9 =	vmul.f32 v9, v16;
	v10 =	vld [tilespmem:s31+$0xFFFFFF80]  }
0x621: {  	[tilespmem:s7+$0x42F0] =	vst.add.f32.msk $0xffff, v6;
	v6 =	vmul.f32 v18, v12  }
0x622: {  	[tilespmem:s21+$0x42F0] =	vst.add.f32.msk $0xffff, v9;
	v12 =	vmul.f32 v19, v14  }
0x623: {  	[tilespmem:s9+$0x42F0] =	vst.add.f32.msk $0xffff, v6;
	v6 =	vmul.f32 v7, v11  }
0x624: {  	[tilespmem:s22+$0x42F0] =	vst.add.f32.msk $0xffff, v12;
	v7 =	vmul.f32 v8, v15  }
0x625: {  	[tilespmem:s10+$0x42F0] =	vst.add.f32.msk $0xffff, v6;
	v6 =	vmul.f32 v10, v17  }
0x626: {  	[tilespmem:s12+$0x42F0] =	vst.add.f32.msk $0xffff, v7  }
0x627: {  	[tilespmem:s11+$0x42F0] =	vst.add.f32.msk $0xffff, v6  }
0x628: {  	v6 =	vld [tilespmem:$0x1D0];
	_ =	sdelay $0x4  }
0x629: {  	v6 =	vsub.s32 v6, v4  }
0x62a: {  	vm0 =	vgt.s32 v6, $0x0  }
0x62b: {  	v6 =	vnsel vm0, $0x0, v6  }
0x62c: {  	v6 =	vmin.u32 v6, $0x18F  }
0x62d: {  	(v2sf) =	vpush v6, $0x0;
	_ =	sdelay $0x7  }
0x62e: {  	v7 =	vld [tilespmem:$0x250]  }
0x62f: {  	s7 =	sadd.s32 $0x50, s30  }
0x630: {  	s22 =	simm.s32 $0x2C70;
	v8 =	vor.u32 s7, v1  }
0x631: {  	vm15 =	vge.s32 v8, v5;
	vm1 =	vlt.s32 v8, v3;
	v8 =	vld [tilespmem:s22+$0xFFFFFE10]  }
0x632: {  	vm0 =	vmand vm15, vm1  }
0x633: {  	v7 =	vnsel vm0, $0x0, v7  }
0x634: {  	v11 =	vbroadcast v7, $0x0  }
0x635: {  	s9 =	spop (v2sf)  }
0x636: {  	v8 =	vmul.f32 v8, v11;
	s3 =	sshll.u32 s9, $0x9  }
0x637: {  	s12 =	sshra.s32 s3, $0x2  }
0x638: {  	[tilespmem:s12+$0x4280] =	vst.add.f32.msk $0xffff, v8  }
0x639: {  	v8 =	vld [tilespmem:s22+$0xFFFFFE20];
	_ =	sdelay $0x4  }
0x63a: {  	v8 =	vmul.f32 v8, v11;
	_ =	sdelay $0x1  }
0x63b: {  	[tilespmem:s12+$0x4290] =	vst.add.f32.msk $0xffff, v8  }
0x63c: {  	v8 =	vld [tilespmem:s22+$0xFFFFFE30];
	_ =	sdelay $0x4  }
0x63d: {  	v8 =	vmul.f32 v8, v11;
	_ =	sdelay $0x1  }
0x63e: {  	[tilespmem:s12+$0x42A0] =	vst.add.f32.msk $0xffff, v8  }
0x63f: {  	v8 =	vld [tilespmem:s22+$0xFFFFFE40];
	_ =	sdelay $0x4  }
0x640: {  	v8 =	vmul.f32 v8, v11;
	_ =	sdelay $0x1  }
0x641: {  	[tilespmem:s12+$0x42B0] =	vst.add.f32.msk $0xffff, v8  }
0x642: {  	v6 =	vperm.xlane v6, v2;
	v8 =	vld [tilespmem:s22+$0xFFFFFE50];
	_ =	sdelay $0x1  }
0x643: {  	v9 =	vperm.xlane v6, v2  }
0x644: {  	(v2sf) =	vpush v6, $0x0  }
0x645: {  	(v2sf) =	vpush v9, $0x0  }
0x646: {  	v8 =	vmul.f32 v8, v11;
	_ =	sdelay $0x1  }
0x647: {  	[tilespmem:s12+$0x42C0] =	vst.add.f32.msk $0xffff, v8  }
0x648: {  	v8 =	vld [tilespmem:s22+$0xFFFFFE60]  }
0x649: {  	v6 =	vperm.xlane v9, v2;
	_ =	sdelay $0x1  }
0x64a: {  	v12 =	vperm.xlane v6, v2;
	(v2sf) =	vpush v6, $0x0;
	_ =	sdelay $0x1  }
0x64b: {  	(v2sf) =	vpush v12, $0x0;
	v8 =	vmul.f32 v8, v11  }
0x64c: {  	v14 =	vld [tilespmem:s22+$0xFFFFFF10];
	v7 =	vperm.xlane v7, v2  }
0x64d: {  	[tilespmem:s12+$0x42D0] =	vst.add.f32.msk $0xffff, v8  }
0x64e: {  	s6 =	simm.s32 $0x2E70;
	v16 =	vperm.xlane v7, v2;
	v6 =	vld [tilespmem:s22+$0xFFFFFE70]  }
0x64f: {  	v13 =	vld [tilespmem:s6+$0xFFFFFE10]  }
0x650: {  	v10 =	vbroadcast v7, $0x0;
	v7 =	vbroadcast v16, $0x0;
	s10 =	spop (v2sf);
	v8 =	vld [tilespmem:s22+$0xFFFFFE90]  }
0x651: {  	v15 =	vld [tilespmem:s22+$0xFFFFFF90];
	s3 =	sshll.u32 s10, $0x9;
	s11 =	spop (v2sf)  }
0x652: {  	s31 =	simm.s32 $0x3070;
	v21 =	vld [tilespmem:s6+$0xFFFFFF10];
	v14 =	vmul.f32 v7, v14;
	s7 =	sshra.s32 s3, $0x2;
	s3 =	sshll.u32 s11, $0x9  }
0x653: {  	v9 =	vld [tilespmem:s31+$0xFFFFFE10];
	s10 =	sshra.s32 s3, $0x2;
	v6 =	vmul.f32 v6, v11  }
0x654: {  	[tilespmem:s10+$0x4280] =	vst.add.f32.msk $0xffff, v14  }
0x655: {  	v17 =	vmul.f32 v10, v8;
	[tilespmem:s12+$0x42E0] =	vst.add.f32.msk $0xffff, v6;
	v6 =	vperm.xlane v16, v2  }
0x656: {  	v14 =	vld [tilespmem:s22+$0xFFFFFF20]  }
0x657: {  	[tilespmem:s7+$0x4280] =	vst.add.f32.msk $0xffff, v17;
	v19 =	vperm.xlane v6, v2;
	v8 =	vbroadcast v6, $0x0  }
0x658: {  	s21 =	spop (v2sf);
	v17 =	vld [tilespmem:s22+$0xFFFFFEA0]  }
0x659: {  	s3 =	sshll.u32 s21, $0x9;
	v16 =	vld [tilespmem:s6+$0xFFFFFE90];
	v6 =	vbroadcast v19, $0x0;
	v15 =	vmul.f32 v8, v15  }
0x65a: {  	s11 =	sshra.s32 s3, $0x2;
	s23 =	spop (v2sf);
	v18 =	vld [tilespmem:s22+$0xFFFFFE80]  }
0x65b: {  	s28 =	sshll.u32 s23, $0x9;
	v13 =	vmul.f32 v13, v6;
	[tilespmem:s11+$0x4280] =	vst.add.f32.msk $0xffff, v15  }
0x65c: {  	s3 =	sshra.s32 s28, $0x2;
	v15 =	vld [tilespmem:s22+$0xFFFFFFA0]  }
0x65d: {  	[tilespmem:s3+$0x4280] =	vst.add.f32.msk $0xffff, v13;
	v13 =	vmul.f32 v17, v10  }
0x65e: {  	v17 =	vld [tilespmem:s6+$0xFFFFFE20]  }
0x65f: {  	[tilespmem:s7+$0x4290] =	vst.add.f32.msk $0xffff, v13;
	v13 =	vmul.f32 v14, v7  }
0x660: {  	v14 =	vld [tilespmem:s22+$0xFFFFFEB0]  }
0x661: {  	[tilespmem:s10+$0x4290] =	vst.add.f32.msk $0xffff, v13;
	v13 =	vmul.f32 v15, v8  }
0x662: {  	v15 =	vld [tilespmem:s22+$0xFFFFFF30]  }
0x663: {  	v17 =	vmul.f32 v17, v6;
	[tilespmem:s11+$0x4290] =	vst.add.f32.msk $0xffff, v13  }
0x664: {  	v13 =	vld [tilespmem:s22+$0xFFFFFFB0]  }
0x665: {  	[tilespmem:s3+$0x4290] =	vst.add.f32.msk $0xffff, v17;
	v14 =	vmul.f32 v14, v10  }
0x666: {  	v17 =	vld [tilespmem:s6+$0xFFFFFE30]  }
0x667: {  	[tilespmem:s7+$0x42A0] =	vst.add.f32.msk $0xffff, v14;
	v14 =	vmul.f32 v15, v7  }
0x668: {  	v15 =	vld [tilespmem:s22+$0xFFFFFEC0]  }
0x669: {  	[tilespmem:s10+$0x42A0] =	vst.add.f32.msk $0xffff, v14;
	v13 =	vmul.f32 v13, v8  }
0x66a: {  	v14 =	vld [tilespmem:s22+$0xFFFFFF40]  }
0x66b: {  	v17 =	vmul.f32 v17, v6;
	[tilespmem:s11+$0x42A0] =	vst.add.f32.msk $0xffff, v13  }
0x66c: {  	v13 =	vld [tilespmem:s22+$0xFFFFFFC0]  }
0x66d: {  	[tilespmem:s3+$0x42A0] =	vst.add.f32.msk $0xffff, v17;
	v15 =	vmul.f32 v15, v10  }
0x66e: {  	v17 =	vld [tilespmem:s6+$0xFFFFFE40]  }
0x66f: {  	[tilespmem:s7+$0x42B0] =	vst.add.f32.msk $0xffff, v15;
	v14 =	vmul.f32 v14, v7  }
0x670: {  	v15 =	vld [tilespmem:s22+$0xFFFFFED0]  }
0x671: {  	[tilespmem:s10+$0x42B0] =	vst.add.f32.msk $0xffff, v14;
	v13 =	vmul.f32 v13, v8  }
0x672: {  	v14 =	vld [tilespmem:s22+$0xFFFFFF50]  }
0x673: {  	v17 =	vmul.f32 v17, v6;
	[tilespmem:s11+$0x42B0] =	vst.add.f32.msk $0xffff, v13  }
0x674: {  	v13 =	vld [tilespmem:s22+$0xFFFFFFD0]  }
0x675: {  	[tilespmem:s3+$0x42B0] =	vst.add.f32.msk $0xffff, v17;
	v15 =	vmul.f32 v15, v10  }
0x676: {  	v17 =	vld [tilespmem:s6+$0xFFFFFE50]  }
0x677: {  	[tilespmem:s7+$0x42C0] =	vst.add.f32.msk $0xffff, v15;
	v14 =	vmul.f32 v14, v7  }
0x678: {  	v15 =	vld [tilespmem:s22+$0xFFFFFEE0]  }
0x679: {  	[tilespmem:s10+$0x42C0] =	vst.add.f32.msk $0xffff, v14;
	v13 =	vmul.f32 v13, v8  }
0x67a: {  	v14 =	vld [tilespmem:s22+$0xFFFFFF60]  }
0x67b: {  	v17 =	vmul.f32 v17, v6;
	[tilespmem:s11+$0x42C0] =	vst.add.f32.msk $0xffff, v13  }
0x67c: {  	v13 =	vld [tilespmem:s22+$0xFFFFFFE0]  }
0x67d: {  	[tilespmem:s3+$0x42C0] =	vst.add.f32.msk $0xffff, v17  }
0x67e: {  	v15 =	vmul.f32 v15, v10;
	v17 =	vld [tilespmem:s6+$0xFFFFFF90]  }
0x67f: {  	v20 =	vld [tilespmem:s6+$0xFFFFFE60]  }
0x680: {  	[tilespmem:s7+$0x42D0] =	vst.add.f32.msk $0xffff, v15;
	v14 =	vmul.f32 v14, v7  }
0x681: {  	v15 =	vld [tilespmem:s22+$0xFFFFFEF0]  }
0x682: {  	v13 =	vmul.f32 v13, v8;
	[tilespmem:s10+$0x42D0] =	vst.add.f32.msk $0xffff, v14  }
0x683: {  	v12 =	vperm.xlane v12, v2;
	v14 =	vperm.xlane v19, v2;
	v24 =	vld [tilespmem:s22+$0xFFFFFF70]  }
0x684: {  	v18 =	vmul.f32 v18, v11;
	v11 =	vmul.f32 v20, v6;
	[tilespmem:s11+$0x42D0] =	vst.add.f32.msk $0xffff, v13  }
0x685: {  	(v2sf) =	vpush v12, $0x0;
	v19 =	vperm.xlane v12, v2;
	v20 =	vperm.xlane v14, v2;
	v26 =	vld [tilespmem:s22+$0xFFFFFFF0]  }
0x686: {  	v13 =	vbroadcast v14, $0x0;
	v14 =	vmul.f32 v15, v10;
	[tilespmem:s3+$0x42D0] =	vst.add.f32.msk $0xffff, v11  }
0x687: {  	v23 =	vperm.xlane v19, v2;
	(v2sf) =	vpush v19, $0x0;
	v27 =	vperm.xlane v20, v2;
	v25 =	vld [tilespmem:s6+$0xFFFFFE70]  }
0x688: {  	v22 =	vmul.f32 v13, v16;
	v12 =	vbroadcast v20, $0x0;
	[tilespmem:s7+$0x42E0] =	vst.add.f32.msk $0xffff, v14  }
0x689: {  	v15 =	vperm.xlane v23, v2;
	(v2sf) =	vpush v23, $0x0;
	v11 =	vperm.xlane v27, v2;
	v20 =	vld [tilespmem:s22+$0xFFFFFF00]  }
0x68a: {  	v23 =	vmul.f32 v12, v21;
	v16 =	vbroadcast v27, $0x0  }
0x68b: {  	s9 =	simm.s32 $0x3270;
	s21 =	simm.s32 $0x8;
	[tilespmem:s12+$0x42F0] =	vst.add.f32.msk $0xffff, v18;
	(v2sf) =	vpush v15, $0x0;
	v14 =	vbroadcast v11, $0x0;
	v18 =	vmul.f32 v26, v8  }
.LBB2_17:
0x68c: {  	v19 =	vld [tilespmem:s9+$0xFFFFFE10];
	v26 =	vmul.f32 v16, v17;
	v17 =	vmul.f32 v24, v7  }
0x68d: {  	v24 =	vmul.f32 v9, v14;
	v9 =	vmul.f32 v25, v6;
	[tilespmem:s11+$0x42E0] =	vst.add.f32.msk $0xffff, v18  }
0x68e: {  	v18 =	vmul.f32 v20, v10;
	[tilespmem:s10+$0x42E0] =	vst.add.f32.msk $0xffff, v17;
	v10 =	vmov v13  }
0x68f: {  	[tilespmem:s3+$0x42E0] =	vst.add.f32.msk $0xffff, v9  }
0x690: {  	v13 =	vld [tilespmem:s22+$0x0]  }
0x691: {  	v21 =	vld [tilespmem:s22+$0xFFFFFF80];
	v9 =	vmov v19;
	s22 =	smov.u32 s6;
	s6 =	smov.u32 s31;
	s31 =	smov.u32 s9  }
0x692: {  	v19 =	vld [tilespmem:s22+$0xFFFFFE80]  }
0x693: {  	[tilespmem:s7+$0x42F0] =	vst.add.f32.msk $0xffff, v18  }
0x694: {  	v20 =	vld [tilespmem:s6+$0xFFFFFE90];
	s7 =	spop (v2sf)  }
0x695: {  	v18 =	vld [tilespmem:s6+$0xFFFFFF10];
	s7 =	sshll.u32 s7, $0x9;
	v13 =	vmul.f32 v13, v8;
	v8 =	vmov v16  }
0x696: {  	v17 =	vld [tilespmem:s6+$0xFFFFFF90];
	s7 =	sshra.s32 s7, $0x2;
	s12 =	spop (v2sf);
	v21 =	vmul.f32 v21, v7;
	v7 =	vmov v12  }
0x697: {  	v19 =	vmul.f32 v19, v6;
	[tilespmem:s7+$0x4280] =	vst.add.f32.msk $0xffff, v22;
	s12 =	sshll.u32 s12, $0x9;
	v6 =	vmov v14  }
0x698: {  	v12 =	vld [tilespmem:s22+$0xFFFFFEA0];
	s12 =	sshra.s32 s12, $0x2;
	s23 =	spop (v2sf)  }
0x699: {  	[tilespmem:s12+$0x4280] =	vst.add.f32.msk $0xffff, v23;
	s23 =	sshll.u32 s23, $0x9  }
0x69a: {  	s28 =	spop (v2sf);
	v14 =	vld [tilespmem:s22+$0xFFFFFF20];
	s23 =	sshra.s32 s23, $0x2  }
0x69b: {  	s28 =	sshll.u32 s28, $0x9;
	[tilespmem:s23+$0x4280] =	vst.add.f32.msk $0xffff, v26  }
0x69c: {  	s28 =	sshra.s32 s28, $0x2;
	v16 =	vld [tilespmem:s22+$0xFFFFFFA0]  }
0x69d: {  	[tilespmem:s28+$0x4280] =	vst.add.f32.msk $0xffff, v24;
	v12 =	vmul.f32 v12, v10  }
0x69e: {  	v22 =	vld [tilespmem:s6+$0xFFFFFE20]  }
0x69f: {  	[tilespmem:s7+$0x4290] =	vst.add.f32.msk $0xffff, v12;
	v12 =	vmul.f32 v14, v7  }
0x6a0: {  	v14 =	vld [tilespmem:s22+$0xFFFFFEB0]  }
0x6a1: {  	[tilespmem:s12+$0x4290] =	vst.add.f32.msk $0xffff, v12;
	v12 =	vmul.f32 v16, v8  }
0x6a2: {  	v16 =	vld [tilespmem:s22+$0xFFFFFF30]  }
0x6a3: {  	v22 =	vmul.f32 v22, v6;
	[tilespmem:s23+$0x4290] =	vst.add.f32.msk $0xffff, v12  }
0x6a4: {  	v12 =	vld [tilespmem:s22+$0xFFFFFFB0]  }
0x6a5: {  	[tilespmem:s28+$0x4290] =	vst.add.f32.msk $0xffff, v22;
	v14 =	vmul.f32 v14, v10  }
0x6a6: {  	v22 =	vld [tilespmem:s6+$0xFFFFFE30]  }
0x6a7: {  	[tilespmem:s7+$0x42A0] =	vst.add.f32.msk $0xffff, v14;
	v14 =	vmul.f32 v16, v7  }
0x6a8: {  	v16 =	vld [tilespmem:s22+$0xFFFFFEC0]  }
0x6a9: {  	[tilespmem:s12+$0x42A0] =	vst.add.f32.msk $0xffff, v14;
	v12 =	vmul.f32 v12, v8  }
0x6aa: {  	v14 =	vld [tilespmem:s22+$0xFFFFFF40]  }
0x6ab: {  	v22 =	vmul.f32 v22, v6;
	[tilespmem:s23+$0x42A0] =	vst.add.f32.msk $0xffff, v12  }
0x6ac: {  	v12 =	vld [tilespmem:s22+$0xFFFFFFC0]  }
0x6ad: {  	[tilespmem:s28+$0x42A0] =	vst.add.f32.msk $0xffff, v22;
	v16 =	vmul.f32 v16, v10  }
0x6ae: {  	v22 =	vld [tilespmem:s6+$0xFFFFFE40]  }
0x6af: {  	[tilespmem:s7+$0x42B0] =	vst.add.f32.msk $0xffff, v16;
	v14 =	vmul.f32 v14, v7  }
0x6b0: {  	v16 =	vld [tilespmem:s22+$0xFFFFFED0]  }
0x6b1: {  	[tilespmem:s12+$0x42B0] =	vst.add.f32.msk $0xffff, v14;
	v12 =	vmul.f32 v12, v8  }
0x6b2: {  	v14 =	vld [tilespmem:s22+$0xFFFFFF50]  }
0x6b3: {  	v22 =	vmul.f32 v22, v6;
	[tilespmem:s23+$0x42B0] =	vst.add.f32.msk $0xffff, v12  }
0x6b4: {  	v12 =	vld [tilespmem:s22+$0xFFFFFFD0]  }
0x6b5: {  	[tilespmem:s28+$0x42B0] =	vst.add.f32.msk $0xffff, v22;
	v16 =	vmul.f32 v16, v10  }
0x6b6: {  	v22 =	vld [tilespmem:s6+$0xFFFFFE50]  }
0x6b7: {  	[tilespmem:s7+$0x42C0] =	vst.add.f32.msk $0xffff, v16;
	v14 =	vmul.f32 v14, v7  }
0x6b8: {  	v16 =	vld [tilespmem:s22+$0xFFFFFEE0]  }
0x6b9: {  	s21 =	sadd.s32 $0x4, s21;
	[tilespmem:s12+$0x42C0] =	vst.add.f32.msk $0xffff, v14;
	v12 =	vmul.f32 v12, v8  }
0x6ba: {  	p0 =	slt.u32 s21, $0xC;
	v14 =	vld [tilespmem:s22+$0xFFFFFF60]  }
0x6bb: {  	v22 =	vmul.f32 v22, v6;
	[tilespmem:s23+$0x42C0] =	vst.add.f32.msk $0xffff, v12  }
0x6bc: {  	v12 =	vld [tilespmem:s22+$0xFFFFFFE0]  }
0x6bd: {  	[tilespmem:s28+$0x42C0] =	vst.add.f32.msk $0xffff, v22;
	v16 =	vmul.f32 v16, v10  }
0x6be: {  	v22 =	vld [tilespmem:s6+$0xFFFFFE60]  }
0x6bf: {  	[tilespmem:s7+$0x42D0] =	vst.add.f32.msk $0xffff, v16;
	v14 =	vmul.f32 v14, v7  }
0x6c0: {  	v16 =	vld [tilespmem:s22+$0xFFFFFEF0]  }
0x6c1: {  	[tilespmem:s12+$0x42D0] =	vst.add.f32.msk $0xffff, v14;
	v12 =	vmul.f32 v12, v8  }
0x6c2: {  	v24 =	vld [tilespmem:s22+$0xFFFFFF70]  }
0x6c3: {  	v11 =	vperm.xlane v11, v2;
	v14 =	vperm.xlane v15, v2;
	[tilespmem:s23+$0x42D0] =	vst.add.f32.msk $0xffff, v12  }
0x6c4: {  	v12 =	vmul.f32 v22, v6;
	v26 =	vld [tilespmem:s22+$0xFFFFFFF0]  }
0x6c5: {  	v23 =	vperm.xlane v11, v2;
	v15 =	vperm.xlane v14, v2;
	(v2sf) =	vpush v14, $0x0;
	[tilespmem:s11+$0x42F0] =	vst.add.f32.msk $0xffff, v13;
	s11 =	smov.u32 s23  }
0x6c6: {  	v13 =	vbroadcast v11, $0x0;
	v11 =	vmul.f32 v16, v10;
	[tilespmem:s28+$0x42D0] =	vst.add.f32.msk $0xffff, v12  }
.Ltmp11:
0x6c7: {  	v14 =	vperm.xlane v15, v2;
	v16 =	vperm.xlane v23, v2;
	v25 =	vld [tilespmem:s6+$0xFFFFFE70];
	(v2sf) =	vpush v15, $0x0;
	(pc) =	sbr.rel @p0 .LBB2_17-.Ltmp11, $4  }
0x6c8: {  	v12 =	vbroadcast v23, $0x0;
	v22 =	vmul.f32 v13, v20;
	[tilespmem:s7+$0x42E0] =	vst.add.f32.msk $0xffff, v11  }
0x6c9: {  	v15 =	vperm.xlane v14, v2;
	v11 =	vperm.xlane v16, v2;
	(v2sf) =	vpush v14, $0x0;
	v20 =	vld [tilespmem:s22+$0xFFFFFF00]  }
0x6ca: {  	v23 =	vmul.f32 v12, v18;
	v16 =	vbroadcast v16, $0x0;
	[tilespmem:s10+$0x42F0] =	vst.add.f32.msk $0xffff, v21;
	s10 =	smov.u32 s12  }
0x6cb: {  	s9 =	sadd.s32 $0x200, s9;
	v18 =	vmul.f32 v26, v8;
	v14 =	vbroadcast v11, $0x0;
	(v2sf) =	vpush v15, $0x0;
	[tilespmem:s3+$0x42F0] =	vst.add.f32.msk $0xffff, v19;
	s3 =	smov.u32 s28  }
0x6cc: {  	_ = 	snop  }
0x6cd: {  	v19 =	vmul.f32 v24, v7;
	v24 =	vld [tilespmem:s31+$0xFFFFFF90]  }
0x6ce: {  	v21 =	vmul.f32 v25, v6;
	[tilespmem:s11+$0x42E0] =	vst.add.f32.msk $0xffff, v18  }
0x6cf: {  	[tilespmem:s10+$0x42E0] =	vst.add.f32.msk $0xffff, v19  }
0x6d0: {  	[tilespmem:s3+$0x42E0] =	vst.add.f32.msk $0xffff, v21  }
0x6d1: {  	v18 =	vld [tilespmem:s22+$0x0]  }
0x6d2: {  	v21 =	vld [tilespmem:s31+$0xFFFFFF10]  }
0x6d3: {  	v19 =	vmul.f32 v20, v10;
	v20 =	vld [tilespmem:s22+$0xFFFFFF80]  }
0x6d4: {  	v10 =	vld [tilespmem:s6+$0xFFFFFE80];
	s23 =	spop (v2sf)  }
0x6d5: {  	[tilespmem:s7+$0x42F0] =	vst.add.f32.msk $0xffff, v19;
	s7 =	sshll.u32 s23, $0x9  }
0x6d6: {  	v19 =	vld [tilespmem:s31+$0xFFFFFE90];
	s7 =	sshra.s32 s7, $0x2;
	s9 =	spop (v2sf)  }
0x6d7: {  	[tilespmem:s7+$0x4280] =	vst.add.f32.msk $0xffff, v22;
	s9 =	sshll.u32 s9, $0x9  }
0x6d8: {  	v22 =	vld [tilespmem:s6+$0xFFFFFEA0];
	s9 =	sshra.s32 s9, $0x2;
	s12 =	spop (v2sf)  }
0x6d9: {  	v17 =	vmul.f32 v16, v17;
	[tilespmem:s9+$0x4280] =	vst.add.f32.msk $0xffff, v23;
	s12 =	sshll.u32 s12, $0x9  }
0x6da: {  	s28 =	spop (v2sf);
	v23 =	vld [tilespmem:s6+$0xFFFFFF20];
	s21 =	sshra.s32 s12, $0x2  }
0x6db: {  	v9 =	vmul.f32 v9, v14;
	s23 =	sshll.u32 s28, $0x9;
	[tilespmem:s21+$0x4280] =	vst.add.f32.msk $0xffff, v17  }
0x6dc: {  	s22 =	sshra.s32 s23, $0x2;
	v17 =	vld [tilespmem:s6+$0xFFFFFFA0]  }
0x6dd: {  	[tilespmem:s22+$0x4280] =	vst.add.f32.msk $0xffff, v9;
	v9 =	vmul.f32 v22, v13  }
0x6de: {  	v22 =	vld [tilespmem:s31+$0xFFFFFE20]  }
0x6df: {  	[tilespmem:s7+$0x4290] =	vst.add.f32.msk $0xffff, v9;
	v9 =	vmul.f32 v23, v12  }
0x6e0: {  	v23 =	vld [tilespmem:s6+$0xFFFFFEB0]  }
0x6e1: {  	[tilespmem:s9+$0x4290] =	vst.add.f32.msk $0xffff, v9;
	v9 =	vmul.f32 v17, v16  }
0x6e2: {  	v17 =	vld [tilespmem:s6+$0xFFFFFF30]  }
0x6e3: {  	v22 =	vmul.f32 v22, v14;
	[tilespmem:s21+$0x4290] =	vst.add.f32.msk $0xffff, v9  }
0x6e4: {  	v9 =	vld [tilespmem:s6+$0xFFFFFFB0]  }
0x6e5: {  	[tilespmem:s22+$0x4290] =	vst.add.f32.msk $0xffff, v22;
	v22 =	vmul.f32 v23, v13  }
0x6e6: {  	v23 =	vld [tilespmem:s31+$0xFFFFFE30]  }
0x6e7: {  	[tilespmem:s7+$0x42A0] =	vst.add.f32.msk $0xffff, v22;
	v17 =	vmul.f32 v17, v12  }
0x6e8: {  	v22 =	vld [tilespmem:s6+$0xFFFFFEC0]  }
0x6e9: {  	[tilespmem:s9+$0x42A0] =	vst.add.f32.msk $0xffff, v17;
	v9 =	vmul.f32 v9, v16  }
0x6ea: {  	v17 =	vld [tilespmem:s6+$0xFFFFFF40]  }
0x6eb: {  	v23 =	vmul.f32 v23, v14;
	[tilespmem:s21+$0x42A0] =	vst.add.f32.msk $0xffff, v9  }
0x6ec: {  	v9 =	vld [tilespmem:s6+$0xFFFFFFC0]  }
0x6ed: {  	[tilespmem:s22+$0x42A0] =	vst.add.f32.msk $0xffff, v23;
	v22 =	vmul.f32 v22, v13  }
0x6ee: {  	v23 =	vld [tilespmem:s31+$0xFFFFFE40]  }
0x6ef: {  	[tilespmem:s7+$0x42B0] =	vst.add.f32.msk $0xffff, v22;
	v17 =	vmul.f32 v17, v12  }
0x6f0: {  	v15 =	vperm.xlane v15, v2;
	v22 =	vld [tilespmem:s6+$0xFFFFFED0]  }
0x6f1: {  	v8 =	vmul.f32 v18, v8;
	[tilespmem:s9+$0x42B0] =	vst.add.f32.msk $0xffff, v17  }
0x6f2: {  	(v2sf) =	vpush v15, $0x0;
	v15 =	vperm.xlane v15, v2;
	v9 =	vmul.f32 v9, v16;
	v17 =	vld [tilespmem:s6+$0xFFFFFF50]  }
0x6f3: {  	[tilespmem:s11+$0x42F0] =	vst.add.f32.msk $0xffff, v8  }
0x6f4: {  	(v2sf) =	vpush v15, $0x0;
	v15 =	vperm.xlane v15, v2;
	v23 =	vmul.f32 v23, v14;
	[tilespmem:s21+$0x42B0] =	vst.add.f32.msk $0xffff, v9  }
0x6f5: {  	v9 =	vld [tilespmem:s6+$0xFFFFFFD0];
	v22 =	vmul.f32 v22, v13  }
0x6f6: {  	(v2sf) =	vpush v15, $0x0;
	[tilespmem:s22+$0x42B0] =	vst.add.f32.msk $0xffff, v23  }
0x6f7: {  	[tilespmem:s7+$0x42C0] =	vst.add.f32.msk $0xffff, v22;
	v15 =	vmul.f32 v17, v12  }
0x6f8: {  	v17 =	vld [tilespmem:s6+$0xFFFFFEE0]  }
0x6f9: {  	[tilespmem:s9+$0x42C0] =	vst.add.f32.msk $0xffff, v15  }
0x6fa: {  	v7 =	vmul.f32 v20, v7;
	v15 =	vld [tilespmem:s6+$0xFFFFFF60]  }
0x6fb: {  	v6 =	vmul.f32 v10, v6;
	v23 =	vld [tilespmem:s31+$0xFFFFFE50]  }
0x6fc: {  	[tilespmem:s10+$0x42F0] =	vst.add.f32.msk $0xffff, v7;
	v9 =	vmul.f32 v9, v16  }
0x6fd: {  	v11 =	vperm.xlane v11, v2;
	[tilespmem:s3+$0x42F0] =	vst.add.f32.msk $0xffff, v6;
	v17 =	vmul.f32 v17, v13  }
0x6fe: {  	[tilespmem:s21+$0x42C0] =	vst.add.f32.msk $0xffff, v9  }
0x6ff: {  	[tilespmem:s7+$0x42D0] =	vst.add.f32.msk $0xffff, v17;
	v15 =	vmul.f32 v15, v12;
	v17 =	vperm.xlane v11, v2  }
0x700: {  	v22 =	vmul.f32 v23, v14;
	v9 =	vld [tilespmem:s6+$0xFFFFFFE0];
	v11 =	vbroadcast v11, $0x0  }
0x701: {  	s28 =	spop (v2sf);
	[tilespmem:s9+$0x42D0] =	vst.add.f32.msk $0xffff, v15;
	v15 =	vperm.xlane v17, v2  }
0x702: {  	s12 =	sshll.u32 s28, $0x9;
	[tilespmem:s22+$0x42C0] =	vst.add.f32.msk $0xffff, v22;
	v8 =	vmul.f32 v11, v19;
	v17 =	vbroadcast v17, $0x0  }
0x703: {  	s10 =	sshra.s32 s12, $0x2;
	s23 =	spop (v2sf);
	v22 =	vld [tilespmem:s31+$0xFFFFFE60]  }
0x704: {  	s11 =	sshll.u32 s23, $0x9;
	v7 =	vmul.f32 v17, v21;
	v15 =	vbroadcast v15, $0x0;
	[tilespmem:s10+$0x4280] =	vst.add.f32.msk $0xffff, v8  }
0x705: {  	s11 =	sshra.s32 s11, $0x2;
	s28 =	spop (v2sf);
	v8 =	vld [tilespmem:s31+$0xFFFFFEA0]  }
0x706: {  	s12 =	sshll.u32 s28, $0x9;
	v19 =	vmul.f32 v15, v24;
	[tilespmem:s11+$0x4280] =	vst.add.f32.msk $0xffff, v7  }
0x707: {  	s12 =	sshra.s32 s12, $0x2;
	v7 =	vld [tilespmem:s31+$0xFFFFFF20]  }
0x708: {  	[tilespmem:s12+$0x4280] =	vst.add.f32.msk $0xffff, v19  }
0x709: {  	v9 =	vmul.f32 v9, v16;
	v19 =	vld [tilespmem:s31+$0xFFFFFFA0]  }
0x70a: {  	v18 =	vld [tilespmem:s6+$0xFFFFFEF0];
	v8 =	vmul.f32 v8, v11  }
0x70b: {  	[tilespmem:s21+$0x42D0] =	vst.add.f32.msk $0xffff, v9  }
0x70c: {  	[tilespmem:s10+$0x4290] =	vst.add.f32.msk $0xffff, v8;
	v7 =	vmul.f32 v7, v17  }
0x70d: {  	v8 =	vld [tilespmem:s31+$0xFFFFFEB0]  }
0x70e: {  	[tilespmem:s11+$0x4290] =	vst.add.f32.msk $0xffff, v7;
	v7 =	vmul.f32 v19, v15  }
0x70f: {  	v9 =	vld [tilespmem:s31+$0xFFFFFF30]  }
0x710: {  	[tilespmem:s12+$0x4290] =	vst.add.f32.msk $0xffff, v7  }
0x711: {  	v7 =	vmul.f32 v22, v14;
	v19 =	vld [tilespmem:s31+$0xFFFFFFB0]  }
0x712: {  	v20 =	vld [tilespmem:s6+$0xFFFFFF70];
	v8 =	vmul.f32 v8, v11  }
0x713: {  	[tilespmem:s22+$0x42D0] =	vst.add.f32.msk $0xffff, v7  }
0x714: {  	[tilespmem:s10+$0x42A0] =	vst.add.f32.msk $0xffff, v8;
	v7 =	vmul.f32 v9, v17  }
0x715: {  	v8 =	vld [tilespmem:s31+$0xFFFFFEC0]  }
0x716: {  	[tilespmem:s11+$0x42A0] =	vst.add.f32.msk $0xffff, v7;
	v7 =	vmul.f32 v19, v15  }
0x717: {  	v9 =	vld [tilespmem:s31+$0xFFFFFF40]  }
0x718: {  	[tilespmem:s12+$0x42A0] =	vst.add.f32.msk $0xffff, v7  }
0x719: {  	v7 =	vmul.f32 v18, v13;
	v18 =	vld [tilespmem:s31+$0xFFFFFFC0]  }
0x71a: {  	v21 =	vld [tilespmem:s6+$0xFFFFFFF0];
	v8 =	vmul.f32 v8, v11  }
0x71b: {  	[tilespmem:s7+$0x42E0] =	vst.add.f32.msk $0xffff, v7  }
0x71c: {  	[tilespmem:s10+$0x42B0] =	vst.add.f32.msk $0xffff, v8;
	v7 =	vmul.f32 v9, v17  }
0x71d: {  	v8 =	vld [tilespmem:s31+$0xFFFFFED0]  }
0x71e: {  	[tilespmem:s11+$0x42B0] =	vst.add.f32.msk $0xffff, v7;
	v7 =	vmul.f32 v18, v15  }
0x71f: {  	v9 =	vld [tilespmem:s31+$0xFFFFFF50]  }
0x720: {  	[tilespmem:s12+$0x42B0] =	vst.add.f32.msk $0xffff, v7  }
0x721: {  	v7 =	vld [tilespmem:s31+$0xFFFFFFD0]  }
0x722: {  	v19 =	vld [tilespmem:s31+$0xFFFFFE70];
	v8 =	vmul.f32 v8, v11  }
0x723: {  	v10 =	vld [tilespmem:s6+$0xFFFFFF00]  }
0x724: {  	[tilespmem:s10+$0x42C0] =	vst.add.f32.msk $0xffff, v8;
	v6 =	vmul.f32 v9, v17  }
0x725: {  	v8 =	vld [tilespmem:s31+$0xFFFFFEE0]  }
0x726: {  	[tilespmem:s11+$0x42C0] =	vst.add.f32.msk $0xffff, v6;
	v6 =	vmul.f32 v7, v15  }
0x727: {  	v7 =	vld [tilespmem:s31+$0xFFFFFF60]  }
0x728: {  	v19 =	vmul.f32 v19, v14;
	[tilespmem:s12+$0x42C0] =	vst.add.f32.msk $0xffff, v6  }
0x729: {  	v6 =	vmul.f32 v20, v12;
	v18 =	vld [tilespmem:s31+$0xFFFFFFE0]  }
0x72a: {  	[tilespmem:s22+$0x42E0] =	vst.add.f32.msk $0xffff, v19  }
0x72b: {  	[tilespmem:s9+$0x42E0] =	vst.add.f32.msk $0xffff, v6;
	v6 =	vmul.f32 v8, v11  }
0x72c: {  	v19 =	vld [tilespmem:s31+$0xFFFFFE80]  }
0x72d: {  	[tilespmem:s10+$0x42D0] =	vst.add.f32.msk $0xffff, v6;
	v6 =	vmul.f32 v7, v17  }
0x72e: {  	v7 =	vld [tilespmem:s31+$0xFFFFFEF0];
	v8 =	vmul.f32 v18, v15  }
0x72f: {  	[tilespmem:s11+$0x42D0] =	vst.add.f32.msk $0xffff, v6  }
0x730: {  	[tilespmem:s12+$0x42D0] =	vst.add.f32.msk $0xffff, v8  }
0x731: {  	v9 =	vmul.f32 v21, v16;
	v8 =	vld [tilespmem:s31+$0xFFFFFF70]  }
0x732: {  	v6 =	vld [tilespmem:s31+$0xFFFFFFF0]  }
0x733: {  	[tilespmem:s21+$0x42E0] =	vst.add.f32.msk $0xffff, v9  }
0x734: {  	v9 =	vld [tilespmem:s6+$0x0];
	v7 =	vmul.f32 v7, v11  }
0x735: {  	v18 =	vld [tilespmem:s6+$0xFFFFFF80]  }
0x736: {  	[tilespmem:s10+$0x42E0] =	vst.add.f32.msk $0xffff, v7;
	v8 =	vmul.f32 v8, v17  }
0x737: {  	v7 =	vld [tilespmem:s31+$0xFFFFFF00];
	v6 =	vmul.f32 v6, v15  }
0x738: {  	[tilespmem:s11+$0x42E0] =	vst.add.f32.msk $0xffff, v8  }
0x739: {  	[tilespmem:s12+$0x42E0] =	vst.add.f32.msk $0xffff, v6  }
0x73a: {  	v6 =	vmul.f32 v10, v13;
	v8 =	vld [tilespmem:s31+$0x0]  }
0x73b: {  	v9 =	vmul.f32 v9, v16;
	v10 =	vld [tilespmem:s31+$0xFFFFFF80]  }
0x73c: {  	[tilespmem:s7+$0x42F0] =	vst.add.f32.msk $0xffff, v6;
	v6 =	vmul.f32 v18, v12  }
0x73d: {  	[tilespmem:s21+$0x42F0] =	vst.add.f32.msk $0xffff, v9;
	v12 =	vmul.f32 v19, v14  }
0x73e: {  	[tilespmem:s9+$0x42F0] =	vst.add.f32.msk $0xffff, v6;
	v6 =	vmul.f32 v7, v11  }
0x73f: {  	[tilespmem:s22+$0x42F0] =	vst.add.f32.msk $0xffff, v12;
	v7 =	vmul.f32 v8, v15  }
0x740: {  	[tilespmem:s10+$0x42F0] =	vst.add.f32.msk $0xffff, v6;
	v6 =	vmul.f32 v10, v17  }
0x741: {  	[tilespmem:s12+$0x42F0] =	vst.add.f32.msk $0xffff, v7  }
0x742: {  	[tilespmem:s11+$0x42F0] =	vst.add.f32.msk $0xffff, v6  }
0x743: {  	v6 =	vld [tilespmem:$0x1E0];
	_ =	sdelay $0x4  }
0x744: {  	v6 =	vsub.s32 v6, v4  }
0x745: {  	vm0 =	vgt.s32 v6, $0x0  }
0x746: {  	v6 =	vnsel vm0, $0x0, v6  }
0x747: {  	v6 =	vmin.u32 v6, $0x18F  }
0x748: {  	(v2sf) =	vpush v6, $0x0;
	_ =	sdelay $0x7  }
0x749: {  	v7 =	vld [tilespmem:$0x260]  }
0x74a: {  	s7 =	sadd.s32 $0x60, s30  }
0x74b: {  	s22 =	simm.s32 $0x3470;
	v8 =	vor.u32 s7, v1  }
0x74c: {  	vm15 =	vge.s32 v8, v5;
	vm1 =	vlt.s32 v8, v3;
	v8 =	vld [tilespmem:s22+$0xFFFFFE10]  }
0x74d: {  	vm0 =	vmand vm15, vm1  }
0x74e: {  	v7 =	vnsel vm0, $0x0, v7  }
0x74f: {  	v11 =	vbroadcast v7, $0x0  }
0x750: {  	s9 =	spop (v2sf)  }
0x751: {  	v8 =	vmul.f32 v8, v11;
	s3 =	sshll.u32 s9, $0x9  }
0x752: {  	s12 =	sshra.s32 s3, $0x2  }
0x753: {  	[tilespmem:s12+$0x4280] =	vst.add.f32.msk $0xffff, v8  }
0x754: {  	v8 =	vld [tilespmem:s22+$0xFFFFFE20];
	_ =	sdelay $0x4  }
0x755: {  	v8 =	vmul.f32 v8, v11;
	_ =	sdelay $0x1  }
0x756: {  	[tilespmem:s12+$0x4290] =	vst.add.f32.msk $0xffff, v8  }
0x757: {  	v8 =	vld [tilespmem:s22+$0xFFFFFE30];
	_ =	sdelay $0x4  }
0x758: {  	v8 =	vmul.f32 v8, v11;
	_ =	sdelay $0x1  }
0x759: {  	[tilespmem:s12+$0x42A0] =	vst.add.f32.msk $0xffff, v8  }
0x75a: {  	v8 =	vld [tilespmem:s22+$0xFFFFFE40];
	_ =	sdelay $0x4  }
0x75b: {  	v8 =	vmul.f32 v8, v11;
	_ =	sdelay $0x1  }
0x75c: {  	[tilespmem:s12+$0x42B0] =	vst.add.f32.msk $0xffff, v8  }
0x75d: {  	v8 =	vld [tilespmem:s22+$0xFFFFFE50]  }
0x75e: {  	v6 =	vperm.xlane v6, v2;
	_ =	sdelay $0x1  }
0x75f: {  	v9 =	vperm.xlane v6, v2;
	_ =	sdelay $0x1  }
0x760: {  	(v2sf) =	vpush v6, $0x0;
	v6 =	vperm.xlane v9, v2;
	v8 =	vmul.f32 v8, v11;
	_ =	sdelay $0x1  }
0x761: {  	(v2sf) =	vpush v9, $0x0;
	v12 =	vperm.xlane v6, v2;
	[tilespmem:s12+$0x42C0] =	vst.add.f32.msk $0xffff, v8  }
0x762: {  	(v2sf) =	vpush v6, $0x0;
	v8 =	vld [tilespmem:s22+$0xFFFFFE60]  }
0x763: {  	(v2sf) =	vpush v12, $0x0;
	_ =	sdelay $0x3  }
0x764: {  	v8 =	vmul.f32 v8, v11;
	_ =	sdelay $0x1  }
0x765: {  	v7 =	vperm.xlane v7, v2;
	[tilespmem:s12+$0x42D0] =	vst.add.f32.msk $0xffff, v8  }
0x766: {  	v8 =	vld [tilespmem:s22+$0xFFFFFE90]  }
0x767: {  	v16 =	vperm.xlane v7, v2;
	v6 =	vld [tilespmem:s22+$0xFFFFFE70];
	_ =	sdelay $0x1  }
0x768: {  	s6 =	simm.s32 $0x3670;
	v10 =	vbroadcast v7, $0x0;
	v7 =	vperm.xlane v16, v2  }
0x769: {  	v13 =	vld [tilespmem:s6+$0xFFFFFE10];
	s10 =	spop (v2sf)  }
0x76a: {  	v14 =	vld [tilespmem:s22+$0xFFFFFF10];
	v19 =	vperm.xlane v7, v2;
	s3 =	sshll.u32 s10, $0x9;
	v8 =	vmul.f32 v10, v8  }
0x76b: {  	v15 =	vld [tilespmem:s22+$0xFFFFFF90];
	s7 =	sshra.s32 s3, $0x2;
	s11 =	spop (v2sf);
	v6 =	vmul.f32 v6, v11  }
0x76c: {  	s21 =	spop (v2sf);
	[tilespmem:s7+$0x4280] =	vst.add.f32.msk $0xffff, v8;
	v8 =	vbroadcast v19, $0x0  }
0x76d: {  	s23 =	spop (v2sf);
	[tilespmem:s12+$0x42E0] =	vst.add.f32.msk $0xffff, v6;
	v6 =	vbroadcast v16, $0x0  }
0x76e: {  	s28 =	sshll.u32 s23, $0x9;
	v17 =	vld [tilespmem:s22+$0xFFFFFEA0];
	v13 =	vmul.f32 v13, v8  }
0x76f: {  	s3 =	sshll.u32 s11, $0x9;
	s10 =	sshra.s32 s28, $0x2;
	v14 =	vmul.f32 v6, v14  }
0x770: {  	s3 =	sshra.s32 s3, $0x2;
	[tilespmem:s10+$0x4280] =	vst.add.f32.msk $0xffff, v13  }
0x771: {  	v7 =	vbroadcast v7, $0x0;
	[tilespmem:s3+$0x4280] =	vst.add.f32.msk $0xffff, v14  }
0x772: {  	v14 =	vld [tilespmem:s22+$0xFFFFFF20]  }
0x773: {  	v15 =	vmul.f32 v7, v15;
	s9 =	sshll.u32 s21, $0x9;
	v13 =	vmul.f32 v17, v10;
	v17 =	vld [tilespmem:s6+$0xFFFFFE20]  }
0x774: {  	v21 =	vld [tilespmem:s6+$0xFFFFFF10];
	s11 =	sshra.s32 s9, $0x2  }
0x775: {  	[tilespmem:s11+$0x4280] =	vst.add.f32.msk $0xffff, v15  }
0x776: {  	v15 =	vld [tilespmem:s22+$0xFFFFFFA0]  }
0x777: {  	[tilespmem:s7+$0x4290] =	vst.add.f32.msk $0xffff, v13;
	v13 =	vmul.f32 v14, v6  }
0x778: {  	v14 =	vld [tilespmem:s22+$0xFFFFFEB0];
	v17 =	vmul.f32 v17, v8  }
0x779: {  	[tilespmem:s3+$0x4290] =	vst.add.f32.msk $0xffff, v13  }
0x77a: {  	[tilespmem:s10+$0x4290] =	vst.add.f32.msk $0xffff, v17  }
0x77b: {  	v13 =	vmul.f32 v15, v7;
	v15 =	vld [tilespmem:s22+$0xFFFFFF30]  }
0x77c: {  	s31 =	simm.s32 $0x3870;
	v17 =	vld [tilespmem:s6+$0xFFFFFE30]  }
0x77d: {  	v9 =	vld [tilespmem:s31+$0xFFFFFE10]  }
0x77e: {  	[tilespmem:s11+$0x4290] =	vst.add.f32.msk $0xffff, v13;
	v14 =	vmul.f32 v14, v10  }
0x77f: {  	v13 =	vld [tilespmem:s22+$0xFFFFFFB0]  }
0x780: {  	[tilespmem:s7+$0x42A0] =	vst.add.f32.msk $0xffff, v14;
	v14 =	vmul.f32 v15, v6  }
0x781: {  	v15 =	vld [tilespmem:s22+$0xFFFFFEC0];
	v17 =	vmul.f32 v17, v8  }
0x782: {  	[tilespmem:s3+$0x42A0] =	vst.add.f32.msk $0xffff, v14  }
0x783: {  	[tilespmem:s10+$0x42A0] =	vst.add.f32.msk $0xffff, v17  }
0x784: {  	v14 =	vld [tilespmem:s22+$0xFFFFFF40]  }
0x785: {  	v13 =	vmul.f32 v13, v7;
	v17 =	vld [tilespmem:s6+$0xFFFFFE40]  }
0x786: {  	v16 =	vld [tilespmem:s6+$0xFFFFFE90]  }
0x787: {  	[tilespmem:s11+$0x42A0] =	vst.add.f32.msk $0xffff, v13;
	v15 =	vmul.f32 v15, v10  }
0x788: {  	v13 =	vld [tilespmem:s22+$0xFFFFFFC0]  }
0x789: {  	[tilespmem:s7+$0x42B0] =	vst.add.f32.msk $0xffff, v15;
	v14 =	vmul.f32 v14, v6  }
0x78a: {  	v15 =	vld [tilespmem:s22+$0xFFFFFED0];
	v17 =	vmul.f32 v17, v8  }
0x78b: {  	[tilespmem:s3+$0x42B0] =	vst.add.f32.msk $0xffff, v14  }
0x78c: {  	[tilespmem:s10+$0x42B0] =	vst.add.f32.msk $0xffff, v17  }
0x78d: {  	v14 =	vld [tilespmem:s22+$0xFFFFFF50]  }
0x78e: {  	v13 =	vmul.f32 v13, v7;
	v17 =	vld [tilespmem:s6+$0xFFFFFE50]  }
0x78f: {  	v18 =	vld [tilespmem:s22+$0xFFFFFE80]  }
0x790: {  	[tilespmem:s11+$0x42B0] =	vst.add.f32.msk $0xffff, v13;
	v15 =	vmul.f32 v15, v10  }
0x791: {  	v13 =	vld [tilespmem:s22+$0xFFFFFFD0]  }
0x792: {  	[tilespmem:s7+$0x42C0] =	vst.add.f32.msk $0xffff, v15;
	v14 =	vmul.f32 v14, v6  }
0x793: {  	v15 =	vld [tilespmem:s22+$0xFFFFFEE0];
	v17 =	vmul.f32 v17, v8  }
0x794: {  	[tilespmem:s3+$0x42C0] =	vst.add.f32.msk $0xffff, v14  }
0x795: {  	[tilespmem:s10+$0x42C0] =	vst.add.f32.msk $0xffff, v17  }
0x796: {  	v13 =	vmul.f32 v13, v7;
	v14 =	vld [tilespmem:s22+$0xFFFFFF60]  }
0x797: {  	v20 =	vld [tilespmem:s6+$0xFFFFFE60]  }
0x798: {  	[tilespmem:s11+$0x42C0] =	vst.add.f32.msk $0xffff, v13  }
0x799: {  	v13 =	vld [tilespmem:s22+$0xFFFFFFE0];
	v15 =	vmul.f32 v15, v10  }
0x79a: {  	v17 =	vld [tilespmem:s6+$0xFFFFFF90]  }
0x79b: {  	[tilespmem:s7+$0x42D0] =	vst.add.f32.msk $0xffff, v15;
	v14 =	vmul.f32 v14, v6  }
0x79c: {  	v18 =	vmul.f32 v18, v11;
	v15 =	vld [tilespmem:s22+$0xFFFFFEF0];
	v11 =	vmul.f32 v20, v8  }
0x79d: {  	v12 =	vperm.xlane v12, v2;
	[tilespmem:s3+$0x42D0] =	vst.add.f32.msk $0xffff, v14  }
0x79e: {  	v13 =	vmul.f32 v13, v7;
	v14 =	vperm.xlane v19, v2;
	[tilespmem:s10+$0x42D0] =	vst.add.f32.msk $0xffff, v11  }
0x79f: {  	v24 =	vld [tilespmem:s22+$0xFFFFFF70]  }
0x7a0: {  	(v2sf) =	vpush v12, $0x0;
	v19 =	vperm.xlane v12, v2;
	[tilespmem:s11+$0x42D0] =	vst.add.f32.msk $0xffff, v13;
	v20 =	vperm.xlane v14, v2  }
0x7a1: {  	v13 =	vbroadcast v14, $0x0;
	v26 =	vld [tilespmem:s22+$0xFFFFFFF0];
	v14 =	vmul.f32 v15, v10  }
0x7a2: {  	v25 =	vld [tilespmem:s6+$0xFFFFFE70];
	v23 =	vperm.xlane v19, v2;
	(v2sf) =	vpush v19, $0x0;
	v27 =	vperm.xlane v20, v2  }
0x7a3: {  	v22 =	vmul.f32 v13, v16;
	v12 =	vbroadcast v20, $0x0;
	[tilespmem:s7+$0x42E0] =	vst.add.f32.msk $0xffff, v14  }
0x7a4: {  	v15 =	vperm.xlane v23, v2;
	(v2sf) =	vpush v23, $0x0;
	v11 =	vperm.xlane v27, v2;
	v20 =	vld [tilespmem:s22+$0xFFFFFF00]  }
0x7a5: {  	v23 =	vmul.f32 v12, v21;
	v16 =	vbroadcast v27, $0x0  }
0x7a6: {  	s21 =	simm.s32 $0x8;
	s9 =	simm.s32 $0x3A70;
	[tilespmem:s12+$0x42F0] =	vst.add.f32.msk $0xffff, v18;
	(v2sf) =	vpush v15, $0x0;
	v14 =	vbroadcast v11, $0x0;
	v18 =	vmul.f32 v26, v7  }
.LBB2_19:
0x7a7: {  	v19 =	vld [tilespmem:s9+$0xFFFFFE10];
	v26 =	vmul.f32 v16, v17;
	v17 =	vmul.f32 v24, v6  }
0x7a8: {  	v24 =	vmul.f32 v9, v14;
	v9 =	vmul.f32 v25, v8;
	[tilespmem:s11+$0x42E0] =	vst.add.f32.msk $0xffff, v18  }
0x7a9: {  	v18 =	vmul.f32 v20, v10;
	[tilespmem:s3+$0x42E0] =	vst.add.f32.msk $0xffff, v17;
	v10 =	vmov v13  }
0x7aa: {  	[tilespmem:s10+$0x42E0] =	vst.add.f32.msk $0xffff, v9  }
0x7ab: {  	v13 =	vld [tilespmem:s22+$0x0]  }
0x7ac: {  	v21 =	vld [tilespmem:s22+$0xFFFFFF80];
	v9 =	vmov v19;
	s22 =	smov.u32 s6;
	s6 =	smov.u32 s31;
	s31 =	smov.u32 s9  }
0x7ad: {  	v19 =	vld [tilespmem:s22+$0xFFFFFE80]  }
0x7ae: {  	[tilespmem:s7+$0x42F0] =	vst.add.f32.msk $0xffff, v18  }
0x7af: {  	v20 =	vld [tilespmem:s6+$0xFFFFFE90];
	s7 =	spop (v2sf)  }
0x7b0: {  	v18 =	vld [tilespmem:s6+$0xFFFFFF10];
	s7 =	sshll.u32 s7, $0x9;
	v13 =	vmul.f32 v13, v7;
	v7 =	vmov v16  }
0x7b1: {  	v17 =	vld [tilespmem:s6+$0xFFFFFF90];
	s7 =	sshra.s32 s7, $0x2;
	s12 =	spop (v2sf);
	v21 =	vmul.f32 v21, v6;
	v6 =	vmov v12  }
0x7b2: {  	v19 =	vmul.f32 v19, v8;
	[tilespmem:s7+$0x4280] =	vst.add.f32.msk $0xffff, v22;
	s12 =	sshll.u32 s12, $0x9;
	v8 =	vmov v14  }
0x7b3: {  	v12 =	vld [tilespmem:s22+$0xFFFFFEA0];
	s12 =	sshra.s32 s12, $0x2;
	s23 =	spop (v2sf)  }
0x7b4: {  	[tilespmem:s12+$0x4280] =	vst.add.f32.msk $0xffff, v23;
	s23 =	sshll.u32 s23, $0x9  }
0x7b5: {  	s28 =	spop (v2sf);
	v14 =	vld [tilespmem:s22+$0xFFFFFF20];
	s23 =	sshra.s32 s23, $0x2  }
0x7b6: {  	s28 =	sshll.u32 s28, $0x9;
	[tilespmem:s23+$0x4280] =	vst.add.f32.msk $0xffff, v26  }
0x7b7: {  	s28 =	sshra.s32 s28, $0x2;
	v16 =	vld [tilespmem:s22+$0xFFFFFFA0]  }
0x7b8: {  	[tilespmem:s28+$0x4280] =	vst.add.f32.msk $0xffff, v24;
	v12 =	vmul.f32 v12, v10  }
0x7b9: {  	v22 =	vld [tilespmem:s6+$0xFFFFFE20]  }
0x7ba: {  	[tilespmem:s7+$0x4290] =	vst.add.f32.msk $0xffff, v12;
	v12 =	vmul.f32 v14, v6  }
0x7bb: {  	v14 =	vld [tilespmem:s22+$0xFFFFFEB0]  }
0x7bc: {  	[tilespmem:s12+$0x4290] =	vst.add.f32.msk $0xffff, v12;
	v12 =	vmul.f32 v16, v7  }
0x7bd: {  	v16 =	vld [tilespmem:s22+$0xFFFFFF30]  }
0x7be: {  	v22 =	vmul.f32 v22, v8;
	[tilespmem:s23+$0x4290] =	vst.add.f32.msk $0xffff, v12  }
0x7bf: {  	v12 =	vld [tilespmem:s22+$0xFFFFFFB0]  }
0x7c0: {  	[tilespmem:s28+$0x4290] =	vst.add.f32.msk $0xffff, v22;
	v14 =	vmul.f32 v14, v10  }
0x7c1: {  	v22 =	vld [tilespmem:s6+$0xFFFFFE30]  }
0x7c2: {  	[tilespmem:s7+$0x42A0] =	vst.add.f32.msk $0xffff, v14;
	v14 =	vmul.f32 v16, v6  }
0x7c3: {  	v16 =	vld [tilespmem:s22+$0xFFFFFEC0]  }
0x7c4: {  	[tilespmem:s12+$0x42A0] =	vst.add.f32.msk $0xffff, v14;
	v12 =	vmul.f32 v12, v7  }
0x7c5: {  	v14 =	vld [tilespmem:s22+$0xFFFFFF40]  }
0x7c6: {  	v22 =	vmul.f32 v22, v8;
	[tilespmem:s23+$0x42A0] =	vst.add.f32.msk $0xffff, v12  }
0x7c7: {  	v12 =	vld [tilespmem:s22+$0xFFFFFFC0]  }
0x7c8: {  	[tilespmem:s28+$0x42A0] =	vst.add.f32.msk $0xffff, v22;
	v16 =	vmul.f32 v16, v10  }
0x7c9: {  	v22 =	vld [tilespmem:s6+$0xFFFFFE40]  }
0x7ca: {  	[tilespmem:s7+$0x42B0] =	vst.add.f32.msk $0xffff, v16;
	v14 =	vmul.f32 v14, v6  }
0x7cb: {  	v16 =	vld [tilespmem:s22+$0xFFFFFED0]  }
0x7cc: {  	[tilespmem:s12+$0x42B0] =	vst.add.f32.msk $0xffff, v14;
	v12 =	vmul.f32 v12, v7  }
0x7cd: {  	v14 =	vld [tilespmem:s22+$0xFFFFFF50]  }
0x7ce: {  	v22 =	vmul.f32 v22, v8;
	[tilespmem:s23+$0x42B0] =	vst.add.f32.msk $0xffff, v12  }
0x7cf: {  	v12 =	vld [tilespmem:s22+$0xFFFFFFD0]  }
0x7d0: {  	[tilespmem:s28+$0x42B0] =	vst.add.f32.msk $0xffff, v22;
	v16 =	vmul.f32 v16, v10  }
0x7d1: {  	v22 =	vld [tilespmem:s6+$0xFFFFFE50]  }
0x7d2: {  	[tilespmem:s7+$0x42C0] =	vst.add.f32.msk $0xffff, v16;
	v14 =	vmul.f32 v14, v6  }
0x7d3: {  	v16 =	vld [tilespmem:s22+$0xFFFFFEE0]  }
0x7d4: {  	s21 =	sadd.s32 $0x4, s21;
	[tilespmem:s12+$0x42C0] =	vst.add.f32.msk $0xffff, v14;
	v12 =	vmul.f32 v12, v7  }
0x7d5: {  	p0 =	slt.u32 s21, $0xC;
	v14 =	vld [tilespmem:s22+$0xFFFFFF60]  }
0x7d6: {  	v22 =	vmul.f32 v22, v8;
	[tilespmem:s23+$0x42C0] =	vst.add.f32.msk $0xffff, v12  }
0x7d7: {  	v12 =	vld [tilespmem:s22+$0xFFFFFFE0]  }
0x7d8: {  	[tilespmem:s28+$0x42C0] =	vst.add.f32.msk $0xffff, v22;
	v16 =	vmul.f32 v16, v10  }
0x7d9: {  	v22 =	vld [tilespmem:s6+$0xFFFFFE60]  }
0x7da: {  	[tilespmem:s7+$0x42D0] =	vst.add.f32.msk $0xffff, v16;
	v14 =	vmul.f32 v14, v6  }
0x7db: {  	v16 =	vld [tilespmem:s22+$0xFFFFFEF0]  }
0x7dc: {  	[tilespmem:s12+$0x42D0] =	vst.add.f32.msk $0xffff, v14;
	v12 =	vmul.f32 v12, v7  }
0x7dd: {  	v24 =	vld [tilespmem:s22+$0xFFFFFF70]  }
0x7de: {  	v11 =	vperm.xlane v11, v2;
	v14 =	vperm.xlane v15, v2;
	[tilespmem:s23+$0x42D0] =	vst.add.f32.msk $0xffff, v12  }
0x7df: {  	v12 =	vmul.f32 v22, v8;
	v26 =	vld [tilespmem:s22+$0xFFFFFFF0]  }
0x7e0: {  	v23 =	vperm.xlane v11, v2;
	v15 =	vperm.xlane v14, v2;
	(v2sf) =	vpush v14, $0x0;
	[tilespmem:s11+$0x42F0] =	vst.add.f32.msk $0xffff, v13;
	s11 =	smov.u32 s23  }
0x7e1: {  	v13 =	vbroadcast v11, $0x0;
	v11 =	vmul.f32 v16, v10;
	[tilespmem:s28+$0x42D0] =	vst.add.f32.msk $0xffff, v12  }
.Ltmp12:
0x7e2: {  	v14 =	vperm.xlane v15, v2;
	v16 =	vperm.xlane v23, v2;
	v25 =	vld [tilespmem:s6+$0xFFFFFE70];
	(v2sf) =	vpush v15, $0x0;
	(pc) =	sbr.rel @p0 .LBB2_19-.Ltmp12, $4  }
0x7e3: {  	v12 =	vbroadcast v23, $0x0;
	v22 =	vmul.f32 v13, v20;
	[tilespmem:s7+$0x42E0] =	vst.add.f32.msk $0xffff, v11  }
0x7e4: {  	v15 =	vperm.xlane v14, v2;
	v11 =	vperm.xlane v16, v2;
	(v2sf) =	vpush v14, $0x0;
	v20 =	vld [tilespmem:s22+$0xFFFFFF00]  }
0x7e5: {  	v23 =	vmul.f32 v12, v18;
	v16 =	vbroadcast v16, $0x0;
	[tilespmem:s3+$0x42F0] =	vst.add.f32.msk $0xffff, v21;
	s3 =	smov.u32 s12  }
0x7e6: {  	s9 =	sadd.s32 $0x200, s9;
	v18 =	vmul.f32 v26, v7;
	v14 =	vbroadcast v11, $0x0;
	(v2sf) =	vpush v15, $0x0;
	[tilespmem:s10+$0x42F0] =	vst.add.f32.msk $0xffff, v19;
	s10 =	smov.u32 s28  }
0x7e7: {  	_ = 	snop  }
0x7e8: {  	v19 =	vmul.f32 v24, v6  }
0x7e9: {  	v21 =	vmul.f32 v25, v8;
	[tilespmem:s11+$0x42E0] =	vst.add.f32.msk $0xffff, v18  }
0x7ea: {  	[tilespmem:s3+$0x42E0] =	vst.add.f32.msk $0xffff, v19  }
0x7eb: {  	[tilespmem:s10+$0x42E0] =	vst.add.f32.msk $0xffff, v21  }
0x7ec: {  	v18 =	vld [tilespmem:s22+$0x0]  }
0x7ed: {  	v21 =	vld [tilespmem:s31+$0xFFFFFF10]  }
0x7ee: {  	v10 =	vmul.f32 v20, v10;
	v19 =	vld [tilespmem:s22+$0xFFFFFF80]  }
0x7ef: {  	v20 =	vld [tilespmem:s6+$0xFFFFFE80];
	s23 =	spop (v2sf)  }
0x7f0: {  	v15 =	vperm.xlane v15, v2;
	[tilespmem:s7+$0x42F0] =	vst.add.f32.msk $0xffff, v10;
	s7 =	sshll.u32 s23, $0x9  }
0x7f1: {  	v10 =	vld [tilespmem:s31+$0xFFFFFE90];
	s7 =	sshra.s32 s7, $0x2;
	s9 =	spop (v2sf)  }
0x7f2: {  	(v2sf) =	vpush v15, $0x0;
	[tilespmem:s7+$0x4280] =	vst.add.f32.msk $0xffff, v22;
	s9 =	sshll.u32 s9, $0x9  }
0x7f3: {  	v22 =	vld [tilespmem:s6+$0xFFFFFEA0];
	s9 =	sshra.s32 s9, $0x2;
	s12 =	spop (v2sf)  }
0x7f4: {  	v17 =	vmul.f32 v16, v17;
	[tilespmem:s9+$0x4280] =	vst.add.f32.msk $0xffff, v23;
	s12 =	sshll.u32 s12, $0x9  }
0x7f5: {  	s28 =	spop (v2sf);
	v23 =	vld [tilespmem:s6+$0xFFFFFF20];
	s21 =	sshra.s32 s12, $0x2  }
0x7f6: {  	v9 =	vmul.f32 v9, v14;
	s23 =	sshll.u32 s28, $0x9;
	[tilespmem:s21+$0x4280] =	vst.add.f32.msk $0xffff, v17  }
0x7f7: {  	s22 =	sshra.s32 s23, $0x2;
	v17 =	vld [tilespmem:s6+$0xFFFFFFA0]  }
0x7f8: {  	[tilespmem:s22+$0x4280] =	vst.add.f32.msk $0xffff, v9;
	v9 =	vmul.f32 v22, v13  }
0x7f9: {  	v22 =	vld [tilespmem:s31+$0xFFFFFE20]  }
0x7fa: {  	[tilespmem:s7+$0x4290] =	vst.add.f32.msk $0xffff, v9;
	v9 =	vmul.f32 v23, v12  }
0x7fb: {  	v6 =	vmul.f32 v19, v6;
	v23 =	vld [tilespmem:s6+$0xFFFFFEB0]  }
0x7fc: {  	[tilespmem:s9+$0x4290] =	vst.add.f32.msk $0xffff, v9;
	v9 =	vmul.f32 v17, v16  }
0x7fd: {  	v11 =	vperm.xlane v11, v2;
	[tilespmem:s3+$0x42F0] =	vst.add.f32.msk $0xffff, v6  }
0x7fe: {  	v22 =	vmul.f32 v22, v14;
	[tilespmem:s21+$0x4290] =	vst.add.f32.msk $0xffff, v9  }
0x7ff: {  	v7 =	vmul.f32 v18, v7;
	v18 =	vperm.xlane v11, v2;
	v9 =	vld [tilespmem:s6+$0xFFFFFFB0]  }
0x800: {  	v11 =	vbroadcast v11, $0x0;
	v8 =	vmul.f32 v20, v8;
	[tilespmem:s22+$0x4290] =	vst.add.f32.msk $0xffff, v22  }
0x801: {  	s28 =	spop (v2sf);
	v22 =	vmul.f32 v23, v13;
	v23 =	vld [tilespmem:s31+$0xFFFFFE30]  }
0x802: {  	v10 =	vmul.f32 v11, v10;
	[tilespmem:s10+$0x42F0] =	vst.add.f32.msk $0xffff, v8;
	s12 =	sshll.u32 s28, $0x9  }
0x803: {  	v17 =	vld [tilespmem:s6+$0xFFFFFF30];
	s3 =	sshra.s32 s12, $0x2  }
0x804: {  	[tilespmem:s3+$0x4280] =	vst.add.f32.msk $0xffff, v10;
	v9 =	vmul.f32 v9, v16  }
0x805: {  	[tilespmem:s7+$0x42A0] =	vst.add.f32.msk $0xffff, v22  }
0x806: {  	v23 =	vmul.f32 v23, v14;
	[tilespmem:s21+$0x42A0] =	vst.add.f32.msk $0xffff, v9  }
0x807: {  	v9 =	vld [tilespmem:s6+$0xFFFFFFC0]  }
0x808: {  	[tilespmem:s22+$0x42A0] =	vst.add.f32.msk $0xffff, v23  }
0x809: {  	v23 =	vld [tilespmem:s31+$0xFFFFFE40]  }
0x80a: {  	v17 =	vmul.f32 v17, v12;
	v8 =	vld [tilespmem:s31+$0xFFFFFEA0]  }
0x80b: {  	v22 =	vld [tilespmem:s6+$0xFFFFFEC0]  }
0x80c: {  	[tilespmem:s9+$0x42A0] =	vst.add.f32.msk $0xffff, v17;
	v9 =	vmul.f32 v9, v16  }
0x80d: {  	v17 =	vld [tilespmem:s6+$0xFFFFFF40]  }
0x80e: {  	v23 =	vmul.f32 v23, v14;
	[tilespmem:s21+$0x42B0] =	vst.add.f32.msk $0xffff, v9;
	v9 =	vperm.xlane v15, v2  }
0x80f: {  	[tilespmem:s11+$0x42F0] =	vst.add.f32.msk $0xffff, v7;
	v8 =	vmul.f32 v8, v11  }
0x810: {  	[tilespmem:s22+$0x42B0] =	vst.add.f32.msk $0xffff, v23;
	v23 =	vperm.xlane v9, v2;
	(v2sf) =	vpush v9, $0x0  }
0x811: {  	v22 =	vmul.f32 v22, v13;
	[tilespmem:s3+$0x4290] =	vst.add.f32.msk $0xffff, v8  }
0x812: {  	v8 =	vld [tilespmem:s31+$0xFFFFFEB0];
	(v2sf) =	vpush v23, $0x0  }
0x813: {  	[tilespmem:s7+$0x42B0] =	vst.add.f32.msk $0xffff, v22;
	v17 =	vmul.f32 v17, v12  }
0x814: {  	v22 =	vld [tilespmem:s6+$0xFFFFFED0]  }
0x815: {  	[tilespmem:s9+$0x42B0] =	vst.add.f32.msk $0xffff, v17  }
0x816: {  	v17 =	vld [tilespmem:s6+$0xFFFFFF50]  }
0x817: {  	v15 =	vld [tilespmem:s6+$0xFFFFFFD0];
	v8 =	vmul.f32 v8, v11  }
0x818: {  	v9 =	vld [tilespmem:s31+$0xFFFFFF90]  }
0x819: {  	v22 =	vmul.f32 v22, v13;
	[tilespmem:s3+$0x42A0] =	vst.add.f32.msk $0xffff, v8  }
0x81a: {  	v23 =	vld [tilespmem:s31+$0xFFFFFE50]  }
0x81b: {  	[tilespmem:s7+$0x42C0] =	vst.add.f32.msk $0xffff, v22;
	v17 =	vmul.f32 v17, v12  }
0x81c: {  	v22 =	vld [tilespmem:s6+$0xFFFFFEE0]  }
0x81d: {  	[tilespmem:s9+$0x42C0] =	vst.add.f32.msk $0xffff, v17;
	v15 =	vmul.f32 v15, v16  }
0x81e: {  	v7 =	vperm.xlane v18, v2;
	v18 =	vbroadcast v18, $0x0;
	v17 =	vld [tilespmem:s6+$0xFFFFFF60]  }
0x81f: {  	[tilespmem:s21+$0x42C0] =	vst.add.f32.msk $0xffff, v15;
	v23 =	vmul.f32 v23, v14;
	s23 =	spop (v2sf)  }
0x820: {  	v6 =	vmul.f32 v18, v21;
	v7 =	vbroadcast v7, $0x0;
	v15 =	vld [tilespmem:s6+$0xFFFFFFE0];
	s10 =	sshll.u32 s23, $0x9  }
0x821: {  	[tilespmem:s22+$0x42C0] =	vst.add.f32.msk $0xffff, v23;
	s10 =	sshra.s32 s10, $0x2;
	s28 =	spop (v2sf)  }
0x822: {  	v9 =	vmul.f32 v7, v9;
	[tilespmem:s10+$0x4280] =	vst.add.f32.msk $0xffff, v6;
	s11 =	sshll.u32 s28, $0x9  }
0x823: {  	v6 =	vld [tilespmem:s31+$0xFFFFFF20];
	s11 =	sshra.s32 s11, $0x2  }
0x824: {  	[tilespmem:s11+$0x4280] =	vst.add.f32.msk $0xffff, v9  }
0x825: {  	v22 =	vmul.f32 v22, v13;
	v9 =	vld [tilespmem:s31+$0xFFFFFFA0]  }
0x826: {  	v23 =	vld [tilespmem:s31+$0xFFFFFE60]  }
0x827: {  	[tilespmem:s7+$0x42D0] =	vst.add.f32.msk $0xffff, v22;
	v10 =	vmul.f32 v17, v12  }
0x828: {  	v19 =	vld [tilespmem:s6+$0xFFFFFEF0];
	v6 =	vmul.f32 v6, v18  }
0x829: {  	[tilespmem:s9+$0x42D0] =	vst.add.f32.msk $0xffff, v10  }
0x82a: {  	[tilespmem:s10+$0x4290] =	vst.add.f32.msk $0xffff, v6;
	v6 =	vmul.f32 v9, v7  }
0x82b: {  	v9 =	vld [tilespmem:s31+$0xFFFFFF30]  }
0x82c: {  	[tilespmem:s11+$0x4290] =	vst.add.f32.msk $0xffff, v6  }
0x82d: {  	v15 =	vmul.f32 v15, v16;
	v6 =	vld [tilespmem:s31+$0xFFFFFFB0]  }
0x82e: {  	v10 =	vld [tilespmem:s6+$0xFFFFFF70]  }
0x82f: {  	[tilespmem:s21+$0x42D0] =	vst.add.f32.msk $0xffff, v15  }
0x830: {  	v15 =	vld [tilespmem:s6+$0xFFFFFFF0];
	v8 =	vmul.f32 v9, v18  }
0x831: {  	v9 =	vld [tilespmem:s31+$0xFFFFFEC0]  }
0x832: {  	[tilespmem:s10+$0x42A0] =	vst.add.f32.msk $0xffff, v8;
	v6 =	vmul.f32 v6, v7  }
0x833: {  	v8 =	vld [tilespmem:s31+$0xFFFFFF40]  }
0x834: {  	v17 =	vmul.f32 v23, v14;
	[tilespmem:s11+$0x42A0] =	vst.add.f32.msk $0xffff, v6  }
0x835: {  	v6 =	vld [tilespmem:s31+$0xFFFFFFC0]  }
0x836: {  	[tilespmem:s22+$0x42D0] =	vst.add.f32.msk $0xffff, v17;
	v9 =	vmul.f32 v9, v11  }
0x837: {  	v17 =	vld [tilespmem:s31+$0xFFFFFE70]  }
0x838: {  	[tilespmem:s3+$0x42B0] =	vst.add.f32.msk $0xffff, v9;
	v8 =	vmul.f32 v8, v18  }
0x839: {  	v9 =	vld [tilespmem:s31+$0xFFFFFED0]  }
0x83a: {  	[tilespmem:s10+$0x42B0] =	vst.add.f32.msk $0xffff, v8;
	v6 =	vmul.f32 v6, v7  }
0x83b: {  	v8 =	vld [tilespmem:s31+$0xFFFFFF50]  }
0x83c: {  	v19 =	vmul.f32 v19, v13;
	[tilespmem:s11+$0x42B0] =	vst.add.f32.msk $0xffff, v6  }
0x83d: {  	v6 =	vld [tilespmem:s31+$0xFFFFFFD0]  }
0x83e: {  	[tilespmem:s7+$0x42E0] =	vst.add.f32.msk $0xffff, v19;
	v9 =	vmul.f32 v9, v11  }
0x83f: {  	v19 =	vld [tilespmem:s6+$0xFFFFFF00]  }
0x840: {  	[tilespmem:s3+$0x42C0] =	vst.add.f32.msk $0xffff, v9;
	v8 =	vmul.f32 v8, v18  }
0x841: {  	v9 =	vld [tilespmem:s31+$0xFFFFFEE0]  }
0x842: {  	[tilespmem:s10+$0x42C0] =	vst.add.f32.msk $0xffff, v8;
	v6 =	vmul.f32 v6, v7  }
0x843: {  	v8 =	vld [tilespmem:s31+$0xFFFFFF60]  }
0x844: {  	v15 =	vmul.f32 v15, v16;
	[tilespmem:s11+$0x42C0] =	vst.add.f32.msk $0xffff, v6  }
0x845: {  	v6 =	vmul.f32 v10, v12;
	v10 =	vld [tilespmem:s31+$0xFFFFFFE0]  }
0x846: {  	[tilespmem:s21+$0x42E0] =	vst.add.f32.msk $0xffff, v15;
	v17 =	vmul.f32 v17, v14  }
0x847: {  	[tilespmem:s9+$0x42E0] =	vst.add.f32.msk $0xffff, v6;
	v6 =	vmul.f32 v9, v11  }
0x848: {  	[tilespmem:s22+$0x42E0] =	vst.add.f32.msk $0xffff, v17  }
0x849: {  	[tilespmem:s3+$0x42D0] =	vst.add.f32.msk $0xffff, v6;
	v6 =	vmul.f32 v8, v18  }
0x84a: {  	v8 =	vld [tilespmem:s31+$0xFFFFFEF0];
	v9 =	vmul.f32 v10, v7  }
0x84b: {  	[tilespmem:s10+$0x42D0] =	vst.add.f32.msk $0xffff, v6  }
0x84c: {  	[tilespmem:s11+$0x42D0] =	vst.add.f32.msk $0xffff, v9  }
0x84d: {  	v9 =	vld [tilespmem:s31+$0xFFFFFF70]  }
0x84e: {  	v6 =	vld [tilespmem:s31+$0xFFFFFFF0]  }
0x84f: {  	v17 =	vld [tilespmem:s31+$0xFFFFFE80]  }
0x850: {  	v15 =	vld [tilespmem:s6+$0xFFFFFF80];
	v8 =	vmul.f32 v8, v11  }
0x851: {  	v10 =	vld [tilespmem:s6+$0x0]  }
0x852: {  	[tilespmem:s3+$0x42E0] =	vst.add.f32.msk $0xffff, v8;
	v9 =	vmul.f32 v9, v18  }
0x853: {  	v8 =	vld [tilespmem:s31+$0xFFFFFF00];
	v6 =	vmul.f32 v6, v7  }
0x854: {  	[tilespmem:s10+$0x42E0] =	vst.add.f32.msk $0xffff, v9  }
0x855: {  	[tilespmem:s11+$0x42E0] =	vst.add.f32.msk $0xffff, v6  }
0x856: {  	v6 =	vmul.f32 v19, v13;
	v9 =	vld [tilespmem:s31+$0x0]  }
0x857: {  	v10 =	vmul.f32 v10, v16;
	v13 =	vld [tilespmem:s31+$0xFFFFFF80]  }
0x858: {  	[tilespmem:s7+$0x42F0] =	vst.add.f32.msk $0xffff, v6;
	v6 =	vmul.f32 v15, v12  }
0x859: {  	[tilespmem:s21+$0x42F0] =	vst.add.f32.msk $0xffff, v10;
	v12 =	vmul.f32 v17, v14  }
0x85a: {  	[tilespmem:s9+$0x42F0] =	vst.add.f32.msk $0xffff, v6;
	v6 =	vmul.f32 v8, v11  }
0x85b: {  	[tilespmem:s22+$0x42F0] =	vst.add.f32.msk $0xffff, v12;
	v7 =	vmul.f32 v9, v7  }
0x85c: {  	[tilespmem:s3+$0x42F0] =	vst.add.f32.msk $0xffff, v6;
	v6 =	vmul.f32 v13, v18  }
0x85d: {  	[tilespmem:s11+$0x42F0] =	vst.add.f32.msk $0xffff, v7  }
0x85e: {  	[tilespmem:s10+$0x42F0] =	vst.add.f32.msk $0xffff, v6  }
0x85f: {  	v6 =	vld [tilespmem:$0x1F0];
	_ =	sdelay $0x4  }
0x860: {  	v6 =	vsub.s32 v6, v4  }
0x861: {  	vm0 =	vgt.s32 v6, $0x0  }
0x862: {  	v6 =	vnsel vm0, $0x0, v6  }
0x863: {  	v6 =	vmin.u32 v6, $0x18F  }
0x864: {  	(v2sf) =	vpush v6, $0x0;
	_ =	sdelay $0x7  }
0x865: {  	v7 =	vld [tilespmem:$0x270]  }
0x866: {  	s9 =	sadd.s32 $0x70, s30  }
0x867: {  	s22 =	simm.s32 $0x3C70;
	v8 =	vor.u32 s9, v1  }
0x868: {  	vm15 =	vge.s32 v8, v5;
	vm1 =	vlt.s32 v8, v3;
	v5 =	vld [tilespmem:s22+$0xFFFFFE10]  }
0x869: {  	vm0 =	vmand vm15, vm1  }
0x86a: {  	v7 =	vnsel vm0, $0x0, v7  }
0x86b: {  	v10 =	vbroadcast v7, $0x0  }
0x86c: {  	s10 =	spop (v2sf)  }
0x86d: {  	v5 =	vmul.f32 v5, v10;
	s3 =	sshll.u32 s10, $0x9  }
0x86e: {  	s12 =	sshra.s32 s3, $0x2  }
0x86f: {  	[tilespmem:s12+$0x4280] =	vst.add.f32.msk $0xffff, v5  }
0x870: {  	v5 =	vld [tilespmem:s22+$0xFFFFFE20];
	_ =	sdelay $0x4  }
0x871: {  	v5 =	vmul.f32 v5, v10;
	_ =	sdelay $0x1  }
0x872: {  	[tilespmem:s12+$0x4290] =	vst.add.f32.msk $0xffff, v5  }
0x873: {  	v5 =	vld [tilespmem:s22+$0xFFFFFE30];
	_ =	sdelay $0x4  }
0x874: {  	v5 =	vmul.f32 v5, v10;
	_ =	sdelay $0x1  }
0x875: {  	[tilespmem:s12+$0x42A0] =	vst.add.f32.msk $0xffff, v5  }
0x876: {  	v5 =	vld [tilespmem:s22+$0xFFFFFE40];
	_ =	sdelay $0x4  }
0x877: {  	v5 =	vmul.f32 v5, v10;
	_ =	sdelay $0x1  }
0x878: {  	[tilespmem:s12+$0x42B0] =	vst.add.f32.msk $0xffff, v5  }
0x879: {  	v5 =	vld [tilespmem:s22+$0xFFFFFE50];
	_ =	sdelay $0x4  }
0x87a: {  	v5 =	vmul.f32 v5, v10;
	_ =	sdelay $0x1  }
0x87b: {  	[tilespmem:s12+$0x42C0] =	vst.add.f32.msk $0xffff, v5;
	v5 =	vperm.xlane v6, v2;
	_ =	sdelay $0x1  }
0x87c: {  	v6 =	vld [tilespmem:s22+$0xFFFFFE60];
	v8 =	vperm.xlane v5, v2;
	(v2sf) =	vpush v5, $0x0;
	_ =	sdelay $0x1  }
0x87d: {  	v5 =	vperm.xlane v8, v2;
	(v2sf) =	vpush v8, $0x0;
	_ =	sdelay $0x1  }
0x87e: {  	v11 =	vperm.xlane v5, v2;
	(v2sf) =	vpush v5, $0x0  }
0x87f: {  	v6 =	vmul.f32 v6, v10  }
0x880: {  	(v2sf) =	vpush v11, $0x0  }
0x881: {  	[tilespmem:s12+$0x42D0] =	vst.add.f32.msk $0xffff, v6  }
0x882: {  	s6 =	simm.s32 $0x3E70;
	v5 =	vld [tilespmem:s22+$0xFFFFFE70]  }
0x883: {  	v12 =	vld [tilespmem:s6+$0xFFFFFE10]  }
0x884: {  	v13 =	vld [tilespmem:s22+$0xFFFFFF10]  }
0x885: {  	v7 =	vperm.xlane v7, v2;
	v6 =	vld [tilespmem:s22+$0xFFFFFE90]  }
0x886: {  	v14 =	vld [tilespmem:s22+$0xFFFFFF90]  }
0x887: {  	s30 =	simm.s32 $0x4070;
	v20 =	vld [tilespmem:s6+$0xFFFFFF10];
	v15 =	vperm.xlane v7, v2;
	v5 =	vmul.f32 v5, v10  }
0x888: {  	v9 =	vbroadcast v7, $0x0;
	v8 =	vld [tilespmem:s30+$0xFFFFFE10]  }
0x889: {  	v7 =	vperm.xlane v15, v2;
	[tilespmem:s12+$0x42E0] =	vst.add.f32.msk $0xffff, v5;
	s11 =	spop (v2sf)  }
0x88a: {  	v16 =	vmul.f32 v9, v6;
	v5 =	vbroadcast v15, $0x0;
	v15 =	vld [tilespmem:s6+$0xFFFFFE90];
	s3 =	sshll.u32 s11, $0x9  }
0x88b: {  	v18 =	vperm.xlane v7, v2;
	v17 =	vld [tilespmem:s22+$0xFFFFFE80];
	s7 =	sshra.s32 s3, $0x2;
	s21 =	spop (v2sf)  }
0x88c: {  	v6 =	vbroadcast v7, $0x0;
	v13 =	vmul.f32 v5, v13;
	[tilespmem:s7+$0x4280] =	vst.add.f32.msk $0xffff, v16;
	s3 =	sshll.u32 s21, $0x9  }
0x88d: {  	v16 =	vld [tilespmem:s22+$0xFFFFFEA0];
	s3 =	sshra.s32 s3, $0x2;
	s23 =	spop (v2sf)  }
0x88e: {  	v7 =	vbroadcast v18, $0x0;
	v14 =	vmul.f32 v6, v14;
	[tilespmem:s3+$0x4280] =	vst.add.f32.msk $0xffff, v13;
	s9 =	sshll.u32 s23, $0x9  }
0x88f: {  	s28 =	spop (v2sf);
	v13 =	vld [tilespmem:s22+$0xFFFFFF20];
	s11 =	sshra.s32 s9, $0x2  }
0x890: {  	v12 =	vmul.f32 v12, v7;
	s31 =	sshll.u32 s28, $0x9;
	[tilespmem:s11+$0x4280] =	vst.add.f32.msk $0xffff, v14  }
0x891: {  	s10 =	sshra.s32 s31, $0x2;
	v14 =	vld [tilespmem:s22+$0xFFFFFFA0]  }
0x892: {  	[tilespmem:s10+$0x4280] =	vst.add.f32.msk $0xffff, v12;
	v12 =	vmul.f32 v16, v9  }
0x893: {  	v16 =	vld [tilespmem:s6+$0xFFFFFE20]  }
0x894: {  	[tilespmem:s7+$0x4290] =	vst.add.f32.msk $0xffff, v12;
	v12 =	vmul.f32 v13, v5  }
0x895: {  	v13 =	vld [tilespmem:s22+$0xFFFFFEB0]  }
0x896: {  	[tilespmem:s3+$0x4290] =	vst.add.f32.msk $0xffff, v12;
	v12 =	vmul.f32 v14, v6  }
0x897: {  	v14 =	vld [tilespmem:s22+$0xFFFFFF30]  }
0x898: {  	v16 =	vmul.f32 v16, v7;
	[tilespmem:s11+$0x4290] =	vst.add.f32.msk $0xffff, v12  }
0x899: {  	v12 =	vld [tilespmem:s22+$0xFFFFFFB0]  }
0x89a: {  	[tilespmem:s10+$0x4290] =	vst.add.f32.msk $0xffff, v16;
	v13 =	vmul.f32 v13, v9  }
0x89b: {  	v16 =	vld [tilespmem:s6+$0xFFFFFE30]  }
0x89c: {  	[tilespmem:s7+$0x42A0] =	vst.add.f32.msk $0xffff, v13;
	v13 =	vmul.f32 v14, v5  }
0x89d: {  	v14 =	vld [tilespmem:s22+$0xFFFFFEC0]  }
0x89e: {  	[tilespmem:s3+$0x42A0] =	vst.add.f32.msk $0xffff, v13;
	v12 =	vmul.f32 v12, v6  }
0x89f: {  	v13 =	vld [tilespmem:s22+$0xFFFFFF40]  }
0x8a0: {  	v16 =	vmul.f32 v16, v7;
	[tilespmem:s11+$0x42A0] =	vst.add.f32.msk $0xffff, v12  }
0x8a1: {  	v12 =	vld [tilespmem:s22+$0xFFFFFFC0]  }
0x8a2: {  	[tilespmem:s10+$0x42A0] =	vst.add.f32.msk $0xffff, v16;
	v14 =	vmul.f32 v14, v9  }
0x8a3: {  	v16 =	vld [tilespmem:s6+$0xFFFFFE40]  }
0x8a4: {  	[tilespmem:s7+$0x42B0] =	vst.add.f32.msk $0xffff, v14;
	v13 =	vmul.f32 v13, v5  }
0x8a5: {  	v14 =	vld [tilespmem:s22+$0xFFFFFED0]  }
0x8a6: {  	[tilespmem:s3+$0x42B0] =	vst.add.f32.msk $0xffff, v13;
	v12 =	vmul.f32 v12, v6  }
0x8a7: {  	v13 =	vld [tilespmem:s22+$0xFFFFFF50]  }
0x8a8: {  	v16 =	vmul.f32 v16, v7;
	[tilespmem:s11+$0x42B0] =	vst.add.f32.msk $0xffff, v12  }
0x8a9: {  	v12 =	vld [tilespmem:s22+$0xFFFFFFD0]  }
0x8aa: {  	[tilespmem:s10+$0x42B0] =	vst.add.f32.msk $0xffff, v16;
	v14 =	vmul.f32 v14, v9  }
0x8ab: {  	v16 =	vld [tilespmem:s6+$0xFFFFFE50]  }
0x8ac: {  	[tilespmem:s7+$0x42C0] =	vst.add.f32.msk $0xffff, v14;
	v13 =	vmul.f32 v13, v5  }
0x8ad: {  	v14 =	vld [tilespmem:s22+$0xFFFFFEE0]  }
0x8ae: {  	[tilespmem:s3+$0x42C0] =	vst.add.f32.msk $0xffff, v13;
	v12 =	vmul.f32 v12, v6  }
0x8af: {  	v13 =	vld [tilespmem:s22+$0xFFFFFF60]  }
0x8b0: {  	v16 =	vmul.f32 v16, v7;
	[tilespmem:s11+$0x42C0] =	vst.add.f32.msk $0xffff, v12  }
0x8b1: {  	v12 =	vld [tilespmem:s22+$0xFFFFFFE0]  }
0x8b2: {  	[tilespmem:s10+$0x42C0] =	vst.add.f32.msk $0xffff, v16  }
0x8b3: {  	v14 =	vmul.f32 v14, v9;
	v16 =	vld [tilespmem:s6+$0xFFFFFF90]  }
0x8b4: {  	v19 =	vld [tilespmem:s6+$0xFFFFFE60]  }
0x8b5: {  	[tilespmem:s7+$0x42D0] =	vst.add.f32.msk $0xffff, v14;
	v13 =	vmul.f32 v13, v5  }
0x8b6: {  	v14 =	vld [tilespmem:s22+$0xFFFFFEF0]  }
0x8b7: {  	v12 =	vmul.f32 v12, v6;
	[tilespmem:s3+$0x42D0] =	vst.add.f32.msk $0xffff, v13  }
0x8b8: {  	v11 =	vperm.xlane v11, v2;
	v13 =	vperm.xlane v18, v2;
	v23 =	vld [tilespmem:s22+$0xFFFFFF70]  }
0x8b9: {  	v17 =	vmul.f32 v17, v10;
	v10 =	vmul.f32 v19, v7;
	[tilespmem:s11+$0x42D0] =	vst.add.f32.msk $0xffff, v12  }
0x8ba: {  	(v2sf) =	vpush v11, $0x0;
	v18 =	vperm.xlane v11, v2;
	v19 =	vperm.xlane v13, v2;
	v25 =	vld [tilespmem:s22+$0xFFFFFFF0]  }
0x8bb: {  	v12 =	vbroadcast v13, $0x0;
	v13 =	vmul.f32 v14, v9;
	[tilespmem:s10+$0x42D0] =	vst.add.f32.msk $0xffff, v10  }
0x8bc: {  	v22 =	vperm.xlane v18, v2;
	(v2sf) =	vpush v18, $0x0;
	v26 =	vperm.xlane v19, v2;
	v24 =	vld [tilespmem:s6+$0xFFFFFE70]  }
0x8bd: {  	v21 =	vmul.f32 v12, v15;
	v11 =	vbroadcast v19, $0x0;
	[tilespmem:s7+$0x42E0] =	vst.add.f32.msk $0xffff, v13  }
0x8be: {  	v14 =	vperm.xlane v22, v2;
	(v2sf) =	vpush v22, $0x0;
	v10 =	vperm.xlane v26, v2;
	v19 =	vld [tilespmem:s22+$0xFFFFFF00]  }
0x8bf: {  	v22 =	vmul.f32 v11, v20;
	v15 =	vbroadcast v26, $0x0  }
0x8c0: {  	s21 =	simm.s32 $0x8;
	s9 =	simm.s32 $0x4270;
	[tilespmem:s12+$0x42F0] =	vst.add.f32.msk $0xffff, v17;
	(v2sf) =	vpush v14, $0x0;
	v13 =	vbroadcast v10, $0x0;
	v17 =	vmul.f32 v25, v6  }
.LBB2_21:
0x8c1: {  	v18 =	vld [tilespmem:s9+$0xFFFFFE10];
	v25 =	vmul.f32 v15, v16;
	v16 =	vmul.f32 v23, v5  }
0x8c2: {  	v23 =	vmul.f32 v8, v13;
	v8 =	vmul.f32 v24, v7;
	[tilespmem:s11+$0x42E0] =	vst.add.f32.msk $0xffff, v17  }
0x8c3: {  	v17 =	vmul.f32 v19, v9;
	[tilespmem:s3+$0x42E0] =	vst.add.f32.msk $0xffff, v16;
	v9 =	vmov v12  }
0x8c4: {  	[tilespmem:s10+$0x42E0] =	vst.add.f32.msk $0xffff, v8  }
0x8c5: {  	v12 =	vld [tilespmem:s22+$0x0]  }
0x8c6: {  	v20 =	vld [tilespmem:s22+$0xFFFFFF80];
	v8 =	vmov v18;
	s22 =	smov.u32 s6;
	s6 =	smov.u32 s30;
	s30 =	smov.u32 s9  }
0x8c7: {  	v18 =	vld [tilespmem:s22+$0xFFFFFE80]  }
0x8c8: {  	[tilespmem:s7+$0x42F0] =	vst.add.f32.msk $0xffff, v17  }
0x8c9: {  	v19 =	vld [tilespmem:s6+$0xFFFFFE90];
	s7 =	spop (v2sf)  }
0x8ca: {  	v17 =	vld [tilespmem:s6+$0xFFFFFF10];
	s7 =	sshll.u32 s7, $0x9;
	v12 =	vmul.f32 v12, v6;
	v6 =	vmov v15  }
0x8cb: {  	v16 =	vld [tilespmem:s6+$0xFFFFFF90];
	s7 =	sshra.s32 s7, $0x2;
	s12 =	spop (v2sf);
	v20 =	vmul.f32 v20, v5;
	v5 =	vmov v11  }
0x8cc: {  	v18 =	vmul.f32 v18, v7;
	[tilespmem:s7+$0x4280] =	vst.add.f32.msk $0xffff, v21;
	s12 =	sshll.u32 s12, $0x9;
	v7 =	vmov v13  }
0x8cd: {  	v11 =	vld [tilespmem:s22+$0xFFFFFEA0];
	s12 =	sshra.s32 s12, $0x2;
	s23 =	spop (v2sf)  }
0x8ce: {  	[tilespmem:s12+$0x4280] =	vst.add.f32.msk $0xffff, v22;
	s23 =	sshll.u32 s23, $0x9  }
0x8cf: {  	s28 =	spop (v2sf);
	v13 =	vld [tilespmem:s22+$0xFFFFFF20];
	s23 =	sshra.s32 s23, $0x2  }
0x8d0: {  	s28 =	sshll.u32 s28, $0x9;
	[tilespmem:s23+$0x4280] =	vst.add.f32.msk $0xffff, v25  }
0x8d1: {  	s28 =	sshra.s32 s28, $0x2;
	v15 =	vld [tilespmem:s22+$0xFFFFFFA0]  }
0x8d2: {  	[tilespmem:s28+$0x4280] =	vst.add.f32.msk $0xffff, v23;
	v11 =	vmul.f32 v11, v9  }
0x8d3: {  	v21 =	vld [tilespmem:s6+$0xFFFFFE20]  }
0x8d4: {  	[tilespmem:s7+$0x4290] =	vst.add.f32.msk $0xffff, v11;
	v11 =	vmul.f32 v13, v5  }
0x8d5: {  	v13 =	vld [tilespmem:s22+$0xFFFFFEB0]  }
0x8d6: {  	[tilespmem:s12+$0x4290] =	vst.add.f32.msk $0xffff, v11;
	v11 =	vmul.f32 v15, v6  }
0x8d7: {  	v15 =	vld [tilespmem:s22+$0xFFFFFF30]  }
0x8d8: {  	v21 =	vmul.f32 v21, v7;
	[tilespmem:s23+$0x4290] =	vst.add.f32.msk $0xffff, v11  }
0x8d9: {  	v11 =	vld [tilespmem:s22+$0xFFFFFFB0]  }
0x8da: {  	[tilespmem:s28+$0x4290] =	vst.add.f32.msk $0xffff, v21;
	v13 =	vmul.f32 v13, v9  }
0x8db: {  	v21 =	vld [tilespmem:s6+$0xFFFFFE30]  }
0x8dc: {  	[tilespmem:s7+$0x42A0] =	vst.add.f32.msk $0xffff, v13;
	v13 =	vmul.f32 v15, v5  }
0x8dd: {  	v15 =	vld [tilespmem:s22+$0xFFFFFEC0]  }
0x8de: {  	[tilespmem:s12+$0x42A0] =	vst.add.f32.msk $0xffff, v13;
	v11 =	vmul.f32 v11, v6  }
0x8df: {  	v13 =	vld [tilespmem:s22+$0xFFFFFF40]  }
0x8e0: {  	v21 =	vmul.f32 v21, v7;
	[tilespmem:s23+$0x42A0] =	vst.add.f32.msk $0xffff, v11  }
0x8e1: {  	v11 =	vld [tilespmem:s22+$0xFFFFFFC0]  }
0x8e2: {  	[tilespmem:s28+$0x42A0] =	vst.add.f32.msk $0xffff, v21;
	v15 =	vmul.f32 v15, v9  }
0x8e3: {  	v21 =	vld [tilespmem:s6+$0xFFFFFE40]  }
0x8e4: {  	[tilespmem:s7+$0x42B0] =	vst.add.f32.msk $0xffff, v15;
	v13 =	vmul.f32 v13, v5  }
0x8e5: {  	v15 =	vld [tilespmem:s22+$0xFFFFFED0]  }
0x8e6: {  	[tilespmem:s12+$0x42B0] =	vst.add.f32.msk $0xffff, v13;
	v11 =	vmul.f32 v11, v6  }
0x8e7: {  	v13 =	vld [tilespmem:s22+$0xFFFFFF50]  }
0x8e8: {  	v21 =	vmul.f32 v21, v7;
	[tilespmem:s23+$0x42B0] =	vst.add.f32.msk $0xffff, v11  }
0x8e9: {  	v11 =	vld [tilespmem:s22+$0xFFFFFFD0]  }
0x8ea: {  	[tilespmem:s28+$0x42B0] =	vst.add.f32.msk $0xffff, v21;
	v15 =	vmul.f32 v15, v9  }
0x8eb: {  	v21 =	vld [tilespmem:s6+$0xFFFFFE50]  }
0x8ec: {  	[tilespmem:s7+$0x42C0] =	vst.add.f32.msk $0xffff, v15;
	v13 =	vmul.f32 v13, v5  }
0x8ed: {  	v15 =	vld [tilespmem:s22+$0xFFFFFEE0]  }
0x8ee: {  	s21 =	sadd.s32 $0x4, s21;
	[tilespmem:s12+$0x42C0] =	vst.add.f32.msk $0xffff, v13;
	v11 =	vmul.f32 v11, v6  }
0x8ef: {  	p0 =	slt.u32 s21, $0xC;
	v13 =	vld [tilespmem:s22+$0xFFFFFF60]  }
0x8f0: {  	v21 =	vmul.f32 v21, v7;
	[tilespmem:s23+$0x42C0] =	vst.add.f32.msk $0xffff, v11  }
0x8f1: {  	v11 =	vld [tilespmem:s22+$0xFFFFFFE0]  }
0x8f2: {  	[tilespmem:s28+$0x42C0] =	vst.add.f32.msk $0xffff, v21;
	v15 =	vmul.f32 v15, v9  }
0x8f3: {  	v21 =	vld [tilespmem:s6+$0xFFFFFE60]  }
0x8f4: {  	[tilespmem:s7+$0x42D0] =	vst.add.f32.msk $0xffff, v15;
	v13 =	vmul.f32 v13, v5  }
0x8f5: {  	v15 =	vld [tilespmem:s22+$0xFFFFFEF0]  }
0x8f6: {  	[tilespmem:s12+$0x42D0] =	vst.add.f32.msk $0xffff, v13;
	v11 =	vmul.f32 v11, v6  }
0x8f7: {  	v23 =	vld [tilespmem:s22+$0xFFFFFF70]  }
0x8f8: {  	v10 =	vperm.xlane v10, v2;
	v13 =	vperm.xlane v14, v2;
	[tilespmem:s23+$0x42D0] =	vst.add.f32.msk $0xffff, v11  }
0x8f9: {  	v11 =	vmul.f32 v21, v7;
	v25 =	vld [tilespmem:s22+$0xFFFFFFF0]  }
0x8fa: {  	v22 =	vperm.xlane v10, v2;
	v14 =	vperm.xlane v13, v2;
	(v2sf) =	vpush v13, $0x0;
	[tilespmem:s11+$0x42F0] =	vst.add.f32.msk $0xffff, v12;
	s11 =	smov.u32 s23  }
0x8fb: {  	v12 =	vbroadcast v10, $0x0;
	v10 =	vmul.f32 v15, v9;
	[tilespmem:s28+$0x42D0] =	vst.add.f32.msk $0xffff, v11  }
.Ltmp13:
0x8fc: {  	v13 =	vperm.xlane v14, v2;
	v15 =	vperm.xlane v22, v2;
	v24 =	vld [tilespmem:s6+$0xFFFFFE70];
	(v2sf) =	vpush v14, $0x0;
	(pc) =	sbr.rel @p0 .LBB2_21-.Ltmp13, $4  }
0x8fd: {  	v11 =	vbroadcast v22, $0x0;
	v21 =	vmul.f32 v12, v19;
	[tilespmem:s7+$0x42E0] =	vst.add.f32.msk $0xffff, v10  }
0x8fe: {  	v14 =	vperm.xlane v13, v2;
	v10 =	vperm.xlane v15, v2;
	(v2sf) =	vpush v13, $0x0;
	v19 =	vld [tilespmem:s22+$0xFFFFFF00]  }
0x8ff: {  	v22 =	vmul.f32 v11, v17;
	v15 =	vbroadcast v15, $0x0;
	[tilespmem:s3+$0x42F0] =	vst.add.f32.msk $0xffff, v20;
	s3 =	smov.u32 s12  }
0x900: {  	s9 =	sadd.s32 $0x200, s9;
	v17 =	vmul.f32 v25, v6;
	v13 =	vbroadcast v10, $0x0;
	(v2sf) =	vpush v14, $0x0;
	[tilespmem:s10+$0x42F0] =	vst.add.f32.msk $0xffff, v18;
	s10 =	smov.u32 s28  }
0x901: {  	v18 =	vmul.f32 v23, v5  }
0x902: {  	v20 =	vmul.f32 v24, v7;
	[tilespmem:s11+$0x42E0] =	vst.add.f32.msk $0xffff, v17  }
0x903: {  	[tilespmem:s3+$0x42E0] =	vst.add.f32.msk $0xffff, v18  }
0x904: {  	[tilespmem:s10+$0x42E0] =	vst.add.f32.msk $0xffff, v20  }
0x905: {  	v17 =	vld [tilespmem:s22+$0x0]  }
0x906: {  	v18 =	vld [tilespmem:s22+$0xFFFFFF80]  }
0x907: {  	v34 =	vld [tilespmem:s6+$0xFFFFFE80]  }
0x908: {  	v35 =	vld [tilespmem:s30+$0xFFFFFE90]  }
0x909: {  	v36 =	vld [tilespmem:s30+$0xFFFFFF10];
	v9 =	vmul.f32 v19, v9  }
0x90a: {  	v48 =	vld [tilespmem:s30+$0xFFFFFF90];
	v6 =	vmul.f32 v17, v6  }
0x90b: {  	[tilespmem:s7+$0x42F0] =	vst.add.f32.msk $0xffff, v9;
	v5 =	vmul.f32 v18, v5  }
0x90c: {  	s23 =	spop (v2sf);
	v7 =	vmul.f32 v34, v7;
	[tilespmem:s11+$0x42F0] =	vst.add.f32.msk $0xffff, v6  }
0x90d: {  	s7 =	sshll.u32 s23, $0x9;
	[tilespmem:s3+$0x42F0] =	vst.add.f32.msk $0xffff, v5  }
0x90e: {  	s7 =	sshra.s32 s7, $0x2;
	s9 =	spop (v2sf);
	[tilespmem:s10+$0x42F0] =	vst.add.f32.msk $0xffff, v7  }
0x90f: {  	v14 =	vperm.xlane v14, v2;
	[tilespmem:s7+$0x4280] =	vst.add.f32.msk $0xffff, v21;
	s9 =	sshll.u32 s9, $0x9  }
0x910: {  	v21 =	vld [tilespmem:s6+$0xFFFFFEA0];
	s9 =	sshra.s32 s9, $0x2;
	s12 =	spop (v2sf)  }
0x911: {  	v16 =	vmul.f32 v15, v16;
	(v2sf) =	vpush v14, $0x0;
	[tilespmem:s9+$0x4280] =	vst.add.f32.msk $0xffff, v22;
	s12 =	sshll.u32 s12, $0x9  }
0x912: {  	v45 =	vperm.xlane v14, v2;
	s28 =	spop (v2sf);
	v22 =	vld [tilespmem:s6+$0xFFFFFF20];
	s21 =	sshra.s32 s12, $0x2  }
0x913: {  	v8 =	vmul.f32 v8, v13;
	s31 =	sshll.u32 s28, $0x9;
	[tilespmem:s21+$0x4280] =	vst.add.f32.msk $0xffff, v16  }
0x914: {  	(v2sf) =	vpush v45, $0x0;
	s22 =	sshra.s32 s31, $0x2;
	v16 =	vld [tilespmem:s6+$0xFFFFFFA0]  }
0x915: {  	[tilespmem:s22+$0x4280] =	vst.add.f32.msk $0xffff, v8;
	v37 =	vmul.f32 v21, v12  }
0x916: {  	v38 =	vld [tilespmem:s30+$0xFFFFFE20]  }
0x917: {  	[tilespmem:s7+$0x4290] =	vst.add.f32.msk $0xffff, v37;
	v39 =	vmul.f32 v22, v11  }
0x918: {  	v40 =	vld [tilespmem:s6+$0xFFFFFEB0]  }
0x919: {  	[tilespmem:s9+$0x4290] =	vst.add.f32.msk $0xffff, v39;
	v41 =	vmul.f32 v16, v15  }
0x91a: {  	v42 =	vld [tilespmem:s6+$0xFFFFFF30]  }
0x91b: {  	v21 =	vmul.f32 v38, v13;
	[tilespmem:s21+$0x4290] =	vst.add.f32.msk $0xffff, v41  }
0x91c: {  	v10 =	vperm.xlane v10, v2;
	v8 =	vld [tilespmem:s6+$0xFFFFFFB0]  }
0x91d: {  	[tilespmem:s22+$0x4290] =	vst.add.f32.msk $0xffff, v21;
	v43 =	vmul.f32 v40, v12  }
0x91e: {  	v50 =	vperm.xlane v10, v2;
	v44 =	vld [tilespmem:s30+$0xFFFFFE30]  }
0x91f: {  	v10 =	vbroadcast v10, $0x0;
	[tilespmem:s7+$0x42A0] =	vst.add.f32.msk $0xffff, v43;
	v16 =	vmul.f32 v42, v11  }
0x920: {  	s12 =	spop (v2sf);
	v21 =	vld [tilespmem:s6+$0xFFFFFEC0]  }
0x921: {  	v47 =	vperm.xlane v45, v2;
	v9 =	vmul.f32 v10, v35;
	s23 =	sshll.u32 s12, $0x9;
	[tilespmem:s9+$0x42A0] =	vst.add.f32.msk $0xffff, v16  }
0x922: {  	v17 =	vbroadcast v50, $0x0;
	v8 =	vmul.f32 v8, v15;
	s3 =	sshra.s32 s23, $0x2;
	v16 =	vld [tilespmem:s6+$0xFFFFFF40]  }
0x923: {  	s28 =	spop (v2sf);
	[tilespmem:s3+$0x4280] =	vst.add.f32.msk $0xffff, v9  }
0x924: {  	v5 =	vmul.f32 v17, v36;
	(v2sf) =	vpush v47, $0x0;
	s10 =	sshll.u32 s28, $0x9;
	[tilespmem:s21+$0x42A0] =	vst.add.f32.msk $0xffff, v8  }
0x925: {  	s10 =	sshra.s32 s10, $0x2;
	v7 =	vld [tilespmem:s30+$0xFFFFFEA0]  }
0x926: {  	[tilespmem:s10+$0x4280] =	vst.add.f32.msk $0xffff, v5  }
0x927: {  	v22 =	vmul.f32 v44, v13;
	v8 =	vld [tilespmem:s6+$0xFFFFFFC0]  }
0x928: {  	v5 =	vld [tilespmem:s30+$0xFFFFFF20]  }
0x929: {  	[tilespmem:s22+$0x42A0] =	vst.add.f32.msk $0xffff, v22;
	v21 =	vmul.f32 v21, v12  }
0x92a: {  	v22 =	vld [tilespmem:s30+$0xFFFFFE40]  }
0x92b: {  	[tilespmem:s7+$0x42B0] =	vst.add.f32.msk $0xffff, v21;
	v16 =	vmul.f32 v16, v11  }
0x92c: {  	v21 =	vld [tilespmem:s6+$0xFFFFFED0]  }
0x92d: {  	v7 =	vmul.f32 v7, v10;
	[tilespmem:s9+$0x42B0] =	vst.add.f32.msk $0xffff, v16  }
0x92e: {  	v8 =	vmul.f32 v8, v15;
	v16 =	vld [tilespmem:s6+$0xFFFFFF50]  }
0x92f: {  	[tilespmem:s3+$0x4290] =	vst.add.f32.msk $0xffff, v7  }
0x930: {  	v6 =	vperm.xlane v50, v2;
	v5 =	vmul.f32 v5, v17;
	[tilespmem:s21+$0x42B0] =	vst.add.f32.msk $0xffff, v8  }
0x931: {  	v7 =	vld [tilespmem:s30+$0xFFFFFEB0]  }
0x932: {  	v6 =	vbroadcast v6, $0x0;
	[tilespmem:s10+$0x4290] =	vst.add.f32.msk $0xffff, v5  }
0x933: {  	s31 =	spop (v2sf);
	v22 =	vmul.f32 v22, v13;
	v46 =	vld [tilespmem:s6+$0xFFFFFFD0]  }
0x934: {  	s11 =	sshll.u32 s31, $0x9;
	v8 =	vmul.f32 v6, v48;
	v53 =	vld [tilespmem:s30+$0xFFFFFF30]  }
0x935: {  	s11 =	sshra.s32 s11, $0x2;
	[tilespmem:s22+$0x42B0] =	vst.add.f32.msk $0xffff, v22  }
0x936: {  	[tilespmem:s11+$0x4280] =	vst.add.f32.msk $0xffff, v8  }
0x937: {  	v21 =	vmul.f32 v21, v12;
	v49 =	vld [tilespmem:s30+$0xFFFFFE50]  }
0x938: {  	v8 =	vld [tilespmem:s30+$0xFFFFFFA0]  }
0x939: {  	[tilespmem:s7+$0x42C0] =	vst.add.f32.msk $0xffff, v21;
	v16 =	vmul.f32 v16, v11  }
0x93a: {  	v21 =	vld [tilespmem:s6+$0xFFFFFEE0]  }
0x93b: {  	v7 =	vmul.f32 v7, v10;
	[tilespmem:s9+$0x42C0] =	vst.add.f32.msk $0xffff, v16  }
0x93c: {  	v14 =	vmul.f32 v46, v15;
	v16 =	vld [tilespmem:s6+$0xFFFFFF60]  }
0x93d: {  	[tilespmem:s3+$0x42A0] =	vst.add.f32.msk $0xffff, v7  }
0x93e: {  	[tilespmem:s21+$0x42C0] =	vst.add.f32.msk $0xffff, v14  }
0x93f: {  	v7 =	vmul.f32 v53, v17;
	v54 =	vld [tilespmem:s30+$0xFFFFFEC0]  }
0x940: {  	v22 =	vmul.f32 v49, v13;
	v14 =	vld [tilespmem:s6+$0xFFFFFFE0]  }
0x941: {  	v5 =	vmul.f32 v8, v6;
	[tilespmem:s10+$0x42A0] =	vst.add.f32.msk $0xffff, v7  }
0x942: {  	[tilespmem:s22+$0x42C0] =	vst.add.f32.msk $0xffff, v22  }
0x943: {  	[tilespmem:s11+$0x4290] =	vst.add.f32.msk $0xffff, v5  }
0x944: {  	v7 =	vld [tilespmem:s30+$0xFFFFFF40]  }
0x945: {  	v21 =	vmul.f32 v21, v12;
	v22 =	vld [tilespmem:s30+$0xFFFFFE60]  }
0x946: {  	v5 =	vld [tilespmem:s30+$0xFFFFFFB0]  }
0x947: {  	[tilespmem:s7+$0x42D0] =	vst.add.f32.msk $0xffff, v21;
	v52 =	vmul.f32 v16, v11  }
0x948: {  	v51 =	vld [tilespmem:s6+$0xFFFFFEF0]  }
0x949: {  	v8 =	vmul.f32 v54, v10;
	[tilespmem:s9+$0x42D0] =	vst.add.f32.msk $0xffff, v52  }
0x94a: {  	v14 =	vmul.f32 v14, v15;
	v9 =	vld [tilespmem:s6+$0xFFFFFF70]  }
0x94b: {  	[tilespmem:s3+$0x42B0] =	vst.add.f32.msk $0xffff, v8  }
0x94c: {  	[tilespmem:s21+$0x42D0] =	vst.add.f32.msk $0xffff, v14;
	v5 =	vmul.f32 v5, v6  }
0x94d: {  	v8 =	vld [tilespmem:s30+$0xFFFFFED0]  }
0x94e: {  	[tilespmem:s11+$0x42A0] =	vst.add.f32.msk $0xffff, v5  }
0x94f: {  	v7 =	vmul.f32 v7, v17;
	v5 =	vld [tilespmem:s30+$0xFFFFFFC0]  }
0x950: {  	v55 =	vmul.f32 v22, v13;
	v14 =	vld [tilespmem:s6+$0xFFFFFFF0]  }
0x951: {  	[tilespmem:s10+$0x42B0] =	vst.add.f32.msk $0xffff, v7  }
0x952: {  	[tilespmem:s22+$0x42D0] =	vst.add.f32.msk $0xffff, v55  }
0x953: {  	v7 =	vld [tilespmem:s30+$0xFFFFFF50];
	v18 =	vmul.f32 v51, v12  }
0x954: {  	v16 =	vld [tilespmem:s30+$0xFFFFFE70];
	v5 =	vmul.f32 v5, v6  }
0x955: {  	[tilespmem:s7+$0x42E0] =	vst.add.f32.msk $0xffff, v18  }
0x956: {  	[tilespmem:s11+$0x42B0] =	vst.add.f32.msk $0xffff, v5  }
0x957: {  	v8 =	vmul.f32 v8, v10;
	v5 =	vld [tilespmem:s30+$0xFFFFFFD0]  }
0x958: {  	v18 =	vld [tilespmem:s6+$0xFFFFFF00]  }
0x959: {  	v14 =	vmul.f32 v14, v15;
	[tilespmem:s3+$0x42C0] =	vst.add.f32.msk $0xffff, v8  }
0x95a: {  	v7 =	vmul.f32 v7, v17;
	v8 =	vld [tilespmem:s30+$0xFFFFFEE0]  }
0x95b: {  	[tilespmem:s21+$0x42E0] =	vst.add.f32.msk $0xffff, v14  }
0x95c: {  	[tilespmem:s10+$0x42C0] =	vst.add.f32.msk $0xffff, v7;
	v5 =	vmul.f32 v5, v6  }
0x95d: {  	v7 =	vld [tilespmem:s30+$0xFFFFFF60]  }
0x95e: {  	[tilespmem:s11+$0x42C0] =	vst.add.f32.msk $0xffff, v5;
	v5 =	vmul.f32 v9, v11  }
0x95f: {  	v56 =	vld [tilespmem:s30+$0xFFFFFFE0]  }
0x960: {  	[tilespmem:s9+$0x42E0] =	vst.add.f32.msk $0xffff, v5;
	v5 =	vmul.f32 v8, v10  }
0x961: {  	v59 =	vld [tilespmem:s6+$0x0]  }
0x962: {  	[tilespmem:s3+$0x42D0] =	vst.add.f32.msk $0xffff, v5;
	v5 =	vmul.f32 v7, v17  }
0x963: {  	v7 =	vld [tilespmem:s30+$0xFFFFFEF0]  }
0x964: {  	v57 =	vmul.f32 v56, v6;
	[tilespmem:s10+$0x42D0] =	vst.add.f32.msk $0xffff, v5  }
0x965: {  	v58 =	vld [tilespmem:s30+$0xFFFFFF70]  }
0x966: {  	v16 =	vmul.f32 v16, v13;
	[tilespmem:s11+$0x42D0] =	vst.add.f32.msk $0xffff, v57  }
0x967: {  	v5 =	vld [tilespmem:s30+$0xFFFFFFF0]  }
0x968: {  	[tilespmem:s22+$0x42E0] =	vst.add.f32.msk $0xffff, v16  }
0x969: {  	v16 =	vld [tilespmem:s30+$0xFFFFFE80];
	v7 =	vmul.f32 v7, v10  }
0x96a: {  	v60 =	vld [tilespmem:s6+$0xFFFFFF80]  }
0x96b: {  	[tilespmem:s3+$0x42E0] =	vst.add.f32.msk $0xffff, v7;
	v8 =	vmul.f32 v58, v17  }
0x96c: {  	v7 =	vld [tilespmem:s30+$0xFFFFFF00];
	v5 =	vmul.f32 v5, v6  }
0x96d: {  	[tilespmem:s10+$0x42E0] =	vst.add.f32.msk $0xffff, v8  }
0x96e: {  	[tilespmem:s11+$0x42E0] =	vst.add.f32.msk $0xffff, v5  }
0x96f: {  	v5 =	vmul.f32 v18, v12;
	v61 =	vld [tilespmem:s30+$0x0]  }
0x970: {  	v63 =	vmul.f32 v16, v13;
	v62 =	vld [tilespmem:s30+$0xFFFFFF80]  }
0x971: {  	s29 =	sadd.s32 $0x1, s29;
	[tilespmem:s7+$0x42F0] =	vst.add.f32.msk $0xffff, v5;
	v5 =	vmul.f32 v60, v11  }
0x972: {  	p0 =	sne.s32 s29, s26;
	v9 =	vmul.f32 v59, v15;
	[tilespmem:s22+$0x42F0] =	vst.add.f32.msk $0xffff, v63  }
.Ltmp14:
0x973: {  	[tilespmem:s9+$0x42F0] =	vst.add.f32.msk $0xffff, v5;
	v5 =	vmul.f32 v7, v10;
	(pc) =	sbr.rel @p0 .LBB2_6-.Ltmp14, $4  }
.Ltmp15:
0x974: {  	[tilespmem:s21+$0x42F0] =	vst.add.f32.msk $0xffff, v9;
	v6 =	vmul.f32 v61, v6;
	(pc) =	sbr.rel @!p0 .LBB2_23-.Ltmp15, $4  }
0x975: {  	[tilespmem:s3+$0x42F0] =	vst.add.f32.msk $0xffff, v5;
	v5 =	vmul.f32 v62, v17  }
0x976: {  	[tilespmem:s11+$0x42F0] =	vst.add.f32.msk $0xffff, v6  }
0x977: {  	[tilespmem:s10+$0x42F0] =	vst.add.f32.msk $0xffff, v5  }
0x978: {  	_ = 	snop  }
.LBB2_25:
0x979: {  	_ =	sfence.sel $0x180000  }
0x97a: {  	[bflag:$0x0] =	sbarrier.arrive $0xFFFF  }
0x97b: {  	_ =	strace $0x9000004A  }
0x97c: {  	s0 =	stileid.u32;
	[bflag:$0x2] =	sbarrier.arrive $0xFFFF  }
0x97d: {  	p0 =	sne.s32 s0, $0x0;
	s0 =	rddreg [dreg:$0x7]  }
0x97e: {  	s0 =	sadd.s32 @!p0 $0x100000, s0  }
0x97f: {  	[sflag:s0] =	ssyncadd.tile.s32 @!p0 $0x1;
	_ =	shalt  }
.Lfunc_end2:
_tile_overlayer_lowered:
.L_overlay_start_2:
0x980: {  	(tag) =	ssettag $0x2  }
0x981: {  	s0 =	rddreg [dreg:$0x0];
	s2 =	stileid.u32  }
0x982: {  	s1 =	rddreg [dreg:$0x1];
	p0 =	sne.s32 s2, $0x0  }
0x983: {  	s3 =	rddreg [dreg:$0x2];
	[bflag:$0x3] =	sbarrier.arrive $0xFFFF;
	s2 =	simm.s32 @!p0 $0x1C04  }
0x984: {  	[timem:s3], [sflag:s2] =	dma.local @!p0 [hbm:s0], s1  }
0x985: {  	s0 =	simm.s32 @!p0 $0x4  }
0x986: {  	_ =	swait.ge @!p0 [sflag:s0], s1  }
0x987: {  	s1 =	ssub.s32 @!p0 $0x0, s1;
	[sflag:s0] =	ssyncset.done @!p0 $0x0  }
0x988: {  	[sflag:s0] =	ssyncadd.s32 @!p0 s1  }
0x989: {  	[bflag:$0x3] =	sbarrier.arrive $0xFFFF  }
0x98a: {  	_ =	shalt  }

</sc_bundles>
